<compile_context>
chip_gen: v7x
topology: tpu7x:2x2x1
jax: 0.10.2.dev20260603
libtpu: 0.0.44.dev20260713+nightly
codegen_flags: <defaults>
</compile_context>

<pallas_src>
import functools

import jax
import jax.numpy as jnp
from jax import lax
from jax.experimental import pallas as pl
from jax.experimental.pallas import tpu as pltpu
from jax.experimental.pallas import tpu_sc as plsc

NUM_EMBEDDINGS = 1000000
EMBEDDING_DIM = 64
BATCH = 16384
LANES = 16

NUM_CORES = 2
NUM_SUBCORES = 16
NUM_WORKERS = NUM_CORES * NUM_SUBCORES
B_PER_W = BATCH // NUM_WORKERS
NSLOT = 8

_mesh = plsc.VectorSubcoreMesh(core_axis_name="c", subcore_axis_name="s")


@functools.partial(
    pl.kernel,
    mesh=_mesh,
    out_type=jax.ShapeDtypeStruct((BATCH * EMBEDDING_DIM,), jnp.float32),
    scratch_types=[
        pltpu.VMEM((B_PER_W,), jnp.int32),
        pltpu.VMEM((NSLOT, EMBEDDING_DIM, 128), jnp.float32),
        pltpu.VMEM((B_PER_W * EMBEDDING_DIM,), jnp.float32),
        [pltpu.SemaphoreType.DMA] * NSLOT,
    ],
    compiler_params=pltpu.CompilerParams(needs_layout_passes=False),
)
def _gather_kernel(idx_hbm, table_t_hbm, out_hbm, idx_v, slabs_v, rows_v, sems):
    wid = lax.axis_index("s") * NUM_CORES + lax.axis_index("c")
    base = wid * B_PER_W

    pltpu.sync_copy(idx_hbm.at[pl.ds(base, B_PER_W)], idx_v)

    zeros = jnp.zeros((LANES,), jnp.int32)
    maxid = jnp.full((LANES,), NUM_EMBEDDINGS - 1, jnp.int32)
    for k in range(B_PER_W // LANES):
        sl = pl.ds(k * LANES, LANES)
        idx_v[sl] = jnp.minimum(jnp.maximum(idx_v[sl], zeros), maxid)

    lane_iota = lax.iota(jnp.int32, LANES)

    def get_id(i):
        blk = pl.multiple_of((i // LANES) * LANES, LANES)
        vec = idx_v[pl.ds(blk, LANES)]
        lane = jnp.broadcast_to(i % LANES, (LANES,)).astype(jnp.int32)
        sel = jnp.where(lane_iota == lane, vec, jnp.full((LANES,), -1, jnp.int32))
        return lax.reduce_max(sel, axes=(0,))

    def start_slab(i, slot):
        col = get_id(i)
        tc = (col // 128) * 128
        pltpu.async_copy(
            table_t_hbm.at[:, pl.ds(tc, 128)], slabs_v.at[slot], sems[slot]
        )

    def finish_slab(i, slot):
        pltpu.make_async_copy(
            table_t_hbm.at[:, pl.ds(0, 128)], slabs_v.at[slot], sems[slot]
        ).wait()
        col = get_id(i)
        lane = jnp.broadcast_to(col % 128, (LANES,)).astype(jnp.int32)
        for k in range(EMBEDDING_DIM // LANES):
            rows16 = lax.iota(jnp.int32, LANES) + (k * LANES)
            vals = plsc.load_gather(slabs_v.at[slot], [rows16, lane])
            rows_v[pl.ds(i * EMBEDDING_DIM + k * LANES, LANES)] = vals

    for s in range(NSLOT):
        start_slab(s, s)

    def body(g, _):
        i = g * NSLOT
        for s in range(NSLOT):
            finish_slab(i + s, s)
            start_slab(i + s + NSLOT, s)
        return _

    lax.fori_loop(0, B_PER_W // NSLOT - 1, body, 0)
    tail = B_PER_W - NSLOT
    for s in range(NSLOT):
        finish_slab(tail + s, s)

    pltpu.sync_copy(
        rows_v, out_hbm.at[pl.ds(base * EMBEDDING_DIM, B_PER_W * EMBEDDING_DIM)]
    )


def kernel(x, table):
    idx = x.reshape(BATCH)
    out = _gather_kernel(idx, table.T)
    return out.reshape(BATCH, EMBEDDING_DIM)

# --- scband reference (transcript-rebuilt; emitter-appended) ---
"""Pipeline reference for scband-embedding-processor-5609227289261 (READ-ONLY COPY).

The authoritative reference and input builder live on the scoring server;
editing this copy changes nothing except your own understanding.
"""

import jax, jax.numpy as jnp
import numpy as np

NUM_EMBEDDINGS = 1000000
EMBEDDING_DIM = 64
BATCH = 16384

def setup_inputs(seed: int = 0) -> dict:
    key = jax.random.key(seed)
    k1, k2 = jax.random.split(key)
    x = jax.random.randint(k1, (BATCH, 1), 0, NUM_EMBEDDINGS, dtype=jnp.int64) if jax.config.jax_enable_x64 else jax.random.randint(k1, (BATCH, 1), 0, NUM_EMBEDDINGS, dtype=jnp.int32)
    table = jax.random.normal(k2, (NUM_EMBEDDINGS, EMBEDDING_DIM), dtype=jnp.float32)
    return {"x": x, "table": table}

def reference(x, table):
    # x: (num_nodes, 1) int ids; squeeze, clamp to valid range, lookup
    x_squeezed = x.squeeze(1)
    x_clean = jnp.clip(x_squeezed, 0, NUM_EMBEDDINGS - 1)
    return jnp.take(table, x_clean, axis=0)

if __name__ == "__main__":
    import jax
    _d = setup_inputs()
    print(jax.jit(kernel)(*tuple(_d.values())))

</pallas_src>

<mosaic_0001>
#map = affine_map<(d0, d1) -> (0)>
#map1 = affine_map<(d0, d1) -> (0, 0)>
module attributes {stable_mosaic.version = 14 : i64} {
  func.func @_gather_kernel(%arg0: i32, %arg1: i32, %arg2: memref<16384xi32, #tpu.memory_space<hbm>>, %arg3: memref<64x1000000xf32, #tpu.memory_space<hbm>>, %arg4: memref<1048576xf32, #tpu.memory_space<hbm>>, %arg5: memref<512xi32, #tpu.memory_space<vmem>>, %arg6: memref<8x64x128xf32, #tpu.memory_space<vmem>>, %arg7: memref<32768xf32, #tpu.memory_space<vmem>>, %arg8: memref<!tpu.dma_semaphore, #tpu.memory_space<semaphore_mem>>, %arg9: memref<!tpu.dma_semaphore, #tpu.memory_space<semaphore_mem>>, %arg10: memref<!tpu.dma_semaphore, #tpu.memory_space<semaphore_mem>>, %arg11: memref<!tpu.dma_semaphore, #tpu.memory_space<semaphore_mem>>, %arg12: memref<!tpu.dma_semaphore, #tpu.memory_space<semaphore_mem>>, %arg13: memref<!tpu.dma_semaphore, #tpu.memory_space<semaphore_mem>>, %arg14: memref<!tpu.dma_semaphore, #tpu.memory_space<semaphore_mem>>, %arg15: memref<!tpu.dma_semaphore, #tpu.memory_space<semaphore_mem>>) attributes {dimension_semantics = [#tpu.dimension_semantics<core_parallel>, #tpu.dimension_semantics<subcore_parallel>], iteration_bounds = array<i64: 2, 16>, scalar_prefetch = 0 : i64, scratch_operands = 11 : i64, tpu.core_type = #tpu.core_type<sc_vector_subcore>, window_params = [{transform_indices = #map}, {transform_indices = #map1}, {transform_indices = #map}]} {
    %mul3A = arith.constant 2 : i32
    %mul3A_0 = arith.muli %arg1, %mul3A : i32
    %add3A = arith.addi %mul3A_0, %arg0 : i32
    %mul3A_1 = arith.constant 512 : i32
    %mul3A_2 = arith.muli %add3A, %mul3A_1 : i32
    "tpu.region"() ({
      %run_scoped3A = tpu.sem_alloc : memref<!tpu.dma_semaphore, #tpu.memory_space<semaphore_mem>>
      %dma_start3A_1426 = tpu.memref_slice %arg2[%mul3A_2] : memref<16384xi32, #tpu.memory_space<hbm>> -> memref<512xi32, #tpu.memory_space<hbm>>
      %dma_start3A_1427 = tpu.memref_slice %arg2[%mul3A_2] : memref<16384xi32, #tpu.memory_space<hbm>> -> memref<512xi32, #tpu.memory_space<hbm>>
      tpu.enqueue_dma source(%dma_start3A_1427 : memref<512xi32, #tpu.memory_space<hbm>>) target(%arg5 : memref<512xi32, #tpu.memory_space<vmem>>) target_semaphore(%run_scoped3A : memref<!tpu.dma_semaphore, #tpu.memory_space<semaphore_mem>>)
      %dma_wait3A_1428 = tpu.memref_slice %arg2[%mul3A_2] : memref<16384xi32, #tpu.memory_space<hbm>> -> memref<512xi32, #tpu.memory_space<hbm>>
      %dma_wait3A_1429 = tpu.memref_slice %arg2[%mul3A_2] : memref<16384xi32, #tpu.memory_space<hbm>> -> memref<512xi32, #tpu.memory_space<hbm>>
      tpu.wait_dma2 semaphore(%run_scoped3A : memref<!tpu.dma_semaphore, #tpu.memory_space<semaphore_mem>>) src(%dma_wait3A_1429 : memref<512xi32, #tpu.memory_space<hbm>>) dst(%arg5 : memref<512xi32, #tpu.memory_space<vmem>>)
      tpu.yield
    }) : () -> ()
    %broadcast_in_dim3A = arith.constant 0 : i32
    %broadcast_in_dim3A_3 = vector.broadcast %broadcast_in_dim3A : i32 to vector<16xi32>
    %broadcast_in_dim3A_4 = arith.constant 999999 : i32
    %broadcast_in_dim3A_5 = vector.broadcast %broadcast_in_dim3A_4 : i32 to vector<16xi32>
    %get3A = arith.constant 0 : index
    %get3A_6 = tpu.vector_load %arg5[%get3A] {strides = array<i32>} : memref<512xi32, #tpu.memory_space<vmem>>, vector<16xi32>,
    %max3A = arith.maxsi %get3A_6, %broadcast_in_dim3A_3 : vector<16xi32>
    %min3A = arith.minsi %max3A, %broadcast_in_dim3A_5 : vector<16xi32>
    %swap3A = arith.constant 0 : index
    %swap3A_7 = tpu.vector_load %arg5[%swap3A] {strides = array<i32>} : memref<512xi32, #tpu.memory_space<vmem>>, vector<16xi32>,
    tpu.vector_store %arg5[%swap3A], %min3A {strides = array<i32>} : memref<512xi32, #tpu.memory_space<vmem>>, vector<16xi32>,
    %get3A_8 = arith.constant 16 : index
    %get3A_9 = tpu.vector_load %arg5[%get3A_8] {strides = array<i32>} : memref<512xi32, #tpu.memory_space<vmem>>, vector<16xi32>,
    %max3A_10 = arith.maxsi %get3A_9, %broadcast_in_dim3A_3 : vector<16xi32>
    %min3A_11 = arith.minsi %max3A_10, %broadcast_in_dim3A_5 : vector<16xi32>
    %swap3A_12 = arith.constant 16 : index
    %swap3A_13 = tpu.vector_load %arg5[%swap3A_12] {strides = array<i32>} : memref<512xi32, #tpu.memory_space<vmem>>, vector<16xi32>,
    tpu.vector_store %arg5[%swap3A_12], %min3A_11 {strides = array<i32>} : memref<512xi32, #tpu.memory_space<vmem>>, vector<16xi32>,
    %get3A_14 = arith.constant 32 : index
    %get3A_15 = tpu.vector_load %arg5[%get3A_14] {strides = array<i32>} : memref<512xi32, #tpu.memory_space<vmem>>, vector<16xi32>,
    %max3A_16 = arith.maxsi %get3A_15, %broadcast_in_dim3A_3 : vector<16xi32>
    %min3A_17 = arith.minsi %max3A_16, %broadcast_in_dim3A_5 : vector<16xi32>
    %swap3A_18 = arith.constant 32 : index
    %swap3A_19 = tpu.vector_load %arg5[%swap3A_18] {strides = array<i32>} : memref<512xi32, #tpu.memory_space<vmem>>, vector<16xi32>,
    tpu.vector_store %arg5[%swap3A_18], %min3A_17 {strides = array<i32>} : memref<512xi32, #tpu.memory_space<vmem>>, vector<16xi32>,
    %get3A_20 = arith.constant 48 : index
    %get3A_21 = tpu.vector_load %arg5[%get3A_20] {strides = array<i32>} : memref<512xi32, #tpu.memory_space<vmem>>, vector<16xi32>,
    %max3A_22 = arith.maxsi %get3A_21, %broadcast_in_dim3A_3 : vector<16xi32>
    %min3A_23 = arith.minsi %max3A_22, %broadcast_in_dim3A_5 : vector<16xi32>
    %swap3A_24 = arith.constant 48 : index
    %swap3A_25 = tpu.vector_load %arg5[%swap3A_24] {strides = array<i32>} : memref<512xi32, #tpu.memory_space<vmem>>, vector<16xi32>,
    tpu.vector_store %arg5[%swap3A_24], %min3A_23 {strides = array<i32>} : memref<512xi32, #tpu.memory_space<vmem>>, vector<16xi32>,
    %get3A_26 = arith.constant 64 : index
    %get3A_27 = tpu.vector_load %arg5[%get3A_26] {strides = array<i32>} : memref<512xi32, #tpu.memory_space<vmem>>, vector<16xi32>,
    %max3A_28 = arith.maxsi %get3A_27, %broadcast_in_dim3A_3 : vector<16xi32>
    %min3A_29 = arith.minsi %max3A_28, %broadcast_in_dim3A_5 : vector<16xi32>
    %swap3A_30 = arith.constant 64 : index
    %swap3A_31 = tpu.vector_load %arg5[%swap3A_30] {strides = array<i32>} : memref<512xi32, #tpu.memory_space<vmem>>, vector<16xi32>,
    tpu.vector_store %arg5[%swap3A_30], %min3A_29 {strides = array<i32>} : memref<512xi32, #tpu.memory_space<vmem>>, vector<16xi32>,
    %get3A_32 = arith.constant 80 : index
    %get3A_33 = tpu.vector_load %arg5[%get3A_32] {strides = array<i32>} : memref<512xi32, #tpu.memory_space<vmem>>, vector<16xi32>,
    %max3A_34 = arith.maxsi %get3A_33, %broadcast_in_dim3A_3 : vector<16xi32>
    %min3A_35 = arith.minsi %max3A_34, %broadcast_in_dim3A_5 : vector<16xi32>
    %swap3A_36 = arith.constant 80 : index
    %swap3A_37 = tpu.vector_load %arg5[%swap3A_36] {strides = array<i32>} : memref<512xi32, #tpu.memory_space<vmem>>, vector<16xi32>,
    tpu.vector_store %arg5[%swap3A_36], %min3A_35 {strides = array<i32>} : memref<512xi32, #tpu.memory_space<vmem>>, vector<16xi32>,
    %get3A_38 = arith.constant 96 : index
    %get3A_39 = tpu.vector_load %arg5[%get3A_38] {strides = array<i32>} : memref<512xi32, #tpu.memory_space<vmem>>, vector<16xi32>,
    %max3A_40 = arith.maxsi %get3A_39, %broadcast_in_dim3A_3 : vector<16xi32>
    %min3A_41 = arith.minsi %max3A_40, %broadcast_in_dim3A_5 : vector<16xi32>
    %swap3A_42 = arith.constant 96 : index
    %swap3A_43 = tpu.vector_load %arg5[%swap3A_42] {strides = array<i32>} : memref<512xi32, #tpu.memory_space<vmem>>, vector<16xi32>,
    tpu.vector_store %arg5[%swap3A_42], %min3A_41 {strides = array<i32>} : memref<512xi32, #tpu.memory_space<vmem>>, vector<16xi32>,
    %get3A_44 = arith.constant 112 : index
    %get3A_45 = tpu.vector_load %arg5[%get3A_44] {strides = array<i32>} : memref<512xi32, #tpu.memory_space<vmem>>, vector<16xi32>,
    %max3A_46 = arith.maxsi %get3A_45, %broadcast_in_dim3A_3 : vector<16xi32>
    %min3A_47 = arith.minsi %max3A_46, %broadcast_in_dim3A_5 : vector<16xi32>
    %swap3A_48 = arith.constant 112 : index
    %swap3A_49 = tpu.vector_load %arg5[%swap3A_48] {strides = array<i32>} : memref<512xi32, #tpu.memory_space<vmem>>, vector<16xi32>,
    tpu.vector_store %arg5[%swap3A_48], %min3A_47 {strides = array<i32>} : memref<512xi32, #tpu.memory_space<vmem>>, vector<16xi32>,
    %get3A_50 = arith.constant 128 : index
    %get3A_51 = tpu.vector_load %arg5[%get3A_50] {strides = array<i32>} : memref<512xi32, #tpu.memory_space<vmem>>, vector<16xi32>,
    %max3A_52 = arith.maxsi %get3A_51, %broadcast_in_dim3A_3 : vector<16xi32>
    %min3A_53 = arith.minsi %max3A_52, %broadcast_in_dim3A_5 : vector<16xi32>
    %swap3A_54 = arith.constant 128 : index
    %swap3A_55 = tpu.vector_load %arg5[%swap3A_54] {strides = array<i32>} : memref<512xi32, #tpu.memory_space<vmem>>, vector<16xi32>,
    tpu.vector_store %arg5[%swap3A_54], %min3A_53 {strides = array<i32>} : memref<512xi32, #tpu.memory_space<vmem>>, vector<16xi32>,
    %get3A_56 = arith.constant 144 : index
    %get3A_57 = tpu.vector_load %arg5[%get3A_56] {strides = array<i32>} : memref<512xi32, #tpu.memory_space<vmem>>, vector<16xi32>,
    %max3A_58 = arith.maxsi %get3A_57, %broadcast_in_dim3A_3 : vector<16xi32>
    %min3A_59 = arith.minsi %max3A_58, %broadcast_in_dim3A_5 : vector<16xi32>
    %swap3A_60 = arith.constant 144 : index
    %swap3A_61 = tpu.vector_load %arg5[%swap3A_60] {strides = array<i32>} : memref<512xi32, #tpu.memory_space<vmem>>, vector<16xi32>,
    tpu.vector_store %arg5[%swap3A_60], %min3A_59 {strides = array<i32>} : memref<512xi32, #tpu.memory_space<vmem>>, vector<16xi32>,
    %get3A_62 = arith.constant 160 : index
    %get3A_63 = tpu.vector_load %arg5[%get3A_62] {strides = array<i32>} : memref<512xi32, #tpu.memory_space<vmem>>, vector<16xi32>,
    %max3A_64 = arith.maxsi %get3A_63, %broadcast_in_dim3A_3 : vector<16xi32>
    %min3A_65 = arith.minsi %max3A_64, %broadcast_in_dim3A_5 : vector<16xi32>
    %swap3A_66 = arith.constant 160 : index
    %swap3A_67 = tpu.vector_load %arg5[%swap3A_66] {strides = array<i32>} : memref<512xi32, #tpu.memory_space<vmem>>, vector<16xi32>,
    tpu.vector_store %arg5[%swap3A_66], %min3A_65 {strides = array<i32>} : memref<512xi32, #tpu.memory_space<vmem>>, vector<16xi32>,
    %get3A_68 = arith.constant 176 : index
    %get3A_69 = tpu.vector_load %arg5[%get3A_68] {strides = array<i32>} : memref<512xi32, #tpu.memory_space<vmem>>, vector<16xi32>,
    %max3A_70 = arith.maxsi %get3A_69, %broadcast_in_dim3A_3 : vector<16xi32>
    %min3A_71 = arith.minsi %max3A_70, %broadcast_in_dim3A_5 : vector<16xi32>
    %swap3A_72 = arith.constant 176 : index
    %swap3A_73 = tpu.vector_load %arg5[%swap3A_72] {strides = array<i32>} : memref<512xi32, #tpu.memory_space<vmem>>, vector<16xi32>,
    tpu.vector_store %arg5[%swap3A_72], %min3A_71 {strides = array<i32>} : memref<512xi32, #tpu.memory_space<vmem>>, vector<16xi32>,
    %get3A_74 = arith.constant 192 : index
    %get3A_75 = tpu.vector_load %arg5[%get3A_74] {strides = array<i32>} : memref<512xi32, #tpu.memory_space<vmem>>, vector<16xi32>,
    %max3A_76 = arith.maxsi %get3A_75, %broadcast_in_dim3A_3 : vector<16xi32>
    %min3A_77 = arith.minsi %max3A_76, %broadcast_in_dim3A_5 : vector<16xi32>
    %swap3A_78 = arith.constant 192 : index
    %swap3A_79 = tpu.vector_load %arg5[%swap3A_78] {strides = array<i32>} : memref<512xi32, #tpu.memory_space<vmem>>, vector<16xi32>,
    tpu.vector_store %arg5[%swap3A_78], %min3A_77 {strides = array<i32>} : memref<512xi32, #tpu.memory_space<vmem>>, vector<16xi32>,
    %get3A_80 = arith.constant 208 : index
    %get3A_81 = tpu.vector_load %arg5[%get3A_80] {strides = array<i32>} : memref<512xi32, #tpu.memory_space<vmem>>, vector<16xi32>,
    %max3A_82 = arith.maxsi %get3A_81, %broadcast_in_dim3A_3 : vector<16xi32>
    %min3A_83 = arith.minsi %max3A_82, %broadcast_in_dim3A_5 : vector<16xi32>
    %swap3A_84 = arith.constant 208 : index
    %swap3A_85 = tpu.vector_load %arg5[%swap3A_84] {strides = array<i32>} : memref<512xi32, #tpu.memory_space<vmem>>, vector<16xi32>,
    tpu.vector_store %arg5[%swap3A_84], %min3A_83 {strides = array<i32>} : memref<512xi32, #tpu.memory_space<vmem>>, vector<16xi32>,
    %get3A_86 = arith.constant 224 : index
    %get3A_87 = tpu.vector_load %arg5[%get3A_86] {strides = array<i32>} : memref<512xi32, #tpu.memory_space<vmem>>, vector<16xi32>,
    %max3A_88 = arith.maxsi %get3A_87, %broadcast_in_dim3A_3 : vector<16xi32>
    %min3A_89 = arith.minsi %max3A_88, %broadcast_in_dim3A_5 : vector<16xi32>
    %swap3A_90 = arith.constant 224 : index
    %swap3A_91 = tpu.vector_load %arg5[%swap3A_90] {strides = array<i32>} : memref<512xi32, #tpu.memory_space<vmem>>, vector<16xi32>,
    tpu.vector_store %arg5[%swap3A_90], %min3A_89 {strides = array<i32>} : memref<512xi32, #tpu.memory_space<vmem>>, vector<16xi32>,
    %get3A_92 = arith.constant 240 : index
    %get3A_93 = tpu.vector_load %arg5[%get3A_92] {strides = array<i32>} : memref<512xi32, #tpu.memory_space<vmem>>, vector<16xi32>,
    %max3A_94 = arith.maxsi %get3A_93, %broadcast_in_dim3A_3 : vector<16xi32>
    %min3A_95 = arith.minsi %max3A_94, %broadcast_in_dim3A_5 : vector<16xi32>
    %swap3A_96 = arith.constant 240 : index
    %swap3A_97 = tpu.vector_load %arg5[%swap3A_96] {strides = array<i32>} : memref<512xi32, #tpu.memory_space<vmem>>, vector<16xi32>,
    tpu.vector_store %arg5[%swap3A_96], %min3A_95 {strides = array<i32>} : memref<512xi32, #tpu.memory_space<vmem>>, vector<16xi32>,
    %get3A_98 = arith.constant 256 : index
    %get3A_99 = tpu.vector_load %arg5[%get3A_98] {strides = array<i32>} : memref<512xi32, #tpu.memory_space<vmem>>, vector<16xi32>,
    %max3A_100 = arith.maxsi %get3A_99, %broadcast_in_dim3A_3 : vector<16xi32>
    %min3A_101 = arith.minsi %max3A_100, %broadcast_in_dim3A_5 : vector<16xi32>
    %swap3A_102 = arith.constant 256 : index
    %swap3A_103 = tpu.vector_load %arg5[%swap3A_102] {strides = array<i32>} : memref<512xi32, #tpu.memory_space<vmem>>, vector<16xi32>,
    tpu.vector_store %arg5[%swap3A_102], %min3A_101 {strides = array<i32>} : memref<512xi32, #tpu.memory_space<vmem>>, vector<16xi32>,
    %get3A_104 = arith.constant 272 : index
    %get3A_105 = tpu.vector_load %arg5[%get3A_104] {strides = array<i32>} : memref<512xi32, #tpu.memory_space<vmem>>, vector<16xi32>,
    %max3A_106 = arith.maxsi %get3A_105, %broadcast_in_dim3A_3 : vector<16xi32>
    %min3A_107 = arith.minsi %max3A_106, %broadcast_in_dim3A_5 : vector<16xi32>
    %swap3A_108 = arith.constant 272 : index
    %swap3A_109 = tpu.vector_load %arg5[%swap3A_108] {strides = array<i32>} : memref<512xi32, #tpu.memory_space<vmem>>, vector<16xi32>,
    tpu.vector_store %arg5[%swap3A_108], %min3A_107 {strides = array<i32>} : memref<512xi32, #tpu.memory_space<vmem>>, vector<16xi32>,
    %get3A_110 = arith.constant 288 : index
    %get3A_111 = tpu.vector_load %arg5[%get3A_110] {strides = array<i32>} : memref<512xi32, #tpu.memory_space<vmem>>, vector<16xi32>,
    %max3A_112 = arith.maxsi %get3A_111, %broadcast_in_dim3A_3 : vector<16xi32>
    %min3A_113 = arith.minsi %max3A_112, %broadcast_in_dim3A_5 : vector<16xi32>
    %swap3A_114 = arith.constant 288 : index
    %swap3A_115 = tpu.vector_load %arg5[%swap3A_114] {strides = array<i32>} : memref<512xi32, #tpu.memory_space<vmem>>, vector<16xi32>,
    tpu.vector_store %arg5[%swap3A_114], %min3A_113 {strides = array<i32>} : memref<512xi32, #tpu.memory_space<vmem>>, vector<16xi32>,
    %get3A_116 = arith.constant 304 : index
    %get3A_117 = tpu.vector_load %arg5[%get3A_116] {strides = array<i32>} : memref<512xi32, #tpu.memory_space<vmem>>, vector<16xi32>,
    %max3A_118 = arith.maxsi %get3A_117, %broadcast_in_dim3A_3 : vector<16xi32>
    %min3A_119 = arith.minsi %max3A_118, %broadcast_in_dim3A_5 : vector<16xi32>
    %swap3A_120 = arith.constant 304 : index
    %swap3A_121 = tpu.vector_load %arg5[%swap3A_120] {strides = array<i32>} : memref<512xi32, #tpu.memory_space<vmem>>, vector<16xi32>,
    tpu.vector_store %arg5[%swap3A_120], %min3A_119 {strides = array<i32>} : memref<512xi32, #tpu.memory_space<vmem>>, vector<16xi32>,
    %get3A_122 = arith.constant 320 : index
    %get3A_123 = tpu.vector_load %arg5[%get3A_122] {strides = array<i32>} : memref<512xi32, #tpu.memory_space<vmem>>, vector<16xi32>,
    %max3A_124 = arith.maxsi %get3A_123, %broadcast_in_dim3A_3 : vector<16xi32>
    %min3A_125 = arith.minsi %max3A_124, %broadcast_in_dim3A_5 : vector<16xi32>
    %swap3A_126 = arith.constant 320 : index
    %swap3A_127 = tpu.vector_load %arg5[%swap3A_126] {strides = array<i32>} : memref<512xi32, #tpu.memory_space<vmem>>, vector<16xi32>,
    tpu.vector_store %arg5[%swap3A_126], %min3A_125 {strides = array<i32>} : memref<512xi32, #tpu.memory_space<vmem>>, vector<16xi32>,
    %get3A_128 = arith.constant 336 : index
    %get3A_129 = tpu.vector_load %arg5[%get3A_128] {strides = array<i32>} : memref<512xi32, #tpu.memory_space<vmem>>, vector<16xi32>,
    %max3A_130 = arith.maxsi %get3A_129, %broadcast_in_dim3A_3 : vector<16xi32>
    %min3A_131 = arith.minsi %max3A_130, %broadcast_in_dim3A_5 : vector<16xi32>
    %swap3A_132 = arith.constant 336 : index
    %swap3A_133 = tpu.vector_load %arg5[%swap3A_132] {strides = array<i32>} : memref<512xi32, #tpu.memory_space<vmem>>, vector<16xi32>,
    tpu.vector_store %arg5[%swap3A_132], %min3A_131 {strides = array<i32>} : memref<512xi32, #tpu.memory_space<vmem>>, vector<16xi32>,
    %get3A_134 = arith.constant 352 : index
    %get3A_135 = tpu.vector_load %arg5[%get3A_134] {strides = array<i32>} : memref<512xi32, #tpu.memory_space<vmem>>, vector<16xi32>,
    %max3A_136 = arith.maxsi %get3A_135, %broadcast_in_dim3A_3 : vector<16xi32>
    %min3A_137 = arith.minsi %max3A_136, %broadcast_in_dim3A_5 : vector<16xi32>
    %swap3A_138 = arith.constant 352 : index
    %swap3A_139 = tpu.vector_load %arg5[%swap3A_138] {strides = array<i32>} : memref<512xi32, #tpu.memory_space<vmem>>, vector<16xi32>,
    tpu.vector_store %arg5[%swap3A_138], %min3A_137 {strides = array<i32>} : memref<512xi32, #tpu.memory_space<vmem>>, vector<16xi32>,
    %get3A_140 = arith.constant 368 : index
    %get3A_141 = tpu.vector_load %arg5[%get3A_140] {strides = array<i32>} : memref<512xi32, #tpu.memory_space<vmem>>, vector<16xi32>,
    %max3A_142 = arith.maxsi %get3A_141, %broadcast_in_dim3A_3 : vector<16xi32>
    %min3A_143 = arith.minsi %max3A_142, %broadcast_in_dim3A_5 : vector<16xi32>
    %swap3A_144 = arith.constant 368 : index
    %swap3A_145 = tpu.vector_load %arg5[%swap3A_144] {strides = array<i32>} : memref<512xi32, #tpu.memory_space<vmem>>, vector<16xi32>,
    tpu.vector_store %arg5[%swap3A_144], %min3A_143 {strides = array<i32>} : memref<512xi32, #tpu.memory_space<vmem>>, vector<16xi32>,
    %get3A_146 = arith.constant 384 : index
    %get3A_147 = tpu.vector_load %arg5[%get3A_146] {strides = array<i32>} : memref<512xi32, #tpu.memory_space<vmem>>, vector<16xi32>,
    %max3A_148 = arith.maxsi %get3A_147, %broadcast_in_dim3A_3 : vector<16xi32>
    %min3A_149 = arith.minsi %max3A_148, %broadcast_in_dim3A_5 : vector<16xi32>
    %swap3A_150 = arith.constant 384 : index
    %swap3A_151 = tpu.vector_load %arg5[%swap3A_150] {strides = array<i32>} : memref<512xi32, #tpu.memory_space<vmem>>, vector<16xi32>,
    tpu.vector_store %arg5[%swap3A_150], %min3A_149 {strides = array<i32>} : memref<512xi32, #tpu.memory_space<vmem>>, vector<16xi32>,
    %get3A_152 = arith.constant 400 : index
    %get3A_153 = tpu.vector_load %arg5[%get3A_152] {strides = array<i32>} : memref<512xi32, #tpu.memory_space<vmem>>, vector<16xi32>,
    %max3A_154 = arith.maxsi %get3A_153, %broadcast_in_dim3A_3 : vector<16xi32>
    %min3A_155 = arith.minsi %max3A_154, %broadcast_in_dim3A_5 : vector<16xi32>
    %swap3A_156 = arith.constant 400 : index
    %swap3A_157 = tpu.vector_load %arg5[%swap3A_156] {strides = array<i32>} : memref<512xi32, #tpu.memory_space<vmem>>, vector<16xi32>,
    tpu.vector_store %arg5[%swap3A_156], %min3A_155 {strides = array<i32>} : memref<512xi32, #tpu.memory_space<vmem>>, vector<16xi32>,
    %get3A_158 = arith.constant 416 : index
    %get3A_159 = tpu.vector_load %arg5[%get3A_158] {strides = array<i32>} : memref<512xi32, #tpu.memory_space<vmem>>, vector<16xi32>,
    %max3A_160 = arith.maxsi %get3A_159, %broadcast_in_dim3A_3 : vector<16xi32>
    %min3A_161 = arith.minsi %max3A_160, %broadcast_in_dim3A_5 : vector<16xi32>
    %swap3A_162 = arith.constant 416 : index
    %swap3A_163 = tpu.vector_load %arg5[%swap3A_162] {strides = array<i32>} : memref<512xi32, #tpu.memory_space<vmem>>, vector<16xi32>,
    tpu.vector_store %arg5[%swap3A_162], %min3A_161 {strides = array<i32>} : memref<512xi32, #tpu.memory_space<vmem>>, vector<16xi32>,
    %get3A_164 = arith.constant 432 : index
    %get3A_165 = tpu.vector_load %arg5[%get3A_164] {strides = array<i32>} : memref<512xi32, #tpu.memory_space<vmem>>, vector<16xi32>,
    %max3A_166 = arith.maxsi %get3A_165, %broadcast_in_dim3A_3 : vector<16xi32>
    %min3A_167 = arith.minsi %max3A_166, %broadcast_in_dim3A_5 : vector<16xi32>
    %swap3A_168 = arith.constant 432 : index
    %swap3A_169 = tpu.vector_load %arg5[%swap3A_168] {strides = array<i32>} : memref<512xi32, #tpu.memory_space<vmem>>, vector<16xi32>,
    tpu.vector_store %arg5[%swap3A_168], %min3A_167 {strides = array<i32>} : memref<512xi32, #tpu.memory_space<vmem>>, vector<16xi32>,
    %get3A_170 = arith.constant 448 : index
    %get3A_171 = tpu.vector_load %arg5[%get3A_170] {strides = array<i32>} : memref<512xi32, #tpu.memory_space<vmem>>, vector<16xi32>,
    %max3A_172 = arith.maxsi %get3A_171, %broadcast_in_dim3A_3 : vector<16xi32>
    %min3A_173 = arith.minsi %max3A_172, %broadcast_in_dim3A_5 : vector<16xi32>
    %swap3A_174 = arith.constant 448 : index
    %swap3A_175 = tpu.vector_load %arg5[%swap3A_174] {strides = array<i32>} : memref<512xi32, #tpu.memory_space<vmem>>, vector<16xi32>,
    tpu.vector_store %arg5[%swap3A_174], %min3A_173 {strides = array<i32>} : memref<512xi32, #tpu.memory_space<vmem>>, vector<16xi32>,
    %get3A_176 = arith.constant 464 : index
    %get3A_177 = tpu.vector_load %arg5[%get3A_176] {strides = array<i32>} : memref<512xi32, #tpu.memory_space<vmem>>, vector<16xi32>,
    %max3A_178 = arith.maxsi %get3A_177, %broadcast_in_dim3A_3 : vector<16xi32>
    %min3A_179 = arith.minsi %max3A_178, %broadcast_in_dim3A_5 : vector<16xi32>
    %swap3A_180 = arith.constant 464 : index
    %swap3A_181 = tpu.vector_load %arg5[%swap3A_180] {strides = array<i32>} : memref<512xi32, #tpu.memory_space<vmem>>, vector<16xi32>,
    tpu.vector_store %arg5[%swap3A_180], %min3A_179 {strides = array<i32>} : memref<512xi32, #tpu.memory_space<vmem>>, vector<16xi32>,
    %get3A_182 = arith.constant 480 : index
    %get3A_183 = tpu.vector_load %arg5[%get3A_182] {strides = array<i32>} : memref<512xi32, #tpu.memory_space<vmem>>, vector<16xi32>,
    %max3A_184 = arith.maxsi %get3A_183, %broadcast_in_dim3A_3 : vector<16xi32>
    %min3A_185 = arith.minsi %max3A_184, %broadcast_in_dim3A_5 : vector<16xi32>
    %swap3A_186 = arith.constant 480 : index
    %swap3A_187 = tpu.vector_load %arg5[%swap3A_186] {strides = array<i32>} : memref<512xi32, #tpu.memory_space<vmem>>, vector<16xi32>,
    tpu.vector_store %arg5[%swap3A_186], %min3A_185 {strides = array<i32>} : memref<512xi32, #tpu.memory_space<vmem>>, vector<16xi32>,
    %get3A_188 = arith.constant 496 : index
    %get3A_189 = tpu.vector_load %arg5[%get3A_188] {strides = array<i32>} : memref<512xi32, #tpu.memory_space<vmem>>, vector<16xi32>,
    %max3A_190 = arith.maxsi %get3A_189, %broadcast_in_dim3A_3 : vector<16xi32>
    %min3A_191 = arith.minsi %max3A_190, %broadcast_in_dim3A_5 : vector<16xi32>
    %swap3A_192 = arith.constant 496 : index
    %swap3A_193 = tpu.vector_load %arg5[%swap3A_192] {strides = array<i32>} : memref<512xi32, #tpu.memory_space<vmem>>, vector<16xi32>,
    tpu.vector_store %arg5[%swap3A_192], %min3A_191 {strides = array<i32>} : memref<512xi32, #tpu.memory_space<vmem>>, vector<16xi32>,
    %iota3A = tpu.iota {dimensions = array<i32: 0>} : vector<16xi32>
    %multiple_of3A = arith.constant 0 : i32
    %multiple_of3A_194 = tpu.assume_multiple %multiple_of3A, 16 : i32
    %get3A_195 = arith.index_cast %multiple_of3A_194 : i32 to index
    %get3A_196 = tpu.vector_load %arg5[%get3A_195] {strides = array<i32>} : memref<512xi32, #tpu.memory_space<vmem>>, vector<16xi32>,
    %broadcast_in_dim3A_197 = arith.constant 0 : i32
    %broadcast_in_dim3A_198 = vector.broadcast %broadcast_in_dim3A_197 : i32 to vector<16xi32>
    %eq3A = arith.cmpi eq, %iota3A, %broadcast_in_dim3A_198 : vector<16xi32>
    %broadcast_in_dim3A_199 = arith.constant -1 : i32
    %broadcast_in_dim3A_200 = vector.broadcast %broadcast_in_dim3A_199 : i32 to vector<16xi32>
    %select_n3A = arith.select %eq3A, %get3A_196, %broadcast_in_dim3A_200 : vector<16xi1>, vector<16xi32>
    %reduce_max3A = arith.constant true
    %reduce_max3A_201 = vector.broadcast %reduce_max3A : i1 to vector<16xi1>
    %reduce_max3A_202 = arith.constant -2147483648 : i32
    %reduce_max3A_203 = vector.broadcast %reduce_max3A_202 : i32 to vector<16xi32>
    %reduce_max3A_204 = arith.xori %select_n3A, %reduce_max3A_203 : vector<16xi32>
    %reduce_max3A_205 = tpu.scan <max>, %reduce_max3A_204 masked %reduce_max3A_201 : vector<16xi32>, vector<16xi1> -> vector<16xi32>
    %reduce_max3A_206 = arith.xori %reduce_max3A_205, %reduce_max3A_203 : vector<16xi32>
    %reduce_max3A_207 = vector.extract %reduce_max3A_206[15] : i32 from vector<16xi32>
    %jit3A = arith.constant 128 : i32
    %div3A = arith.divsi %reduce_max3A_207, %jit3A : i32
    %sign3A = arith.constant 0 : i32
    %sign3A_208 = arith.cmpi sgt, %reduce_max3A_207, %sign3A : i32
    %sign3A_209 = arith.extui %sign3A_208 : i1 to i32
    %sign3A_210 = arith.constant 0 : i32
    %sign3A_211 = arith.cmpi slt, %reduce_max3A_207, %sign3A_210 : i32
    %sign3A_212 = arith.extui %sign3A_211 : i1 to i32
    %sign3A_213 = arith.subi %sign3A_209, %sign3A_212 : i32
    %sign3A_214 = arith.constant 0 : i32
    %sign3A_215 = arith.cmpi sgt, %jit3A, %sign3A_214 : i32
    %sign3A_216 = arith.extui %sign3A_215 : i1 to i32
    %sign3A_217 = arith.constant 0 : i32
    %sign3A_218 = arith.cmpi slt, %jit3A, %sign3A_217 : i32
    %sign3A_219 = arith.extui %sign3A_218 : i1 to i32
    %sign3A_220 = arith.subi %sign3A_216, %sign3A_219 : i32
    %ne3A = arith.cmpi ne, %sign3A_213, %sign3A_220 : i32
    %rem3A = arith.remsi %reduce_max3A_207, %jit3A : i32
    %ne3A_221 = arith.constant 0 : i32
    %ne3A_222 = arith.cmpi ne, %rem3A, %ne3A_221 : i32
    %and3A = arith.andi %ne3A, %ne3A_222 : i1
    %sub3A = arith.constant 1 : i32
    %sub3A_223 = arith.subi %div3A, %sub3A : i32
    %select_n3A_224 = arith.select %and3A, %sub3A_223, %div3A : i32
    %mul3A_225 = arith.constant 128 : i32
    %mul3A_226 = arith.muli %select_n3A_224, %mul3A_225 : i32
    %dma_start3A = arith.constant 0 : i32
    %dma_start3A_227 = arith.constant 0 : i32
    %dma_start3A_228 = arith.constant 0 : i32
    %dma_start3A_229 = tpu.memref_slice %arg6[%dma_start3A, %dma_start3A_227, %dma_start3A_228] : memref<8x64x128xf32, #tpu.memory_space<vmem>> -> memref<1x64x128xf32, #tpu.memory_space<vmem>>
    %dma_start3A_230 = tpu.memref_squeeze %dma_start3A_229 : memref<1x64x128xf32, #tpu.memory_space<vmem>> -> memref<64x128xf32, #tpu.memory_space<vmem>>
    %dma_start3A_231 = arith.constant 0 : i32
    %dma_start3A_232 = tpu.memref_slice %arg3[%dma_start3A_231, %mul3A_226] : memref<64x1000000xf32, #tpu.memory_space<hbm>> -> memref<64x128xf32, #tpu.memory_space<hbm>>
    %dma_start3A_233 = arith.constant 0 : i32
    %dma_start3A_234 = arith.constant 0 : i32
    %dma_start3A_235 = tpu.memref_slice %arg6[%dma_start3A, %dma_start3A_233, %dma_start3A_234] : memref<8x64x128xf32, #tpu.memory_space<vmem>> -> memref<1x64x128xf32, #tpu.memory_space<vmem>>
    %dma_start3A_236 = tpu.memref_squeeze %dma_start3A_235 : memref<1x64x128xf32, #tpu.memory_space<vmem>> -> memref<64x128xf32, #tpu.memory_space<vmem>>
    %dma_start3A_237 = arith.constant 0 : i32
    %dma_start3A_238 = tpu.memref_slice %arg3[%dma_start3A_237, %mul3A_226] : memref<64x1000000xf32, #tpu.memory_space<hbm>> -> memref<64x128xf32, #tpu.memory_space<hbm>>
    tpu.enqueue_dma source(%dma_start3A_238 : memref<64x128xf32, #tpu.memory_space<hbm>>) target(%dma_start3A_236 : memref<64x128xf32, #tpu.memory_space<vmem>>) target_semaphore(%arg8 : memref<!tpu.dma_semaphore, #tpu.memory_space<semaphore_mem>>)
    %multiple_of3A_239 = arith.constant 0 : i32
    %multiple_of3A_240 = tpu.assume_multiple %multiple_of3A_239, 16 : i32
    %get3A_241 = arith.index_cast %multiple_of3A_240 : i32 to index
    %get3A_242 = tpu.vector_load %arg5[%get3A_241] {strides = array<i32>} : memref<512xi32, #tpu.memory_space<vmem>>, vector<16xi32>,
    %broadcast_in_dim3A_243 = arith.constant 1 : i32
    %broadcast_in_dim3A_244 = vector.broadcast %broadcast_in_dim3A_243 : i32 to vector<16xi32>
    %eq3A_245 = arith.cmpi eq, %iota3A, %broadcast_in_dim3A_244 : vector<16xi32>
    %broadcast_in_dim3A_246 = arith.constant -1 : i32
    %broadcast_in_dim3A_247 = vector.broadcast %broadcast_in_dim3A_246 : i32 to vector<16xi32>
    %select_n3A_248 = arith.select %eq3A_245, %get3A_242, %broadcast_in_dim3A_247 : vector<16xi1>, vector<16xi32>
    %reduce_max3A_249 = arith.constant true
    %reduce_max3A_250 = vector.broadcast %reduce_max3A_249 : i1 to vector<16xi1>
    %reduce_max3A_251 = arith.constant -2147483648 : i32
    %reduce_max3A_252 = vector.broadcast %reduce_max3A_251 : i32 to vector<16xi32>
    %reduce_max3A_253 = arith.xori %select_n3A_248, %reduce_max3A_252 : vector<16xi32>
    %reduce_max3A_254 = tpu.scan <max>, %reduce_max3A_253 masked %reduce_max3A_250 : vector<16xi32>, vector<16xi1> -> vector<16xi32>
    %reduce_max3A_255 = arith.xori %reduce_max3A_254, %reduce_max3A_252 : vector<16xi32>
    %reduce_max3A_256 = vector.extract %reduce_max3A_255[15] : i32 from vector<16xi32>
    %jit3A_257 = arith.constant 128 : i32
    %div3A_258 = arith.divsi %reduce_max3A_256, %jit3A_257 : i32
    %sign3A_259 = arith.constant 0 : i32
    %sign3A_260 = arith.cmpi sgt, %reduce_max3A_256, %sign3A_259 : i32
    %sign3A_261 = arith.extui %sign3A_260 : i1 to i32
    %sign3A_262 = arith.constant 0 : i32
    %sign3A_263 = arith.cmpi slt, %reduce_max3A_256, %sign3A_262 : i32
    %sign3A_264 = arith.extui %sign3A_263 : i1 to i32
    %sign3A_265 = arith.subi %sign3A_261, %sign3A_264 : i32
    %sign3A_266 = arith.constant 0 : i32
    %sign3A_267 = arith.cmpi sgt, %jit3A_257, %sign3A_266 : i32
    %sign3A_268 = arith.extui %sign3A_267 : i1 to i32
    %sign3A_269 = arith.constant 0 : i32
    %sign3A_270 = arith.cmpi slt, %jit3A_257, %sign3A_269 : i32
    %sign3A_271 = arith.extui %sign3A_270 : i1 to i32
    %sign3A_272 = arith.subi %sign3A_268, %sign3A_271 : i32
    %ne3A_273 = arith.cmpi ne, %sign3A_265, %sign3A_272 : i32
    %rem3A_274 = arith.remsi %reduce_max3A_256, %jit3A_257 : i32
    %ne3A_275 = arith.constant 0 : i32
    %ne3A_276 = arith.cmpi ne, %rem3A_274, %ne3A_275 : i32
    %and3A_277 = arith.andi %ne3A_273, %ne3A_276 : i1
    %sub3A_278 = arith.constant 1 : i32
    %sub3A_279 = arith.subi %div3A_258, %sub3A_278 : i32
    %select_n3A_280 = arith.select %and3A_277, %sub3A_279, %div3A_258 : i32
    %mul3A_281 = arith.constant 128 : i32
    %mul3A_282 = arith.muli %select_n3A_280, %mul3A_281 : i32
    %dma_start3A_283 = arith.constant 1 : i32
    %dma_start3A_284 = arith.constant 0 : i32
    %dma_start3A_285 = arith.constant 0 : i32
    %dma_start3A_286 = tpu.memref_slice %arg6[%dma_start3A_283, %dma_start3A_284, %dma_start3A_285] : memref<8x64x128xf32, #tpu.memory_space<vmem>> -> memref<1x64x128xf32, #tpu.memory_space<vmem>>
    %dma_start3A_287 = tpu.memref_squeeze %dma_start3A_286 : memref<1x64x128xf32, #tpu.memory_space<vmem>> -> memref<64x128xf32, #tpu.memory_space<vmem>>
    %dma_start3A_288 = arith.constant 0 : i32
    %dma_start3A_289 = tpu.memref_slice %arg3[%dma_start3A_288, %mul3A_282] : memref<64x1000000xf32, #tpu.memory_space<hbm>> -> memref<64x128xf32, #tpu.memory_space<hbm>>
    %dma_start3A_290 = arith.constant 0 : i32
    %dma_start3A_291 = arith.constant 0 : i32
    %dma_start3A_292 = tpu.memref_slice %arg6[%dma_start3A_283, %dma_start3A_290, %dma_start3A_291] : memref<8x64x128xf32, #tpu.memory_space<vmem>> -> memref<1x64x128xf32, #tpu.memory_space<vmem>>
    %dma_start3A_293 = tpu.memref_squeeze %dma_start3A_292 : memref<1x64x128xf32, #tpu.memory_space<vmem>> -> memref<64x128xf32, #tpu.memory_space<vmem>>
    %dma_start3A_294 = arith.constant 0 : i32
    %dma_start3A_295 = tpu.memref_slice %arg3[%dma_start3A_294, %mul3A_282] : memref<64x1000000xf32, #tpu.memory_space<hbm>> -> memref<64x128xf32, #tpu.memory_space<hbm>>
    tpu.enqueue_dma source(%dma_start3A_295 : memref<64x128xf32, #tpu.memory_space<hbm>>) target(%dma_start3A_293 : memref<64x128xf32, #tpu.memory_space<vmem>>) target_semaphore(%arg9 : memref<!tpu.dma_semaphore, #tpu.memory_space<semaphore_mem>>)
    %multiple_of3A_296 = arith.constant 0 : i32
    %multiple_of3A_297 = tpu.assume_multiple %multiple_of3A_296, 16 : i32
    %get3A_298 = arith.index_cast %multiple_of3A_297 : i32 to index
    %get3A_299 = tpu.vector_load %arg5[%get3A_298] {strides = array<i32>} : memref<512xi32, #tpu.memory_space<vmem>>, vector<16xi32>,
    %broadcast_in_dim3A_300 = arith.constant 2 : i32
    %broadcast_in_dim3A_301 = vector.broadcast %broadcast_in_dim3A_300 : i32 to vector<16xi32>
    %eq3A_302 = arith.cmpi eq, %iota3A, %broadcast_in_dim3A_301 : vector<16xi32>
    %broadcast_in_dim3A_303 = arith.constant -1 : i32
    %broadcast_in_dim3A_304 = vector.broadcast %broadcast_in_dim3A_303 : i32 to vector<16xi32>
    %select_n3A_305 = arith.select %eq3A_302, %get3A_299, %broadcast_in_dim3A_304 : vector<16xi1>, vector<16xi32>
    %reduce_max3A_306 = arith.constant true
    %reduce_max3A_307 = vector.broadcast %reduce_max3A_306 : i1 to vector<16xi1>
    %reduce_max3A_308 = arith.constant -2147483648 : i32
    %reduce_max3A_309 = vector.broadcast %reduce_max3A_308 : i32 to vector<16xi32>
    %reduce_max3A_310 = arith.xori %select_n3A_305, %reduce_max3A_309 : vector<16xi32>
    %reduce_max3A_311 = tpu.scan <max>, %reduce_max3A_310 masked %reduce_max3A_307 : vector<16xi32>, vector<16xi1> -> vector<16xi32>
    %reduce_max3A_312 = arith.xori %reduce_max3A_311, %reduce_max3A_309 : vector<16xi32>
    %reduce_max3A_313 = vector.extract %reduce_max3A_312[15] : i32 from vector<16xi32>
    %jit3A_314 = arith.constant 128 : i32
    %div3A_315 = arith.divsi %reduce_max3A_313, %jit3A_314 : i32
    %sign3A_316 = arith.constant 0 : i32
    %sign3A_317 = arith.cmpi sgt, %reduce_max3A_313, %sign3A_316 : i32
    %sign3A_318 = arith.extui %sign3A_317 : i1 to i32
    %sign3A_319 = arith.constant 0 : i32
    %sign3A_320 = arith.cmpi slt, %reduce_max3A_313, %sign3A_319 : i32
    %sign3A_321 = arith.extui %sign3A_320 : i1 to i32
    %sign3A_322 = arith.subi %sign3A_318, %sign3A_321 : i32
    %sign3A_323 = arith.constant 0 : i32
    %sign3A_324 = arith.cmpi sgt, %jit3A_314, %sign3A_323 : i32
    %sign3A_325 = arith.extui %sign3A_324 : i1 to i32
    %sign3A_326 = arith.constant 0 : i32
    %sign3A_327 = arith.cmpi slt, %jit3A_314, %sign3A_326 : i32
    %sign3A_328 = arith.extui %sign3A_327 : i1 to i32
    %sign3A_329 = arith.subi %sign3A_325, %sign3A_328 : i32
    %ne3A_330 = arith.cmpi ne, %sign3A_322, %sign3A_329 : i32
    %rem3A_331 = arith.remsi %reduce_max3A_313, %jit3A_314 : i32
    %ne3A_332 = arith.constant 0 : i32
    %ne3A_333 = arith.cmpi ne, %rem3A_331, %ne3A_332 : i32
    %and3A_334 = arith.andi %ne3A_330, %ne3A_333 : i1
    %sub3A_335 = arith.constant 1 : i32
    %sub3A_336 = arith.subi %div3A_315, %sub3A_335 : i32
    %select_n3A_337 = arith.select %and3A_334, %sub3A_336, %div3A_315 : i32
    %mul3A_338 = arith.constant 128 : i32
    %mul3A_339 = arith.muli %select_n3A_337, %mul3A_338 : i32
    %dma_start3A_340 = arith.constant 2 : i32
    %dma_start3A_341 = arith.constant 0 : i32
    %dma_start3A_342 = arith.constant 0 : i32
    %dma_start3A_343 = tpu.memref_slice %arg6[%dma_start3A_340, %dma_start3A_341, %dma_start3A_342] : memref<8x64x128xf32, #tpu.memory_space<vmem>> -> memref<1x64x128xf32, #tpu.memory_space<vmem>>
    %dma_start3A_344 = tpu.memref_squeeze %dma_start3A_343 : memref<1x64x128xf32, #tpu.memory_space<vmem>> -> memref<64x128xf32, #tpu.memory_space<vmem>>
    %dma_start3A_345 = arith.constant 0 : i32
    %dma_start3A_346 = tpu.memref_slice %arg3[%dma_start3A_345, %mul3A_339] : memref<64x1000000xf32, #tpu.memory_space<hbm>> -> memref<64x128xf32, #tpu.memory_space<hbm>>
    %dma_start3A_347 = arith.constant 0 : i32
    %dma_start3A_348 = arith.constant 0 : i32
    %dma_start3A_349 = tpu.memref_slice %arg6[%dma_start3A_340, %dma_start3A_347, %dma_start3A_348] : memref<8x64x128xf32, #tpu.memory_space<vmem>> -> memref<1x64x128xf32, #tpu.memory_space<vmem>>
    %dma_start3A_350 = tpu.memref_squeeze %dma_start3A_349 : memref<1x64x128xf32, #tpu.memory_space<vmem>> -> memref<64x128xf32, #tpu.memory_space<vmem>>
    %dma_start3A_351 = arith.constant 0 : i32
    %dma_start3A_352 = tpu.memref_slice %arg3[%dma_start3A_351, %mul3A_339] : memref<64x1000000xf32, #tpu.memory_space<hbm>> -> memref<64x128xf32, #tpu.memory_space<hbm>>
    tpu.enqueue_dma source(%dma_start3A_352 : memref<64x128xf32, #tpu.memory_space<hbm>>) target(%dma_start3A_350 : memref<64x128xf32, #tpu.memory_space<vmem>>) target_semaphore(%arg10 : memref<!tpu.dma_semaphore, #tpu.memory_space<semaphore_mem>>)
    %multiple_of3A_353 = arith.constant 0 : i32
    %multiple_of3A_354 = tpu.assume_multiple %multiple_of3A_353, 16 : i32
    %get3A_355 = arith.index_cast %multiple_of3A_354 : i32 to index
    %get3A_356 = tpu.vector_load %arg5[%get3A_355] {strides = array<i32>} : memref<512xi32, #tpu.memory_space<vmem>>, vector<16xi32>,
    %broadcast_in_dim3A_357 = arith.constant 3 : i32
    %broadcast_in_dim3A_358 = vector.broadcast %broadcast_in_dim3A_357 : i32 to vector<16xi32>
    %eq3A_359 = arith.cmpi eq, %iota3A, %broadcast_in_dim3A_358 : vector<16xi32>
    %broadcast_in_dim3A_360 = arith.constant -1 : i32
    %broadcast_in_dim3A_361 = vector.broadcast %broadcast_in_dim3A_360 : i32 to vector<16xi32>
    %select_n3A_362 = arith.select %eq3A_359, %get3A_356, %broadcast_in_dim3A_361 : vector<16xi1>, vector<16xi32>
    %reduce_max3A_363 = arith.constant true
    %reduce_max3A_364 = vector.broadcast %reduce_max3A_363 : i1 to vector<16xi1>
    %reduce_max3A_365 = arith.constant -2147483648 : i32
    %reduce_max3A_366 = vector.broadcast %reduce_max3A_365 : i32 to vector<16xi32>
    %reduce_max3A_367 = arith.xori %select_n3A_362, %reduce_max3A_366 : vector<16xi32>
    %reduce_max3A_368 = tpu.scan <max>, %reduce_max3A_367 masked %reduce_max3A_364 : vector<16xi32>, vector<16xi1> -> vector<16xi32>
    %reduce_max3A_369 = arith.xori %reduce_max3A_368, %reduce_max3A_366 : vector<16xi32>
    %reduce_max3A_370 = vector.extract %reduce_max3A_369[15] : i32 from vector<16xi32>
    %jit3A_371 = arith.constant 128 : i32
    %div3A_372 = arith.divsi %reduce_max3A_370, %jit3A_371 : i32
    %sign3A_373 = arith.constant 0 : i32
    %sign3A_374 = arith.cmpi sgt, %reduce_max3A_370, %sign3A_373 : i32
    %sign3A_375 = arith.extui %sign3A_374 : i1 to i32
    %sign3A_376 = arith.constant 0 : i32
    %sign3A_377 = arith.cmpi slt, %reduce_max3A_370, %sign3A_376 : i32
    %sign3A_378 = arith.extui %sign3A_377 : i1 to i32
    %sign3A_379 = arith.subi %sign3A_375, %sign3A_378 : i32
    %sign3A_380 = arith.constant 0 : i32
    %sign3A_381 = arith.cmpi sgt, %jit3A_371, %sign3A_380 : i32
    %sign3A_382 = arith.extui %sign3A_381 : i1 to i32
    %sign3A_383 = arith.constant 0 : i32
    %sign3A_384 = arith.cmpi slt, %jit3A_371, %sign3A_383 : i32
    %sign3A_385 = arith.extui %sign3A_384 : i1 to i32
    %sign3A_386 = arith.subi %sign3A_382, %sign3A_385 : i32
    %ne3A_387 = arith.cmpi ne, %sign3A_379, %sign3A_386 : i32
    %rem3A_388 = arith.remsi %reduce_max3A_370, %jit3A_371 : i32
    %ne3A_389 = arith.constant 0 : i32
    %ne3A_390 = arith.cmpi ne, %rem3A_388, %ne3A_389 : i32
    %and3A_391 = arith.andi %ne3A_387, %ne3A_390 : i1
    %sub3A_392 = arith.constant 1 : i32
    %sub3A_393 = arith.subi %div3A_372, %sub3A_392 : i32
    %select_n3A_394 = arith.select %and3A_391, %sub3A_393, %div3A_372 : i32
    %mul3A_395 = arith.constant 128 : i32
    %mul3A_396 = arith.muli %select_n3A_394, %mul3A_395 : i32
    %dma_start3A_397 = arith.constant 3 : i32
    %dma_start3A_398 = arith.constant 0 : i32
    %dma_start3A_399 = arith.constant 0 : i32
    %dma_start3A_400 = tpu.memref_slice %arg6[%dma_start3A_397, %dma_start3A_398, %dma_start3A_399] : memref<8x64x128xf32, #tpu.memory_space<vmem>> -> memref<1x64x128xf32, #tpu.memory_space<vmem>>
    %dma_start3A_401 = tpu.memref_squeeze %dma_start3A_400 : memref<1x64x128xf32, #tpu.memory_space<vmem>> -> memref<64x128xf32, #tpu.memory_space<vmem>>
    %dma_start3A_402 = arith.constant 0 : i32
    %dma_start3A_403 = tpu.memref_slice %arg3[%dma_start3A_402, %mul3A_396] : memref<64x1000000xf32, #tpu.memory_space<hbm>> -> memref<64x128xf32, #tpu.memory_space<hbm>>
    %dma_start3A_404 = arith.constant 0 : i32
    %dma_start3A_405 = arith.constant 0 : i32
    %dma_start3A_406 = tpu.memref_slice %arg6[%dma_start3A_397, %dma_start3A_404, %dma_start3A_405] : memref<8x64x128xf32, #tpu.memory_space<vmem>> -> memref<1x64x128xf32, #tpu.memory_space<vmem>>
    %dma_start3A_407 = tpu.memref_squeeze %dma_start3A_406 : memref<1x64x128xf32, #tpu.memory_space<vmem>> -> memref<64x128xf32, #tpu.memory_space<vmem>>
    %dma_start3A_408 = arith.constant 0 : i32
    %dma_start3A_409 = tpu.memref_slice %arg3[%dma_start3A_408, %mul3A_396] : memref<64x1000000xf32, #tpu.memory_space<hbm>> -> memref<64x128xf32, #tpu.memory_space<hbm>>
    tpu.enqueue_dma source(%dma_start3A_409 : memref<64x128xf32, #tpu.memory_space<hbm>>) target(%dma_start3A_407 : memref<64x128xf32, #tpu.memory_space<vmem>>) target_semaphore(%arg11 : memref<!tpu.dma_semaphore, #tpu.memory_space<semaphore_mem>>)
    %multiple_of3A_410 = arith.constant 0 : i32
    %multiple_of3A_411 = tpu.assume_multiple %multiple_of3A_410, 16 : i32
    %get3A_412 = arith.index_cast %multiple_of3A_411 : i32 to index
    %get3A_413 = tpu.vector_load %arg5[%get3A_412] {strides = array<i32>} : memref<512xi32, #tpu.memory_space<vmem>>, vector<16xi32>,
    %broadcast_in_dim3A_414 = arith.constant 4 : i32
    %broadcast_in_dim3A_415 = vector.broadcast %broadcast_in_dim3A_414 : i32 to vector<16xi32>
    %eq3A_416 = arith.cmpi eq, %iota3A, %broadcast_in_dim3A_415 : vector<16xi32>
    %broadcast_in_dim3A_417 = arith.constant -1 : i32
    %broadcast_in_dim3A_418 = vector.broadcast %broadcast_in_dim3A_417 : i32 to vector<16xi32>
    %select_n3A_419 = arith.select %eq3A_416, %get3A_413, %broadcast_in_dim3A_418 : vector<16xi1>, vector<16xi32>
    %reduce_max3A_420 = arith.constant true
    %reduce_max3A_421 = vector.broadcast %reduce_max3A_420 : i1 to vector<16xi1>
    %reduce_max3A_422 = arith.constant -2147483648 : i32
    %reduce_max3A_423 = vector.broadcast %reduce_max3A_422 : i32 to vector<16xi32>
    %reduce_max3A_424 = arith.xori %select_n3A_419, %reduce_max3A_423 : vector<16xi32>
    %reduce_max3A_425 = tpu.scan <max>, %reduce_max3A_424 masked %reduce_max3A_421 : vector<16xi32>, vector<16xi1> -> vector<16xi32>
    %reduce_max3A_426 = arith.xori %reduce_max3A_425, %reduce_max3A_423 : vector<16xi32>
    %reduce_max3A_427 = vector.extract %reduce_max3A_426[15] : i32 from vector<16xi32>
    %jit3A_428 = arith.constant 128 : i32
    %div3A_429 = arith.divsi %reduce_max3A_427, %jit3A_428 : i32
    %sign3A_430 = arith.constant 0 : i32
    %sign3A_431 = arith.cmpi sgt, %reduce_max3A_427, %sign3A_430 : i32
    %sign3A_432 = arith.extui %sign3A_431 : i1 to i32
    %sign3A_433 = arith.constant 0 : i32
    %sign3A_434 = arith.cmpi slt, %reduce_max3A_427, %sign3A_433 : i32
    %sign3A_435 = arith.extui %sign3A_434 : i1 to i32
    %sign3A_436 = arith.subi %sign3A_432, %sign3A_435 : i32
    %sign3A_437 = arith.constant 0 : i32
    %sign3A_438 = arith.cmpi sgt, %jit3A_428, %sign3A_437 : i32
    %sign3A_439 = arith.extui %sign3A_438 : i1 to i32
    %sign3A_440 = arith.constant 0 : i32
    %sign3A_441 = arith.cmpi slt, %jit3A_428, %sign3A_440 : i32
    %sign3A_442 = arith.extui %sign3A_441 : i1 to i32
    %sign3A_443 = arith.subi %sign3A_439, %sign3A_442 : i32
    %ne3A_444 = arith.cmpi ne, %sign3A_436, %sign3A_443 : i32
    %rem3A_445 = arith.remsi %reduce_max3A_427, %jit3A_428 : i32
    %ne3A_446 = arith.constant 0 : i32
    %ne3A_447 = arith.cmpi ne, %rem3A_445, %ne3A_446 : i32
    %and3A_448 = arith.andi %ne3A_444, %ne3A_447 : i1
    %sub3A_449 = arith.constant 1 : i32
    %sub3A_450 = arith.subi %div3A_429, %sub3A_449 : i32
    %select_n3A_451 = arith.select %and3A_448, %sub3A_450, %div3A_429 : i32
    %mul3A_452 = arith.constant 128 : i32
    %mul3A_453 = arith.muli %select_n3A_451, %mul3A_452 : i32
    %dma_start3A_454 = arith.constant 4 : i32
    %dma_start3A_455 = arith.constant 0 : i32
    %dma_start3A_456 = arith.constant 0 : i32
    %dma_start3A_457 = tpu.memref_slice %arg6[%dma_start3A_454, %dma_start3A_455, %dma_start3A_456] : memref<8x64x128xf32, #tpu.memory_space<vmem>> -> memref<1x64x128xf32, #tpu.memory_space<vmem>>
    %dma_start3A_458 = tpu.memref_squeeze %dma_start3A_457 : memref<1x64x128xf32, #tpu.memory_space<vmem>> -> memref<64x128xf32, #tpu.memory_space<vmem>>
    %dma_start3A_459 = arith.constant 0 : i32
    %dma_start3A_460 = tpu.memref_slice %arg3[%dma_start3A_459, %mul3A_453] : memref<64x1000000xf32, #tpu.memory_space<hbm>> -> memref<64x128xf32, #tpu.memory_space<hbm>>
    %dma_start3A_461 = arith.constant 0 : i32
    %dma_start3A_462 = arith.constant 0 : i32
    %dma_start3A_463 = tpu.memref_slice %arg6[%dma_start3A_454, %dma_start3A_461, %dma_start3A_462] : memref<8x64x128xf32, #tpu.memory_space<vmem>> -> memref<1x64x128xf32, #tpu.memory_space<vmem>>
    %dma_start3A_464 = tpu.memref_squeeze %dma_start3A_463 : memref<1x64x128xf32, #tpu.memory_space<vmem>> -> memref<64x128xf32, #tpu.memory_space<vmem>>
    %dma_start3A_465 = arith.constant 0 : i32
    %dma_start3A_466 = tpu.memref_slice %arg3[%dma_start3A_465, %mul3A_453] : memref<64x1000000xf32, #tpu.memory_space<hbm>> -> memref<64x128xf32, #tpu.memory_space<hbm>>
    tpu.enqueue_dma source(%dma_start3A_466 : memref<64x128xf32, #tpu.memory_space<hbm>>) target(%dma_start3A_464 : memref<64x128xf32, #tpu.memory_space<vmem>>) target_semaphore(%arg12 : memref<!tpu.dma_semaphore, #tpu.memory_space<semaphore_mem>>)
    %multiple_of3A_467 = arith.constant 0 : i32
    %multiple_of3A_468 = tpu.assume_multiple %multiple_of3A_467, 16 : i32
    %get3A_469 = arith.index_cast %multiple_of3A_468 : i32 to index
    %get3A_470 = tpu.vector_load %arg5[%get3A_469] {strides = array<i32>} : memref<512xi32, #tpu.memory_space<vmem>>, vector<16xi32>,
    %broadcast_in_dim3A_471 = arith.constant 5 : i32
    %broadcast_in_dim3A_472 = vector.broadcast %broadcast_in_dim3A_471 : i32 to vector<16xi32>
    %eq3A_473 = arith.cmpi eq, %iota3A, %broadcast_in_dim3A_472 : vector<16xi32>
    %broadcast_in_dim3A_474 = arith.constant -1 : i32
    %broadcast_in_dim3A_475 = vector.broadcast %broadcast_in_dim3A_474 : i32 to vector<16xi32>
    %select_n3A_476 = arith.select %eq3A_473, %get3A_470, %broadcast_in_dim3A_475 : vector<16xi1>, vector<16xi32>
    %reduce_max3A_477 = arith.constant true
    %reduce_max3A_478 = vector.broadcast %reduce_max3A_477 : i1 to vector<16xi1>
    %reduce_max3A_479 = arith.constant -2147483648 : i32
    %reduce_max3A_480 = vector.broadcast %reduce_max3A_479 : i32 to vector<16xi32>
    %reduce_max3A_481 = arith.xori %select_n3A_476, %reduce_max3A_480 : vector<16xi32>
    %reduce_max3A_482 = tpu.scan <max>, %reduce_max3A_481 masked %reduce_max3A_478 : vector<16xi32>, vector<16xi1> -> vector<16xi32>
    %reduce_max3A_483 = arith.xori %reduce_max3A_482, %reduce_max3A_480 : vector<16xi32>
    %reduce_max3A_484 = vector.extract %reduce_max3A_483[15] : i32 from vector<16xi32>
    %jit3A_485 = arith.constant 128 : i32
    %div3A_486 = arith.divsi %reduce_max3A_484, %jit3A_485 : i32
    %sign3A_487 = arith.constant 0 : i32
    %sign3A_488 = arith.cmpi sgt, %reduce_max3A_484, %sign3A_487 : i32
    %sign3A_489 = arith.extui %sign3A_488 : i1 to i32
    %sign3A_490 = arith.constant 0 : i32
    %sign3A_491 = arith.cmpi slt, %reduce_max3A_484, %sign3A_490 : i32
    %sign3A_492 = arith.extui %sign3A_491 : i1 to i32
    %sign3A_493 = arith.subi %sign3A_489, %sign3A_492 : i32
    %sign3A_494 = arith.constant 0 : i32
    %sign3A_495 = arith.cmpi sgt, %jit3A_485, %sign3A_494 : i32
    %sign3A_496 = arith.extui %sign3A_495 : i1 to i32
    %sign3A_497 = arith.constant 0 : i32
    %sign3A_498 = arith.cmpi slt, %jit3A_485, %sign3A_497 : i32
    %sign3A_499 = arith.extui %sign3A_498 : i1 to i32
    %sign3A_500 = arith.subi %sign3A_496, %sign3A_499 : i32
    %ne3A_501 = arith.cmpi ne, %sign3A_493, %sign3A_500 : i32
    %rem3A_502 = arith.remsi %reduce_max3A_484, %jit3A_485 : i32
    %ne3A_503 = arith.constant 0 : i32
    %ne3A_504 = arith.cmpi ne, %rem3A_502, %ne3A_503 : i32
    %and3A_505 = arith.andi %ne3A_501, %ne3A_504 : i1
    %sub3A_506 = arith.constant 1 : i32
    %sub3A_507 = arith.subi %div3A_486, %sub3A_506 : i32
    %select_n3A_508 = arith.select %and3A_505, %sub3A_507, %div3A_486 : i32
    %mul3A_509 = arith.constant 128 : i32
    %mul3A_510 = arith.muli %select_n3A_508, %mul3A_509 : i32
    %dma_start3A_511 = arith.constant 5 : i32
    %dma_start3A_512 = arith.constant 0 : i32
    %dma_start3A_513 = arith.constant 0 : i32
    %dma_start3A_514 = tpu.memref_slice %arg6[%dma_start3A_511, %dma_start3A_512, %dma_start3A_513] : memref<8x64x128xf32, #tpu.memory_space<vmem>> -> memref<1x64x128xf32, #tpu.memory_space<vmem>>
    %dma_start3A_515 = tpu.memref_squeeze %dma_start3A_514 : memref<1x64x128xf32, #tpu.memory_space<vmem>> -> memref<64x128xf32, #tpu.memory_space<vmem>>
    %dma_start3A_516 = arith.constant 0 : i32
    %dma_start3A_517 = tpu.memref_slice %arg3[%dma_start3A_516, %mul3A_510] : memref<64x1000000xf32, #tpu.memory_space<hbm>> -> memref<64x128xf32, #tpu.memory_space<hbm>>
    %dma_start3A_518 = arith.constant 0 : i32
    %dma_start3A_519 = arith.constant 0 : i32
    %dma_start3A_520 = tpu.memref_slice %arg6[%dma_start3A_511, %dma_start3A_518, %dma_start3A_519] : memref<8x64x128xf32, #tpu.memory_space<vmem>> -> memref<1x64x128xf32, #tpu.memory_space<vmem>>
    %dma_start3A_521 = tpu.memref_squeeze %dma_start3A_520 : memref<1x64x128xf32, #tpu.memory_space<vmem>> -> memref<64x128xf32, #tpu.memory_space<vmem>>
    %dma_start3A_522 = arith.constant 0 : i32
    %dma_start3A_523 = tpu.memref_slice %arg3[%dma_start3A_522, %mul3A_510] : memref<64x1000000xf32, #tpu.memory_space<hbm>> -> memref<64x128xf32, #tpu.memory_space<hbm>>
    tpu.enqueue_dma source(%dma_start3A_523 : memref<64x128xf32, #tpu.memory_space<hbm>>) target(%dma_start3A_521 : memref<64x128xf32, #tpu.memory_space<vmem>>) target_semaphore(%arg13 : memref<!tpu.dma_semaphore, #tpu.memory_space<semaphore_mem>>)
    %multiple_of3A_524 = arith.constant 0 : i32
    %multiple_of3A_525 = tpu.assume_multiple %multiple_of3A_524, 16 : i32
    %get3A_526 = arith.index_cast %multiple_of3A_525 : i32 to index
    %get3A_527 = tpu.vector_load %arg5[%get3A_526] {strides = array<i32>} : memref<512xi32, #tpu.memory_space<vmem>>, vector<16xi32>,
    %broadcast_in_dim3A_528 = arith.constant 6 : i32
    %broadcast_in_dim3A_529 = vector.broadcast %broadcast_in_dim3A_528 : i32 to vector<16xi32>
    %eq3A_530 = arith.cmpi eq, %iota3A, %broadcast_in_dim3A_529 : vector<16xi32>
    %broadcast_in_dim3A_531 = arith.constant -1 : i32
    %broadcast_in_dim3A_532 = vector.broadcast %broadcast_in_dim3A_531 : i32 to vector<16xi32>
    %select_n3A_533 = arith.select %eq3A_530, %get3A_527, %broadcast_in_dim3A_532 : vector<16xi1>, vector<16xi32>
    %reduce_max3A_534 = arith.constant true
    %reduce_max3A_535 = vector.broadcast %reduce_max3A_534 : i1 to vector<16xi1>
    %reduce_max3A_536 = arith.constant -2147483648 : i32
    %reduce_max3A_537 = vector.broadcast %reduce_max3A_536 : i32 to vector<16xi32>
    %reduce_max3A_538 = arith.xori %select_n3A_533, %reduce_max3A_537 : vector<16xi32>
    %reduce_max3A_539 = tpu.scan <max>, %reduce_max3A_538 masked %reduce_max3A_535 : vector<16xi32>, vector<16xi1> -> vector<16xi32>
    %reduce_max3A_540 = arith.xori %reduce_max3A_539, %reduce_max3A_537 : vector<16xi32>
    %reduce_max3A_541 = vector.extract %reduce_max3A_540[15] : i32 from vector<16xi32>
    %jit3A_542 = arith.constant 128 : i32
    %div3A_543 = arith.divsi %reduce_max3A_541, %jit3A_542 : i32
    %sign3A_544 = arith.constant 0 : i32
    %sign3A_545 = arith.cmpi sgt, %reduce_max3A_541, %sign3A_544 : i32
    %sign3A_546 = arith.extui %sign3A_545 : i1 to i32
    %sign3A_547 = arith.constant 0 : i32
    %sign3A_548 = arith.cmpi slt, %reduce_max3A_541, %sign3A_547 : i32
    %sign3A_549 = arith.extui %sign3A_548 : i1 to i32
    %sign3A_550 = arith.subi %sign3A_546, %sign3A_549 : i32
    %sign3A_551 = arith.constant 0 : i32
    %sign3A_552 = arith.cmpi sgt, %jit3A_542, %sign3A_551 : i32
    %sign3A_553 = arith.extui %sign3A_552 : i1 to i32
    %sign3A_554 = arith.constant 0 : i32
    %sign3A_555 = arith.cmpi slt, %jit3A_542, %sign3A_554 : i32
    %sign3A_556 = arith.extui %sign3A_555 : i1 to i32
    %sign3A_557 = arith.subi %sign3A_553, %sign3A_556 : i32
    %ne3A_558 = arith.cmpi ne, %sign3A_550, %sign3A_557 : i32
    %rem3A_559 = arith.remsi %reduce_max3A_541, %jit3A_542 : i32
    %ne3A_560 = arith.constant 0 : i32
    %ne3A_561 = arith.cmpi ne, %rem3A_559, %ne3A_560 : i32
    %and3A_562 = arith.andi %ne3A_558, %ne3A_561 : i1
    %sub3A_563 = arith.constant 1 : i32
    %sub3A_564 = arith.subi %div3A_543, %sub3A_563 : i32
    %select_n3A_565 = arith.select %and3A_562, %sub3A_564, %div3A_543 : i32
    %mul3A_566 = arith.constant 128 : i32
    %mul3A_567 = arith.muli %select_n3A_565, %mul3A_566 : i32
    %dma_start3A_568 = arith.constant 6 : i32
    %dma_start3A_569 = arith.constant 0 : i32
    %dma_start3A_570 = arith.constant 0 : i32
    %dma_start3A_571 = tpu.memref_slice %arg6[%dma_start3A_568, %dma_start3A_569, %dma_start3A_570] : memref<8x64x128xf32, #tpu.memory_space<vmem>> -> memref<1x64x128xf32, #tpu.memory_space<vmem>>
    %dma_start3A_572 = tpu.memref_squeeze %dma_start3A_571 : memref<1x64x128xf32, #tpu.memory_space<vmem>> -> memref<64x128xf32, #tpu.memory_space<vmem>>
    %dma_start3A_573 = arith.constant 0 : i32
    %dma_start3A_574 = tpu.memref_slice %arg3[%dma_start3A_573, %mul3A_567] : memref<64x1000000xf32, #tpu.memory_space<hbm>> -> memref<64x128xf32, #tpu.memory_space<hbm>>
    %dma_start3A_575 = arith.constant 0 : i32
    %dma_start3A_576 = arith.constant 0 : i32
    %dma_start3A_577 = tpu.memref_slice %arg6[%dma_start3A_568, %dma_start3A_575, %dma_start3A_576] : memref<8x64x128xf32, #tpu.memory_space<vmem>> -> memref<1x64x128xf32, #tpu.memory_space<vmem>>
    %dma_start3A_578 = tpu.memref_squeeze %dma_start3A_577 : memref<1x64x128xf32, #tpu.memory_space<vmem>> -> memref<64x128xf32, #tpu.memory_space<vmem>>
    %dma_start3A_579 = arith.constant 0 : i32
    %dma_start3A_580 = tpu.memref_slice %arg3[%dma_start3A_579, %mul3A_567] : memref<64x1000000xf32, #tpu.memory_space<hbm>> -> memref<64x128xf32, #tpu.memory_space<hbm>>
    tpu.enqueue_dma source(%dma_start3A_580 : memref<64x128xf32, #tpu.memory_space<hbm>>) target(%dma_start3A_578 : memref<64x128xf32, #tpu.memory_space<vmem>>) target_semaphore(%arg14 : memref<!tpu.dma_semaphore, #tpu.memory_space<semaphore_mem>>)
    %multiple_of3A_581 = arith.constant 0 : i32
    %multiple_of3A_582 = tpu.assume_multiple %multiple_of3A_581, 16 : i32
    %get3A_583 = arith.index_cast %multiple_of3A_582 : i32 to index
    %get3A_584 = tpu.vector_load %arg5[%get3A_583] {strides = array<i32>} : memref<512xi32, #tpu.memory_space<vmem>>, vector<16xi32>,
    %broadcast_in_dim3A_585 = arith.constant 7 : i32
    %broadcast_in_dim3A_586 = vector.broadcast %broadcast_in_dim3A_585 : i32 to vector<16xi32>
    %eq3A_587 = arith.cmpi eq, %iota3A, %broadcast_in_dim3A_586 : vector<16xi32>
    %broadcast_in_dim3A_588 = arith.constant -1 : i32
    %broadcast_in_dim3A_589 = vector.broadcast %broadcast_in_dim3A_588 : i32 to vector<16xi32>
    %select_n3A_590 = arith.select %eq3A_587, %get3A_584, %broadcast_in_dim3A_589 : vector<16xi1>, vector<16xi32>
    %reduce_max3A_591 = arith.constant true
    %reduce_max3A_592 = vector.broadcast %reduce_max3A_591 : i1 to vector<16xi1>
    %reduce_max3A_593 = arith.constant -2147483648 : i32
    %reduce_max3A_594 = vector.broadcast %reduce_max3A_593 : i32 to vector<16xi32>
    %reduce_max3A_595 = arith.xori %select_n3A_590, %reduce_max3A_594 : vector<16xi32>
    %reduce_max3A_596 = tpu.scan <max>, %reduce_max3A_595 masked %reduce_max3A_592 : vector<16xi32>, vector<16xi1> -> vector<16xi32>
    %reduce_max3A_597 = arith.xori %reduce_max3A_596, %reduce_max3A_594 : vector<16xi32>
    %reduce_max3A_598 = vector.extract %reduce_max3A_597[15] : i32 from vector<16xi32>
    %jit3A_599 = arith.constant 128 : i32
    %div3A_600 = arith.divsi %reduce_max3A_598, %jit3A_599 : i32
    %sign3A_601 = arith.constant 0 : i32
    %sign3A_602 = arith.cmpi sgt, %reduce_max3A_598, %sign3A_601 : i32
    %sign3A_603 = arith.extui %sign3A_602 : i1 to i32
    %sign3A_604 = arith.constant 0 : i32
    %sign3A_605 = arith.cmpi slt, %reduce_max3A_598, %sign3A_604 : i32
    %sign3A_606 = arith.extui %sign3A_605 : i1 to i32
    %sign3A_607 = arith.subi %sign3A_603, %sign3A_606 : i32
    %sign3A_608 = arith.constant 0 : i32
    %sign3A_609 = arith.cmpi sgt, %jit3A_599, %sign3A_608 : i32
    %sign3A_610 = arith.extui %sign3A_609 : i1 to i32
    %sign3A_611 = arith.constant 0 : i32
    %sign3A_612 = arith.cmpi slt, %jit3A_599, %sign3A_611 : i32
    %sign3A_613 = arith.extui %sign3A_612 : i1 to i32
    %sign3A_614 = arith.subi %sign3A_610, %sign3A_613 : i32
    %ne3A_615 = arith.cmpi ne, %sign3A_607, %sign3A_614 : i32
    %rem3A_616 = arith.remsi %reduce_max3A_598, %jit3A_599 : i32
    %ne3A_617 = arith.constant 0 : i32
    %ne3A_618 = arith.cmpi ne, %rem3A_616, %ne3A_617 : i32
    %and3A_619 = arith.andi %ne3A_615, %ne3A_618 : i1
    %sub3A_620 = arith.constant 1 : i32
    %sub3A_621 = arith.subi %div3A_600, %sub3A_620 : i32
    %select_n3A_622 = arith.select %and3A_619, %sub3A_621, %div3A_600 : i32
    %mul3A_623 = arith.constant 128 : i32
    %mul3A_624 = arith.muli %select_n3A_622, %mul3A_623 : i32
    %dma_start3A_625 = arith.constant 7 : i32
    %dma_start3A_626 = arith.constant 0 : i32
    %dma_start3A_627 = arith.constant 0 : i32
    %dma_start3A_628 = tpu.memref_slice %arg6[%dma_start3A_625, %dma_start3A_626, %dma_start3A_627] : memref<8x64x128xf32, #tpu.memory_space<vmem>> -> memref<1x64x128xf32, #tpu.memory_space<vmem>>
    %dma_start3A_629 = tpu.memref_squeeze %dma_start3A_628 : memref<1x64x128xf32, #tpu.memory_space<vmem>> -> memref<64x128xf32, #tpu.memory_space<vmem>>
    %dma_start3A_630 = arith.constant 0 : i32
    %dma_start3A_631 = tpu.memref_slice %arg3[%dma_start3A_630, %mul3A_624] : memref<64x1000000xf32, #tpu.memory_space<hbm>> -> memref<64x128xf32, #tpu.memory_space<hbm>>
    %dma_start3A_632 = arith.constant 0 : i32
    %dma_start3A_633 = arith.constant 0 : i32
    %dma_start3A_634 = tpu.memref_slice %arg6[%dma_start3A_625, %dma_start3A_632, %dma_start3A_633] : memref<8x64x128xf32, #tpu.memory_space<vmem>> -> memref<1x64x128xf32, #tpu.memory_space<vmem>>
    %dma_start3A_635 = tpu.memref_squeeze %dma_start3A_634 : memref<1x64x128xf32, #tpu.memory_space<vmem>> -> memref<64x128xf32, #tpu.memory_space<vmem>>
    %dma_start3A_636 = arith.constant 0 : i32
    %dma_start3A_637 = tpu.memref_slice %arg3[%dma_start3A_636, %mul3A_624] : memref<64x1000000xf32, #tpu.memory_space<hbm>> -> memref<64x128xf32, #tpu.memory_space<hbm>>
    tpu.enqueue_dma source(%dma_start3A_637 : memref<64x128xf32, #tpu.memory_space<hbm>>) target(%dma_start3A_635 : memref<64x128xf32, #tpu.memory_space<vmem>>) target_semaphore(%arg15 : memref<!tpu.dma_semaphore, #tpu.memory_space<semaphore_mem>>)
    %scan3A = arith.constant 0 : i32
    %scan3A_638 = arith.constant 0 : i32
    %scan3A_639 = arith.constant 63 : i32
    %scan3A_640 = arith.addi %scan3A_638, %scan3A_639 : i32
    %scan3A_641 = arith.constant 1 : i32
    scf.for %scan3A_1426 = %scan3A_638 to %scan3A_640 step %scan3A_641  : i32 {
      %mul3A_1427 = arith.constant 8 : i32
      %mul3A_1428 = arith.muli %scan3A_1426, %mul3A_1427 : i32
      %add3A_1429 = arith.constant 0 : i32
      %add3A_1430 = arith.addi %mul3A_1428, %add3A_1429 : i32
      %dma_wait3A_1431 = arith.constant 0 : i32
      %dma_wait3A_1432 = arith.constant 0 : i32
      %dma_wait3A_1433 = arith.constant 0 : i32
      %dma_wait3A_1434 = tpu.memref_slice %arg6[%dma_wait3A_1431, %dma_wait3A_1432, %dma_wait3A_1433] : memref<8x64x128xf32, #tpu.memory_space<vmem>> -> memref<1x64x128xf32, #tpu.memory_space<vmem>>
      %dma_wait3A_1435 = tpu.memref_squeeze %dma_wait3A_1434 : memref<1x64x128xf32, #tpu.memory_space<vmem>> -> memref<64x128xf32, #tpu.memory_space<vmem>>
      %dma_wait3A_1436 = arith.constant 0 : i32
      %dma_wait3A_1437 = arith.constant 0 : i32
      %dma_wait3A_1438 = tpu.memref_slice %arg3[%dma_wait3A_1436, %dma_wait3A_1437] : memref<64x1000000xf32, #tpu.memory_space<hbm>> -> memref<64x128xf32, #tpu.memory_space<hbm>>
      %dma_wait3A_1439 = arith.constant 0 : i32
      %dma_wait3A_1440 = arith.constant 0 : i32
      %dma_wait3A_1441 = tpu.memref_slice %arg6[%dma_wait3A_1431, %dma_wait3A_1439, %dma_wait3A_1440] : memref<8x64x128xf32, #tpu.memory_space<vmem>> -> memref<1x64x128xf32, #tpu.memory_space<vmem>>
      %dma_wait3A_1442 = tpu.memref_squeeze %dma_wait3A_1441 : memref<1x64x128xf32, #tpu.memory_space<vmem>> -> memref<64x128xf32, #tpu.memory_space<vmem>>
      %dma_wait3A_1443 = arith.constant 0 : i32
      %dma_wait3A_1444 = arith.constant 0 : i32
      %dma_wait3A_1445 = tpu.memref_slice %arg3[%dma_wait3A_1443, %dma_wait3A_1444] : memref<64x1000000xf32, #tpu.memory_space<hbm>> -> memref<64x128xf32, #tpu.memory_space<hbm>>
      tpu.wait_dma2 semaphore(%arg8 : memref<!tpu.dma_semaphore, #tpu.memory_space<semaphore_mem>>) src(%dma_wait3A_1445 : memref<64x128xf32, #tpu.memory_space<hbm>>) dst(%dma_wait3A_1442 : memref<64x128xf32, #tpu.memory_space<vmem>>)
      %jit3A_1446 = arith.constant 16 : i32
      %div3A_1447 = arith.divsi %add3A_1430, %jit3A_1446 : i32
      %sign3A_1448 = arith.constant 0 : i32
      %sign3A_1449 = arith.cmpi sgt, %add3A_1430, %sign3A_1448 : i32
      %sign3A_1450 = arith.extui %sign3A_1449 : i1 to i32
      %sign3A_1451 = arith.constant 0 : i32
      %sign3A_1452 = arith.cmpi slt, %add3A_1430, %sign3A_1451 : i32
      %sign3A_1453 = arith.extui %sign3A_1452 : i1 to i32
      %sign3A_1454 = arith.subi %sign3A_1450, %sign3A_1453 : i32
      %sign3A_1455 = arith.constant 0 : i32
      %sign3A_1456 = arith.cmpi sgt, %jit3A_1446, %sign3A_1455 : i32
      %sign3A_1457 = arith.extui %sign3A_1456 : i1 to i32
      %sign3A_1458 = arith.constant 0 : i32
      %sign3A_1459 = arith.cmpi slt, %jit3A_1446, %sign3A_1458 : i32
      %sign3A_1460 = arith.extui %sign3A_1459 : i1 to i32
      %sign3A_1461 = arith.subi %sign3A_1457, %sign3A_1460 : i32
      %ne3A_1462 = arith.cmpi ne, %sign3A_1454, %sign3A_1461 : i32
      %rem3A_1463 = arith.remsi %add3A_1430, %jit3A_1446 : i32
      %ne3A_1464 = arith.constant 0 : i32
      %ne3A_1465 = arith.cmpi ne, %rem3A_1463, %ne3A_1464 : i32
      %and3A_1466 = arith.andi %ne3A_1462, %ne3A_1465 : i1
      %sub3A_1467 = arith.constant 1 : i32
      %sub3A_1468 = arith.subi %div3A_1447, %sub3A_1467 : i32
      %select_n3A_1469 = arith.select %and3A_1466, %sub3A_1468, %div3A_1447 : i32
      %mul3A_1470 = arith.constant 16 : i32
      %mul3A_1471 = arith.muli %select_n3A_1469, %mul3A_1470 : i32
      %multiple_of3A_1472 = tpu.assume_multiple %mul3A_1471, 16 : i32
      %get3A_1473 = arith.index_cast %multiple_of3A_1472 : i32 to index
      %get3A_1474 = tpu.vector_load %arg5[%get3A_1473] {strides = array<i32>} : memref<512xi32, #tpu.memory_space<vmem>>, vector<16xi32>,
      %jit3A_1475 = arith.constant 16 : i32
      %eq3A_1476 = arith.constant 0 : i32
      %eq3A_1477 = arith.cmpi eq, %jit3A_1475, %eq3A_1476 : i32
      %jit3A_1478 = arith.constant 1 : i32
      %select_n3A_1479 = arith.select %eq3A_1477, %jit3A_1478, %jit3A_1475 : i32
      %rem3A_1480 = arith.remsi %add3A_1430, %select_n3A_1479 : i32
      %ne3A_1481 = arith.constant 0 : i32
      %ne3A_1482 = arith.cmpi ne, %rem3A_1480, %ne3A_1481 : i32
      %lt3A_1483 = arith.constant 0 : i32
      %lt3A_1484 = arith.cmpi slt, %rem3A_1480, %lt3A_1483 : i32
      %lt3A_1485 = arith.constant 0 : i32
      %lt3A_1486 = arith.cmpi slt, %select_n3A_1479, %lt3A_1485 : i32
      %ne3A_1487 = arith.xori %lt3A_1484, %lt3A_1486 : i1
      %and3A_1488 = arith.andi %ne3A_1487, %ne3A_1482 : i1
      %add3A_1489 = arith.addi %rem3A_1480, %select_n3A_1479 : i32
      %select_n3A_1490 = arith.select %and3A_1488, %add3A_1489, %rem3A_1480 : i32
      %broadcast_in_dim3A_1491 = vector.broadcast %select_n3A_1490 : i32 to vector<16xi32>
      %eq3A_1492 = arith.cmpi eq, %iota3A, %broadcast_in_dim3A_1491 : vector<16xi32>
      %broadcast_in_dim3A_1493 = arith.constant -1 : i32
      %broadcast_in_dim3A_1494 = vector.broadcast %broadcast_in_dim3A_1493 : i32 to vector<16xi32>
      %select_n3A_1495 = arith.select %eq3A_1492, %get3A_1474, %broadcast_in_dim3A_1494 : vector<16xi1>, vector<16xi32>
      %reduce_max3A_1496 = arith.constant true
      %reduce_max3A_1497 = vector.broadcast %reduce_max3A_1496 : i1 to vector<16xi1>
      %reduce_max3A_1498 = arith.constant -2147483648 : i32
      %reduce_max3A_1499 = vector.broadcast %reduce_max3A_1498 : i32 to vector<16xi32>
      %reduce_max3A_1500 = arith.xori %select_n3A_1495, %reduce_max3A_1499 : vector<16xi32>
      %reduce_max3A_1501 = tpu.scan <max>, %reduce_max3A_1500 masked %reduce_max3A_1497 : vector<16xi32>, vector<16xi1> -> vector<16xi32>
      %reduce_max3A_1502 = arith.xori %reduce_max3A_1501, %reduce_max3A_1499 : vector<16xi32>
      %reduce_max3A_1503 = vector.extract %reduce_max3A_1502[15] : i32 from vector<16xi32>
      %jit3A_1504 = arith.constant 128 : i32
      %eq3A_1505 = arith.constant 0 : i32
      %eq3A_1506 = arith.cmpi eq, %jit3A_1504, %eq3A_1505 : i32
      %jit3A_1507 = arith.constant 1 : i32
      %select_n3A_1508 = arith.select %eq3A_1506, %jit3A_1507, %jit3A_1504 : i32
      %rem3A_1509 = arith.remsi %reduce_max3A_1503, %select_n3A_1508 : i32
      %ne3A_1510 = arith.constant 0 : i32
      %ne3A_1511 = arith.cmpi ne, %rem3A_1509, %ne3A_1510 : i32
      %lt3A_1512 = arith.constant 0 : i32
      %lt3A_1513 = arith.cmpi slt, %rem3A_1509, %lt3A_1512 : i32
      %lt3A_1514 = arith.constant 0 : i32
      %lt3A_1515 = arith.cmpi slt, %select_n3A_1508, %lt3A_1514 : i32
      %ne3A_1516 = arith.xori %lt3A_1513, %lt3A_1515 : i1
      %and3A_1517 = arith.andi %ne3A_1516, %ne3A_1511 : i1
      %add3A_1518 = arith.addi %rem3A_1509, %select_n3A_1508 : i32
      %select_n3A_1519 = arith.select %and3A_1517, %add3A_1518, %rem3A_1509 : i32
      %broadcast_in_dim3A_1520 = vector.broadcast %select_n3A_1519 : i32 to vector<16xi32>
      %iota3A_1521 = tpu.iota {dimensions = array<i32: 0>} : vector<16xi32>
      %add3A_1522 = arith.constant 0 : i32
      %add3A_1523 = vector.broadcast %add3A_1522 : i32 to vector<16xi32>
      %add3A_1524 = arith.addi %iota3A_1521, %add3A_1523 : vector<16xi32>
      %gather3A_1525 = arith.constant 0 : i32
      %gather3A_1526 = arith.constant 0 : i32
      %gather3A_1527 = arith.constant 0 : i32
      %gather3A_1528 = tpu.memref_slice %arg6[%gather3A_1525, %gather3A_1526, %gather3A_1527] : memref<8x64x128xf32, #tpu.memory_space<vmem>> -> memref<1x64x128xf32, #tpu.memory_space<vmem>>
      %gather3A_1529 = tpu.memref_squeeze %gather3A_1528 : memref<1x64x128xf32, #tpu.memory_space<vmem>> -> memref<64x128xf32, #tpu.memory_space<vmem>>
      %gather3A_1530 = tpu.vector_load_idx %gather3A_1529[%add3A_1524, %broadcast_in_dim3A_1520] : memref<64x128xf32, #tpu.memory_space<vmem>>[vector<16xi32>, vector<16xi32>], vector<16xf32>,
      %mul3A_1531 = arith.constant 64 : i32
      %mul3A_1532 = arith.muli %add3A_1430, %mul3A_1531 : i32
      %add3A_1533 = arith.constant 0 : i32
      %add3A_1534 = arith.addi %mul3A_1532, %add3A_1533 : i32
      %swap3A_1535 = arith.index_cast %add3A_1534 : i32 to index
      %swap3A_1536 = tpu.vector_load %arg7[%swap3A_1535] {strides = array<i32>} : memref<32768xf32, #tpu.memory_space<vmem>>, vector<16xf32>,
      tpu.vector_store %arg7[%swap3A_1535], %gather3A_1530 {strides = array<i32>} : memref<32768xf32, #tpu.memory_space<vmem>>, vector<16xf32>,
      %iota3A_1537 = tpu.iota {dimensions = array<i32: 0>} : vector<16xi32>
      %add3A_1538 = arith.constant 16 : i32
      %add3A_1539 = vector.broadcast %add3A_1538 : i32 to vector<16xi32>
      %add3A_1540 = arith.addi %iota3A_1537, %add3A_1539 : vector<16xi32>
      %gather3A_1541 = arith.constant 0 : i32
      %gather3A_1542 = arith.constant 0 : i32
      %gather3A_1543 = arith.constant 0 : i32
      %gather3A_1544 = tpu.memref_slice %arg6[%gather3A_1541, %gather3A_1542, %gather3A_1543] : memref<8x64x128xf32, #tpu.memory_space<vmem>> -> memref<1x64x128xf32, #tpu.memory_space<vmem>>
      %gather3A_1545 = tpu.memref_squeeze %gather3A_1544 : memref<1x64x128xf32, #tpu.memory_space<vmem>> -> memref<64x128xf32, #tpu.memory_space<vmem>>
      %gather3A_1546 = tpu.vector_load_idx %gather3A_1545[%add3A_1540, %broadcast_in_dim3A_1520] : memref<64x128xf32, #tpu.memory_space<vmem>>[vector<16xi32>, vector<16xi32>], vector<16xf32>,
      %mul3A_1547 = arith.constant 64 : i32
      %mul3A_1548 = arith.muli %add3A_1430, %mul3A_1547 : i32
      %add3A_1549 = arith.constant 16 : i32
      %add3A_1550 = arith.addi %mul3A_1548, %add3A_1549 : i32
      %swap3A_1551 = arith.index_cast %add3A_1550 : i32 to index
      %swap3A_1552 = tpu.vector_load %arg7[%swap3A_1551] {strides = array<i32>} : memref<32768xf32, #tpu.memory_space<vmem>>, vector<16xf32>,
      tpu.vector_store %arg7[%swap3A_1551], %gather3A_1546 {strides = array<i32>} : memref<32768xf32, #tpu.memory_space<vmem>>, vector<16xf32>,
      %iota3A_1553 = tpu.iota {dimensions = array<i32: 0>} : vector<16xi32>
      %add3A_1554 = arith.constant 32 : i32
      %add3A_1555 = vector.broadcast %add3A_1554 : i32 to vector<16xi32>
      %add3A_1556 = arith.addi %iota3A_1553, %add3A_1555 : vector<16xi32>
      %gather3A_1557 = arith.constant 0 : i32
      %gather3A_1558 = arith.constant 0 : i32
      %gather3A_1559 = arith.constant 0 : i32
      %gather3A_1560 = tpu.memref_slice %arg6[%gather3A_1557, %gather3A_1558, %gather3A_1559] : memref<8x64x128xf32, #tpu.memory_space<vmem>> -> memref<1x64x128xf32, #tpu.memory_space<vmem>>
      %gather3A_1561 = tpu.memref_squeeze %gather3A_1560 : memref<1x64x128xf32, #tpu.memory_space<vmem>> -> memref<64x128xf32, #tpu.memory_space<vmem>>
      %gather3A_1562 = tpu.vector_load_idx %gather3A_1561[%add3A_1556, %broadcast_in_dim3A_1520] : memref<64x128xf32, #tpu.memory_space<vmem>>[vector<16xi32>, vector<16xi32>], vector<16xf32>,
      %mul3A_1563 = arith.constant 64 : i32
      %mul3A_1564 = arith.muli %add3A_1430, %mul3A_1563 : i32
      %add3A_1565 = arith.constant 32 : i32
      %add3A_1566 = arith.addi %mul3A_1564, %add3A_1565 : i32
      %swap3A_1567 = arith.index_cast %add3A_1566 : i32 to index
      %swap3A_1568 = tpu.vector_load %arg7[%swap3A_1567] {strides = array<i32>} : memref<32768xf32, #tpu.memory_space<vmem>>, vector<16xf32>,
      tpu.vector_store %arg7[%swap3A_1567], %gather3A_1562 {strides = array<i32>} : memref<32768xf32, #tpu.memory_space<vmem>>, vector<16xf32>,
      %iota3A_1569 = tpu.iota {dimensions = array<i32: 0>} : vector<16xi32>
      %add3A_1570 = arith.constant 48 : i32
      %add3A_1571 = vector.broadcast %add3A_1570 : i32 to vector<16xi32>
      %add3A_1572 = arith.addi %iota3A_1569, %add3A_1571 : vector<16xi32>
      %gather3A_1573 = arith.constant 0 : i32
      %gather3A_1574 = arith.constant 0 : i32
      %gather3A_1575 = arith.constant 0 : i32
      %gather3A_1576 = tpu.memref_slice %arg6[%gather3A_1573, %gather3A_1574, %gather3A_1575] : memref<8x64x128xf32, #tpu.memory_space<vmem>> -> memref<1x64x128xf32, #tpu.memory_space<vmem>>
      %gather3A_1577 = tpu.memref_squeeze %gather3A_1576 : memref<1x64x128xf32, #tpu.memory_space<vmem>> -> memref<64x128xf32, #tpu.memory_space<vmem>>
      %gather3A_1578 = tpu.vector_load_idx %gather3A_1577[%add3A_1572, %broadcast_in_dim3A_1520] : memref<64x128xf32, #tpu.memory_space<vmem>>[vector<16xi32>, vector<16xi32>], vector<16xf32>,
      %mul3A_1579 = arith.constant 64 : i32
      %mul3A_1580 = arith.muli %add3A_1430, %mul3A_1579 : i32
      %add3A_1581 = arith.constant 48 : i32
      %add3A_1582 = arith.addi %mul3A_1580, %add3A_1581 : i32
      %swap3A_1583 = arith.index_cast %add3A_1582 : i32 to index
      %swap3A_1584 = tpu.vector_load %arg7[%swap3A_1583] {strides = array<i32>} : memref<32768xf32, #tpu.memory_space<vmem>>, vector<16xf32>,
      tpu.vector_store %arg7[%swap3A_1583], %gather3A_1578 {strides = array<i32>} : memref<32768xf32, #tpu.memory_space<vmem>>, vector<16xf32>,
      %add3A_1585 = arith.constant 0 : i32
      %add3A_1586 = arith.addi %mul3A_1428, %add3A_1585 : i32
      %add3A_1587 = arith.constant 8 : i32
      %add3A_1588 = arith.addi %add3A_1586, %add3A_1587 : i32
      %jit3A_1589 = arith.constant 16 : i32
      %div3A_1590 = arith.divsi %add3A_1588, %jit3A_1589 : i32
      %sign3A_1591 = arith.constant 0 : i32
      %sign3A_1592 = arith.cmpi sgt, %add3A_1588, %sign3A_1591 : i32
      %sign3A_1593 = arith.extui %sign3A_1592 : i1 to i32
      %sign3A_1594 = arith.constant 0 : i32
      %sign3A_1595 = arith.cmpi slt, %add3A_1588, %sign3A_1594 : i32
      %sign3A_1596 = arith.extui %sign3A_1595 : i1 to i32
      %sign3A_1597 = arith.subi %sign3A_1593, %sign3A_1596 : i32
      %sign3A_1598 = arith.constant 0 : i32
      %sign3A_1599 = arith.cmpi sgt, %jit3A_1589, %sign3A_1598 : i32
      %sign3A_1600 = arith.extui %sign3A_1599 : i1 to i32
      %sign3A_1601 = arith.constant 0 : i32
      %sign3A_1602 = arith.cmpi slt, %jit3A_1589, %sign3A_1601 : i32
      %sign3A_1603 = arith.extui %sign3A_1602 : i1 to i32
      %sign3A_1604 = arith.subi %sign3A_1600, %sign3A_1603 : i32
      %ne3A_1605 = arith.cmpi ne, %sign3A_1597, %sign3A_1604 : i32
      %rem3A_1606 = arith.remsi %add3A_1588, %jit3A_1589 : i32
      %ne3A_1607 = arith.constant 0 : i32
      %ne3A_1608 = arith.cmpi ne, %rem3A_1606, %ne3A_1607 : i32
      %and3A_1609 = arith.andi %ne3A_1605, %ne3A_1608 : i1
      %sub3A_1610 = arith.constant 1 : i32
      %sub3A_1611 = arith.subi %div3A_1590, %sub3A_1610 : i32
      %select_n3A_1612 = arith.select %and3A_1609, %sub3A_1611, %div3A_1590 : i32
      %mul3A_1613 = arith.constant 16 : i32
      %mul3A_1614 = arith.muli %select_n3A_1612, %mul3A_1613 : i32
      %multiple_of3A_1615 = tpu.assume_multiple %mul3A_1614, 16 : i32
      %get3A_1616 = arith.index_cast %multiple_of3A_1615 : i32 to index
      %get3A_1617 = tpu.vector_load %arg5[%get3A_1616] {strides = array<i32>} : memref<512xi32, #tpu.memory_space<vmem>>, vector<16xi32>,
      %jit3A_1618 = arith.constant 16 : i32
      %eq3A_1619 = arith.constant 0 : i32
      %eq3A_1620 = arith.cmpi eq, %jit3A_1618, %eq3A_1619 : i32
      %jit3A_1621 = arith.constant 1 : i32
      %select_n3A_1622 = arith.select %eq3A_1620, %jit3A_1621, %jit3A_1618 : i32
      %rem3A_1623 = arith.remsi %add3A_1588, %select_n3A_1622 : i32
      %ne3A_1624 = arith.constant 0 : i32
      %ne3A_1625 = arith.cmpi ne, %rem3A_1623, %ne3A_1624 : i32
      %lt3A_1626 = arith.constant 0 : i32
      %lt3A_1627 = arith.cmpi slt, %rem3A_1623, %lt3A_1626 : i32
      %lt3A_1628 = arith.constant 0 : i32
      %lt3A_1629 = arith.cmpi slt, %select_n3A_1622, %lt3A_1628 : i32
      %ne3A_1630 = arith.xori %lt3A_1627, %lt3A_1629 : i1
      %and3A_1631 = arith.andi %ne3A_1630, %ne3A_1625 : i1
      %add3A_1632 = arith.addi %rem3A_1623, %select_n3A_1622 : i32
      %select_n3A_1633 = arith.select %and3A_1631, %add3A_1632, %rem3A_1623 : i32
      %broadcast_in_dim3A_1634 = vector.broadcast %select_n3A_1633 : i32 to vector<16xi32>
      %eq3A_1635 = arith.cmpi eq, %iota3A, %broadcast_in_dim3A_1634 : vector<16xi32>
      %broadcast_in_dim3A_1636 = arith.constant -1 : i32
      %broadcast_in_dim3A_1637 = vector.broadcast %broadcast_in_dim3A_1636 : i32 to vector<16xi32>
      %select_n3A_1638 = arith.select %eq3A_1635, %get3A_1617, %broadcast_in_dim3A_1637 : vector<16xi1>, vector<16xi32>
      %reduce_max3A_1639 = arith.constant true
      %reduce_max3A_1640 = vector.broadcast %reduce_max3A_1639 : i1 to vector<16xi1>
      %reduce_max3A_1641 = arith.constant -2147483648 : i32
      %reduce_max3A_1642 = vector.broadcast %reduce_max3A_1641 : i32 to vector<16xi32>
      %reduce_max3A_1643 = arith.xori %select_n3A_1638, %reduce_max3A_1642 : vector<16xi32>
      %reduce_max3A_1644 = tpu.scan <max>, %reduce_max3A_1643 masked %reduce_max3A_1640 : vector<16xi32>, vector<16xi1> -> vector<16xi32>
      %reduce_max3A_1645 = arith.xori %reduce_max3A_1644, %reduce_max3A_1642 : vector<16xi32>
      %reduce_max3A_1646 = vector.extract %reduce_max3A_1645[15] : i32 from vector<16xi32>
      %jit3A_1647 = arith.constant 128 : i32
      %div3A_1648 = arith.divsi %reduce_max3A_1646, %jit3A_1647 : i32
      %sign3A_1649 = arith.constant 0 : i32
      %sign3A_1650 = arith.cmpi sgt, %reduce_max3A_1646, %sign3A_1649 : i32
      %sign3A_1651 = arith.extui %sign3A_1650 : i1 to i32
      %sign3A_1652 = arith.constant 0 : i32
      %sign3A_1653 = arith.cmpi slt, %reduce_max3A_1646, %sign3A_1652 : i32
      %sign3A_1654 = arith.extui %sign3A_1653 : i1 to i32
      %sign3A_1655 = arith.subi %sign3A_1651, %sign3A_1654 : i32
      %sign3A_1656 = arith.constant 0 : i32
      %sign3A_1657 = arith.cmpi sgt, %jit3A_1647, %sign3A_1656 : i32
      %sign3A_1658 = arith.extui %sign3A_1657 : i1 to i32
      %sign3A_1659 = arith.constant 0 : i32
      %sign3A_1660 = arith.cmpi slt, %jit3A_1647, %sign3A_1659 : i32
      %sign3A_1661 = arith.extui %sign3A_1660 : i1 to i32
      %sign3A_1662 = arith.subi %sign3A_1658, %sign3A_1661 : i32
      %ne3A_1663 = arith.cmpi ne, %sign3A_1655, %sign3A_1662 : i32
      %rem3A_1664 = arith.remsi %reduce_max3A_1646, %jit3A_1647 : i32
      %ne3A_1665 = arith.constant 0 : i32
      %ne3A_1666 = arith.cmpi ne, %rem3A_1664, %ne3A_1665 : i32
      %and3A_1667 = arith.andi %ne3A_1663, %ne3A_1666 : i1
      %sub3A_1668 = arith.constant 1 : i32
      %sub3A_1669 = arith.subi %div3A_1648, %sub3A_1668 : i32
      %select_n3A_1670 = arith.select %and3A_1667, %sub3A_1669, %div3A_1648 : i32
      %mul3A_1671 = arith.constant 128 : i32
      %mul3A_1672 = arith.muli %select_n3A_1670, %mul3A_1671 : i32
      %dma_start3A_1673 = arith.constant 0 : i32
      %dma_start3A_1674 = arith.constant 0 : i32
      %dma_start3A_1675 = arith.constant 0 : i32
      %dma_start3A_1676 = tpu.memref_slice %arg6[%dma_start3A_1673, %dma_start3A_1674, %dma_start3A_1675] : memref<8x64x128xf32, #tpu.memory_space<vmem>> -> memref<1x64x128xf32, #tpu.memory_space<vmem>>
      %dma_start3A_1677 = tpu.memref_squeeze %dma_start3A_1676 : memref<1x64x128xf32, #tpu.memory_space<vmem>> -> memref<64x128xf32, #tpu.memory_space<vmem>>
      %dma_start3A_1678 = arith.constant 0 : i32
      %dma_start3A_1679 = tpu.memref_slice %arg3[%dma_start3A_1678, %mul3A_1672] : memref<64x1000000xf32, #tpu.memory_space<hbm>> -> memref<64x128xf32, #tpu.memory_space<hbm>>
      %dma_start3A_1680 = arith.constant 0 : i32
      %dma_start3A_1681 = arith.constant 0 : i32
      %dma_start3A_1682 = tpu.memref_slice %arg6[%dma_start3A_1673, %dma_start3A_1680, %dma_start3A_1681] : memref<8x64x128xf32, #tpu.memory_space<vmem>> -> memref<1x64x128xf32, #tpu.memory_space<vmem>>
      %dma_start3A_1683 = tpu.memref_squeeze %dma_start3A_1682 : memref<1x64x128xf32, #tpu.memory_space<vmem>> -> memref<64x128xf32, #tpu.memory_space<vmem>>
      %dma_start3A_1684 = arith.constant 0 : i32
      %dma_start3A_1685 = tpu.memref_slice %arg3[%dma_start3A_1684, %mul3A_1672] : memref<64x1000000xf32, #tpu.memory_space<hbm>> -> memref<64x128xf32, #tpu.memory_space<hbm>>
      tpu.enqueue_dma source(%dma_start3A_1685 : memref<64x128xf32, #tpu.memory_space<hbm>>) target(%dma_start3A_1683 : memref<64x128xf32, #tpu.memory_space<vmem>>) target_semaphore(%arg8 : memref<!tpu.dma_semaphore, #tpu.memory_space<semaphore_mem>>)
      %add3A_1686 = arith.constant 1 : i32
      %add3A_1687 = arith.addi %mul3A_1428, %add3A_1686 : i32
      %dma_wait3A_1688 = arith.constant 1 : i32
      %dma_wait3A_1689 = arith.constant 0 : i32
      %dma_wait3A_1690 = arith.constant 0 : i32
      %dma_wait3A_1691 = tpu.memref_slice %arg6[%dma_wait3A_1688, %dma_wait3A_1689, %dma_wait3A_1690] : memref<8x64x128xf32, #tpu.memory_space<vmem>> -> memref<1x64x128xf32, #tpu.memory_space<vmem>>
      %dma_wait3A_1692 = tpu.memref_squeeze %dma_wait3A_1691 : memref<1x64x128xf32, #tpu.memory_space<vmem>> -> memref<64x128xf32, #tpu.memory_space<vmem>>
      %dma_wait3A_1693 = arith.constant 0 : i32
      %dma_wait3A_1694 = arith.constant 0 : i32
      %dma_wait3A_1695 = tpu.memref_slice %arg3[%dma_wait3A_1693, %dma_wait3A_1694] : memref<64x1000000xf32, #tpu.memory_space<hbm>> -> memref<64x128xf32, #tpu.memory_space<hbm>>
      %dma_wait3A_1696 = arith.constant 0 : i32
      %dma_wait3A_1697 = arith.constant 0 : i32
      %dma_wait3A_1698 = tpu.memref_slice %arg6[%dma_wait3A_1688, %dma_wait3A_1696, %dma_wait3A_1697] : memref<8x64x128xf32, #tpu.memory_space<vmem>> -> memref<1x64x128xf32, #tpu.memory_space<vmem>>
      %dma_wait3A_1699 = tpu.memref_squeeze %dma_wait3A_1698 : memref<1x64x128xf32, #tpu.memory_space<vmem>> -> memref<64x128xf32, #tpu.memory_space<vmem>>
      %dma_wait3A_1700 = arith.constant 0 : i32
      %dma_wait3A_1701 = arith.constant 0 : i32
      %dma_wait3A_1702 = tpu.memref_slice %arg3[%dma_wait3A_1700, %dma_wait3A_1701] : memref<64x1000000xf32, #tpu.memory_space<hbm>> -> memref<64x128xf32, #tpu.memory_space<hbm>>
      tpu.wait_dma2 semaphore(%arg9 : memref<!tpu.dma_semaphore, #tpu.memory_space<semaphore_mem>>) src(%dma_wait3A_1702 : memref<64x128xf32, #tpu.memory_space<hbm>>) dst(%dma_wait3A_1699 : memref<64x128xf32, #tpu.memory_space<vmem>>)
      %jit3A_1703 = arith.constant 16 : i32
      %div3A_1704 = arith.divsi %add3A_1687, %jit3A_1703 : i32
      %sign3A_1705 = arith.constant 0 : i32
      %sign3A_1706 = arith.cmpi sgt, %add3A_1687, %sign3A_1705 : i32
      %sign3A_1707 = arith.extui %sign3A_1706 : i1 to i32
      %sign3A_1708 = arith.constant 0 : i32
      %sign3A_1709 = arith.cmpi slt, %add3A_1687, %sign3A_1708 : i32
      %sign3A_1710 = arith.extui %sign3A_1709 : i1 to i32
      %sign3A_1711 = arith.subi %sign3A_1707, %sign3A_1710 : i32
      %sign3A_1712 = arith.constant 0 : i32
      %sign3A_1713 = arith.cmpi sgt, %jit3A_1703, %sign3A_1712 : i32
      %sign3A_1714 = arith.extui %sign3A_1713 : i1 to i32
      %sign3A_1715 = arith.constant 0 : i32
      %sign3A_1716 = arith.cmpi slt, %jit3A_1703, %sign3A_1715 : i32
      %sign3A_1717 = arith.extui %sign3A_1716 : i1 to i32
      %sign3A_1718 = arith.subi %sign3A_1714, %sign3A_1717 : i32
      %ne3A_1719 = arith.cmpi ne, %sign3A_1711, %sign3A_1718 : i32
      %rem3A_1720 = arith.remsi %add3A_1687, %jit3A_1703 : i32
      %ne3A_1721 = arith.constant 0 : i32
      %ne3A_1722 = arith.cmpi ne, %rem3A_1720, %ne3A_1721 : i32
      %and3A_1723 = arith.andi %ne3A_1719, %ne3A_1722 : i1
      %sub3A_1724 = arith.constant 1 : i32
      %sub3A_1725 = arith.subi %div3A_1704, %sub3A_1724 : i32
      %select_n3A_1726 = arith.select %and3A_1723, %sub3A_1725, %div3A_1704 : i32
      %mul3A_1727 = arith.constant 16 : i32
      %mul3A_1728 = arith.muli %select_n3A_1726, %mul3A_1727 : i32
      %multiple_of3A_1729 = tpu.assume_multiple %mul3A_1728, 16 : i32
      %get3A_1730 = arith.index_cast %multiple_of3A_1729 : i32 to index
      %get3A_1731 = tpu.vector_load %arg5[%get3A_1730] {strides = array<i32>} : memref<512xi32, #tpu.memory_space<vmem>>, vector<16xi32>,
      %jit3A_1732 = arith.constant 16 : i32
      %eq3A_1733 = arith.constant 0 : i32
      %eq3A_1734 = arith.cmpi eq, %jit3A_1732, %eq3A_1733 : i32
      %jit3A_1735 = arith.constant 1 : i32
      %select_n3A_1736 = arith.select %eq3A_1734, %jit3A_1735, %jit3A_1732 : i32
      %rem3A_1737 = arith.remsi %add3A_1687, %select_n3A_1736 : i32
      %ne3A_1738 = arith.constant 0 : i32
      %ne3A_1739 = arith.cmpi ne, %rem3A_1737, %ne3A_1738 : i32
      %lt3A_1740 = arith.constant 0 : i32
      %lt3A_1741 = arith.cmpi slt, %rem3A_1737, %lt3A_1740 : i32
      %lt3A_1742 = arith.constant 0 : i32
      %lt3A_1743 = arith.cmpi slt, %select_n3A_1736, %lt3A_1742 : i32
      %ne3A_1744 = arith.xori %lt3A_1741, %lt3A_1743 : i1
      %and3A_1745 = arith.andi %ne3A_1744, %ne3A_1739 : i1
      %add3A_1746 = arith.addi %rem3A_1737, %select_n3A_1736 : i32
      %select_n3A_1747 = arith.select %and3A_1745, %add3A_1746, %rem3A_1737 : i32
      %broadcast_in_dim3A_1748 = vector.broadcast %select_n3A_1747 : i32 to vector<16xi32>
      %eq3A_1749 = arith.cmpi eq, %iota3A, %broadcast_in_dim3A_1748 : vector<16xi32>
      %broadcast_in_dim3A_1750 = arith.constant -1 : i32
      %broadcast_in_dim3A_1751 = vector.broadcast %broadcast_in_dim3A_1750 : i32 to vector<16xi32>
      %select_n3A_1752 = arith.select %eq3A_1749, %get3A_1731, %broadcast_in_dim3A_1751 : vector<16xi1>, vector<16xi32>
      %reduce_max3A_1753 = arith.constant true
      %reduce_max3A_1754 = vector.broadcast %reduce_max3A_1753 : i1 to vector<16xi1>
      %reduce_max3A_1755 = arith.constant -2147483648 : i32
      %reduce_max3A_1756 = vector.broadcast %reduce_max3A_1755 : i32 to vector<16xi32>
      %reduce_max3A_1757 = arith.xori %select_n3A_1752, %reduce_max3A_1756 : vector<16xi32>
      %reduce_max3A_1758 = tpu.scan <max>, %reduce_max3A_1757 masked %reduce_max3A_1754 : vector<16xi32>, vector<16xi1> -> vector<16xi32>
      %reduce_max3A_1759 = arith.xori %reduce_max3A_1758, %reduce_max3A_1756 : vector<16xi32>
      %reduce_max3A_1760 = vector.extract %reduce_max3A_1759[15] : i32 from vector<16xi32>
      %jit3A_1761 = arith.constant 128 : i32
      %eq3A_1762 = arith.constant 0 : i32
      %eq3A_1763 = arith.cmpi eq, %jit3A_1761, %eq3A_1762 : i32
      %jit3A_1764 = arith.constant 1 : i32
      %select_n3A_1765 = arith.select %eq3A_1763, %jit3A_1764, %jit3A_1761 : i32
      %rem3A_1766 = arith.remsi %reduce_max3A_1760, %select_n3A_1765 : i32
      %ne3A_1767 = arith.constant 0 : i32
      %ne3A_1768 = arith.cmpi ne, %rem3A_1766, %ne3A_1767 : i32
      %lt3A_1769 = arith.constant 0 : i32
      %lt3A_1770 = arith.cmpi slt, %rem3A_1766, %lt3A_1769 : i32
      %lt3A_1771 = arith.constant 0 : i32
      %lt3A_1772 = arith.cmpi slt, %select_n3A_1765, %lt3A_1771 : i32
      %ne3A_1773 = arith.xori %lt3A_1770, %lt3A_1772 : i1
      %and3A_1774 = arith.andi %ne3A_1773, %ne3A_1768 : i1
      %add3A_1775 = arith.addi %rem3A_1766, %select_n3A_1765 : i32
      %select_n3A_1776 = arith.select %and3A_1774, %add3A_1775, %rem3A_1766 : i32
      %broadcast_in_dim3A_1777 = vector.broadcast %select_n3A_1776 : i32 to vector<16xi32>
      %iota3A_1778 = tpu.iota {dimensions = array<i32: 0>} : vector<16xi32>
      %add3A_1779 = arith.constant 0 : i32
      %add3A_1780 = vector.broadcast %add3A_1779 : i32 to vector<16xi32>
      %add3A_1781 = arith.addi %iota3A_1778, %add3A_1780 : vector<16xi32>
      %gather3A_1782 = arith.constant 1 : i32
      %gather3A_1783 = arith.constant 0 : i32
      %gather3A_1784 = arith.constant 0 : i32
      %gather3A_1785 = tpu.memref_slice %arg6[%gather3A_1782, %gather3A_1783, %gather3A_1784] : memref<8x64x128xf32, #tpu.memory_space<vmem>> -> memref<1x64x128xf32, #tpu.memory_space<vmem>>
      %gather3A_1786 = tpu.memref_squeeze %gather3A_1785 : memref<1x64x128xf32, #tpu.memory_space<vmem>> -> memref<64x128xf32, #tpu.memory_space<vmem>>
      %gather3A_1787 = tpu.vector_load_idx %gather3A_1786[%add3A_1781, %broadcast_in_dim3A_1777] : memref<64x128xf32, #tpu.memory_space<vmem>>[vector<16xi32>, vector<16xi32>], vector<16xf32>,
      %mul3A_1788 = arith.constant 64 : i32
      %mul3A_1789 = arith.muli %add3A_1687, %mul3A_1788 : i32
      %add3A_1790 = arith.constant 0 : i32
      %add3A_1791 = arith.addi %mul3A_1789, %add3A_1790 : i32
      %swap3A_1792 = arith.index_cast %add3A_1791 : i32 to index
      %swap3A_1793 = tpu.vector_load %arg7[%swap3A_1792] {strides = array<i32>} : memref<32768xf32, #tpu.memory_space<vmem>>, vector<16xf32>,
      tpu.vector_store %arg7[%swap3A_1792], %gather3A_1787 {strides = array<i32>} : memref<32768xf32, #tpu.memory_space<vmem>>, vector<16xf32>,
      %iota3A_1794 = tpu.iota {dimensions = array<i32: 0>} : vector<16xi32>
      %add3A_1795 = arith.constant 16 : i32
      %add3A_1796 = vector.broadcast %add3A_1795 : i32 to vector<16xi32>
      %add3A_1797 = arith.addi %iota3A_1794, %add3A_1796 : vector<16xi32>
      %gather3A_1798 = arith.constant 1 : i32
      %gather3A_1799 = arith.constant 0 : i32
      %gather3A_1800 = arith.constant 0 : i32
      %gather3A_1801 = tpu.memref_slice %arg6[%gather3A_1798, %gather3A_1799, %gather3A_1800] : memref<8x64x128xf32, #tpu.memory_space<vmem>> -> memref<1x64x128xf32, #tpu.memory_space<vmem>>
      %gather3A_1802 = tpu.memref_squeeze %gather3A_1801 : memref<1x64x128xf32, #tpu.memory_space<vmem>> -> memref<64x128xf32, #tpu.memory_space<vmem>>
      %gather3A_1803 = tpu.vector_load_idx %gather3A_1802[%add3A_1797, %broadcast_in_dim3A_1777] : memref<64x128xf32, #tpu.memory_space<vmem>>[vector<16xi32>, vector<16xi32>], vector<16xf32>,
      %mul3A_1804 = arith.constant 64 : i32
      %mul3A_1805 = arith.muli %add3A_1687, %mul3A_1804 : i32
      %add3A_1806 = arith.constant 16 : i32
      %add3A_1807 = arith.addi %mul3A_1805, %add3A_1806 : i32
      %swap3A_1808 = arith.index_cast %add3A_1807 : i32 to index
      %swap3A_1809 = tpu.vector_load %arg7[%swap3A_1808] {strides = array<i32>} : memref<32768xf32, #tpu.memory_space<vmem>>, vector<16xf32>,
      tpu.vector_store %arg7[%swap3A_1808], %gather3A_1803 {strides = array<i32>} : memref<32768xf32, #tpu.memory_space<vmem>>, vector<16xf32>,
      %iota3A_1810 = tpu.iota {dimensions = array<i32: 0>} : vector<16xi32>
      %add3A_1811 = arith.constant 32 : i32
      %add3A_1812 = vector.broadcast %add3A_1811 : i32 to vector<16xi32>
      %add3A_1813 = arith.addi %iota3A_1810, %add3A_1812 : vector<16xi32>
      %gather3A_1814 = arith.constant 1 : i32
      %gather3A_1815 = arith.constant 0 : i32
      %gather3A_1816 = arith.constant 0 : i32
      %gather3A_1817 = tpu.memref_slice %arg6[%gather3A_1814, %gather3A_1815, %gather3A_1816] : memref<8x64x128xf32, #tpu.memory_space<vmem>> -> memref<1x64x128xf32, #tpu.memory_space<vmem>>
      %gather3A_1818 = tpu.memref_squeeze %gather3A_1817 : memref<1x64x128xf32, #tpu.memory_space<vmem>> -> memref<64x128xf32, #tpu.memory_space<vmem>>
      %gather3A_1819 = tpu.vector_load_idx %gather3A_1818[%add3A_1813, %broadcast_in_dim3A_1777] : memref<64x128xf32, #tpu.memory_space<vmem>>[vector<16xi32>, vector<16xi32>], vector<16xf32>,
      %mul3A_1820 = arith.constant 64 : i32
      %mul3A_1821 = arith.muli %add3A_1687, %mul3A_1820 : i32
      %add3A_1822 = arith.constant 32 : i32
      %add3A_1823 = arith.addi %mul3A_1821, %add3A_1822 : i32
      %swap3A_1824 = arith.index_cast %add3A_1823 : i32 to index
      %swap3A_1825 = tpu.vector_load %arg7[%swap3A_1824] {strides = array<i32>} : memref<32768xf32, #tpu.memory_space<vmem>>, vector<16xf32>,
      tpu.vector_store %arg7[%swap3A_1824], %gather3A_1819 {strides = array<i32>} : memref<32768xf32, #tpu.memory_space<vmem>>, vector<16xf32>,
      %iota3A_1826 = tpu.iota {dimensions = array<i32: 0>} : vector<16xi32>
      %add3A_1827 = arith.constant 48 : i32
      %add3A_1828 = vector.broadcast %add3A_1827 : i32 to vector<16xi32>
      %add3A_1829 = arith.addi %iota3A_1826, %add3A_1828 : vector<16xi32>
      %gather3A_1830 = arith.constant 1 : i32
      %gather3A_1831 = arith.constant 0 : i32
      %gather3A_1832 = arith.constant 0 : i32
      %gather3A_1833 = tpu.memref_slice %arg6[%gather3A_1830, %gather3A_1831, %gather3A_1832] : memref<8x64x128xf32, #tpu.memory_space<vmem>> -> memref<1x64x128xf32, #tpu.memory_space<vmem>>
      %gather3A_1834 = tpu.memref_squeeze %gather3A_1833 : memref<1x64x128xf32, #tpu.memory_space<vmem>> -> memref<64x128xf32, #tpu.memory_space<vmem>>
      %gather3A_1835 = tpu.vector_load_idx %gather3A_1834[%add3A_1829, %broadcast_in_dim3A_1777] : memref<64x128xf32, #tpu.memory_space<vmem>>[vector<16xi32>, vector<16xi32>], vector<16xf32>,
      %mul3A_1836 = arith.constant 64 : i32
      %mul3A_1837 = arith.muli %add3A_1687, %mul3A_1836 : i32
      %add3A_1838 = arith.constant 48 : i32
      %add3A_1839 = arith.addi %mul3A_1837, %add3A_1838 : i32
      %swap3A_1840 = arith.index_cast %add3A_1839 : i32 to index
      %swap3A_1841 = tpu.vector_load %arg7[%swap3A_1840] {strides = array<i32>} : memref<32768xf32, #tpu.memory_space<vmem>>, vector<16xf32>,
      tpu.vector_store %arg7[%swap3A_1840], %gather3A_1835 {strides = array<i32>} : memref<32768xf32, #tpu.memory_space<vmem>>, vector<16xf32>,
      %add3A_1842 = arith.constant 1 : i32
      %add3A_1843 = arith.addi %mul3A_1428, %add3A_1842 : i32
      %add3A_1844 = arith.constant 8 : i32
      %add3A_1845 = arith.addi %add3A_1843, %add3A_1844 : i32
      %jit3A_1846 = arith.constant 16 : i32
      %div3A_1847 = arith.divsi %add3A_1845, %jit3A_1846 : i32
      %sign3A_1848 = arith.constant 0 : i32
      %sign3A_1849 = arith.cmpi sgt, %add3A_1845, %sign3A_1848 : i32
      %sign3A_1850 = arith.extui %sign3A_1849 : i1 to i32
      %sign3A_1851 = arith.constant 0 : i32
      %sign3A_1852 = arith.cmpi slt, %add3A_1845, %sign3A_1851 : i32
      %sign3A_1853 = arith.extui %sign3A_1852 : i1 to i32
      %sign3A_1854 = arith.subi %sign3A_1850, %sign3A_1853 : i32
      %sign3A_1855 = arith.constant 0 : i32
      %sign3A_1856 = arith.cmpi sgt, %jit3A_1846, %sign3A_1855 : i32
      %sign3A_1857 = arith.extui %sign3A_1856 : i1 to i32
      %sign3A_1858 = arith.constant 0 : i32
      %sign3A_1859 = arith.cmpi slt, %jit3A_1846, %sign3A_1858 : i32
      %sign3A_1860 = arith.extui %sign3A_1859 : i1 to i32
      %sign3A_1861 = arith.subi %sign3A_1857, %sign3A_1860 : i32
      %ne3A_1862 = arith.cmpi ne, %sign3A_1854, %sign3A_1861 : i32
      %rem3A_1863 = arith.remsi %add3A_1845, %jit3A_1846 : i32
      %ne3A_1864 = arith.constant 0 : i32
      %ne3A_1865 = arith.cmpi ne, %rem3A_1863, %ne3A_1864 : i32
      %and3A_1866 = arith.andi %ne3A_1862, %ne3A_1865 : i1
      %sub3A_1867 = arith.constant 1 : i32
      %sub3A_1868 = arith.subi %div3A_1847, %sub3A_1867 : i32
      %select_n3A_1869 = arith.select %and3A_1866, %sub3A_1868, %div3A_1847 : i32
      %mul3A_1870 = arith.constant 16 : i32
      %mul3A_1871 = arith.muli %select_n3A_1869, %mul3A_1870 : i32
      %multiple_of3A_1872 = tpu.assume_multiple %mul3A_1871, 16 : i32
      %get3A_1873 = arith.index_cast %multiple_of3A_1872 : i32 to index
      %get3A_1874 = tpu.vector_load %arg5[%get3A_1873] {strides = array<i32>} : memref<512xi32, #tpu.memory_space<vmem>>, vector<16xi32>,
      %jit3A_1875 = arith.constant 16 : i32
      %eq3A_1876 = arith.constant 0 : i32
      %eq3A_1877 = arith.cmpi eq, %jit3A_1875, %eq3A_1876 : i32
      %jit3A_1878 = arith.constant 1 : i32
      %select_n3A_1879 = arith.select %eq3A_1877, %jit3A_1878, %jit3A_1875 : i32
      %rem3A_1880 = arith.remsi %add3A_1845, %select_n3A_1879 : i32
      %ne3A_1881 = arith.constant 0 : i32
      %ne3A_1882 = arith.cmpi ne, %rem3A_1880, %ne3A_1881 : i32
      %lt3A_1883 = arith.constant 0 : i32
      %lt3A_1884 = arith.cmpi slt, %rem3A_1880, %lt3A_1883 : i32
      %lt3A_1885 = arith.constant 0 : i32
      %lt3A_1886 = arith.cmpi slt, %select_n3A_1879, %lt3A_1885 : i32
      %ne3A_1887 = arith.xori %lt3A_1884, %lt3A_1886 : i1
      %and3A_1888 = arith.andi %ne3A_1887, %ne3A_1882 : i1
      %add3A_1889 = arith.addi %rem3A_1880, %select_n3A_1879 : i32
      %select_n3A_1890 = arith.select %and3A_1888, %add3A_1889, %rem3A_1880 : i32
      %broadcast_in_dim3A_1891 = vector.broadcast %select_n3A_1890 : i32 to vector<16xi32>
      %eq3A_1892 = arith.cmpi eq, %iota3A, %broadcast_in_dim3A_1891 : vector<16xi32>
      %broadcast_in_dim3A_1893 = arith.constant -1 : i32
      %broadcast_in_dim3A_1894 = vector.broadcast %broadcast_in_dim3A_1893 : i32 to vector<16xi32>
      %select_n3A_1895 = arith.select %eq3A_1892, %get3A_1874, %broadcast_in_dim3A_1894 : vector<16xi1>, vector<16xi32>
      %reduce_max3A_1896 = arith.constant true
      %reduce_max3A_1897 = vector.broadcast %reduce_max3A_1896 : i1 to vector<16xi1>
      %reduce_max3A_1898 = arith.constant -2147483648 : i32
      %reduce_max3A_1899 = vector.broadcast %reduce_max3A_1898 : i32 to vector<16xi32>
      %reduce_max3A_1900 = arith.xori %select_n3A_1895, %reduce_max3A_1899 : vector<16xi32>
      %reduce_max3A_1901 = tpu.scan <max>, %reduce_max3A_1900 masked %reduce_max3A_1897 : vector<16xi32>, vector<16xi1> -> vector<16xi32>
      %reduce_max3A_1902 = arith.xori %reduce_max3A_1901, %reduce_max3A_1899 : vector<16xi32>
      %reduce_max3A_1903 = vector.extract %reduce_max3A_1902[15] : i32 from vector<16xi32>
      %jit3A_1904 = arith.constant 128 : i32
      %div3A_1905 = arith.divsi %reduce_max3A_1903, %jit3A_1904 : i32
      %sign3A_1906 = arith.constant 0 : i32
      %sign3A_1907 = arith.cmpi sgt, %reduce_max3A_1903, %sign3A_1906 : i32
      %sign3A_1908 = arith.extui %sign3A_1907 : i1 to i32
      %sign3A_1909 = arith.constant 0 : i32
      %sign3A_1910 = arith.cmpi slt, %reduce_max3A_1903, %sign3A_1909 : i32
      %sign3A_1911 = arith.extui %sign3A_1910 : i1 to i32
      %sign3A_1912 = arith.subi %sign3A_1908, %sign3A_1911 : i32
      %sign3A_1913 = arith.constant 0 : i32
      %sign3A_1914 = arith.cmpi sgt, %jit3A_1904, %sign3A_1913 : i32
      %sign3A_1915 = arith.extui %sign3A_1914 : i1 to i32
      %sign3A_1916 = arith.constant 0 : i32
      %sign3A_1917 = arith.cmpi slt, %jit3A_1904, %sign3A_1916 : i32
      %sign3A_1918 = arith.extui %sign3A_1917 : i1 to i32
      %sign3A_1919 = arith.subi %sign3A_1915, %sign3A_1918 : i32
      %ne3A_1920 = arith.cmpi ne, %sign3A_1912, %sign3A_1919 : i32
      %rem3A_1921 = arith.remsi %reduce_max3A_1903, %jit3A_1904 : i32
      %ne3A_1922 = arith.constant 0 : i32
      %ne3A_1923 = arith.cmpi ne, %rem3A_1921, %ne3A_1922 : i32
      %and3A_1924 = arith.andi %ne3A_1920, %ne3A_1923 : i1
      %sub3A_1925 = arith.constant 1 : i32
      %sub3A_1926 = arith.subi %div3A_1905, %sub3A_1925 : i32
      %select_n3A_1927 = arith.select %and3A_1924, %sub3A_1926, %div3A_1905 : i32
      %mul3A_1928 = arith.constant 128 : i32
      %mul3A_1929 = arith.muli %select_n3A_1927, %mul3A_1928 : i32
      %dma_start3A_1930 = arith.constant 1 : i32
      %dma_start3A_1931 = arith.constant 0 : i32
      %dma_start3A_1932 = arith.constant 0 : i32
      %dma_start3A_1933 = tpu.memref_slice %arg6[%dma_start3A_1930, %dma_start3A_1931, %dma_start3A_1932] : memref<8x64x128xf32, #tpu.memory_space<vmem>> -> memref<1x64x128xf32, #tpu.memory_space<vmem>>
      %dma_start3A_1934 = tpu.memref_squeeze %dma_start3A_1933 : memref<1x64x128xf32, #tpu.memory_space<vmem>> -> memref<64x128xf32, #tpu.memory_space<vmem>>
      %dma_start3A_1935 = arith.constant 0 : i32
      %dma_start3A_1936 = tpu.memref_slice %arg3[%dma_start3A_1935, %mul3A_1929] : memref<64x1000000xf32, #tpu.memory_space<hbm>> -> memref<64x128xf32, #tpu.memory_space<hbm>>
      %dma_start3A_1937 = arith.constant 0 : i32
      %dma_start3A_1938 = arith.constant 0 : i32
      %dma_start3A_1939 = tpu.memref_slice %arg6[%dma_start3A_1930, %dma_start3A_1937, %dma_start3A_1938] : memref<8x64x128xf32, #tpu.memory_space<vmem>> -> memref<1x64x128xf32, #tpu.memory_space<vmem>>
      %dma_start3A_1940 = tpu.memref_squeeze %dma_start3A_1939 : memref<1x64x128xf32, #tpu.memory_space<vmem>> -> memref<64x128xf32, #tpu.memory_space<vmem>>
      %dma_start3A_1941 = arith.constant 0 : i32
      %dma_start3A_1942 = tpu.memref_slice %arg3[%dma_start3A_1941, %mul3A_1929] : memref<64x1000000xf32, #tpu.memory_space<hbm>> -> memref<64x128xf32, #tpu.memory_space<hbm>>
      tpu.enqueue_dma source(%dma_start3A_1942 : memref<64x128xf32, #tpu.memory_space<hbm>>) target(%dma_start3A_1940 : memref<64x128xf32, #tpu.memory_space<vmem>>) target_semaphore(%arg9 : memref<!tpu.dma_semaphore, #tpu.memory_space<semaphore_mem>>)
      %add3A_1943 = arith.constant 2 : i32
      %add3A_1944 = arith.addi %mul3A_1428, %add3A_1943 : i32
      %dma_wait3A_1945 = arith.constant 2 : i32
      %dma_wait3A_1946 = arith.constant 0 : i32
      %dma_wait3A_1947 = arith.constant 0 : i32
      %dma_wait3A_1948 = tpu.memref_slice %arg6[%dma_wait3A_1945, %dma_wait3A_1946, %dma_wait3A_1947] : memref<8x64x128xf32, #tpu.memory_space<vmem>> -> memref<1x64x128xf32, #tpu.memory_space<vmem>>
      %dma_wait3A_1949 = tpu.memref_squeeze %dma_wait3A_1948 : memref<1x64x128xf32, #tpu.memory_space<vmem>> -> memref<64x128xf32, #tpu.memory_space<vmem>>
      %dma_wait3A_1950 = arith.constant 0 : i32
      %dma_wait3A_1951 = arith.constant 0 : i32
      %dma_wait3A_1952 = tpu.memref_slice %arg3[%dma_wait3A_1950, %dma_wait3A_1951] : memref<64x1000000xf32, #tpu.memory_space<hbm>> -> memref<64x128xf32, #tpu.memory_space<hbm>>
      %dma_wait3A_1953 = arith.constant 0 : i32
      %dma_wait3A_1954 = arith.constant 0 : i32
      %dma_wait3A_1955 = tpu.memref_slice %arg6[%dma_wait3A_1945, %dma_wait3A_1953, %dma_wait3A_1954] : memref<8x64x128xf32, #tpu.memory_space<vmem>> -> memref<1x64x128xf32, #tpu.memory_space<vmem>>
      %dma_wait3A_1956 = tpu.memref_squeeze %dma_wait3A_1955 : memref<1x64x128xf32, #tpu.memory_space<vmem>> -> memref<64x128xf32, #tpu.memory_space<vmem>>
      %dma_wait3A_1957 = arith.constant 0 : i32
      %dma_wait3A_1958 = arith.constant 0 : i32
      %dma_wait3A_1959 = tpu.memref_slice %arg3[%dma_wait3A_1957, %dma_wait3A_1958] : memref<64x1000000xf32, #tpu.memory_space<hbm>> -> memref<64x128xf32, #tpu.memory_space<hbm>>
      tpu.wait_dma2 semaphore(%arg10 : memref<!tpu.dma_semaphore, #tpu.memory_space<semaphore_mem>>) src(%dma_wait3A_1959 : memref<64x128xf32, #tpu.memory_space<hbm>>) dst(%dma_wait3A_1956 : memref<64x128xf32, #tpu.memory_space<vmem>>)
      %jit3A_1960 = arith.constant 16 : i32
      %div3A_1961 = arith.divsi %add3A_1944, %jit3A_1960 : i32
      %sign3A_1962 = arith.constant 0 : i32
      %sign3A_1963 = arith.cmpi sgt, %add3A_1944, %sign3A_1962 : i32
      %sign3A_1964 = arith.extui %sign3A_1963 : i1 to i32
      %sign3A_1965 = arith.constant 0 : i32
      %sign3A_1966 = arith.cmpi slt, %add3A_1944, %sign3A_1965 : i32
      %sign3A_1967 = arith.extui %sign3A_1966 : i1 to i32
      %sign3A_1968 = arith.subi %sign3A_1964, %sign3A_1967 : i32
      %sign3A_1969 = arith.constant 0 : i32
      %sign3A_1970 = arith.cmpi sgt, %jit3A_1960, %sign3A_1969 : i32
      %sign3A_1971 = arith.extui %sign3A_1970 : i1 to i32
      %sign3A_1972 = arith.constant 0 : i32
      %sign3A_1973 = arith.cmpi slt, %jit3A_1960, %sign3A_1972 : i32
      %sign3A_1974 = arith.extui %sign3A_1973 : i1 to i32
      %sign3A_1975 = arith.subi %sign3A_1971, %sign3A_1974 : i32
      %ne3A_1976 = arith.cmpi ne, %sign3A_1968, %sign3A_1975 : i32
      %rem3A_1977 = arith.remsi %add3A_1944, %jit3A_1960 : i32
      %ne3A_1978 = arith.constant 0 : i32
      %ne3A_1979 = arith.cmpi ne, %rem3A_1977, %ne3A_1978 : i32
      %and3A_1980 = arith.andi %ne3A_1976, %ne3A_1979 : i1
      %sub3A_1981 = arith.constant 1 : i32
      %sub3A_1982 = arith.subi %div3A_1961, %sub3A_1981 : i32
      %select_n3A_1983 = arith.select %and3A_1980, %sub3A_1982, %div3A_1961 : i32
      %mul3A_1984 = arith.constant 16 : i32
      %mul3A_1985 = arith.muli %select_n3A_1983, %mul3A_1984 : i32
      %multiple_of3A_1986 = tpu.assume_multiple %mul3A_1985, 16 : i32
      %get3A_1987 = arith.index_cast %multiple_of3A_1986 : i32 to index
      %get3A_1988 = tpu.vector_load %arg5[%get3A_1987] {strides = array<i32>} : memref<512xi32, #tpu.memory_space<vmem>>, vector<16xi32>,
      %jit3A_1989 = arith.constant 16 : i32
      %eq3A_1990 = arith.constant 0 : i32
      %eq3A_1991 = arith.cmpi eq, %jit3A_1989, %eq3A_1990 : i32
      %jit3A_1992 = arith.constant 1 : i32
      %select_n3A_1993 = arith.select %eq3A_1991, %jit3A_1992, %jit3A_1989 : i32
      %rem3A_1994 = arith.remsi %add3A_1944, %select_n3A_1993 : i32
      %ne3A_1995 = arith.constant 0 : i32
      %ne3A_1996 = arith.cmpi ne, %rem3A_1994, %ne3A_1995 : i32
      %lt3A_1997 = arith.constant 0 : i32
      %lt3A_1998 = arith.cmpi slt, %rem3A_1994, %lt3A_1997 : i32
      %lt3A_1999 = arith.constant 0 : i32
      %lt3A_2000 = arith.cmpi slt, %select_n3A_1993, %lt3A_1999 : i32
      %ne3A_2001 = arith.xori %lt3A_1998, %lt3A_2000 : i1
      %and3A_2002 = arith.andi %ne3A_2001, %ne3A_1996 : i1
      %add3A_2003 = arith.addi %rem3A_1994, %select_n3A_1993 : i32
      %select_n3A_2004 = arith.select %and3A_2002, %add3A_2003, %rem3A_1994 : i32
      %broadcast_in_dim3A_2005 = vector.broadcast %select_n3A_2004 : i32 to vector<16xi32>
      %eq3A_2006 = arith.cmpi eq, %iota3A, %broadcast_in_dim3A_2005 : vector<16xi32>
      %broadcast_in_dim3A_2007 = arith.constant -1 : i32
      %broadcast_in_dim3A_2008 = vector.broadcast %broadcast_in_dim3A_2007 : i32 to vector<16xi32>
      %select_n3A_2009 = arith.select %eq3A_2006, %get3A_1988, %broadcast_in_dim3A_2008 : vector<16xi1>, vector<16xi32>
      %reduce_max3A_2010 = arith.constant true
      %reduce_max3A_2011 = vector.broadcast %reduce_max3A_2010 : i1 to vector<16xi1>
      %reduce_max3A_2012 = arith.constant -2147483648 : i32
      %reduce_max3A_2013 = vector.broadcast %reduce_max3A_2012 : i32 to vector<16xi32>
      %reduce_max3A_2014 = arith.xori %select_n3A_2009, %reduce_max3A_2013 : vector<16xi32>
      %reduce_max3A_2015 = tpu.scan <max>, %reduce_max3A_2014 masked %reduce_max3A_2011 : vector<16xi32>, vector<16xi1> -> vector<16xi32>
      %reduce_max3A_2016 = arith.xori %reduce_max3A_2015, %reduce_max3A_2013 : vector<16xi32>
      %reduce_max3A_2017 = vector.extract %reduce_max3A_2016[15] : i32 from vector<16xi32>
      %jit3A_2018 = arith.constant 128 : i32
      %eq3A_2019 = arith.constant 0 : i32
      %eq3A_2020 = arith.cmpi eq, %jit3A_2018, %eq3A_2019 : i32
      %jit3A_2021 = arith.constant 1 : i32
      %select_n3A_2022 = arith.select %eq3A_2020, %jit3A_2021, %jit3A_2018 : i32
      %rem3A_2023 = arith.remsi %reduce_max3A_2017, %select_n3A_2022 : i32
      %ne3A_2024 = arith.constant 0 : i32
      %ne3A_2025 = arith.cmpi ne, %rem3A_2023, %ne3A_2024 : i32
      %lt3A_2026 = arith.constant 0 : i32
      %lt3A_2027 = arith.cmpi slt, %rem3A_2023, %lt3A_2026 : i32
      %lt3A_2028 = arith.constant 0 : i32
      %lt3A_2029 = arith.cmpi slt, %select_n3A_2022, %lt3A_2028 : i32
      %ne3A_2030 = arith.xori %lt3A_2027, %lt3A_2029 : i1
      %and3A_2031 = arith.andi %ne3A_2030, %ne3A_2025 : i1
      %add3A_2032 = arith.addi %rem3A_2023, %select_n3A_2022 : i32
      %select_n3A_2033 = arith.select %and3A_2031, %add3A_2032, %rem3A_2023 : i32
      %broadcast_in_dim3A_2034 = vector.broadcast %select_n3A_2033 : i32 to vector<16xi32>
      %iota3A_2035 = tpu.iota {dimensions = array<i32: 0>} : vector<16xi32>
      %add3A_2036 = arith.constant 0 : i32
      %add3A_2037 = vector.broadcast %add3A_2036 : i32 to vector<16xi32>
      %add3A_2038 = arith.addi %iota3A_2035, %add3A_2037 : vector<16xi32>
      %gather3A_2039 = arith.constant 2 : i32
      %gather3A_2040 = arith.constant 0 : i32
      %gather3A_2041 = arith.constant 0 : i32
      %gather3A_2042 = tpu.memref_slice %arg6[%gather3A_2039, %gather3A_2040, %gather3A_2041] : memref<8x64x128xf32, #tpu.memory_space<vmem>> -> memref<1x64x128xf32, #tpu.memory_space<vmem>>
      %gather3A_2043 = tpu.memref_squeeze %gather3A_2042 : memref<1x64x128xf32, #tpu.memory_space<vmem>> -> memref<64x128xf32, #tpu.memory_space<vmem>>
      %gather3A_2044 = tpu.vector_load_idx %gather3A_2043[%add3A_2038, %broadcast_in_dim3A_2034] : memref<64x128xf32, #tpu.memory_space<vmem>>[vector<16xi32>, vector<16xi32>], vector<16xf32>,
      %mul3A_2045 = arith.constant 64 : i32
      %mul3A_2046 = arith.muli %add3A_1944, %mul3A_2045 : i32
      %add3A_2047 = arith.constant 0 : i32
      %add3A_2048 = arith.addi %mul3A_2046, %add3A_2047 : i32
      %swap3A_2049 = arith.index_cast %add3A_2048 : i32 to index
      %swap3A_2050 = tpu.vector_load %arg7[%swap3A_2049] {strides = array<i32>} : memref<32768xf32, #tpu.memory_space<vmem>>, vector<16xf32>,
      tpu.vector_store %arg7[%swap3A_2049], %gather3A_2044 {strides = array<i32>} : memref<32768xf32, #tpu.memory_space<vmem>>, vector<16xf32>,
      %iota3A_2051 = tpu.iota {dimensions = array<i32: 0>} : vector<16xi32>
      %add3A_2052 = arith.constant 16 : i32
      %add3A_2053 = vector.broadcast %add3A_2052 : i32 to vector<16xi32>
      %add3A_2054 = arith.addi %iota3A_2051, %add3A_2053 : vector<16xi32>
      %gather3A_2055 = arith.constant 2 : i32
      %gather3A_2056 = arith.constant 0 : i32
      %gather3A_2057 = arith.constant 0 : i32
      %gather3A_2058 = tpu.memref_slice %arg6[%gather3A_2055, %gather3A_2056, %gather3A_2057] : memref<8x64x128xf32, #tpu.memory_space<vmem>> -> memref<1x64x128xf32, #tpu.memory_space<vmem>>
      %gather3A_2059 = tpu.memref_squeeze %gather3A_2058 : memref<1x64x128xf32, #tpu.memory_space<vmem>> -> memref<64x128xf32, #tpu.memory_space<vmem>>
      %gather3A_2060 = tpu.vector_load_idx %gather3A_2059[%add3A_2054, %broadcast_in_dim3A_2034] : memref<64x128xf32, #tpu.memory_space<vmem>>[vector<16xi32>, vector<16xi32>], vector<16xf32>,
      %mul3A_2061 = arith.constant 64 : i32
      %mul3A_2062 = arith.muli %add3A_1944, %mul3A_2061 : i32
      %add3A_2063 = arith.constant 16 : i32
      %add3A_2064 = arith.addi %mul3A_2062, %add3A_2063 : i32
      %swap3A_2065 = arith.index_cast %add3A_2064 : i32 to index
      %swap3A_2066 = tpu.vector_load %arg7[%swap3A_2065] {strides = array<i32>} : memref<32768xf32, #tpu.memory_space<vmem>>, vector<16xf32>,
      tpu.vector_store %arg7[%swap3A_2065], %gather3A_2060 {strides = array<i32>} : memref<32768xf32, #tpu.memory_space<vmem>>, vector<16xf32>,
      %iota3A_2067 = tpu.iota {dimensions = array<i32: 0>} : vector<16xi32>
      %add3A_2068 = arith.constant 32 : i32
      %add3A_2069 = vector.broadcast %add3A_2068 : i32 to vector<16xi32>
      %add3A_2070 = arith.addi %iota3A_2067, %add3A_2069 : vector<16xi32>
      %gather3A_2071 = arith.constant 2 : i32
      %gather3A_2072 = arith.constant 0 : i32
      %gather3A_2073 = arith.constant 0 : i32
      %gather3A_2074 = tpu.memref_slice %arg6[%gather3A_2071, %gather3A_2072, %gather3A_2073] : memref<8x64x128xf32, #tpu.memory_space<vmem>> -> memref<1x64x128xf32, #tpu.memory_space<vmem>>
      %gather3A_2075 = tpu.memref_squeeze %gather3A_2074 : memref<1x64x128xf32, #tpu.memory_space<vmem>> -> memref<64x128xf32, #tpu.memory_space<vmem>>
      %gather3A_2076 = tpu.vector_load_idx %gather3A_2075[%add3A_2070, %broadcast_in_dim3A_2034] : memref<64x128xf32, #tpu.memory_space<vmem>>[vector<16xi32>, vector<16xi32>], vector<16xf32>,
      %mul3A_2077 = arith.constant 64 : i32
      %mul3A_2078 = arith.muli %add3A_1944, %mul3A_2077 : i32
      %add3A_2079 = arith.constant 32 : i32
      %add3A_2080 = arith.addi %mul3A_2078, %add3A_2079 : i32
      %swap3A_2081 = arith.index_cast %add3A_2080 : i32 to index
      %swap3A_2082 = tpu.vector_load %arg7[%swap3A_2081] {strides = array<i32>} : memref<32768xf32, #tpu.memory_space<vmem>>, vector<16xf32>,
      tpu.vector_store %arg7[%swap3A_2081], %gather3A_2076 {strides = array<i32>} : memref<32768xf32, #tpu.memory_space<vmem>>, vector<16xf32>,
      %iota3A_2083 = tpu.iota {dimensions = array<i32: 0>} : vector<16xi32>
      %add3A_2084 = arith.constant 48 : i32
      %add3A_2085 = vector.broadcast %add3A_2084 : i32 to vector<16xi32>
      %add3A_2086 = arith.addi %iota3A_2083, %add3A_2085 : vector<16xi32>
      %gather3A_2087 = arith.constant 2 : i32
      %gather3A_2088 = arith.constant 0 : i32
      %gather3A_2089 = arith.constant 0 : i32
      %gather3A_2090 = tpu.memref_slice %arg6[%gather3A_2087, %gather3A_2088, %gather3A_2089] : memref<8x64x128xf32, #tpu.memory_space<vmem>> -> memref<1x64x128xf32, #tpu.memory_space<vmem>>
      %gather3A_2091 = tpu.memref_squeeze %gather3A_2090 : memref<1x64x128xf32, #tpu.memory_space<vmem>> -> memref<64x128xf32, #tpu.memory_space<vmem>>
      %gather3A_2092 = tpu.vector_load_idx %gather3A_2091[%add3A_2086, %broadcast_in_dim3A_2034] : memref<64x128xf32, #tpu.memory_space<vmem>>[vector<16xi32>, vector<16xi32>], vector<16xf32>,
      %mul3A_2093 = arith.constant 64 : i32
      %mul3A_2094 = arith.muli %add3A_1944, %mul3A_2093 : i32
      %add3A_2095 = arith.constant 48 : i32
      %add3A_2096 = arith.addi %mul3A_2094, %add3A_2095 : i32
      %swap3A_2097 = arith.index_cast %add3A_2096 : i32 to index
      %swap3A_2098 = tpu.vector_load %arg7[%swap3A_2097] {strides = array<i32>} : memref<32768xf32, #tpu.memory_space<vmem>>, vector<16xf32>,
      tpu.vector_store %arg7[%swap3A_2097], %gather3A_2092 {strides = array<i32>} : memref<32768xf32, #tpu.memory_space<vmem>>, vector<16xf32>,
      %add3A_2099 = arith.constant 2 : i32
      %add3A_2100 = arith.addi %mul3A_1428, %add3A_2099 : i32
      %add3A_2101 = arith.constant 8 : i32
      %add3A_2102 = arith.addi %add3A_2100, %add3A_2101 : i32
      %jit3A_2103 = arith.constant 16 : i32
      %div3A_2104 = arith.divsi %add3A_2102, %jit3A_2103 : i32
      %sign3A_2105 = arith.constant 0 : i32
      %sign3A_2106 = arith.cmpi sgt, %add3A_2102, %sign3A_2105 : i32
      %sign3A_2107 = arith.extui %sign3A_2106 : i1 to i32
      %sign3A_2108 = arith.constant 0 : i32
      %sign3A_2109 = arith.cmpi slt, %add3A_2102, %sign3A_2108 : i32
      %sign3A_2110 = arith.extui %sign3A_2109 : i1 to i32
      %sign3A_2111 = arith.subi %sign3A_2107, %sign3A_2110 : i32
      %sign3A_2112 = arith.constant 0 : i32
      %sign3A_2113 = arith.cmpi sgt, %jit3A_2103, %sign3A_2112 : i32
      %sign3A_2114 = arith.extui %sign3A_2113 : i1 to i32
      %sign3A_2115 = arith.constant 0 : i32
      %sign3A_2116 = arith.cmpi slt, %jit3A_2103, %sign3A_2115 : i32
      %sign3A_2117 = arith.extui %sign3A_2116 : i1 to i32
      %sign3A_2118 = arith.subi %sign3A_2114, %sign3A_2117 : i32
      %ne3A_2119 = arith.cmpi ne, %sign3A_2111, %sign3A_2118 : i32
      %rem3A_2120 = arith.remsi %add3A_2102, %jit3A_2103 : i32
      %ne3A_2121 = arith.constant 0 : i32
      %ne3A_2122 = arith.cmpi ne, %rem3A_2120, %ne3A_2121 : i32
      %and3A_2123 = arith.andi %ne3A_2119, %ne3A_2122 : i1
      %sub3A_2124 = arith.constant 1 : i32
      %sub3A_2125 = arith.subi %div3A_2104, %sub3A_2124 : i32
      %select_n3A_2126 = arith.select %and3A_2123, %sub3A_2125, %div3A_2104 : i32
      %mul3A_2127 = arith.constant 16 : i32
      %mul3A_2128 = arith.muli %select_n3A_2126, %mul3A_2127 : i32
      %multiple_of3A_2129 = tpu.assume_multiple %mul3A_2128, 16 : i32
      %get3A_2130 = arith.index_cast %multiple_of3A_2129 : i32 to index
      %get3A_2131 = tpu.vector_load %arg5[%get3A_2130] {strides = array<i32>} : memref<512xi32, #tpu.memory_space<vmem>>, vector<16xi32>,
      %jit3A_2132 = arith.constant 16 : i32
      %eq3A_2133 = arith.constant 0 : i32
      %eq3A_2134 = arith.cmpi eq, %jit3A_2132, %eq3A_2133 : i32
      %jit3A_2135 = arith.constant 1 : i32
      %select_n3A_2136 = arith.select %eq3A_2134, %jit3A_2135, %jit3A_2132 : i32
      %rem3A_2137 = arith.remsi %add3A_2102, %select_n3A_2136 : i32
      %ne3A_2138 = arith.constant 0 : i32
      %ne3A_2139 = arith.cmpi ne, %rem3A_2137, %ne3A_2138 : i32
      %lt3A_2140 = arith.constant 0 : i32
      %lt3A_2141 = arith.cmpi slt, %rem3A_2137, %lt3A_2140 : i32
      %lt3A_2142 = arith.constant 0 : i32
      %lt3A_2143 = arith.cmpi slt, %select_n3A_2136, %lt3A_2142 : i32
      %ne3A_2144 = arith.xori %lt3A_2141, %lt3A_2143 : i1
      %and3A_2145 = arith.andi %ne3A_2144, %ne3A_2139 : i1
      %add3A_2146 = arith.addi %rem3A_2137, %select_n3A_2136 : i32
      %select_n3A_2147 = arith.select %and3A_2145, %add3A_2146, %rem3A_2137 : i32
      %broadcast_in_dim3A_2148 = vector.broadcast %select_n3A_2147 : i32 to vector<16xi32>
      %eq3A_2149 = arith.cmpi eq, %iota3A, %broadcast_in_dim3A_2148 : vector<16xi32>
      %broadcast_in_dim3A_2150 = arith.constant -1 : i32
      %broadcast_in_dim3A_2151 = vector.broadcast %broadcast_in_dim3A_2150 : i32 to vector<16xi32>
      %select_n3A_2152 = arith.select %eq3A_2149, %get3A_2131, %broadcast_in_dim3A_2151 : vector<16xi1>, vector<16xi32>
      %reduce_max3A_2153 = arith.constant true
      %reduce_max3A_2154 = vector.broadcast %reduce_max3A_2153 : i1 to vector<16xi1>
      %reduce_max3A_2155 = arith.constant -2147483648 : i32
      %reduce_max3A_2156 = vector.broadcast %reduce_max3A_2155 : i32 to vector<16xi32>
      %reduce_max3A_2157 = arith.xori %select_n3A_2152, %reduce_max3A_2156 : vector<16xi32>
      %reduce_max3A_2158 = tpu.scan <max>, %reduce_max3A_2157 masked %reduce_max3A_2154 : vector<16xi32>, vector<16xi1> -> vector<16xi32>
      %reduce_max3A_2159 = arith.xori %reduce_max3A_2158, %reduce_max3A_2156 : vector<16xi32>
      %reduce_max3A_2160 = vector.extract %reduce_max3A_2159[15] : i32 from vector<16xi32>
      %jit3A_2161 = arith.constant 128 : i32
      %div3A_2162 = arith.divsi %reduce_max3A_2160, %jit3A_2161 : i32
      %sign3A_2163 = arith.constant 0 : i32
      %sign3A_2164 = arith.cmpi sgt, %reduce_max3A_2160, %sign3A_2163 : i32
      %sign3A_2165 = arith.extui %sign3A_2164 : i1 to i32
      %sign3A_2166 = arith.constant 0 : i32
      %sign3A_2167 = arith.cmpi slt, %reduce_max3A_2160, %sign3A_2166 : i32
      %sign3A_2168 = arith.extui %sign3A_2167 : i1 to i32
      %sign3A_2169 = arith.subi %sign3A_2165, %sign3A_2168 : i32
      %sign3A_2170 = arith.constant 0 : i32
      %sign3A_2171 = arith.cmpi sgt, %jit3A_2161, %sign3A_2170 : i32
      %sign3A_2172 = arith.extui %sign3A_2171 : i1 to i32
      %sign3A_2173 = arith.constant 0 : i32
      %sign3A_2174 = arith.cmpi slt, %jit3A_2161, %sign3A_2173 : i32
      %sign3A_2175 = arith.extui %sign3A_2174 : i1 to i32
      %sign3A_2176 = arith.subi %sign3A_2172, %sign3A_2175 : i32
      %ne3A_2177 = arith.cmpi ne, %sign3A_2169, %sign3A_2176 : i32
      %rem3A_2178 = arith.remsi %reduce_max3A_2160, %jit3A_2161 : i32
      %ne3A_2179 = arith.constant 0 : i32
      %ne3A_2180 = arith.cmpi ne, %rem3A_2178, %ne3A_2179 : i32
      %and3A_2181 = arith.andi %ne3A_2177, %ne3A_2180 : i1
      %sub3A_2182 = arith.constant 1 : i32
      %sub3A_2183 = arith.subi %div3A_2162, %sub3A_2182 : i32
      %select_n3A_2184 = arith.select %and3A_2181, %sub3A_2183, %div3A_2162 : i32
      %mul3A_2185 = arith.constant 128 : i32
      %mul3A_2186 = arith.muli %select_n3A_2184, %mul3A_2185 : i32
      %dma_start3A_2187 = arith.constant 2 : i32
      %dma_start3A_2188 = arith.constant 0 : i32
      %dma_start3A_2189 = arith.constant 0 : i32
      %dma_start3A_2190 = tpu.memref_slice %arg6[%dma_start3A_2187, %dma_start3A_2188, %dma_start3A_2189] : memref<8x64x128xf32, #tpu.memory_space<vmem>> -> memref<1x64x128xf32, #tpu.memory_space<vmem>>
      %dma_start3A_2191 = tpu.memref_squeeze %dma_start3A_2190 : memref<1x64x128xf32, #tpu.memory_space<vmem>> -> memref<64x128xf32, #tpu.memory_space<vmem>>
      %dma_start3A_2192 = arith.constant 0 : i32
      %dma_start3A_2193 = tpu.memref_slice %arg3[%dma_start3A_2192, %mul3A_2186] : memref<64x1000000xf32, #tpu.memory_space<hbm>> -> memref<64x128xf32, #tpu.memory_space<hbm>>
      %dma_start3A_2194 = arith.constant 0 : i32
      %dma_start3A_2195 = arith.constant 0 : i32
      %dma_start3A_2196 = tpu.memref_slice %arg6[%dma_start3A_2187, %dma_start3A_2194, %dma_start3A_2195] : memref<8x64x128xf32, #tpu.memory_space<vmem>> -> memref<1x64x128xf32, #tpu.memory_space<vmem>>
      %dma_start3A_2197 = tpu.memref_squeeze %dma_start3A_2196 : memref<1x64x128xf32, #tpu.memory_space<vmem>> -> memref<64x128xf32, #tpu.memory_space<vmem>>
      %dma_start3A_2198 = arith.constant 0 : i32
      %dma_start3A_2199 = tpu.memref_slice %arg3[%dma_start3A_2198, %mul3A_2186] : memref<64x1000000xf32, #tpu.memory_space<hbm>> -> memref<64x128xf32, #tpu.memory_space<hbm>>
      tpu.enqueue_dma source(%dma_start3A_2199 : memref<64x128xf32, #tpu.memory_space<hbm>>) target(%dma_start3A_2197 : memref<64x128xf32, #tpu.memory_space<vmem>>) target_semaphore(%arg10 : memref<!tpu.dma_semaphore, #tpu.memory_space<semaphore_mem>>)
      %add3A_2200 = arith.constant 3 : i32
      %add3A_2201 = arith.addi %mul3A_1428, %add3A_2200 : i32
      %dma_wait3A_2202 = arith.constant 3 : i32
      %dma_wait3A_2203 = arith.constant 0 : i32
      %dma_wait3A_2204 = arith.constant 0 : i32
      %dma_wait3A_2205 = tpu.memref_slice %arg6[%dma_wait3A_2202, %dma_wait3A_2203, %dma_wait3A_2204] : memref<8x64x128xf32, #tpu.memory_space<vmem>> -> memref<1x64x128xf32, #tpu.memory_space<vmem>>
      %dma_wait3A_2206 = tpu.memref_squeeze %dma_wait3A_2205 : memref<1x64x128xf32, #tpu.memory_space<vmem>> -> memref<64x128xf32, #tpu.memory_space<vmem>>
      %dma_wait3A_2207 = arith.constant 0 : i32
      %dma_wait3A_2208 = arith.constant 0 : i32
      %dma_wait3A_2209 = tpu.memref_slice %arg3[%dma_wait3A_2207, %dma_wait3A_2208] : memref<64x1000000xf32, #tpu.memory_space<hbm>> -> memref<64x128xf32, #tpu.memory_space<hbm>>
      %dma_wait3A_2210 = arith.constant 0 : i32
      %dma_wait3A_2211 = arith.constant 0 : i32
      %dma_wait3A_2212 = tpu.memref_slice %arg6[%dma_wait3A_2202, %dma_wait3A_2210, %dma_wait3A_2211] : memref<8x64x128xf32, #tpu.memory_space<vmem>> -> memref<1x64x128xf32, #tpu.memory_space<vmem>>
      %dma_wait3A_2213 = tpu.memref_squeeze %dma_wait3A_2212 : memref<1x64x128xf32, #tpu.memory_space<vmem>> -> memref<64x128xf32, #tpu.memory_space<vmem>>
      %dma_wait3A_2214 = arith.constant 0 : i32
      %dma_wait3A_2215 = arith.constant 0 : i32
      %dma_wait3A_2216 = tpu.memref_slice %arg3[%dma_wait3A_2214, %dma_wait3A_2215] : memref<64x1000000xf32, #tpu.memory_space<hbm>> -> memref<64x128xf32, #tpu.memory_space<hbm>>
      tpu.wait_dma2 semaphore(%arg11 : memref<!tpu.dma_semaphore, #tpu.memory_space<semaphore_mem>>) src(%dma_wait3A_2216 : memref<64x128xf32, #tpu.memory_space<hbm>>) dst(%dma_wait3A_2213 : memref<64x128xf32, #tpu.memory_space<vmem>>)
      %jit3A_2217 = arith.constant 16 : i32
      %div3A_2218 = arith.divsi %add3A_2201, %jit3A_2217 : i32
      %sign3A_2219 = arith.constant 0 : i32
      %sign3A_2220 = arith.cmpi sgt, %add3A_2201, %sign3A_2219 : i32
      %sign3A_2221 = arith.extui %sign3A_2220 : i1 to i32
      %sign3A_2222 = arith.constant 0 : i32
      %sign3A_2223 = arith.cmpi slt, %add3A_2201, %sign3A_2222 : i32
      %sign3A_2224 = arith.extui %sign3A_2223 : i1 to i32
      %sign3A_2225 = arith.subi %sign3A_2221, %sign3A_2224 : i32
      %sign3A_2226 = arith.constant 0 : i32
      %sign3A_2227 = arith.cmpi sgt, %jit3A_2217, %sign3A_2226 : i32
      %sign3A_2228 = arith.extui %sign3A_2227 : i1 to i32
      %sign3A_2229 = arith.constant 0 : i32
      %sign3A_2230 = arith.cmpi slt, %jit3A_2217, %sign3A_2229 : i32
      %sign3A_2231 = arith.extui %sign3A_2230 : i1 to i32
      %sign3A_2232 = arith.subi %sign3A_2228, %sign3A_2231 : i32
      %ne3A_2233 = arith.cmpi ne, %sign3A_2225, %sign3A_2232 : i32
      %rem3A_2234 = arith.remsi %add3A_2201, %jit3A_2217 : i32
      %ne3A_2235 = arith.constant 0 : i32
      %ne3A_2236 = arith.cmpi ne, %rem3A_2234, %ne3A_2235 : i32
      %and3A_2237 = arith.andi %ne3A_2233, %ne3A_2236 : i1
      %sub3A_2238 = arith.constant 1 : i32
      %sub3A_2239 = arith.subi %div3A_2218, %sub3A_2238 : i32
      %select_n3A_2240 = arith.select %and3A_2237, %sub3A_2239, %div3A_2218 : i32
      %mul3A_2241 = arith.constant 16 : i32
      %mul3A_2242 = arith.muli %select_n3A_2240, %mul3A_2241 : i32
      %multiple_of3A_2243 = tpu.assume_multiple %mul3A_2242, 16 : i32
      %get3A_2244 = arith.index_cast %multiple_of3A_2243 : i32 to index
      %get3A_2245 = tpu.vector_load %arg5[%get3A_2244] {strides = array<i32>} : memref<512xi32, #tpu.memory_space<vmem>>, vector<16xi32>,
      %jit3A_2246 = arith.constant 16 : i32
      %eq3A_2247 = arith.constant 0 : i32
      %eq3A_2248 = arith.cmpi eq, %jit3A_2246, %eq3A_2247 : i32
      %jit3A_2249 = arith.constant 1 : i32
      %select_n3A_2250 = arith.select %eq3A_2248, %jit3A_2249, %jit3A_2246 : i32
      %rem3A_2251 = arith.remsi %add3A_2201, %select_n3A_2250 : i32
      %ne3A_2252 = arith.constant 0 : i32
      %ne3A_2253 = arith.cmpi ne, %rem3A_2251, %ne3A_2252 : i32
      %lt3A_2254 = arith.constant 0 : i32
      %lt3A_2255 = arith.cmpi slt, %rem3A_2251, %lt3A_2254 : i32
      %lt3A_2256 = arith.constant 0 : i32
      %lt3A_2257 = arith.cmpi slt, %select_n3A_2250, %lt3A_2256 : i32
      %ne3A_2258 = arith.xori %lt3A_2255, %lt3A_2257 : i1
      %and3A_2259 = arith.andi %ne3A_2258, %ne3A_2253 : i1
      %add3A_2260 = arith.addi %rem3A_2251, %select_n3A_2250 : i32
      %select_n3A_2261 = arith.select %and3A_2259, %add3A_2260, %rem3A_2251 : i32
      %broadcast_in_dim3A_2262 = vector.broadcast %select_n3A_2261 : i32 to vector<16xi32>
      %eq3A_2263 = arith.cmpi eq, %iota3A, %broadcast_in_dim3A_2262 : vector<16xi32>
      %broadcast_in_dim3A_2264 = arith.constant -1 : i32
      %broadcast_in_dim3A_2265 = vector.broadcast %broadcast_in_dim3A_2264 : i32 to vector<16xi32>
      %select_n3A_2266 = arith.select %eq3A_2263, %get3A_2245, %broadcast_in_dim3A_2265 : vector<16xi1>, vector<16xi32>
      %reduce_max3A_2267 = arith.constant true
      %reduce_max3A_2268 = vector.broadcast %reduce_max3A_2267 : i1 to vector<16xi1>
      %reduce_max3A_2269 = arith.constant -2147483648 : i32
      %reduce_max3A_2270 = vector.broadcast %reduce_max3A_2269 : i32 to vector<16xi32>
      %reduce_max3A_2271 = arith.xori %select_n3A_2266, %reduce_max3A_2270 : vector<16xi32>
      %reduce_max3A_2272 = tpu.scan <max>, %reduce_max3A_2271 masked %reduce_max3A_2268 : vector<16xi32>, vector<16xi1> -> vector<16xi32>
      %reduce_max3A_2273 = arith.xori %reduce_max3A_2272, %reduce_max3A_2270 : vector<16xi32>
      %reduce_max3A_2274 = vector.extract %reduce_max3A_2273[15] : i32 from vector<16xi32>
      %jit3A_2275 = arith.constant 128 : i32
      %eq3A_2276 = arith.constant 0 : i32
      %eq3A_2277 = arith.cmpi eq, %jit3A_2275, %eq3A_2276 : i32
      %jit3A_2278 = arith.constant 1 : i32
      %select_n3A_2279 = arith.select %eq3A_2277, %jit3A_2278, %jit3A_2275 : i32
      %rem3A_2280 = arith.remsi %reduce_max3A_2274, %select_n3A_2279 : i32
      %ne3A_2281 = arith.constant 0 : i32
      %ne3A_2282 = arith.cmpi ne, %rem3A_2280, %ne3A_2281 : i32
      %lt3A_2283 = arith.constant 0 : i32
      %lt3A_2284 = arith.cmpi slt, %rem3A_2280, %lt3A_2283 : i32
      %lt3A_2285 = arith.constant 0 : i32
      %lt3A_2286 = arith.cmpi slt, %select_n3A_2279, %lt3A_2285 : i32
      %ne3A_2287 = arith.xori %lt3A_2284, %lt3A_2286 : i1
      %and3A_2288 = arith.andi %ne3A_2287, %ne3A_2282 : i1
      %add3A_2289 = arith.addi %rem3A_2280, %select_n3A_2279 : i32
      %select_n3A_2290 = arith.select %and3A_2288, %add3A_2289, %rem3A_2280 : i32
      %broadcast_in_dim3A_2291 = vector.broadcast %select_n3A_2290 : i32 to vector<16xi32>
      %iota3A_2292 = tpu.iota {dimensions = array<i32: 0>} : vector<16xi32>
      %add3A_2293 = arith.constant 0 : i32
      %add3A_2294 = vector.broadcast %add3A_2293 : i32 to vector<16xi32>
      %add3A_2295 = arith.addi %iota3A_2292, %add3A_2294 : vector<16xi32>
      %gather3A_2296 = arith.constant 3 : i32
      %gather3A_2297 = arith.constant 0 : i32
      %gather3A_2298 = arith.constant 0 : i32
      %gather3A_2299 = tpu.memref_slice %arg6[%gather3A_2296, %gather3A_2297, %gather3A_2298] : memref<8x64x128xf32, #tpu.memory_space<vmem>> -> memref<1x64x128xf32, #tpu.memory_space<vmem>>
      %gather3A_2300 = tpu.memref_squeeze %gather3A_2299 : memref<1x64x128xf32, #tpu.memory_space<vmem>> -> memref<64x128xf32, #tpu.memory_space<vmem>>
      %gather3A_2301 = tpu.vector_load_idx %gather3A_2300[%add3A_2295, %broadcast_in_dim3A_2291] : memref<64x128xf32, #tpu.memory_space<vmem>>[vector<16xi32>, vector<16xi32>], vector<16xf32>,
      %mul3A_2302 = arith.constant 64 : i32
      %mul3A_2303 = arith.muli %add3A_2201, %mul3A_2302 : i32
      %add3A_2304 = arith.constant 0 : i32
      %add3A_2305 = arith.addi %mul3A_2303, %add3A_2304 : i32
      %swap3A_2306 = arith.index_cast %add3A_2305 : i32 to index
      %swap3A_2307 = tpu.vector_load %arg7[%swap3A_2306] {strides = array<i32>} : memref<32768xf32, #tpu.memory_space<vmem>>, vector<16xf32>,
      tpu.vector_store %arg7[%swap3A_2306], %gather3A_2301 {strides = array<i32>} : memref<32768xf32, #tpu.memory_space<vmem>>, vector<16xf32>,
      %iota3A_2308 = tpu.iota {dimensions = array<i32: 0>} : vector<16xi32>
      %add3A_2309 = arith.constant 16 : i32
      %add3A_2310 = vector.broadcast %add3A_2309 : i32 to vector<16xi32>
      %add3A_2311 = arith.addi %iota3A_2308, %add3A_2310 : vector<16xi32>
      %gather3A_2312 = arith.constant 3 : i32
      %gather3A_2313 = arith.constant 0 : i32
      %gather3A_2314 = arith.constant 0 : i32
      %gather3A_2315 = tpu.memref_slice %arg6[%gather3A_2312, %gather3A_2313, %gather3A_2314] : memref<8x64x128xf32, #tpu.memory_space<vmem>> -> memref<1x64x128xf32, #tpu.memory_space<vmem>>
      %gather3A_2316 = tpu.memref_squeeze %gather3A_2315 : memref<1x64x128xf32, #tpu.memory_space<vmem>> -> memref<64x128xf32, #tpu.memory_space<vmem>>
      %gather3A_2317 = tpu.vector_load_idx %gather3A_2316[%add3A_2311, %broadcast_in_dim3A_2291] : memref<64x128xf32, #tpu.memory_space<vmem>>[vector<16xi32>, vector<16xi32>], vector<16xf32>,
      %mul3A_2318 = arith.constant 64 : i32
      %mul3A_2319 = arith.muli %add3A_2201, %mul3A_2318 : i32
      %add3A_2320 = arith.constant 16 : i32
      %add3A_2321 = arith.addi %mul3A_2319, %add3A_2320 : i32
      %swap3A_2322 = arith.index_cast %add3A_2321 : i32 to index
      %swap3A_2323 = tpu.vector_load %arg7[%swap3A_2322] {strides = array<i32>} : memref<32768xf32, #tpu.memory_space<vmem>>, vector<16xf32>,
      tpu.vector_store %arg7[%swap3A_2322], %gather3A_2317 {strides = array<i32>} : memref<32768xf32, #tpu.memory_space<vmem>>, vector<16xf32>,
      %iota3A_2324 = tpu.iota {dimensions = array<i32: 0>} : vector<16xi32>
      %add3A_2325 = arith.constant 32 : i32
      %add3A_2326 = vector.broadcast %add3A_2325 : i32 to vector<16xi32>
      %add3A_2327 = arith.addi %iota3A_2324, %add3A_2326 : vector<16xi32>
      %gather3A_2328 = arith.constant 3 : i32
      %gather3A_2329 = arith.constant 0 : i32
      %gather3A_2330 = arith.constant 0 : i32
      %gather3A_2331 = tpu.memref_slice %arg6[%gather3A_2328, %gather3A_2329, %gather3A_2330] : memref<8x64x128xf32, #tpu.memory_space<vmem>> -> memref<1x64x128xf32, #tpu.memory_space<vmem>>
      %gather3A_2332 = tpu.memref_squeeze %gather3A_2331 : memref<1x64x128xf32, #tpu.memory_space<vmem>> -> memref<64x128xf32, #tpu.memory_space<vmem>>
      %gather3A_2333 = tpu.vector_load_idx %gather3A_2332[%add3A_2327, %broadcast_in_dim3A_2291] : memref<64x128xf32, #tpu.memory_space<vmem>>[vector<16xi32>, vector<16xi32>], vector<16xf32>,
      %mul3A_2334 = arith.constant 64 : i32
      %mul3A_2335 = arith.muli %add3A_2201, %mul3A_2334 : i32
      %add3A_2336 = arith.constant 32 : i32
      %add3A_2337 = arith.addi %mul3A_2335, %add3A_2336 : i32
      %swap3A_2338 = arith.index_cast %add3A_2337 : i32 to index
      %swap3A_2339 = tpu.vector_load %arg7[%swap3A_2338] {strides = array<i32>} : memref<32768xf32, #tpu.memory_space<vmem>>, vector<16xf32>,
      tpu.vector_store %arg7[%swap3A_2338], %gather3A_2333 {strides = array<i32>} : memref<32768xf32, #tpu.memory_space<vmem>>, vector<16xf32>,
      %iota3A_2340 = tpu.iota {dimensions = array<i32: 0>} : vector<16xi32>
      %add3A_2341 = arith.constant 48 : i32
      %add3A_2342 = vector.broadcast %add3A_2341 : i32 to vector<16xi32>
      %add3A_2343 = arith.addi %iota3A_2340, %add3A_2342 : vector<16xi32>
      %gather3A_2344 = arith.constant 3 : i32
      %gather3A_2345 = arith.constant 0 : i32
      %gather3A_2346 = arith.constant 0 : i32
      %gather3A_2347 = tpu.memref_slice %arg6[%gather3A_2344, %gather3A_2345, %gather3A_2346] : memref<8x64x128xf32, #tpu.memory_space<vmem>> -> memref<1x64x128xf32, #tpu.memory_space<vmem>>
      %gather3A_2348 = tpu.memref_squeeze %gather3A_2347 : memref<1x64x128xf32, #tpu.memory_space<vmem>> -> memref<64x128xf32, #tpu.memory_space<vmem>>
      %gather3A_2349 = tpu.vector_load_idx %gather3A_2348[%add3A_2343, %broadcast_in_dim3A_2291] : memref<64x128xf32, #tpu.memory_space<vmem>>[vector<16xi32>, vector<16xi32>], vector<16xf32>,
      %mul3A_2350 = arith.constant 64 : i32
      %mul3A_2351 = arith.muli %add3A_2201, %mul3A_2350 : i32
      %add3A_2352 = arith.constant 48 : i32
      %add3A_2353 = arith.addi %mul3A_2351, %add3A_2352 : i32
      %swap3A_2354 = arith.index_cast %add3A_2353 : i32 to index
      %swap3A_2355 = tpu.vector_load %arg7[%swap3A_2354] {strides = array<i32>} : memref<32768xf32, #tpu.memory_space<vmem>>, vector<16xf32>,
      tpu.vector_store %arg7[%swap3A_2354], %gather3A_2349 {strides = array<i32>} : memref<32768xf32, #tpu.memory_space<vmem>>, vector<16xf32>,
      %add3A_2356 = arith.constant 3 : i32
      %add3A_2357 = arith.addi %mul3A_1428, %add3A_2356 : i32
      %add3A_2358 = arith.constant 8 : i32
      %add3A_2359 = arith.addi %add3A_2357, %add3A_2358 : i32
      %jit3A_2360 = arith.constant 16 : i32
      %div3A_2361 = arith.divsi %add3A_2359, %jit3A_2360 : i32
      %sign3A_2362 = arith.constant 0 : i32
      %sign3A_2363 = arith.cmpi sgt, %add3A_2359, %sign3A_2362 : i32
      %sign3A_2364 = arith.extui %sign3A_2363 : i1 to i32
      %sign3A_2365 = arith.constant 0 : i32
      %sign3A_2366 = arith.cmpi slt, %add3A_2359, %sign3A_2365 : i32
      %sign3A_2367 = arith.extui %sign3A_2366 : i1 to i32
      %sign3A_2368 = arith.subi %sign3A_2364, %sign3A_2367 : i32
      %sign3A_2369 = arith.constant 0 : i32
      %sign3A_2370 = arith.cmpi sgt, %jit3A_2360, %sign3A_2369 : i32
      %sign3A_2371 = arith.extui %sign3A_2370 : i1 to i32
      %sign3A_2372 = arith.constant 0 : i32
      %sign3A_2373 = arith.cmpi slt, %jit3A_2360, %sign3A_2372 : i32
      %sign3A_2374 = arith.extui %sign3A_2373 : i1 to i32
      %sign3A_2375 = arith.subi %sign3A_2371, %sign3A_2374 : i32
      %ne3A_2376 = arith.cmpi ne, %sign3A_2368, %sign3A_2375 : i32
      %rem3A_2377 = arith.remsi %add3A_2359, %jit3A_2360 : i32
      %ne3A_2378 = arith.constant 0 : i32
      %ne3A_2379 = arith.cmpi ne, %rem3A_2377, %ne3A_2378 : i32
      %and3A_2380 = arith.andi %ne3A_2376, %ne3A_2379 : i1
      %sub3A_2381 = arith.constant 1 : i32
      %sub3A_2382 = arith.subi %div3A_2361, %sub3A_2381 : i32
      %select_n3A_2383 = arith.select %and3A_2380, %sub3A_2382, %div3A_2361 : i32
      %mul3A_2384 = arith.constant 16 : i32
      %mul3A_2385 = arith.muli %select_n3A_2383, %mul3A_2384 : i32
      %multiple_of3A_2386 = tpu.assume_multiple %mul3A_2385, 16 : i32
      %get3A_2387 = arith.index_cast %multiple_of3A_2386 : i32 to index
      %get3A_2388 = tpu.vector_load %arg5[%get3A_2387] {strides = array<i32>} : memref<512xi32, #tpu.memory_space<vmem>>, vector<16xi32>,
      %jit3A_2389 = arith.constant 16 : i32
      %eq3A_2390 = arith.constant 0 : i32
      %eq3A_2391 = arith.cmpi eq, %jit3A_2389, %eq3A_2390 : i32
      %jit3A_2392 = arith.constant 1 : i32
      %select_n3A_2393 = arith.select %eq3A_2391, %jit3A_2392, %jit3A_2389 : i32
      %rem3A_2394 = arith.remsi %add3A_2359, %select_n3A_2393 : i32
      %ne3A_2395 = arith.constant 0 : i32
      %ne3A_2396 = arith.cmpi ne, %rem3A_2394, %ne3A_2395 : i32
      %lt3A_2397 = arith.constant 0 : i32
      %lt3A_2398 = arith.cmpi slt, %rem3A_2394, %lt3A_2397 : i32
      %lt3A_2399 = arith.constant 0 : i32
      %lt3A_2400 = arith.cmpi slt, %select_n3A_2393, %lt3A_2399 : i32
      %ne3A_2401 = arith.xori %lt3A_2398, %lt3A_2400 : i1
      %and3A_2402 = arith.andi %ne3A_2401, %ne3A_2396 : i1
      %add3A_2403 = arith.addi %rem3A_2394, %select_n3A_2393 : i32
      %select_n3A_2404 = arith.select %and3A_2402, %add3A_2403, %rem3A_2394 : i32
      %broadcast_in_dim3A_2405 = vector.broadcast %select_n3A_2404 : i32 to vector<16xi32>
      %eq3A_2406 = arith.cmpi eq, %iota3A, %broadcast_in_dim3A_2405 : vector<16xi32>
      %broadcast_in_dim3A_2407 = arith.constant -1 : i32
      %broadcast_in_dim3A_2408 = vector.broadcast %broadcast_in_dim3A_2407 : i32 to vector<16xi32>
      %select_n3A_2409 = arith.select %eq3A_2406, %get3A_2388, %broadcast_in_dim3A_2408 : vector<16xi1>, vector<16xi32>
      %reduce_max3A_2410 = arith.constant true
      %reduce_max3A_2411 = vector.broadcast %reduce_max3A_2410 : i1 to vector<16xi1>
      %reduce_max3A_2412 = arith.constant -2147483648 : i32
      %reduce_max3A_2413 = vector.broadcast %reduce_max3A_2412 : i32 to vector<16xi32>
      %reduce_max3A_2414 = arith.xori %select_n3A_2409, %reduce_max3A_2413 : vector<16xi32>
      %reduce_max3A_2415 = tpu.scan <max>, %reduce_max3A_2414 masked %reduce_max3A_2411 : vector<16xi32>, vector<16xi1> -> vector<16xi32>
      %reduce_max3A_2416 = arith.xori %reduce_max3A_2415, %reduce_max3A_2413 : vector<16xi32>
      %reduce_max3A_2417 = vector.extract %reduce_max3A_2416[15] : i32 from vector<16xi32>
      %jit3A_2418 = arith.constant 128 : i32
      %div3A_2419 = arith.divsi %reduce_max3A_2417, %jit3A_2418 : i32
      %sign3A_2420 = arith.constant 0 : i32
      %sign3A_2421 = arith.cmpi sgt, %reduce_max3A_2417, %sign3A_2420 : i32
      %sign3A_2422 = arith.extui %sign3A_2421 : i1 to i32
      %sign3A_2423 = arith.constant 0 : i32
      %sign3A_2424 = arith.cmpi slt, %reduce_max3A_2417, %sign3A_2423 : i32
      %sign3A_2425 = arith.extui %sign3A_2424 : i1 to i32
      %sign3A_2426 = arith.subi %sign3A_2422, %sign3A_2425 : i32
      %sign3A_2427 = arith.constant 0 : i32
      %sign3A_2428 = arith.cmpi sgt, %jit3A_2418, %sign3A_2427 : i32
      %sign3A_2429 = arith.extui %sign3A_2428 : i1 to i32
      %sign3A_2430 = arith.constant 0 : i32
      %sign3A_2431 = arith.cmpi slt, %jit3A_2418, %sign3A_2430 : i32
      %sign3A_2432 = arith.extui %sign3A_2431 : i1 to i32
      %sign3A_2433 = arith.subi %sign3A_2429, %sign3A_2432 : i32
      %ne3A_2434 = arith.cmpi ne, %sign3A_2426, %sign3A_2433 : i32
      %rem3A_2435 = arith.remsi %reduce_max3A_2417, %jit3A_2418 : i32
      %ne3A_2436 = arith.constant 0 : i32
      %ne3A_2437 = arith.cmpi ne, %rem3A_2435, %ne3A_2436 : i32
      %and3A_2438 = arith.andi %ne3A_2434, %ne3A_2437 : i1
      %sub3A_2439 = arith.constant 1 : i32
      %sub3A_2440 = arith.subi %div3A_2419, %sub3A_2439 : i32
      %select_n3A_2441 = arith.select %and3A_2438, %sub3A_2440, %div3A_2419 : i32
      %mul3A_2442 = arith.constant 128 : i32
      %mul3A_2443 = arith.muli %select_n3A_2441, %mul3A_2442 : i32
      %dma_start3A_2444 = arith.constant 3 : i32
      %dma_start3A_2445 = arith.constant 0 : i32
      %dma_start3A_2446 = arith.constant 0 : i32
      %dma_start3A_2447 = tpu.memref_slice %arg6[%dma_start3A_2444, %dma_start3A_2445, %dma_start3A_2446] : memref<8x64x128xf32, #tpu.memory_space<vmem>> -> memref<1x64x128xf32, #tpu.memory_space<vmem>>
      %dma_start3A_2448 = tpu.memref_squeeze %dma_start3A_2447 : memref<1x64x128xf32, #tpu.memory_space<vmem>> -> memref<64x128xf32, #tpu.memory_space<vmem>>
      %dma_start3A_2449 = arith.constant 0 : i32
      %dma_start3A_2450 = tpu.memref_slice %arg3[%dma_start3A_2449, %mul3A_2443] : memref<64x1000000xf32, #tpu.memory_space<hbm>> -> memref<64x128xf32, #tpu.memory_space<hbm>>
      %dma_start3A_2451 = arith.constant 0 : i32
      %dma_start3A_2452 = arith.constant 0 : i32
      %dma_start3A_2453 = tpu.memref_slice %arg6[%dma_start3A_2444, %dma_start3A_2451, %dma_start3A_2452] : memref<8x64x128xf32, #tpu.memory_space<vmem>> -> memref<1x64x128xf32, #tpu.memory_space<vmem>>
      %dma_start3A_2454 = tpu.memref_squeeze %dma_start3A_2453 : memref<1x64x128xf32, #tpu.memory_space<vmem>> -> memref<64x128xf32, #tpu.memory_space<vmem>>
      %dma_start3A_2455 = arith.constant 0 : i32
      %dma_start3A_2456 = tpu.memref_slice %arg3[%dma_start3A_2455, %mul3A_2443] : memref<64x1000000xf32, #tpu.memory_space<hbm>> -> memref<64x128xf32, #tpu.memory_space<hbm>>
      tpu.enqueue_dma source(%dma_start3A_2456 : memref<64x128xf32, #tpu.memory_space<hbm>>) target(%dma_start3A_2454 : memref<64x128xf32, #tpu.memory_space<vmem>>) target_semaphore(%arg11 : memref<!tpu.dma_semaphore, #tpu.memory_space<semaphore_mem>>)
      %add3A_2457 = arith.constant 4 : i32
      %add3A_2458 = arith.addi %mul3A_1428, %add3A_2457 : i32
      %dma_wait3A_2459 = arith.constant 4 : i32
      %dma_wait3A_2460 = arith.constant 0 : i32
      %dma_wait3A_2461 = arith.constant 0 : i32
      %dma_wait3A_2462 = tpu.memref_slice %arg6[%dma_wait3A_2459, %dma_wait3A_2460, %dma_wait3A_2461] : memref<8x64x128xf32, #tpu.memory_space<vmem>> -> memref<1x64x128xf32, #tpu.memory_space<vmem>>
      %dma_wait3A_2463 = tpu.memref_squeeze %dma_wait3A_2462 : memref<1x64x128xf32, #tpu.memory_space<vmem>> -> memref<64x128xf32, #tpu.memory_space<vmem>>
      %dma_wait3A_2464 = arith.constant 0 : i32
      %dma_wait3A_2465 = arith.constant 0 : i32
      %dma_wait3A_2466 = tpu.memref_slice %arg3[%dma_wait3A_2464, %dma_wait3A_2465] : memref<64x1000000xf32, #tpu.memory_space<hbm>> -> memref<64x128xf32, #tpu.memory_space<hbm>>
      %dma_wait3A_2467 = arith.constant 0 : i32
      %dma_wait3A_2468 = arith.constant 0 : i32
      %dma_wait3A_2469 = tpu.memref_slice %arg6[%dma_wait3A_2459, %dma_wait3A_2467, %dma_wait3A_2468] : memref<8x64x128xf32, #tpu.memory_space<vmem>> -> memref<1x64x128xf32, #tpu.memory_space<vmem>>
      %dma_wait3A_2470 = tpu.memref_squeeze %dma_wait3A_2469 : memref<1x64x128xf32, #tpu.memory_space<vmem>> -> memref<64x128xf32, #tpu.memory_space<vmem>>
      %dma_wait3A_2471 = arith.constant 0 : i32
      %dma_wait3A_2472 = arith.constant 0 : i32
      %dma_wait3A_2473 = tpu.memref_slice %arg3[%dma_wait3A_2471, %dma_wait3A_2472] : memref<64x1000000xf32, #tpu.memory_space<hbm>> -> memref<64x128xf32, #tpu.memory_space<hbm>>
      tpu.wait_dma2 semaphore(%arg12 : memref<!tpu.dma_semaphore, #tpu.memory_space<semaphore_mem>>) src(%dma_wait3A_2473 : memref<64x128xf32, #tpu.memory_space<hbm>>) dst(%dma_wait3A_2470 : memref<64x128xf32, #tpu.memory_space<vmem>>)
      %jit3A_2474 = arith.constant 16 : i32
      %div3A_2475 = arith.divsi %add3A_2458, %jit3A_2474 : i32
      %sign3A_2476 = arith.constant 0 : i32
      %sign3A_2477 = arith.cmpi sgt, %add3A_2458, %sign3A_2476 : i32
      %sign3A_2478 = arith.extui %sign3A_2477 : i1 to i32
      %sign3A_2479 = arith.constant 0 : i32
      %sign3A_2480 = arith.cmpi slt, %add3A_2458, %sign3A_2479 : i32
      %sign3A_2481 = arith.extui %sign3A_2480 : i1 to i32
      %sign3A_2482 = arith.subi %sign3A_2478, %sign3A_2481 : i32
      %sign3A_2483 = arith.constant 0 : i32
      %sign3A_2484 = arith.cmpi sgt, %jit3A_2474, %sign3A_2483 : i32
      %sign3A_2485 = arith.extui %sign3A_2484 : i1 to i32
      %sign3A_2486 = arith.constant 0 : i32
      %sign3A_2487 = arith.cmpi slt, %jit3A_2474, %sign3A_2486 : i32
      %sign3A_2488 = arith.extui %sign3A_2487 : i1 to i32
      %sign3A_2489 = arith.subi %sign3A_2485, %sign3A_2488 : i32
      %ne3A_2490 = arith.cmpi ne, %sign3A_2482, %sign3A_2489 : i32
      %rem3A_2491 = arith.remsi %add3A_2458, %jit3A_2474 : i32
      %ne3A_2492 = arith.constant 0 : i32
      %ne3A_2493 = arith.cmpi ne, %rem3A_2491, %ne3A_2492 : i32
      %and3A_2494 = arith.andi %ne3A_2490, %ne3A_2493 : i1
      %sub3A_2495 = arith.constant 1 : i32
      %sub3A_2496 = arith.subi %div3A_2475, %sub3A_2495 : i32
      %select_n3A_2497 = arith.select %and3A_2494, %sub3A_2496, %div3A_2475 : i32
      %mul3A_2498 = arith.constant 16 : i32
      %mul3A_2499 = arith.muli %select_n3A_2497, %mul3A_2498 : i32
      %multiple_of3A_2500 = tpu.assume_multiple %mul3A_2499, 16 : i32
      %get3A_2501 = arith.index_cast %multiple_of3A_2500 : i32 to index
      %get3A_2502 = tpu.vector_load %arg5[%get3A_2501] {strides = array<i32>} : memref<512xi32, #tpu.memory_space<vmem>>, vector<16xi32>,
      %jit3A_2503 = arith.constant 16 : i32
      %eq3A_2504 = arith.constant 0 : i32
      %eq3A_2505 = arith.cmpi eq, %jit3A_2503, %eq3A_2504 : i32
      %jit3A_2506 = arith.constant 1 : i32
      %select_n3A_2507 = arith.select %eq3A_2505, %jit3A_2506, %jit3A_2503 : i32
      %rem3A_2508 = arith.remsi %add3A_2458, %select_n3A_2507 : i32
      %ne3A_2509 = arith.constant 0 : i32
      %ne3A_2510 = arith.cmpi ne, %rem3A_2508, %ne3A_2509 : i32
      %lt3A_2511 = arith.constant 0 : i32
      %lt3A_2512 = arith.cmpi slt, %rem3A_2508, %lt3A_2511 : i32
      %lt3A_2513 = arith.constant 0 : i32
      %lt3A_2514 = arith.cmpi slt, %select_n3A_2507, %lt3A_2513 : i32
      %ne3A_2515 = arith.xori %lt3A_2512, %lt3A_2514 : i1
      %and3A_2516 = arith.andi %ne3A_2515, %ne3A_2510 : i1
      %add3A_2517 = arith.addi %rem3A_2508, %select_n3A_2507 : i32
      %select_n3A_2518 = arith.select %and3A_2516, %add3A_2517, %rem3A_2508 : i32
      %broadcast_in_dim3A_2519 = vector.broadcast %select_n3A_2518 : i32 to vector<16xi32>
      %eq3A_2520 = arith.cmpi eq, %iota3A, %broadcast_in_dim3A_2519 : vector<16xi32>
      %broadcast_in_dim3A_2521 = arith.constant -1 : i32
      %broadcast_in_dim3A_2522 = vector.broadcast %broadcast_in_dim3A_2521 : i32 to vector<16xi32>
      %select_n3A_2523 = arith.select %eq3A_2520, %get3A_2502, %broadcast_in_dim3A_2522 : vector<16xi1>, vector<16xi32>
      %reduce_max3A_2524 = arith.constant true
      %reduce_max3A_2525 = vector.broadcast %reduce_max3A_2524 : i1 to vector<16xi1>
      %reduce_max3A_2526 = arith.constant -2147483648 : i32
      %reduce_max3A_2527 = vector.broadcast %reduce_max3A_2526 : i32 to vector<16xi32>
      %reduce_max3A_2528 = arith.xori %select_n3A_2523, %reduce_max3A_2527 : vector<16xi32>
      %reduce_max3A_2529 = tpu.scan <max>, %reduce_max3A_2528 masked %reduce_max3A_2525 : vector<16xi32>, vector<16xi1> -> vector<16xi32>
      %reduce_max3A_2530 = arith.xori %reduce_max3A_2529, %reduce_max3A_2527 : vector<16xi32>
      %reduce_max3A_2531 = vector.extract %reduce_max3A_2530[15] : i32 from vector<16xi32>
      %jit3A_2532 = arith.constant 128 : i32
      %eq3A_2533 = arith.constant 0 : i32
      %eq3A_2534 = arith.cmpi eq, %jit3A_2532, %eq3A_2533 : i32
      %jit3A_2535 = arith.constant 1 : i32
      %select_n3A_2536 = arith.select %eq3A_2534, %jit3A_2535, %jit3A_2532 : i32
      %rem3A_2537 = arith.remsi %reduce_max3A_2531, %select_n3A_2536 : i32
      %ne3A_2538 = arith.constant 0 : i32
      %ne3A_2539 = arith.cmpi ne, %rem3A_2537, %ne3A_2538 : i32
      %lt3A_2540 = arith.constant 0 : i32
      %lt3A_2541 = arith.cmpi slt, %rem3A_2537, %lt3A_2540 : i32
      %lt3A_2542 = arith.constant 0 : i32
      %lt3A_2543 = arith.cmpi slt, %select_n3A_2536, %lt3A_2542 : i32
      %ne3A_2544 = arith.xori %lt3A_2541, %lt3A_2543 : i1
      %and3A_2545 = arith.andi %ne3A_2544, %ne3A_2539 : i1
      %add3A_2546 = arith.addi %rem3A_2537, %select_n3A_2536 : i32
      %select_n3A_2547 = arith.select %and3A_2545, %add3A_2546, %rem3A_2537 : i32
      %broadcast_in_dim3A_2548 = vector.broadcast %select_n3A_2547 : i32 to vector<16xi32>
      %iota3A_2549 = tpu.iota {dimensions = array<i32: 0>} : vector<16xi32>
      %add3A_2550 = arith.constant 0 : i32
      %add3A_2551 = vector.broadcast %add3A_2550 : i32 to vector<16xi32>
      %add3A_2552 = arith.addi %iota3A_2549, %add3A_2551 : vector<16xi32>
      %gather3A_2553 = arith.constant 4 : i32
      %gather3A_2554 = arith.constant 0 : i32
      %gather3A_2555 = arith.constant 0 : i32
      %gather3A_2556 = tpu.memref_slice %arg6[%gather3A_2553, %gather3A_2554, %gather3A_2555] : memref<8x64x128xf32, #tpu.memory_space<vmem>> -> memref<1x64x128xf32, #tpu.memory_space<vmem>>
      %gather3A_2557 = tpu.memref_squeeze %gather3A_2556 : memref<1x64x128xf32, #tpu.memory_space<vmem>> -> memref<64x128xf32, #tpu.memory_space<vmem>>
      %gather3A_2558 = tpu.vector_load_idx %gather3A_2557[%add3A_2552, %broadcast_in_dim3A_2548] : memref<64x128xf32, #tpu.memory_space<vmem>>[vector<16xi32>, vector<16xi32>], vector<16xf32>,
      %mul3A_2559 = arith.constant 64 : i32
      %mul3A_2560 = arith.muli %add3A_2458, %mul3A_2559 : i32
      %add3A_2561 = arith.constant 0 : i32
      %add3A_2562 = arith.addi %mul3A_2560, %add3A_2561 : i32
      %swap3A_2563 = arith.index_cast %add3A_2562 : i32 to index
      %swap3A_2564 = tpu.vector_load %arg7[%swap3A_2563] {strides = array<i32>} : memref<32768xf32, #tpu.memory_space<vmem>>, vector<16xf32>,
      tpu.vector_store %arg7[%swap3A_2563], %gather3A_2558 {strides = array<i32>} : memref<32768xf32, #tpu.memory_space<vmem>>, vector<16xf32>,
      %iota3A_2565 = tpu.iota {dimensions = array<i32: 0>} : vector<16xi32>
      %add3A_2566 = arith.constant 16 : i32
      %add3A_2567 = vector.broadcast %add3A_2566 : i32 to vector<16xi32>
      %add3A_2568 = arith.addi %iota3A_2565, %add3A_2567 : vector<16xi32>
      %gather3A_2569 = arith.constant 4 : i32
      %gather3A_2570 = arith.constant 0 : i32
      %gather3A_2571 = arith.constant 0 : i32
      %gather3A_2572 = tpu.memref_slice %arg6[%gather3A_2569, %gather3A_2570, %gather3A_2571] : memref<8x64x128xf32, #tpu.memory_space<vmem>> -> memref<1x64x128xf32, #tpu.memory_space<vmem>>
      %gather3A_2573 = tpu.memref_squeeze %gather3A_2572 : memref<1x64x128xf32, #tpu.memory_space<vmem>> -> memref<64x128xf32, #tpu.memory_space<vmem>>
      %gather3A_2574 = tpu.vector_load_idx %gather3A_2573[%add3A_2568, %broadcast_in_dim3A_2548] : memref<64x128xf32, #tpu.memory_space<vmem>>[vector<16xi32>, vector<16xi32>], vector<16xf32>,
      %mul3A_2575 = arith.constant 64 : i32
      %mul3A_2576 = arith.muli %add3A_2458, %mul3A_2575 : i32
      %add3A_2577 = arith.constant 16 : i32
      %add3A_2578 = arith.addi %mul3A_2576, %add3A_2577 : i32
      %swap3A_2579 = arith.index_cast %add3A_2578 : i32 to index
      %swap3A_2580 = tpu.vector_load %arg7[%swap3A_2579] {strides = array<i32>} : memref<32768xf32, #tpu.memory_space<vmem>>, vector<16xf32>,
      tpu.vector_store %arg7[%swap3A_2579], %gather3A_2574 {strides = array<i32>} : memref<32768xf32, #tpu.memory_space<vmem>>, vector<16xf32>,
      %iota3A_2581 = tpu.iota {dimensions = array<i32: 0>} : vector<16xi32>
      %add3A_2582 = arith.constant 32 : i32
      %add3A_2583 = vector.broadcast %add3A_2582 : i32 to vector<16xi32>
      %add3A_2584 = arith.addi %iota3A_2581, %add3A_2583 : vector<16xi32>
      %gather3A_2585 = arith.constant 4 : i32
      %gather3A_2586 = arith.constant 0 : i32
      %gather3A_2587 = arith.constant 0 : i32
      %gather3A_2588 = tpu.memref_slice %arg6[%gather3A_2585, %gather3A_2586, %gather3A_2587] : memref<8x64x128xf32, #tpu.memory_space<vmem>> -> memref<1x64x128xf32, #tpu.memory_space<vmem>>
      %gather3A_2589 = tpu.memref_squeeze %gather3A_2588 : memref<1x64x128xf32, #tpu.memory_space<vmem>> -> memref<64x128xf32, #tpu.memory_space<vmem>>
      %gather3A_2590 = tpu.vector_load_idx %gather3A_2589[%add3A_2584, %broadcast_in_dim3A_2548] : memref<64x128xf32, #tpu.memory_space<vmem>>[vector<16xi32>, vector<16xi32>], vector<16xf32>,
      %mul3A_2591 = arith.constant 64 : i32
      %mul3A_2592 = arith.muli %add3A_2458, %mul3A_2591 : i32
      %add3A_2593 = arith.constant 32 : i32
      %add3A_2594 = arith.addi %mul3A_2592, %add3A_2593 : i32
      %swap3A_2595 = arith.index_cast %add3A_2594 : i32 to index
      %swap3A_2596 = tpu.vector_load %arg7[%swap3A_2595] {strides = array<i32>} : memref<32768xf32, #tpu.memory_space<vmem>>, vector<16xf32>,
      tpu.vector_store %arg7[%swap3A_2595], %gather3A_2590 {strides = array<i32>} : memref<32768xf32, #tpu.memory_space<vmem>>, vector<16xf32>,
      %iota3A_2597 = tpu.iota {dimensions = array<i32: 0>} : vector<16xi32>
      %add3A_2598 = arith.constant 48 : i32
      %add3A_2599 = vector.broadcast %add3A_2598 : i32 to vector<16xi32>
      %add3A_2600 = arith.addi %iota3A_2597, %add3A_2599 : vector<16xi32>
      %gather3A_2601 = arith.constant 4 : i32
      %gather3A_2602 = arith.constant 0 : i32
      %gather3A_2603 = arith.constant 0 : i32
      %gather3A_2604 = tpu.memref_slice %arg6[%gather3A_2601, %gather3A_2602, %gather3A_2603] : memref<8x64x128xf32, #tpu.memory_space<vmem>> -> memref<1x64x128xf32, #tpu.memory_space<vmem>>
      %gather3A_2605 = tpu.memref_squeeze %gather3A_2604 : memref<1x64x128xf32, #tpu.memory_space<vmem>> -> memref<64x128xf32, #tpu.memory_space<vmem>>
      %gather3A_2606 = tpu.vector_load_idx %gather3A_2605[%add3A_2600, %broadcast_in_dim3A_2548] : memref<64x128xf32, #tpu.memory_space<vmem>>[vector<16xi32>, vector<16xi32>], vector<16xf32>,
      %mul3A_2607 = arith.constant 64 : i32
      %mul3A_2608 = arith.muli %add3A_2458, %mul3A_2607 : i32
      %add3A_2609 = arith.constant 48 : i32
      %add3A_2610 = arith.addi %mul3A_2608, %add3A_2609 : i32
      %swap3A_2611 = arith.index_cast %add3A_2610 : i32 to index
      %swap3A_2612 = tpu.vector_load %arg7[%swap3A_2611] {strides = array<i32>} : memref<32768xf32, #tpu.memory_space<vmem>>, vector<16xf32>,
      tpu.vector_store %arg7[%swap3A_2611], %gather3A_2606 {strides = array<i32>} : memref<32768xf32, #tpu.memory_space<vmem>>, vector<16xf32>,
      %add3A_2613 = arith.constant 4 : i32
      %add3A_2614 = arith.addi %mul3A_1428, %add3A_2613 : i32
      %add3A_2615 = arith.constant 8 : i32
      %add3A_2616 = arith.addi %add3A_2614, %add3A_2615 : i32
      %jit3A_2617 = arith.constant 16 : i32
      %div3A_2618 = arith.divsi %add3A_2616, %jit3A_2617 : i32
      %sign3A_2619 = arith.constant 0 : i32
      %sign3A_2620 = arith.cmpi sgt, %add3A_2616, %sign3A_2619 : i32
      %sign3A_2621 = arith.extui %sign3A_2620 : i1 to i32
      %sign3A_2622 = arith.constant 0 : i32
      %sign3A_2623 = arith.cmpi slt, %add3A_2616, %sign3A_2622 : i32
      %sign3A_2624 = arith.extui %sign3A_2623 : i1 to i32
      %sign3A_2625 = arith.subi %sign3A_2621, %sign3A_2624 : i32
      %sign3A_2626 = arith.constant 0 : i32
      %sign3A_2627 = arith.cmpi sgt, %jit3A_2617, %sign3A_2626 : i32
      %sign3A_2628 = arith.extui %sign3A_2627 : i1 to i32
      %sign3A_2629 = arith.constant 0 : i32
      %sign3A_2630 = arith.cmpi slt, %jit3A_2617, %sign3A_2629 : i32
      %sign3A_2631 = arith.extui %sign3A_2630 : i1 to i32
      %sign3A_2632 = arith.subi %sign3A_2628, %sign3A_2631 : i32
      %ne3A_2633 = arith.cmpi ne, %sign3A_2625, %sign3A_2632 : i32
      %rem3A_2634 = arith.remsi %add3A_2616, %jit3A_2617 : i32
      %ne3A_2635 = arith.constant 0 : i32
      %ne3A_2636 = arith.cmpi ne, %rem3A_2634, %ne3A_2635 : i32
      %and3A_2637 = arith.andi %ne3A_2633, %ne3A_2636 : i1
      %sub3A_2638 = arith.constant 1 : i32
      %sub3A_2639 = arith.subi %div3A_2618, %sub3A_2638 : i32
      %select_n3A_2640 = arith.select %and3A_2637, %sub3A_2639, %div3A_2618 : i32
      %mul3A_2641 = arith.constant 16 : i32
      %mul3A_2642 = arith.muli %select_n3A_2640, %mul3A_2641 : i32
      %multiple_of3A_2643 = tpu.assume_multiple %mul3A_2642, 16 : i32
      %get3A_2644 = arith.index_cast %multiple_of3A_2643 : i32 to index
      %get3A_2645 = tpu.vector_load %arg5[%get3A_2644] {strides = array<i32>} : memref<512xi32, #tpu.memory_space<vmem>>, vector<16xi32>,
      %jit3A_2646 = arith.constant 16 : i32
      %eq3A_2647 = arith.constant 0 : i32
      %eq3A_2648 = arith.cmpi eq, %jit3A_2646, %eq3A_2647 : i32
      %jit3A_2649 = arith.constant 1 : i32
      %select_n3A_2650 = arith.select %eq3A_2648, %jit3A_2649, %jit3A_2646 : i32
      %rem3A_2651 = arith.remsi %add3A_2616, %select_n3A_2650 : i32
      %ne3A_2652 = arith.constant 0 : i32
      %ne3A_2653 = arith.cmpi ne, %rem3A_2651, %ne3A_2652 : i32
      %lt3A_2654 = arith.constant 0 : i32
      %lt3A_2655 = arith.cmpi slt, %rem3A_2651, %lt3A_2654 : i32
      %lt3A_2656 = arith.constant 0 : i32
      %lt3A_2657 = arith.cmpi slt, %select_n3A_2650, %lt3A_2656 : i32
      %ne3A_2658 = arith.xori %lt3A_2655, %lt3A_2657 : i1
      %and3A_2659 = arith.andi %ne3A_2658, %ne3A_2653 : i1
      %add3A_2660 = arith.addi %rem3A_2651, %select_n3A_2650 : i32
      %select_n3A_2661 = arith.select %and3A_2659, %add3A_2660, %rem3A_2651 : i32
      %broadcast_in_dim3A_2662 = vector.broadcast %select_n3A_2661 : i32 to vector<16xi32>
      %eq3A_2663 = arith.cmpi eq, %iota3A, %broadcast_in_dim3A_2662 : vector<16xi32>
      %broadcast_in_dim3A_2664 = arith.constant -1 : i32
      %broadcast_in_dim3A_2665 = vector.broadcast %broadcast_in_dim3A_2664 : i32 to vector<16xi32>
      %select_n3A_2666 = arith.select %eq3A_2663, %get3A_2645, %broadcast_in_dim3A_2665 : vector<16xi1>, vector<16xi32>
      %reduce_max3A_2667 = arith.constant true
      %reduce_max3A_2668 = vector.broadcast %reduce_max3A_2667 : i1 to vector<16xi1>
      %reduce_max3A_2669 = arith.constant -2147483648 : i32
      %reduce_max3A_2670 = vector.broadcast %reduce_max3A_2669 : i32 to vector<16xi32>
      %reduce_max3A_2671 = arith.xori %select_n3A_2666, %reduce_max3A_2670 : vector<16xi32>
      %reduce_max3A_2672 = tpu.scan <max>, %reduce_max3A_2671 masked %reduce_max3A_2668 : vector<16xi32>, vector<16xi1> -> vector<16xi32>
      %reduce_max3A_2673 = arith.xori %reduce_max3A_2672, %reduce_max3A_2670 : vector<16xi32>
      %reduce_max3A_2674 = vector.extract %reduce_max3A_2673[15] : i32 from vector<16xi32>
      %jit3A_2675 = arith.constant 128 : i32
      %div3A_2676 = arith.divsi %reduce_max3A_2674, %jit3A_2675 : i32
      %sign3A_2677 = arith.constant 0 : i32
      %sign3A_2678 = arith.cmpi sgt, %reduce_max3A_2674, %sign3A_2677 : i32
      %sign3A_2679 = arith.extui %sign3A_2678 : i1 to i32
      %sign3A_2680 = arith.constant 0 : i32
      %sign3A_2681 = arith.cmpi slt, %reduce_max3A_2674, %sign3A_2680 : i32
      %sign3A_2682 = arith.extui %sign3A_2681 : i1 to i32
      %sign3A_2683 = arith.subi %sign3A_2679, %sign3A_2682 : i32
      %sign3A_2684 = arith.constant 0 : i32
      %sign3A_2685 = arith.cmpi sgt, %jit3A_2675, %sign3A_2684 : i32
      %sign3A_2686 = arith.extui %sign3A_2685 : i1 to i32
      %sign3A_2687 = arith.constant 0 : i32
      %sign3A_2688 = arith.cmpi slt, %jit3A_2675, %sign3A_2687 : i32
      %sign3A_2689 = arith.extui %sign3A_2688 : i1 to i32
      %sign3A_2690 = arith.subi %sign3A_2686, %sign3A_2689 : i32
      %ne3A_2691 = arith.cmpi ne, %sign3A_2683, %sign3A_2690 : i32
      %rem3A_2692 = arith.remsi %reduce_max3A_2674, %jit3A_2675 : i32
      %ne3A_2693 = arith.constant 0 : i32
      %ne3A_2694 = arith.cmpi ne, %rem3A_2692, %ne3A_2693 : i32
      %and3A_2695 = arith.andi %ne3A_2691, %ne3A_2694 : i1
      %sub3A_2696 = arith.constant 1 : i32
      %sub3A_2697 = arith.subi %div3A_2676, %sub3A_2696 : i32
      %select_n3A_2698 = arith.select %and3A_2695, %sub3A_2697, %div3A_2676 : i32
      %mul3A_2699 = arith.constant 128 : i32
      %mul3A_2700 = arith.muli %select_n3A_2698, %mul3A_2699 : i32
      %dma_start3A_2701 = arith.constant 4 : i32
      %dma_start3A_2702 = arith.constant 0 : i32
      %dma_start3A_2703 = arith.constant 0 : i32
      %dma_start3A_2704 = tpu.memref_slice %arg6[%dma_start3A_2701, %dma_start3A_2702, %dma_start3A_2703] : memref<8x64x128xf32, #tpu.memory_space<vmem>> -> memref<1x64x128xf32, #tpu.memory_space<vmem>>
      %dma_start3A_2705 = tpu.memref_squeeze %dma_start3A_2704 : memref<1x64x128xf32, #tpu.memory_space<vmem>> -> memref<64x128xf32, #tpu.memory_space<vmem>>
      %dma_start3A_2706 = arith.constant 0 : i32
      %dma_start3A_2707 = tpu.memref_slice %arg3[%dma_start3A_2706, %mul3A_2700] : memref<64x1000000xf32, #tpu.memory_space<hbm>> -> memref<64x128xf32, #tpu.memory_space<hbm>>
      %dma_start3A_2708 = arith.constant 0 : i32
      %dma_start3A_2709 = arith.constant 0 : i32
      %dma_start3A_2710 = tpu.memref_slice %arg6[%dma_start3A_2701, %dma_start3A_2708, %dma_start3A_2709] : memref<8x64x128xf32, #tpu.memory_space<vmem>> -> memref<1x64x128xf32, #tpu.memory_space<vmem>>
      %dma_start3A_2711 = tpu.memref_squeeze %dma_start3A_2710 : memref<1x64x128xf32, #tpu.memory_space<vmem>> -> memref<64x128xf32, #tpu.memory_space<vmem>>
      %dma_start3A_2712 = arith.constant 0 : i32
      %dma_start3A_2713 = tpu.memref_slice %arg3[%dma_start3A_2712, %mul3A_2700] : memref<64x1000000xf32, #tpu.memory_space<hbm>> -> memref<64x128xf32, #tpu.memory_space<hbm>>
      tpu.enqueue_dma source(%dma_start3A_2713 : memref<64x128xf32, #tpu.memory_space<hbm>>) target(%dma_start3A_2711 : memref<64x128xf32, #tpu.memory_space<vmem>>) target_semaphore(%arg12 : memref<!tpu.dma_semaphore, #tpu.memory_space<semaphore_mem>>)
      %add3A_2714 = arith.constant 5 : i32
      %add3A_2715 = arith.addi %mul3A_1428, %add3A_2714 : i32
      %dma_wait3A_2716 = arith.constant 5 : i32
      %dma_wait3A_2717 = arith.constant 0 : i32
      %dma_wait3A_2718 = arith.constant 0 : i32
      %dma_wait3A_2719 = tpu.memref_slice %arg6[%dma_wait3A_2716, %dma_wait3A_2717, %dma_wait3A_2718] : memref<8x64x128xf32, #tpu.memory_space<vmem>> -> memref<1x64x128xf32, #tpu.memory_space<vmem>>
      %dma_wait3A_2720 = tpu.memref_squeeze %dma_wait3A_2719 : memref<1x64x128xf32, #tpu.memory_space<vmem>> -> memref<64x128xf32, #tpu.memory_space<vmem>>
      %dma_wait3A_2721 = arith.constant 0 : i32
      %dma_wait3A_2722 = arith.constant 0 : i32
      %dma_wait3A_2723 = tpu.memref_slice %arg3[%dma_wait3A_2721, %dma_wait3A_2722] : memref<64x1000000xf32, #tpu.memory_space<hbm>> -> memref<64x128xf32, #tpu.memory_space<hbm>>
      %dma_wait3A_2724 = arith.constant 0 : i32
      %dma_wait3A_2725 = arith.constant 0 : i32
      %dma_wait3A_2726 = tpu.memref_slice %arg6[%dma_wait3A_2716, %dma_wait3A_2724, %dma_wait3A_2725] : memref<8x64x128xf32, #tpu.memory_space<vmem>> -> memref<1x64x128xf32, #tpu.memory_space<vmem>>
      %dma_wait3A_2727 = tpu.memref_squeeze %dma_wait3A_2726 : memref<1x64x128xf32, #tpu.memory_space<vmem>> -> memref<64x128xf32, #tpu.memory_space<vmem>>
      %dma_wait3A_2728 = arith.constant 0 : i32
      %dma_wait3A_2729 = arith.constant 0 : i32
      %dma_wait3A_2730 = tpu.memref_slice %arg3[%dma_wait3A_2728, %dma_wait3A_2729] : memref<64x1000000xf32, #tpu.memory_space<hbm>> -> memref<64x128xf32, #tpu.memory_space<hbm>>
      tpu.wait_dma2 semaphore(%arg13 : memref<!tpu.dma_semaphore, #tpu.memory_space<semaphore_mem>>) src(%dma_wait3A_2730 : memref<64x128xf32, #tpu.memory_space<hbm>>) dst(%dma_wait3A_2727 : memref<64x128xf32, #tpu.memory_space<vmem>>)
      %jit3A_2731 = arith.constant 16 : i32
      %div3A_2732 = arith.divsi %add3A_2715, %jit3A_2731 : i32
      %sign3A_2733 = arith.constant 0 : i32
      %sign3A_2734 = arith.cmpi sgt, %add3A_2715, %sign3A_2733 : i32
      %sign3A_2735 = arith.extui %sign3A_2734 : i1 to i32
      %sign3A_2736 = arith.constant 0 : i32
      %sign3A_2737 = arith.cmpi slt, %add3A_2715, %sign3A_2736 : i32
      %sign3A_2738 = arith.extui %sign3A_2737 : i1 to i32
      %sign3A_2739 = arith.subi %sign3A_2735, %sign3A_2738 : i32
      %sign3A_2740 = arith.constant 0 : i32
      %sign3A_2741 = arith.cmpi sgt, %jit3A_2731, %sign3A_2740 : i32
      %sign3A_2742 = arith.extui %sign3A_2741 : i1 to i32
      %sign3A_2743 = arith.constant 0 : i32
      %sign3A_2744 = arith.cmpi slt, %jit3A_2731, %sign3A_2743 : i32
      %sign3A_2745 = arith.extui %sign3A_2744 : i1 to i32
      %sign3A_2746 = arith.subi %sign3A_2742, %sign3A_2745 : i32
      %ne3A_2747 = arith.cmpi ne, %sign3A_2739, %sign3A_2746 : i32
      %rem3A_2748 = arith.remsi %add3A_2715, %jit3A_2731 : i32
      %ne3A_2749 = arith.constant 0 : i32
      %ne3A_2750 = arith.cmpi ne, %rem3A_2748, %ne3A_2749 : i32
      %and3A_2751 = arith.andi %ne3A_2747, %ne3A_2750 : i1
      %sub3A_2752 = arith.constant 1 : i32
      %sub3A_2753 = arith.subi %div3A_2732, %sub3A_2752 : i32
      %select_n3A_2754 = arith.select %and3A_2751, %sub3A_2753, %div3A_2732 : i32
      %mul3A_2755 = arith.constant 16 : i32
      %mul3A_2756 = arith.muli %select_n3A_2754, %mul3A_2755 : i32
      %multiple_of3A_2757 = tpu.assume_multiple %mul3A_2756, 16 : i32
      %get3A_2758 = arith.index_cast %multiple_of3A_2757 : i32 to index
      %get3A_2759 = tpu.vector_load %arg5[%get3A_2758] {strides = array<i32>} : memref<512xi32, #tpu.memory_space<vmem>>, vector<16xi32>,
      %jit3A_2760 = arith.constant 16 : i32
      %eq3A_2761 = arith.constant 0 : i32
      %eq3A_2762 = arith.cmpi eq, %jit3A_2760, %eq3A_2761 : i32
      %jit3A_2763 = arith.constant 1 : i32
      %select_n3A_2764 = arith.select %eq3A_2762, %jit3A_2763, %jit3A_2760 : i32
      %rem3A_2765 = arith.remsi %add3A_2715, %select_n3A_2764 : i32
      %ne3A_2766 = arith.constant 0 : i32
      %ne3A_2767 = arith.cmpi ne, %rem3A_2765, %ne3A_2766 : i32
      %lt3A_2768 = arith.constant 0 : i32
      %lt3A_2769 = arith.cmpi slt, %rem3A_2765, %lt3A_2768 : i32
      %lt3A_2770 = arith.constant 0 : i32
      %lt3A_2771 = arith.cmpi slt, %select_n3A_2764, %lt3A_2770 : i32
      %ne3A_2772 = arith.xori %lt3A_2769, %lt3A_2771 : i1
      %and3A_2773 = arith.andi %ne3A_2772, %ne3A_2767 : i1
      %add3A_2774 = arith.addi %rem3A_2765, %select_n3A_2764 : i32
      %select_n3A_2775 = arith.select %and3A_2773, %add3A_2774, %rem3A_2765 : i32
      %broadcast_in_dim3A_2776 = vector.broadcast %select_n3A_2775 : i32 to vector<16xi32>
      %eq3A_2777 = arith.cmpi eq, %iota3A, %broadcast_in_dim3A_2776 : vector<16xi32>
      %broadcast_in_dim3A_2778 = arith.constant -1 : i32
      %broadcast_in_dim3A_2779 = vector.broadcast %broadcast_in_dim3A_2778 : i32 to vector<16xi32>
      %select_n3A_2780 = arith.select %eq3A_2777, %get3A_2759, %broadcast_in_dim3A_2779 : vector<16xi1>, vector<16xi32>
      %reduce_max3A_2781 = arith.constant true
      %reduce_max3A_2782 = vector.broadcast %reduce_max3A_2781 : i1 to vector<16xi1>
      %reduce_max3A_2783 = arith.constant -2147483648 : i32
      %reduce_max3A_2784 = vector.broadcast %reduce_max3A_2783 : i32 to vector<16xi32>
      %reduce_max3A_2785 = arith.xori %select_n3A_2780, %reduce_max3A_2784 : vector<16xi32>
      %reduce_max3A_2786 = tpu.scan <max>, %reduce_max3A_2785 masked %reduce_max3A_2782 : vector<16xi32>, vector<16xi1> -> vector<16xi32>
      %reduce_max3A_2787 = arith.xori %reduce_max3A_2786, %reduce_max3A_2784 : vector<16xi32>
      %reduce_max3A_2788 = vector.extract %reduce_max3A_2787[15] : i32 from vector<16xi32>
      %jit3A_2789 = arith.constant 128 : i32
      %eq3A_2790 = arith.constant 0 : i32
      %eq3A_2791 = arith.cmpi eq, %jit3A_2789, %eq3A_2790 : i32
      %jit3A_2792 = arith.constant 1 : i32
      %select_n3A_2793 = arith.select %eq3A_2791, %jit3A_2792, %jit3A_2789 : i32
      %rem3A_2794 = arith.remsi %reduce_max3A_2788, %select_n3A_2793 : i32
      %ne3A_2795 = arith.constant 0 : i32
      %ne3A_2796 = arith.cmpi ne, %rem3A_2794, %ne3A_2795 : i32
      %lt3A_2797 = arith.constant 0 : i32
      %lt3A_2798 = arith.cmpi slt, %rem3A_2794, %lt3A_2797 : i32
      %lt3A_2799 = arith.constant 0 : i32
      %lt3A_2800 = arith.cmpi slt, %select_n3A_2793, %lt3A_2799 : i32
      %ne3A_2801 = arith.xori %lt3A_2798, %lt3A_2800 : i1
      %and3A_2802 = arith.andi %ne3A_2801, %ne3A_2796 : i1
      %add3A_2803 = arith.addi %rem3A_2794, %select_n3A_2793 : i32
      %select_n3A_2804 = arith.select %and3A_2802, %add3A_2803, %rem3A_2794 : i32
      %broadcast_in_dim3A_2805 = vector.broadcast %select_n3A_2804 : i32 to vector<16xi32>
      %iota3A_2806 = tpu.iota {dimensions = array<i32: 0>} : vector<16xi32>
      %add3A_2807 = arith.constant 0 : i32
      %add3A_2808 = vector.broadcast %add3A_2807 : i32 to vector<16xi32>
      %add3A_2809 = arith.addi %iota3A_2806, %add3A_2808 : vector<16xi32>
      %gather3A_2810 = arith.constant 5 : i32
      %gather3A_2811 = arith.constant 0 : i32
      %gather3A_2812 = arith.constant 0 : i32
      %gather3A_2813 = tpu.memref_slice %arg6[%gather3A_2810, %gather3A_2811, %gather3A_2812] : memref<8x64x128xf32, #tpu.memory_space<vmem>> -> memref<1x64x128xf32, #tpu.memory_space<vmem>>
      %gather3A_2814 = tpu.memref_squeeze %gather3A_2813 : memref<1x64x128xf32, #tpu.memory_space<vmem>> -> memref<64x128xf32, #tpu.memory_space<vmem>>
      %gather3A_2815 = tpu.vector_load_idx %gather3A_2814[%add3A_2809, %broadcast_in_dim3A_2805] : memref<64x128xf32, #tpu.memory_space<vmem>>[vector<16xi32>, vector<16xi32>], vector<16xf32>,
      %mul3A_2816 = arith.constant 64 : i32
      %mul3A_2817 = arith.muli %add3A_2715, %mul3A_2816 : i32
      %add3A_2818 = arith.constant 0 : i32
      %add3A_2819 = arith.addi %mul3A_2817, %add3A_2818 : i32
      %swap3A_2820 = arith.index_cast %add3A_2819 : i32 to index
      %swap3A_2821 = tpu.vector_load %arg7[%swap3A_2820] {strides = array<i32>} : memref<32768xf32, #tpu.memory_space<vmem>>, vector<16xf32>,
      tpu.vector_store %arg7[%swap3A_2820], %gather3A_2815 {strides = array<i32>} : memref<32768xf32, #tpu.memory_space<vmem>>, vector<16xf32>,
      %iota3A_2822 = tpu.iota {dimensions = array<i32: 0>} : vector<16xi32>
      %add3A_2823 = arith.constant 16 : i32
      %add3A_2824 = vector.broadcast %add3A_2823 : i32 to vector<16xi32>
      %add3A_2825 = arith.addi %iota3A_2822, %add3A_2824 : vector<16xi32>
      %gather3A_2826 = arith.constant 5 : i32
      %gather3A_2827 = arith.constant 0 : i32
      %gather3A_2828 = arith.constant 0 : i32
      %gather3A_2829 = tpu.memref_slice %arg6[%gather3A_2826, %gather3A_2827, %gather3A_2828] : memref<8x64x128xf32, #tpu.memory_space<vmem>> -> memref<1x64x128xf32, #tpu.memory_space<vmem>>
      %gather3A_2830 = tpu.memref_squeeze %gather3A_2829 : memref<1x64x128xf32, #tpu.memory_space<vmem>> -> memref<64x128xf32, #tpu.memory_space<vmem>>
      %gather3A_2831 = tpu.vector_load_idx %gather3A_2830[%add3A_2825, %broadcast_in_dim3A_2805] : memref<64x128xf32, #tpu.memory_space<vmem>>[vector<16xi32>, vector<16xi32>], vector<16xf32>,
      %mul3A_2832 = arith.constant 64 : i32
      %mul3A_2833 = arith.muli %add3A_2715, %mul3A_2832 : i32
      %add3A_2834 = arith.constant 16 : i32
      %add3A_2835 = arith.addi %mul3A_2833, %add3A_2834 : i32
      %swap3A_2836 = arith.index_cast %add3A_2835 : i32 to index
      %swap3A_2837 = tpu.vector_load %arg7[%swap3A_2836] {strides = array<i32>} : memref<32768xf32, #tpu.memory_space<vmem>>, vector<16xf32>,
      tpu.vector_store %arg7[%swap3A_2836], %gather3A_2831 {strides = array<i32>} : memref<32768xf32, #tpu.memory_space<vmem>>, vector<16xf32>,
      %iota3A_2838 = tpu.iota {dimensions = array<i32: 0>} : vector<16xi32>
      %add3A_2839 = arith.constant 32 : i32
      %add3A_2840 = vector.broadcast %add3A_2839 : i32 to vector<16xi32>
      %add3A_2841 = arith.addi %iota3A_2838, %add3A_2840 : vector<16xi32>
      %gather3A_2842 = arith.constant 5 : i32
      %gather3A_2843 = arith.constant 0 : i32
      %gather3A_2844 = arith.constant 0 : i32
      %gather3A_2845 = tpu.memref_slice %arg6[%gather3A_2842, %gather3A_2843, %gather3A_2844] : memref<8x64x128xf32, #tpu.memory_space<vmem>> -> memref<1x64x128xf32, #tpu.memory_space<vmem>>
      %gather3A_2846 = tpu.memref_squeeze %gather3A_2845 : memref<1x64x128xf32, #tpu.memory_space<vmem>> -> memref<64x128xf32, #tpu.memory_space<vmem>>
      %gather3A_2847 = tpu.vector_load_idx %gather3A_2846[%add3A_2841, %broadcast_in_dim3A_2805] : memref<64x128xf32, #tpu.memory_space<vmem>>[vector<16xi32>, vector<16xi32>], vector<16xf32>,
      %mul3A_2848 = arith.constant 64 : i32
      %mul3A_2849 = arith.muli %add3A_2715, %mul3A_2848 : i32
      %add3A_2850 = arith.constant 32 : i32
      %add3A_2851 = arith.addi %mul3A_2849, %add3A_2850 : i32
      %swap3A_2852 = arith.index_cast %add3A_2851 : i32 to index
      %swap3A_2853 = tpu.vector_load %arg7[%swap3A_2852] {strides = array<i32>} : memref<32768xf32, #tpu.memory_space<vmem>>, vector<16xf32>,
      tpu.vector_store %arg7[%swap3A_2852], %gather3A_2847 {strides = array<i32>} : memref<32768xf32, #tpu.memory_space<vmem>>, vector<16xf32>,
      %iota3A_2854 = tpu.iota {dimensions = array<i32: 0>} : vector<16xi32>
      %add3A_2855 = arith.constant 48 : i32
      %add3A_2856 = vector.broadcast %add3A_2855 : i32 to vector<16xi32>
      %add3A_2857 = arith.addi %iota3A_2854, %add3A_2856 : vector<16xi32>
      %gather3A_2858 = arith.constant 5 : i32
      %gather3A_2859 = arith.constant 0 : i32
      %gather3A_2860 = arith.constant 0 : i32
      %gather3A_2861 = tpu.memref_slice %arg6[%gather3A_2858, %gather3A_2859, %gather3A_2860] : memref<8x64x128xf32, #tpu.memory_space<vmem>> -> memref<1x64x128xf32, #tpu.memory_space<vmem>>
      %gather3A_2862 = tpu.memref_squeeze %gather3A_2861 : memref<1x64x128xf32, #tpu.memory_space<vmem>> -> memref<64x128xf32, #tpu.memory_space<vmem>>
      %gather3A_2863 = tpu.vector_load_idx %gather3A_2862[%add3A_2857, %broadcast_in_dim3A_2805] : memref<64x128xf32, #tpu.memory_space<vmem>>[vector<16xi32>, vector<16xi32>], vector<16xf32>,
      %mul3A_2864 = arith.constant 64 : i32
      %mul3A_2865 = arith.muli %add3A_2715, %mul3A_2864 : i32
      %add3A_2866 = arith.constant 48 : i32
      %add3A_2867 = arith.addi %mul3A_2865, %add3A_2866 : i32
      %swap3A_2868 = arith.index_cast %add3A_2867 : i32 to index
      %swap3A_2869 = tpu.vector_load %arg7[%swap3A_2868] {strides = array<i32>} : memref<32768xf32, #tpu.memory_space<vmem>>, vector<16xf32>,
      tpu.vector_store %arg7[%swap3A_2868], %gather3A_2863 {strides = array<i32>} : memref<32768xf32, #tpu.memory_space<vmem>>, vector<16xf32>,
      %add3A_2870 = arith.constant 5 : i32
      %add3A_2871 = arith.addi %mul3A_1428, %add3A_2870 : i32
      %add3A_2872 = arith.constant 8 : i32
      %add3A_2873 = arith.addi %add3A_2871, %add3A_2872 : i32
      %jit3A_2874 = arith.constant 16 : i32
      %div3A_2875 = arith.divsi %add3A_2873, %jit3A_2874 : i32
      %sign3A_2876 = arith.constant 0 : i32
      %sign3A_2877 = arith.cmpi sgt, %add3A_2873, %sign3A_2876 : i32
      %sign3A_2878 = arith.extui %sign3A_2877 : i1 to i32
      %sign3A_2879 = arith.constant 0 : i32
      %sign3A_2880 = arith.cmpi slt, %add3A_2873, %sign3A_2879 : i32
      %sign3A_2881 = arith.extui %sign3A_2880 : i1 to i32
      %sign3A_2882 = arith.subi %sign3A_2878, %sign3A_2881 : i32
      %sign3A_2883 = arith.constant 0 : i32
      %sign3A_2884 = arith.cmpi sgt, %jit3A_2874, %sign3A_2883 : i32
      %sign3A_2885 = arith.extui %sign3A_2884 : i1 to i32
      %sign3A_2886 = arith.constant 0 : i32
      %sign3A_2887 = arith.cmpi slt, %jit3A_2874, %sign3A_2886 : i32
      %sign3A_2888 = arith.extui %sign3A_2887 : i1 to i32
      %sign3A_2889 = arith.subi %sign3A_2885, %sign3A_2888 : i32
      %ne3A_2890 = arith.cmpi ne, %sign3A_2882, %sign3A_2889 : i32
      %rem3A_2891 = arith.remsi %add3A_2873, %jit3A_2874 : i32
      %ne3A_2892 = arith.constant 0 : i32
      %ne3A_2893 = arith.cmpi ne, %rem3A_2891, %ne3A_2892 : i32
      %and3A_2894 = arith.andi %ne3A_2890, %ne3A_2893 : i1
      %sub3A_2895 = arith.constant 1 : i32
      %sub3A_2896 = arith.subi %div3A_2875, %sub3A_2895 : i32
      %select_n3A_2897 = arith.select %and3A_2894, %sub3A_2896, %div3A_2875 : i32
      %mul3A_2898 = arith.constant 16 : i32
      %mul3A_2899 = arith.muli %select_n3A_2897, %mul3A_2898 : i32
      %multiple_of3A_2900 = tpu.assume_multiple %mul3A_2899, 16 : i32
      %get3A_2901 = arith.index_cast %multiple_of3A_2900 : i32 to index
      %get3A_2902 = tpu.vector_load %arg5[%get3A_2901] {strides = array<i32>} : memref<512xi32, #tpu.memory_space<vmem>>, vector<16xi32>,
      %jit3A_2903 = arith.constant 16 : i32
      %eq3A_2904 = arith.constant 0 : i32
      %eq3A_2905 = arith.cmpi eq, %jit3A_2903, %eq3A_2904 : i32
      %jit3A_2906 = arith.constant 1 : i32
      %select_n3A_2907 = arith.select %eq3A_2905, %jit3A_2906, %jit3A_2903 : i32
      %rem3A_2908 = arith.remsi %add3A_2873, %select_n3A_2907 : i32
      %ne3A_2909 = arith.constant 0 : i32
      %ne3A_2910 = arith.cmpi ne, %rem3A_2908, %ne3A_2909 : i32
      %lt3A_2911 = arith.constant 0 : i32
      %lt3A_2912 = arith.cmpi slt, %rem3A_2908, %lt3A_2911 : i32
      %lt3A_2913 = arith.constant 0 : i32
      %lt3A_2914 = arith.cmpi slt, %select_n3A_2907, %lt3A_2913 : i32
      %ne3A_2915 = arith.xori %lt3A_2912, %lt3A_2914 : i1
      %and3A_2916 = arith.andi %ne3A_2915, %ne3A_2910 : i1
      %add3A_2917 = arith.addi %rem3A_2908, %select_n3A_2907 : i32
      %select_n3A_2918 = arith.select %and3A_2916, %add3A_2917, %rem3A_2908 : i32
      %broadcast_in_dim3A_2919 = vector.broadcast %select_n3A_2918 : i32 to vector<16xi32>
      %eq3A_2920 = arith.cmpi eq, %iota3A, %broadcast_in_dim3A_2919 : vector<16xi32>
      %broadcast_in_dim3A_2921 = arith.constant -1 : i32
      %broadcast_in_dim3A_2922 = vector.broadcast %broadcast_in_dim3A_2921 : i32 to vector<16xi32>
      %select_n3A_2923 = arith.select %eq3A_2920, %get3A_2902, %broadcast_in_dim3A_2922 : vector<16xi1>, vector<16xi32>
      %reduce_max3A_2924 = arith.constant true
      %reduce_max3A_2925 = vector.broadcast %reduce_max3A_2924 : i1 to vector<16xi1>
      %reduce_max3A_2926 = arith.constant -2147483648 : i32
      %reduce_max3A_2927 = vector.broadcast %reduce_max3A_2926 : i32 to vector<16xi32>
      %reduce_max3A_2928 = arith.xori %select_n3A_2923, %reduce_max3A_2927 : vector<16xi32>
      %reduce_max3A_2929 = tpu.scan <max>, %reduce_max3A_2928 masked %reduce_max3A_2925 : vector<16xi32>, vector<16xi1> -> vector<16xi32>
      %reduce_max3A_2930 = arith.xori %reduce_max3A_2929, %reduce_max3A_2927 : vector<16xi32>
      %reduce_max3A_2931 = vector.extract %reduce_max3A_2930[15] : i32 from vector<16xi32>
      %jit3A_2932 = arith.constant 128 : i32
      %div3A_2933 = arith.divsi %reduce_max3A_2931, %jit3A_2932 : i32
      %sign3A_2934 = arith.constant 0 : i32
      %sign3A_2935 = arith.cmpi sgt, %reduce_max3A_2931, %sign3A_2934 : i32
      %sign3A_2936 = arith.extui %sign3A_2935 : i1 to i32
      %sign3A_2937 = arith.constant 0 : i32
      %sign3A_2938 = arith.cmpi slt, %reduce_max3A_2931, %sign3A_2937 : i32
      %sign3A_2939 = arith.extui %sign3A_2938 : i1 to i32
      %sign3A_2940 = arith.subi %sign3A_2936, %sign3A_2939 : i32
      %sign3A_2941 = arith.constant 0 : i32
      %sign3A_2942 = arith.cmpi sgt, %jit3A_2932, %sign3A_2941 : i32
      %sign3A_2943 = arith.extui %sign3A_2942 : i1 to i32
      %sign3A_2944 = arith.constant 0 : i32
      %sign3A_2945 = arith.cmpi slt, %jit3A_2932, %sign3A_2944 : i32
      %sign3A_2946 = arith.extui %sign3A_2945 : i1 to i32
      %sign3A_2947 = arith.subi %sign3A_2943, %sign3A_2946 : i32
      %ne3A_2948 = arith.cmpi ne, %sign3A_2940, %sign3A_2947 : i32
      %rem3A_2949 = arith.remsi %reduce_max3A_2931, %jit3A_2932 : i32
      %ne3A_2950 = arith.constant 0 : i32
      %ne3A_2951 = arith.cmpi ne, %rem3A_2949, %ne3A_2950 : i32
      %and3A_2952 = arith.andi %ne3A_2948, %ne3A_2951 : i1
      %sub3A_2953 = arith.constant 1 : i32
      %sub3A_2954 = arith.subi %div3A_2933, %sub3A_2953 : i32
      %select_n3A_2955 = arith.select %and3A_2952, %sub3A_2954, %div3A_2933 : i32
      %mul3A_2956 = arith.constant 128 : i32
      %mul3A_2957 = arith.muli %select_n3A_2955, %mul3A_2956 : i32
      %dma_start3A_2958 = arith.constant 5 : i32
      %dma_start3A_2959 = arith.constant 0 : i32
      %dma_start3A_2960 = arith.constant 0 : i32
      %dma_start3A_2961 = tpu.memref_slice %arg6[%dma_start3A_2958, %dma_start3A_2959, %dma_start3A_2960] : memref<8x64x128xf32, #tpu.memory_space<vmem>> -> memref<1x64x128xf32, #tpu.memory_space<vmem>>
      %dma_start3A_2962 = tpu.memref_squeeze %dma_start3A_2961 : memref<1x64x128xf32, #tpu.memory_space<vmem>> -> memref<64x128xf32, #tpu.memory_space<vmem>>
      %dma_start3A_2963 = arith.constant 0 : i32
      %dma_start3A_2964 = tpu.memref_slice %arg3[%dma_start3A_2963, %mul3A_2957] : memref<64x1000000xf32, #tpu.memory_space<hbm>> -> memref<64x128xf32, #tpu.memory_space<hbm>>
      %dma_start3A_2965 = arith.constant 0 : i32
      %dma_start3A_2966 = arith.constant 0 : i32
      %dma_start3A_2967 = tpu.memref_slice %arg6[%dma_start3A_2958, %dma_start3A_2965, %dma_start3A_2966] : memref<8x64x128xf32, #tpu.memory_space<vmem>> -> memref<1x64x128xf32, #tpu.memory_space<vmem>>
      %dma_start3A_2968 = tpu.memref_squeeze %dma_start3A_2967 : memref<1x64x128xf32, #tpu.memory_space<vmem>> -> memref<64x128xf32, #tpu.memory_space<vmem>>
      %dma_start3A_2969 = arith.constant 0 : i32
      %dma_start3A_2970 = tpu.memref_slice %arg3[%dma_start3A_2969, %mul3A_2957] : memref<64x1000000xf32, #tpu.memory_space<hbm>> -> memref<64x128xf32, #tpu.memory_space<hbm>>
      tpu.enqueue_dma source(%dma_start3A_2970 : memref<64x128xf32, #tpu.memory_space<hbm>>) target(%dma_start3A_2968 : memref<64x128xf32, #tpu.memory_space<vmem>>) target_semaphore(%arg13 : memref<!tpu.dma_semaphore, #tpu.memory_space<semaphore_mem>>)
      %add3A_2971 = arith.constant 6 : i32
      %add3A_2972 = arith.addi %mul3A_1428, %add3A_2971 : i32
      %dma_wait3A_2973 = arith.constant 6 : i32
      %dma_wait3A_2974 = arith.constant 0 : i32
      %dma_wait3A_2975 = arith.constant 0 : i32
      %dma_wait3A_2976 = tpu.memref_slice %arg6[%dma_wait3A_2973, %dma_wait3A_2974, %dma_wait3A_2975] : memref<8x64x128xf32, #tpu.memory_space<vmem>> -> memref<1x64x128xf32, #tpu.memory_space<vmem>>
      %dma_wait3A_2977 = tpu.memref_squeeze %dma_wait3A_2976 : memref<1x64x128xf32, #tpu.memory_space<vmem>> -> memref<64x128xf32, #tpu.memory_space<vmem>>
      %dma_wait3A_2978 = arith.constant 0 : i32
      %dma_wait3A_2979 = arith.constant 0 : i32
      %dma_wait3A_2980 = tpu.memref_slice %arg3[%dma_wait3A_2978, %dma_wait3A_2979] : memref<64x1000000xf32, #tpu.memory_space<hbm>> -> memref<64x128xf32, #tpu.memory_space<hbm>>
      %dma_wait3A_2981 = arith.constant 0 : i32
      %dma_wait3A_2982 = arith.constant 0 : i32
      %dma_wait3A_2983 = tpu.memref_slice %arg6[%dma_wait3A_2973, %dma_wait3A_2981, %dma_wait3A_2982] : memref<8x64x128xf32, #tpu.memory_space<vmem>> -> memref<1x64x128xf32, #tpu.memory_space<vmem>>
      %dma_wait3A_2984 = tpu.memref_squeeze %dma_wait3A_2983 : memref<1x64x128xf32, #tpu.memory_space<vmem>> -> memref<64x128xf32, #tpu.memory_space<vmem>>
      %dma_wait3A_2985 = arith.constant 0 : i32
      %dma_wait3A_2986 = arith.constant 0 : i32
      %dma_wait3A_2987 = tpu.memref_slice %arg3[%dma_wait3A_2985, %dma_wait3A_2986] : memref<64x1000000xf32, #tpu.memory_space<hbm>> -> memref<64x128xf32, #tpu.memory_space<hbm>>
      tpu.wait_dma2 semaphore(%arg14 : memref<!tpu.dma_semaphore, #tpu.memory_space<semaphore_mem>>) src(%dma_wait3A_2987 : memref<64x128xf32, #tpu.memory_space<hbm>>) dst(%dma_wait3A_2984 : memref<64x128xf32, #tpu.memory_space<vmem>>)
      %jit3A_2988 = arith.constant 16 : i32
      %div3A_2989 = arith.divsi %add3A_2972, %jit3A_2988 : i32
      %sign3A_2990 = arith.constant 0 : i32
      %sign3A_2991 = arith.cmpi sgt, %add3A_2972, %sign3A_2990 : i32
      %sign3A_2992 = arith.extui %sign3A_2991 : i1 to i32
      %sign3A_2993 = arith.constant 0 : i32
      %sign3A_2994 = arith.cmpi slt, %add3A_2972, %sign3A_2993 : i32
      %sign3A_2995 = arith.extui %sign3A_2994 : i1 to i32
      %sign3A_2996 = arith.subi %sign3A_2992, %sign3A_2995 : i32
      %sign3A_2997 = arith.constant 0 : i32
      %sign3A_2998 = arith.cmpi sgt, %jit3A_2988, %sign3A_2997 : i32
      %sign3A_2999 = arith.extui %sign3A_2998 : i1 to i32
      %sign3A_3000 = arith.constant 0 : i32
      %sign3A_3001 = arith.cmpi slt, %jit3A_2988, %sign3A_3000 : i32
      %sign3A_3002 = arith.extui %sign3A_3001 : i1 to i32
      %sign3A_3003 = arith.subi %sign3A_2999, %sign3A_3002 : i32
      %ne3A_3004 = arith.cmpi ne, %sign3A_2996, %sign3A_3003 : i32
      %rem3A_3005 = arith.remsi %add3A_2972, %jit3A_2988 : i32
      %ne3A_3006 = arith.constant 0 : i32
      %ne3A_3007 = arith.cmpi ne, %rem3A_3005, %ne3A_3006 : i32
      %and3A_3008 = arith.andi %ne3A_3004, %ne3A_3007 : i1
      %sub3A_3009 = arith.constant 1 : i32
      %sub3A_3010 = arith.subi %div3A_2989, %sub3A_3009 : i32
      %select_n3A_3011 = arith.select %and3A_3008, %sub3A_3010, %div3A_2989 : i32
      %mul3A_3012 = arith.constant 16 : i32
      %mul3A_3013 = arith.muli %select_n3A_3011, %mul3A_3012 : i32
      %multiple_of3A_3014 = tpu.assume_multiple %mul3A_3013, 16 : i32
      %get3A_3015 = arith.index_cast %multiple_of3A_3014 : i32 to index
      %get3A_3016 = tpu.vector_load %arg5[%get3A_3015] {strides = array<i32>} : memref<512xi32, #tpu.memory_space<vmem>>, vector<16xi32>,
      %jit3A_3017 = arith.constant 16 : i32
      %eq3A_3018 = arith.constant 0 : i32
      %eq3A_3019 = arith.cmpi eq, %jit3A_3017, %eq3A_3018 : i32
      %jit3A_3020 = arith.constant 1 : i32
      %select_n3A_3021 = arith.select %eq3A_3019, %jit3A_3020, %jit3A_3017 : i32
      %rem3A_3022 = arith.remsi %add3A_2972, %select_n3A_3021 : i32
      %ne3A_3023 = arith.constant 0 : i32
      %ne3A_3024 = arith.cmpi ne, %rem3A_3022, %ne3A_3023 : i32
      %lt3A_3025 = arith.constant 0 : i32
      %lt3A_3026 = arith.cmpi slt, %rem3A_3022, %lt3A_3025 : i32
      %lt3A_3027 = arith.constant 0 : i32
      %lt3A_3028 = arith.cmpi slt, %select_n3A_3021, %lt3A_3027 : i32
      %ne3A_3029 = arith.xori %lt3A_3026, %lt3A_3028 : i1
      %and3A_3030 = arith.andi %ne3A_3029, %ne3A_3024 : i1
      %add3A_3031 = arith.addi %rem3A_3022, %select_n3A_3021 : i32
      %select_n3A_3032 = arith.select %and3A_3030, %add3A_3031, %rem3A_3022 : i32
      %broadcast_in_dim3A_3033 = vector.broadcast %select_n3A_3032 : i32 to vector<16xi32>
      %eq3A_3034 = arith.cmpi eq, %iota3A, %broadcast_in_dim3A_3033 : vector<16xi32>
      %broadcast_in_dim3A_3035 = arith.constant -1 : i32
      %broadcast_in_dim3A_3036 = vector.broadcast %broadcast_in_dim3A_3035 : i32 to vector<16xi32>
      %select_n3A_3037 = arith.select %eq3A_3034, %get3A_3016, %broadcast_in_dim3A_3036 : vector<16xi1>, vector<16xi32>
      %reduce_max3A_3038 = arith.constant true
      %reduce_max3A_3039 = vector.broadcast %reduce_max3A_3038 : i1 to vector<16xi1>
      %reduce_max3A_3040 = arith.constant -2147483648 : i32
      %reduce_max3A_3041 = vector.broadcast %reduce_max3A_3040 : i32 to vector<16xi32>
      %reduce_max3A_3042 = arith.xori %select_n3A_3037, %reduce_max3A_3041 : vector<16xi32>
      %reduce_max3A_3043 = tpu.scan <max>, %reduce_max3A_3042 masked %reduce_max3A_3039 : vector<16xi32>, vector<16xi1> -> vector<16xi32>
      %reduce_max3A_3044 = arith.xori %reduce_max3A_3043, %reduce_max3A_3041 : vector<16xi32>
      %reduce_max3A_3045 = vector.extract %reduce_max3A_3044[15] : i32 from vector<16xi32>
      %jit3A_3046 = arith.constant 128 : i32
      %eq3A_3047 = arith.constant 0 : i32
      %eq3A_3048 = arith.cmpi eq, %jit3A_3046, %eq3A_3047 : i32
      %jit3A_3049 = arith.constant 1 : i32
      %select_n3A_3050 = arith.select %eq3A_3048, %jit3A_3049, %jit3A_3046 : i32
      %rem3A_3051 = arith.remsi %reduce_max3A_3045, %select_n3A_3050 : i32
      %ne3A_3052 = arith.constant 0 : i32
      %ne3A_3053 = arith.cmpi ne, %rem3A_3051, %ne3A_3052 : i32
      %lt3A_3054 = arith.constant 0 : i32
      %lt3A_3055 = arith.cmpi slt, %rem3A_3051, %lt3A_3054 : i32
      %lt3A_3056 = arith.constant 0 : i32
      %lt3A_3057 = arith.cmpi slt, %select_n3A_3050, %lt3A_3056 : i32
      %ne3A_3058 = arith.xori %lt3A_3055, %lt3A_3057 : i1
      %and3A_3059 = arith.andi %ne3A_3058, %ne3A_3053 : i1
      %add3A_3060 = arith.addi %rem3A_3051, %select_n3A_3050 : i32
      %select_n3A_3061 = arith.select %and3A_3059, %add3A_3060, %rem3A_3051 : i32
      %broadcast_in_dim3A_3062 = vector.broadcast %select_n3A_3061 : i32 to vector<16xi32>
      %iota3A_3063 = tpu.iota {dimensions = array<i32: 0>} : vector<16xi32>
      %add3A_3064 = arith.constant 0 : i32
      %add3A_3065 = vector.broadcast %add3A_3064 : i32 to vector<16xi32>
      %add3A_3066 = arith.addi %iota3A_3063, %add3A_3065 : vector<16xi32>
      %gather3A_3067 = arith.constant 6 : i32
      %gather3A_3068 = arith.constant 0 : i32
      %gather3A_3069 = arith.constant 0 : i32
      %gather3A_3070 = tpu.memref_slice %arg6[%gather3A_3067, %gather3A_3068, %gather3A_3069] : memref<8x64x128xf32, #tpu.memory_space<vmem>> -> memref<1x64x128xf32, #tpu.memory_space<vmem>>
      %gather3A_3071 = tpu.memref_squeeze %gather3A_3070 : memref<1x64x128xf32, #tpu.memory_space<vmem>> -> memref<64x128xf32, #tpu.memory_space<vmem>>
      %gather3A_3072 = tpu.vector_load_idx %gather3A_3071[%add3A_3066, %broadcast_in_dim3A_3062] : memref<64x128xf32, #tpu.memory_space<vmem>>[vector<16xi32>, vector<16xi32>], vector<16xf32>,
      %mul3A_3073 = arith.constant 64 : i32
      %mul3A_3074 = arith.muli %add3A_2972, %mul3A_3073 : i32
      %add3A_3075 = arith.constant 0 : i32
      %add3A_3076 = arith.addi %mul3A_3074, %add3A_3075 : i32
      %swap3A_3077 = arith.index_cast %add3A_3076 : i32 to index
      %swap3A_3078 = tpu.vector_load %arg7[%swap3A_3077] {strides = array<i32>} : memref<32768xf32, #tpu.memory_space<vmem>>, vector<16xf32>,
      tpu.vector_store %arg7[%swap3A_3077], %gather3A_3072 {strides = array<i32>} : memref<32768xf32, #tpu.memory_space<vmem>>, vector<16xf32>,
      %iota3A_3079 = tpu.iota {dimensions = array<i32: 0>} : vector<16xi32>
      %add3A_3080 = arith.constant 16 : i32
      %add3A_3081 = vector.broadcast %add3A_3080 : i32 to vector<16xi32>
      %add3A_3082 = arith.addi %iota3A_3079, %add3A_3081 : vector<16xi32>
      %gather3A_3083 = arith.constant 6 : i32
      %gather3A_3084 = arith.constant 0 : i32
      %gather3A_3085 = arith.constant 0 : i32
      %gather3A_3086 = tpu.memref_slice %arg6[%gather3A_3083, %gather3A_3084, %gather3A_3085] : memref<8x64x128xf32, #tpu.memory_space<vmem>> -> memref<1x64x128xf32, #tpu.memory_space<vmem>>
      %gather3A_3087 = tpu.memref_squeeze %gather3A_3086 : memref<1x64x128xf32, #tpu.memory_space<vmem>> -> memref<64x128xf32, #tpu.memory_space<vmem>>
      %gather3A_3088 = tpu.vector_load_idx %gather3A_3087[%add3A_3082, %broadcast_in_dim3A_3062] : memref<64x128xf32, #tpu.memory_space<vmem>>[vector<16xi32>, vector<16xi32>], vector<16xf32>,
      %mul3A_3089 = arith.constant 64 : i32
      %mul3A_3090 = arith.muli %add3A_2972, %mul3A_3089 : i32
      %add3A_3091 = arith.constant 16 : i32
      %add3A_3092 = arith.addi %mul3A_3090, %add3A_3091 : i32
      %swap3A_3093 = arith.index_cast %add3A_3092 : i32 to index
      %swap3A_3094 = tpu.vector_load %arg7[%swap3A_3093] {strides = array<i32>} : memref<32768xf32, #tpu.memory_space<vmem>>, vector<16xf32>,
      tpu.vector_store %arg7[%swap3A_3093], %gather3A_3088 {strides = array<i32>} : memref<32768xf32, #tpu.memory_space<vmem>>, vector<16xf32>,
      %iota3A_3095 = tpu.iota {dimensions = array<i32: 0>} : vector<16xi32>
      %add3A_3096 = arith.constant 32 : i32
      %add3A_3097 = vector.broadcast %add3A_3096 : i32 to vector<16xi32>
      %add3A_3098 = arith.addi %iota3A_3095, %add3A_3097 : vector<16xi32>
      %gather3A_3099 = arith.constant 6 : i32
      %gather3A_3100 = arith.constant 0 : i32
      %gather3A_3101 = arith.constant 0 : i32
      %gather3A_3102 = tpu.memref_slice %arg6[%gather3A_3099, %gather3A_3100, %gather3A_3101] : memref<8x64x128xf32, #tpu.memory_space<vmem>> -> memref<1x64x128xf32, #tpu.memory_space<vmem>>
      %gather3A_3103 = tpu.memref_squeeze %gather3A_3102 : memref<1x64x128xf32, #tpu.memory_space<vmem>> -> memref<64x128xf32, #tpu.memory_space<vmem>>
      %gather3A_3104 = tpu.vector_load_idx %gather3A_3103[%add3A_3098, %broadcast_in_dim3A_3062] : memref<64x128xf32, #tpu.memory_space<vmem>>[vector<16xi32>, vector<16xi32>], vector<16xf32>,
      %mul3A_3105 = arith.constant 64 : i32
      %mul3A_3106 = arith.muli %add3A_2972, %mul3A_3105 : i32
      %add3A_3107 = arith.constant 32 : i32
      %add3A_3108 = arith.addi %mul3A_3106, %add3A_3107 : i32
      %swap3A_3109 = arith.index_cast %add3A_3108 : i32 to index
      %swap3A_3110 = tpu.vector_load %arg7[%swap3A_3109] {strides = array<i32>} : memref<32768xf32, #tpu.memory_space<vmem>>, vector<16xf32>,
      tpu.vector_store %arg7[%swap3A_3109], %gather3A_3104 {strides = array<i32>} : memref<32768xf32, #tpu.memory_space<vmem>>, vector<16xf32>,
      %iota3A_3111 = tpu.iota {dimensions = array<i32: 0>} : vector<16xi32>
      %add3A_3112 = arith.constant 48 : i32
      %add3A_3113 = vector.broadcast %add3A_3112 : i32 to vector<16xi32>
      %add3A_3114 = arith.addi %iota3A_3111, %add3A_3113 : vector<16xi32>
      %gather3A_3115 = arith.constant 6 : i32
      %gather3A_3116 = arith.constant 0 : i32
      %gather3A_3117 = arith.constant 0 : i32
      %gather3A_3118 = tpu.memref_slice %arg6[%gather3A_3115, %gather3A_3116, %gather3A_3117] : memref<8x64x128xf32, #tpu.memory_space<vmem>> -> memref<1x64x128xf32, #tpu.memory_space<vmem>>
      %gather3A_3119 = tpu.memref_squeeze %gather3A_3118 : memref<1x64x128xf32, #tpu.memory_space<vmem>> -> memref<64x128xf32, #tpu.memory_space<vmem>>
      %gather3A_3120 = tpu.vector_load_idx %gather3A_3119[%add3A_3114, %broadcast_in_dim3A_3062] : memref<64x128xf32, #tpu.memory_space<vmem>>[vector<16xi32>, vector<16xi32>], vector<16xf32>,
      %mul3A_3121 = arith.constant 64 : i32
      %mul3A_3122 = arith.muli %add3A_2972, %mul3A_3121 : i32
      %add3A_3123 = arith.constant 48 : i32
      %add3A_3124 = arith.addi %mul3A_3122, %add3A_3123 : i32
      %swap3A_3125 = arith.index_cast %add3A_3124 : i32 to index
      %swap3A_3126 = tpu.vector_load %arg7[%swap3A_3125] {strides = array<i32>} : memref<32768xf32, #tpu.memory_space<vmem>>, vector<16xf32>,
      tpu.vector_store %arg7[%swap3A_3125], %gather3A_3120 {strides = array<i32>} : memref<32768xf32, #tpu.memory_space<vmem>>, vector<16xf32>,
      %add3A_3127 = arith.constant 6 : i32
      %add3A_3128 = arith.addi %mul3A_1428, %add3A_3127 : i32
      %add3A_3129 = arith.constant 8 : i32
      %add3A_3130 = arith.addi %add3A_3128, %add3A_3129 : i32
      %jit3A_3131 = arith.constant 16 : i32
      %div3A_3132 = arith.divsi %add3A_3130, %jit3A_3131 : i32
      %sign3A_3133 = arith.constant 0 : i32
      %sign3A_3134 = arith.cmpi sgt, %add3A_3130, %sign3A_3133 : i32
      %sign3A_3135 = arith.extui %sign3A_3134 : i1 to i32
      %sign3A_3136 = arith.constant 0 : i32
      %sign3A_3137 = arith.cmpi slt, %add3A_3130, %sign3A_3136 : i32
      %sign3A_3138 = arith.extui %sign3A_3137 : i1 to i32
      %sign3A_3139 = arith.subi %sign3A_3135, %sign3A_3138 : i32
      %sign3A_3140 = arith.constant 0 : i32
      %sign3A_3141 = arith.cmpi sgt, %jit3A_3131, %sign3A_3140 : i32
      %sign3A_3142 = arith.extui %sign3A_3141 : i1 to i32
      %sign3A_3143 = arith.constant 0 : i32
      %sign3A_3144 = arith.cmpi slt, %jit3A_3131, %sign3A_3143 : i32
      %sign3A_3145 = arith.extui %sign3A_3144 : i1 to i32
      %sign3A_3146 = arith.subi %sign3A_3142, %sign3A_3145 : i32
      %ne3A_3147 = arith.cmpi ne, %sign3A_3139, %sign3A_3146 : i32
      %rem3A_3148 = arith.remsi %add3A_3130, %jit3A_3131 : i32
      %ne3A_3149 = arith.constant 0 : i32
      %ne3A_3150 = arith.cmpi ne, %rem3A_3148, %ne3A_3149 : i32
      %and3A_3151 = arith.andi %ne3A_3147, %ne3A_3150 : i1
      %sub3A_3152 = arith.constant 1 : i32
      %sub3A_3153 = arith.subi %div3A_3132, %sub3A_3152 : i32
      %select_n3A_3154 = arith.select %and3A_3151, %sub3A_3153, %div3A_3132 : i32
      %mul3A_3155 = arith.constant 16 : i32
      %mul3A_3156 = arith.muli %select_n3A_3154, %mul3A_3155 : i32
      %multiple_of3A_3157 = tpu.assume_multiple %mul3A_3156, 16 : i32
      %get3A_3158 = arith.index_cast %multiple_of3A_3157 : i32 to index
      %get3A_3159 = tpu.vector_load %arg5[%get3A_3158] {strides = array<i32>} : memref<512xi32, #tpu.memory_space<vmem>>, vector<16xi32>,
      %jit3A_3160 = arith.constant 16 : i32
      %eq3A_3161 = arith.constant 0 : i32
      %eq3A_3162 = arith.cmpi eq, %jit3A_3160, %eq3A_3161 : i32
      %jit3A_3163 = arith.constant 1 : i32
      %select_n3A_3164 = arith.select %eq3A_3162, %jit3A_3163, %jit3A_3160 : i32
      %rem3A_3165 = arith.remsi %add3A_3130, %select_n3A_3164 : i32
      %ne3A_3166 = arith.constant 0 : i32
      %ne3A_3167 = arith.cmpi ne, %rem3A_3165, %ne3A_3166 : i32
      %lt3A_3168 = arith.constant 0 : i32
      %lt3A_3169 = arith.cmpi slt, %rem3A_3165, %lt3A_3168 : i32
      %lt3A_3170 = arith.constant 0 : i32
      %lt3A_3171 = arith.cmpi slt, %select_n3A_3164, %lt3A_3170 : i32
      %ne3A_3172 = arith.xori %lt3A_3169, %lt3A_3171 : i1
      %and3A_3173 = arith.andi %ne3A_3172, %ne3A_3167 : i1
      %add3A_3174 = arith.addi %rem3A_3165, %select_n3A_3164 : i32
      %select_n3A_3175 = arith.select %and3A_3173, %add3A_3174, %rem3A_3165 : i32
      %broadcast_in_dim3A_3176 = vector.broadcast %select_n3A_3175 : i32 to vector<16xi32>
      %eq3A_3177 = arith.cmpi eq, %iota3A, %broadcast_in_dim3A_3176 : vector<16xi32>
      %broadcast_in_dim3A_3178 = arith.constant -1 : i32
      %broadcast_in_dim3A_3179 = vector.broadcast %broadcast_in_dim3A_3178 : i32 to vector<16xi32>
      %select_n3A_3180 = arith.select %eq3A_3177, %get3A_3159, %broadcast_in_dim3A_3179 : vector<16xi1>, vector<16xi32>
      %reduce_max3A_3181 = arith.constant true
      %reduce_max3A_3182 = vector.broadcast %reduce_max3A_3181 : i1 to vector<16xi1>
      %reduce_max3A_3183 = arith.constant -2147483648 : i32
      %reduce_max3A_3184 = vector.broadcast %reduce_max3A_3183 : i32 to vector<16xi32>
      %reduce_max3A_3185 = arith.xori %select_n3A_3180, %reduce_max3A_3184 : vector<16xi32>
      %reduce_max3A_3186 = tpu.scan <max>, %reduce_max3A_3185 masked %reduce_max3A_3182 : vector<16xi32>, vector<16xi1> -> vector<16xi32>
      %reduce_max3A_3187 = arith.xori %reduce_max3A_3186, %reduce_max3A_3184 : vector<16xi32>
      %reduce_max3A_3188 = vector.extract %reduce_max3A_3187[15] : i32 from vector<16xi32>
      %jit3A_3189 = arith.constant 128 : i32
      %div3A_3190 = arith.divsi %reduce_max3A_3188, %jit3A_3189 : i32
      %sign3A_3191 = arith.constant 0 : i32
      %sign3A_3192 = arith.cmpi sgt, %reduce_max3A_3188, %sign3A_3191 : i32
      %sign3A_3193 = arith.extui %sign3A_3192 : i1 to i32
      %sign3A_3194 = arith.constant 0 : i32
      %sign3A_3195 = arith.cmpi slt, %reduce_max3A_3188, %sign3A_3194 : i32
      %sign3A_3196 = arith.extui %sign3A_3195 : i1 to i32
      %sign3A_3197 = arith.subi %sign3A_3193, %sign3A_3196 : i32
      %sign3A_3198 = arith.constant 0 : i32
      %sign3A_3199 = arith.cmpi sgt, %jit3A_3189, %sign3A_3198 : i32
      %sign3A_3200 = arith.extui %sign3A_3199 : i1 to i32
      %sign3A_3201 = arith.constant 0 : i32
      %sign3A_3202 = arith.cmpi slt, %jit3A_3189, %sign3A_3201 : i32
      %sign3A_3203 = arith.extui %sign3A_3202 : i1 to i32
      %sign3A_3204 = arith.subi %sign3A_3200, %sign3A_3203 : i32
      %ne3A_3205 = arith.cmpi ne, %sign3A_3197, %sign3A_3204 : i32
      %rem3A_3206 = arith.remsi %reduce_max3A_3188, %jit3A_3189 : i32
      %ne3A_3207 = arith.constant 0 : i32
      %ne3A_3208 = arith.cmpi ne, %rem3A_3206, %ne3A_3207 : i32
      %and3A_3209 = arith.andi %ne3A_3205, %ne3A_3208 : i1
      %sub3A_3210 = arith.constant 1 : i32
      %sub3A_3211 = arith.subi %div3A_3190, %sub3A_3210 : i32
      %select_n3A_3212 = arith.select %and3A_3209, %sub3A_3211, %div3A_3190 : i32
      %mul3A_3213 = arith.constant 128 : i32
      %mul3A_3214 = arith.muli %select_n3A_3212, %mul3A_3213 : i32
      %dma_start3A_3215 = arith.constant 6 : i32
      %dma_start3A_3216 = arith.constant 0 : i32
      %dma_start3A_3217 = arith.constant 0 : i32
      %dma_start3A_3218 = tpu.memref_slice %arg6[%dma_start3A_3215, %dma_start3A_3216, %dma_start3A_3217] : memref<8x64x128xf32, #tpu.memory_space<vmem>> -> memref<1x64x128xf32, #tpu.memory_space<vmem>>
      %dma_start3A_3219 = tpu.memref_squeeze %dma_start3A_3218 : memref<1x64x128xf32, #tpu.memory_space<vmem>> -> memref<64x128xf32, #tpu.memory_space<vmem>>
      %dma_start3A_3220 = arith.constant 0 : i32
      %dma_start3A_3221 = tpu.memref_slice %arg3[%dma_start3A_3220, %mul3A_3214] : memref<64x1000000xf32, #tpu.memory_space<hbm>> -> memref<64x128xf32, #tpu.memory_space<hbm>>
      %dma_start3A_3222 = arith.constant 0 : i32
      %dma_start3A_3223 = arith.constant 0 : i32
      %dma_start3A_3224 = tpu.memref_slice %arg6[%dma_start3A_3215, %dma_start3A_3222, %dma_start3A_3223] : memref<8x64x128xf32, #tpu.memory_space<vmem>> -> memref<1x64x128xf32, #tpu.memory_space<vmem>>
      %dma_start3A_3225 = tpu.memref_squeeze %dma_start3A_3224 : memref<1x64x128xf32, #tpu.memory_space<vmem>> -> memref<64x128xf32, #tpu.memory_space<vmem>>
      %dma_start3A_3226 = arith.constant 0 : i32
      %dma_start3A_3227 = tpu.memref_slice %arg3[%dma_start3A_3226, %mul3A_3214] : memref<64x1000000xf32, #tpu.memory_space<hbm>> -> memref<64x128xf32, #tpu.memory_space<hbm>>
      tpu.enqueue_dma source(%dma_start3A_3227 : memref<64x128xf32, #tpu.memory_space<hbm>>) target(%dma_start3A_3225 : memref<64x128xf32, #tpu.memory_space<vmem>>) target_semaphore(%arg14 : memref<!tpu.dma_semaphore, #tpu.memory_space<semaphore_mem>>)
      %add3A_3228 = arith.constant 7 : i32
      %add3A_3229 = arith.addi %mul3A_1428, %add3A_3228 : i32
      %dma_wait3A_3230 = arith.constant 7 : i32
      %dma_wait3A_3231 = arith.constant 0 : i32
      %dma_wait3A_3232 = arith.constant 0 : i32
      %dma_wait3A_3233 = tpu.memref_slice %arg6[%dma_wait3A_3230, %dma_wait3A_3231, %dma_wait3A_3232] : memref<8x64x128xf32, #tpu.memory_space<vmem>> -> memref<1x64x128xf32, #tpu.memory_space<vmem>>
      %dma_wait3A_3234 = tpu.memref_squeeze %dma_wait3A_3233 : memref<1x64x128xf32, #tpu.memory_space<vmem>> -> memref<64x128xf32, #tpu.memory_space<vmem>>
      %dma_wait3A_3235 = arith.constant 0 : i32
      %dma_wait3A_3236 = arith.constant 0 : i32
      %dma_wait3A_3237 = tpu.memref_slice %arg3[%dma_wait3A_3235, %dma_wait3A_3236] : memref<64x1000000xf32, #tpu.memory_space<hbm>> -> memref<64x128xf32, #tpu.memory_space<hbm>>
      %dma_wait3A_3238 = arith.constant 0 : i32
      %dma_wait3A_3239 = arith.constant 0 : i32
      %dma_wait3A_3240 = tpu.memref_slice %arg6[%dma_wait3A_3230, %dma_wait3A_3238, %dma_wait3A_3239] : memref<8x64x128xf32, #tpu.memory_space<vmem>> -> memref<1x64x128xf32, #tpu.memory_space<vmem>>
      %dma_wait3A_3241 = tpu.memref_squeeze %dma_wait3A_3240 : memref<1x64x128xf32, #tpu.memory_space<vmem>> -> memref<64x128xf32, #tpu.memory_space<vmem>>
      %dma_wait3A_3242 = arith.constant 0 : i32
      %dma_wait3A_3243 = arith.constant 0 : i32
      %dma_wait3A_3244 = tpu.memref_slice %arg3[%dma_wait3A_3242, %dma_wait3A_3243] : memref<64x1000000xf32, #tpu.memory_space<hbm>> -> memref<64x128xf32, #tpu.memory_space<hbm>>
      tpu.wait_dma2 semaphore(%arg15 : memref<!tpu.dma_semaphore, #tpu.memory_space<semaphore_mem>>) src(%dma_wait3A_3244 : memref<64x128xf32, #tpu.memory_space<hbm>>) dst(%dma_wait3A_3241 : memref<64x128xf32, #tpu.memory_space<vmem>>)
      %jit3A_3245 = arith.constant 16 : i32
      %div3A_3246 = arith.divsi %add3A_3229, %jit3A_3245 : i32
      %sign3A_3247 = arith.constant 0 : i32
      %sign3A_3248 = arith.cmpi sgt, %add3A_3229, %sign3A_3247 : i32
      %sign3A_3249 = arith.extui %sign3A_3248 : i1 to i32
      %sign3A_3250 = arith.constant 0 : i32
      %sign3A_3251 = arith.cmpi slt, %add3A_3229, %sign3A_3250 : i32
      %sign3A_3252 = arith.extui %sign3A_3251 : i1 to i32
      %sign3A_3253 = arith.subi %sign3A_3249, %sign3A_3252 : i32
      %sign3A_3254 = arith.constant 0 : i32
      %sign3A_3255 = arith.cmpi sgt, %jit3A_3245, %sign3A_3254 : i32
      %sign3A_3256 = arith.extui %sign3A_3255 : i1 to i32
      %sign3A_3257 = arith.constant 0 : i32
      %sign3A_3258 = arith.cmpi slt, %jit3A_3245, %sign3A_3257 : i32
      %sign3A_3259 = arith.extui %sign3A_3258 : i1 to i32
      %sign3A_3260 = arith.subi %sign3A_3256, %sign3A_3259 : i32
      %ne3A_3261 = arith.cmpi ne, %sign3A_3253, %sign3A_3260 : i32
      %rem3A_3262 = arith.remsi %add3A_3229, %jit3A_3245 : i32
      %ne3A_3263 = arith.constant 0 : i32
      %ne3A_3264 = arith.cmpi ne, %rem3A_3262, %ne3A_3263 : i32
      %and3A_3265 = arith.andi %ne3A_3261, %ne3A_3264 : i1
      %sub3A_3266 = arith.constant 1 : i32
      %sub3A_3267 = arith.subi %div3A_3246, %sub3A_3266 : i32
      %select_n3A_3268 = arith.select %and3A_3265, %sub3A_3267, %div3A_3246 : i32
      %mul3A_3269 = arith.constant 16 : i32
      %mul3A_3270 = arith.muli %select_n3A_3268, %mul3A_3269 : i32
      %multiple_of3A_3271 = tpu.assume_multiple %mul3A_3270, 16 : i32
      %get3A_3272 = arith.index_cast %multiple_of3A_3271 : i32 to index
      %get3A_3273 = tpu.vector_load %arg5[%get3A_3272] {strides = array<i32>} : memref<512xi32, #tpu.memory_space<vmem>>, vector<16xi32>,
      %jit3A_3274 = arith.constant 16 : i32
      %eq3A_3275 = arith.constant 0 : i32
      %eq3A_3276 = arith.cmpi eq, %jit3A_3274, %eq3A_3275 : i32
      %jit3A_3277 = arith.constant 1 : i32
      %select_n3A_3278 = arith.select %eq3A_3276, %jit3A_3277, %jit3A_3274 : i32
      %rem3A_3279 = arith.remsi %add3A_3229, %select_n3A_3278 : i32
      %ne3A_3280 = arith.constant 0 : i32
      %ne3A_3281 = arith.cmpi ne, %rem3A_3279, %ne3A_3280 : i32
      %lt3A_3282 = arith.constant 0 : i32
      %lt3A_3283 = arith.cmpi slt, %rem3A_3279, %lt3A_3282 : i32
      %lt3A_3284 = arith.constant 0 : i32
      %lt3A_3285 = arith.cmpi slt, %select_n3A_3278, %lt3A_3284 : i32
      %ne3A_3286 = arith.xori %lt3A_3283, %lt3A_3285 : i1
      %and3A_3287 = arith.andi %ne3A_3286, %ne3A_3281 : i1
      %add3A_3288 = arith.addi %rem3A_3279, %select_n3A_3278 : i32
      %select_n3A_3289 = arith.select %and3A_3287, %add3A_3288, %rem3A_3279 : i32
      %broadcast_in_dim3A_3290 = vector.broadcast %select_n3A_3289 : i32 to vector<16xi32>
      %eq3A_3291 = arith.cmpi eq, %iota3A, %broadcast_in_dim3A_3290 : vector<16xi32>
      %broadcast_in_dim3A_3292 = arith.constant -1 : i32
      %broadcast_in_dim3A_3293 = vector.broadcast %broadcast_in_dim3A_3292 : i32 to vector<16xi32>
      %select_n3A_3294 = arith.select %eq3A_3291, %get3A_3273, %broadcast_in_dim3A_3293 : vector<16xi1>, vector<16xi32>
      %reduce_max3A_3295 = arith.constant true
      %reduce_max3A_3296 = vector.broadcast %reduce_max3A_3295 : i1 to vector<16xi1>
      %reduce_max3A_3297 = arith.constant -2147483648 : i32
      %reduce_max3A_3298 = vector.broadcast %reduce_max3A_3297 : i32 to vector<16xi32>
      %reduce_max3A_3299 = arith.xori %select_n3A_3294, %reduce_max3A_3298 : vector<16xi32>
      %reduce_max3A_3300 = tpu.scan <max>, %reduce_max3A_3299 masked %reduce_max3A_3296 : vector<16xi32>, vector<16xi1> -> vector<16xi32>
      %reduce_max3A_3301 = arith.xori %reduce_max3A_3300, %reduce_max3A_3298 : vector<16xi32>
      %reduce_max3A_3302 = vector.extract %reduce_max3A_3301[15] : i32 from vector<16xi32>
      %jit3A_3303 = arith.constant 128 : i32
      %eq3A_3304 = arith.constant 0 : i32
      %eq3A_3305 = arith.cmpi eq, %jit3A_3303, %eq3A_3304 : i32
      %jit3A_3306 = arith.constant 1 : i32
      %select_n3A_3307 = arith.select %eq3A_3305, %jit3A_3306, %jit3A_3303 : i32
      %rem3A_3308 = arith.remsi %reduce_max3A_3302, %select_n3A_3307 : i32
      %ne3A_3309 = arith.constant 0 : i32
      %ne3A_3310 = arith.cmpi ne, %rem3A_3308, %ne3A_3309 : i32
      %lt3A_3311 = arith.constant 0 : i32
      %lt3A_3312 = arith.cmpi slt, %rem3A_3308, %lt3A_3311 : i32
      %lt3A_3313 = arith.constant 0 : i32
      %lt3A_3314 = arith.cmpi slt, %select_n3A_3307, %lt3A_3313 : i32
      %ne3A_3315 = arith.xori %lt3A_3312, %lt3A_3314 : i1
      %and3A_3316 = arith.andi %ne3A_3315, %ne3A_3310 : i1
      %add3A_3317 = arith.addi %rem3A_3308, %select_n3A_3307 : i32
      %select_n3A_3318 = arith.select %and3A_3316, %add3A_3317, %rem3A_3308 : i32
      %broadcast_in_dim3A_3319 = vector.broadcast %select_n3A_3318 : i32 to vector<16xi32>
      %iota3A_3320 = tpu.iota {dimensions = array<i32: 0>} : vector<16xi32>
      %add3A_3321 = arith.constant 0 : i32
      %add3A_3322 = vector.broadcast %add3A_3321 : i32 to vector<16xi32>
      %add3A_3323 = arith.addi %iota3A_3320, %add3A_3322 : vector<16xi32>
      %gather3A_3324 = arith.constant 7 : i32
      %gather3A_3325 = arith.constant 0 : i32
      %gather3A_3326 = arith.constant 0 : i32
      %gather3A_3327 = tpu.memref_slice %arg6[%gather3A_3324, %gather3A_3325, %gather3A_3326] : memref<8x64x128xf32, #tpu.memory_space<vmem>> -> memref<1x64x128xf32, #tpu.memory_space<vmem>>
      %gather3A_3328 = tpu.memref_squeeze %gather3A_3327 : memref<1x64x128xf32, #tpu.memory_space<vmem>> -> memref<64x128xf32, #tpu.memory_space<vmem>>
      %gather3A_3329 = tpu.vector_load_idx %gather3A_3328[%add3A_3323, %broadcast_in_dim3A_3319] : memref<64x128xf32, #tpu.memory_space<vmem>>[vector<16xi32>, vector<16xi32>], vector<16xf32>,
      %mul3A_3330 = arith.constant 64 : i32
      %mul3A_3331 = arith.muli %add3A_3229, %mul3A_3330 : i32
      %add3A_3332 = arith.constant 0 : i32
      %add3A_3333 = arith.addi %mul3A_3331, %add3A_3332 : i32
      %swap3A_3334 = arith.index_cast %add3A_3333 : i32 to index
      %swap3A_3335 = tpu.vector_load %arg7[%swap3A_3334] {strides = array<i32>} : memref<32768xf32, #tpu.memory_space<vmem>>, vector<16xf32>,
      tpu.vector_store %arg7[%swap3A_3334], %gather3A_3329 {strides = array<i32>} : memref<32768xf32, #tpu.memory_space<vmem>>, vector<16xf32>,
      %iota3A_3336 = tpu.iota {dimensions = array<i32: 0>} : vector<16xi32>
      %add3A_3337 = arith.constant 16 : i32
      %add3A_3338 = vector.broadcast %add3A_3337 : i32 to vector<16xi32>
      %add3A_3339 = arith.addi %iota3A_3336, %add3A_3338 : vector<16xi32>
      %gather3A_3340 = arith.constant 7 : i32
      %gather3A_3341 = arith.constant 0 : i32
      %gather3A_3342 = arith.constant 0 : i32
      %gather3A_3343 = tpu.memref_slice %arg6[%gather3A_3340, %gather3A_3341, %gather3A_3342] : memref<8x64x128xf32, #tpu.memory_space<vmem>> -> memref<1x64x128xf32, #tpu.memory_space<vmem>>
      %gather3A_3344 = tpu.memref_squeeze %gather3A_3343 : memref<1x64x128xf32, #tpu.memory_space<vmem>> -> memref<64x128xf32, #tpu.memory_space<vmem>>
      %gather3A_3345 = tpu.vector_load_idx %gather3A_3344[%add3A_3339, %broadcast_in_dim3A_3319] : memref<64x128xf32, #tpu.memory_space<vmem>>[vector<16xi32>, vector<16xi32>], vector<16xf32>,
      %mul3A_3346 = arith.constant 64 : i32
      %mul3A_3347 = arith.muli %add3A_3229, %mul3A_3346 : i32
      %add3A_3348 = arith.constant 16 : i32
      %add3A_3349 = arith.addi %mul3A_3347, %add3A_3348 : i32
      %swap3A_3350 = arith.index_cast %add3A_3349 : i32 to index
      %swap3A_3351 = tpu.vector_load %arg7[%swap3A_3350] {strides = array<i32>} : memref<32768xf32, #tpu.memory_space<vmem>>, vector<16xf32>,
      tpu.vector_store %arg7[%swap3A_3350], %gather3A_3345 {strides = array<i32>} : memref<32768xf32, #tpu.memory_space<vmem>>, vector<16xf32>,
      %iota3A_3352 = tpu.iota {dimensions = array<i32: 0>} : vector<16xi32>
      %add3A_3353 = arith.constant 32 : i32
      %add3A_3354 = vector.broadcast %add3A_3353 : i32 to vector<16xi32>
      %add3A_3355 = arith.addi %iota3A_3352, %add3A_3354 : vector<16xi32>
      %gather3A_3356 = arith.constant 7 : i32
      %gather3A_3357 = arith.constant 0 : i32
      %gather3A_3358 = arith.constant 0 : i32
      %gather3A_3359 = tpu.memref_slice %arg6[%gather3A_3356, %gather3A_3357, %gather3A_3358] : memref<8x64x128xf32, #tpu.memory_space<vmem>> -> memref<1x64x128xf32, #tpu.memory_space<vmem>>
      %gather3A_3360 = tpu.memref_squeeze %gather3A_3359 : memref<1x64x128xf32, #tpu.memory_space<vmem>> -> memref<64x128xf32, #tpu.memory_space<vmem>>
      %gather3A_3361 = tpu.vector_load_idx %gather3A_3360[%add3A_3355, %broadcast_in_dim3A_3319] : memref<64x128xf32, #tpu.memory_space<vmem>>[vector<16xi32>, vector<16xi32>], vector<16xf32>,
      %mul3A_3362 = arith.constant 64 : i32
      %mul3A_3363 = arith.muli %add3A_3229, %mul3A_3362 : i32
      %add3A_3364 = arith.constant 32 : i32
      %add3A_3365 = arith.addi %mul3A_3363, %add3A_3364 : i32
      %swap3A_3366 = arith.index_cast %add3A_3365 : i32 to index
      %swap3A_3367 = tpu.vector_load %arg7[%swap3A_3366] {strides = array<i32>} : memref<32768xf32, #tpu.memory_space<vmem>>, vector<16xf32>,
      tpu.vector_store %arg7[%swap3A_3366], %gather3A_3361 {strides = array<i32>} : memref<32768xf32, #tpu.memory_space<vmem>>, vector<16xf32>,
      %iota3A_3368 = tpu.iota {dimensions = array<i32: 0>} : vector<16xi32>
      %add3A_3369 = arith.constant 48 : i32
      %add3A_3370 = vector.broadcast %add3A_3369 : i32 to vector<16xi32>
      %add3A_3371 = arith.addi %iota3A_3368, %add3A_3370 : vector<16xi32>
      %gather3A_3372 = arith.constant 7 : i32
      %gather3A_3373 = arith.constant 0 : i32
      %gather3A_3374 = arith.constant 0 : i32
      %gather3A_3375 = tpu.memref_slice %arg6[%gather3A_3372, %gather3A_3373, %gather3A_3374] : memref<8x64x128xf32, #tpu.memory_space<vmem>> -> memref<1x64x128xf32, #tpu.memory_space<vmem>>
      %gather3A_3376 = tpu.memref_squeeze %gather3A_3375 : memref<1x64x128xf32, #tpu.memory_space<vmem>> -> memref<64x128xf32, #tpu.memory_space<vmem>>
      %gather3A_3377 = tpu.vector_load_idx %gather3A_3376[%add3A_3371, %broadcast_in_dim3A_3319] : memref<64x128xf32, #tpu.memory_space<vmem>>[vector<16xi32>, vector<16xi32>], vector<16xf32>,
      %mul3A_3378 = arith.constant 64 : i32
      %mul3A_3379 = arith.muli %add3A_3229, %mul3A_3378 : i32
      %add3A_3380 = arith.constant 48 : i32
      %add3A_3381 = arith.addi %mul3A_3379, %add3A_3380 : i32
      %swap3A_3382 = arith.index_cast %add3A_3381 : i32 to index
      %swap3A_3383 = tpu.vector_load %arg7[%swap3A_3382] {strides = array<i32>} : memref<32768xf32, #tpu.memory_space<vmem>>, vector<16xf32>,
      tpu.vector_store %arg7[%swap3A_3382], %gather3A_3377 {strides = array<i32>} : memref<32768xf32, #tpu.memory_space<vmem>>, vector<16xf32>,
      %add3A_3384 = arith.constant 7 : i32
      %add3A_3385 = arith.addi %mul3A_1428, %add3A_3384 : i32
      %add3A_3386 = arith.constant 8 : i32
      %add3A_3387 = arith.addi %add3A_3385, %add3A_3386 : i32
      %jit3A_3388 = arith.constant 16 : i32
      %div3A_3389 = arith.divsi %add3A_3387, %jit3A_3388 : i32
      %sign3A_3390 = arith.constant 0 : i32
      %sign3A_3391 = arith.cmpi sgt, %add3A_3387, %sign3A_3390 : i32
      %sign3A_3392 = arith.extui %sign3A_3391 : i1 to i32
      %sign3A_3393 = arith.constant 0 : i32
      %sign3A_3394 = arith.cmpi slt, %add3A_3387, %sign3A_3393 : i32
      %sign3A_3395 = arith.extui %sign3A_3394 : i1 to i32
      %sign3A_3396 = arith.subi %sign3A_3392, %sign3A_3395 : i32
      %sign3A_3397 = arith.constant 0 : i32
      %sign3A_3398 = arith.cmpi sgt, %jit3A_3388, %sign3A_3397 : i32
      %sign3A_3399 = arith.extui %sign3A_3398 : i1 to i32
      %sign3A_3400 = arith.constant 0 : i32
      %sign3A_3401 = arith.cmpi slt, %jit3A_3388, %sign3A_3400 : i32
      %sign3A_3402 = arith.extui %sign3A_3401 : i1 to i32
      %sign3A_3403 = arith.subi %sign3A_3399, %sign3A_3402 : i32
      %ne3A_3404 = arith.cmpi ne, %sign3A_3396, %sign3A_3403 : i32
      %rem3A_3405 = arith.remsi %add3A_3387, %jit3A_3388 : i32
      %ne3A_3406 = arith.constant 0 : i32
      %ne3A_3407 = arith.cmpi ne, %rem3A_3405, %ne3A_3406 : i32
      %and3A_3408 = arith.andi %ne3A_3404, %ne3A_3407 : i1
      %sub3A_3409 = arith.constant 1 : i32
      %sub3A_3410 = arith.subi %div3A_3389, %sub3A_3409 : i32
      %select_n3A_3411 = arith.select %and3A_3408, %sub3A_3410, %div3A_3389 : i32
      %mul3A_3412 = arith.constant 16 : i32
      %mul3A_3413 = arith.muli %select_n3A_3411, %mul3A_3412 : i32
      %multiple_of3A_3414 = tpu.assume_multiple %mul3A_3413, 16 : i32
      %get3A_3415 = arith.index_cast %multiple_of3A_3414 : i32 to index
      %get3A_3416 = tpu.vector_load %arg5[%get3A_3415] {strides = array<i32>} : memref<512xi32, #tpu.memory_space<vmem>>, vector<16xi32>,
      %jit3A_3417 = arith.constant 16 : i32
      %eq3A_3418 = arith.constant 0 : i32
      %eq3A_3419 = arith.cmpi eq, %jit3A_3417, %eq3A_3418 : i32
      %jit3A_3420 = arith.constant 1 : i32
      %select_n3A_3421 = arith.select %eq3A_3419, %jit3A_3420, %jit3A_3417 : i32
      %rem3A_3422 = arith.remsi %add3A_3387, %select_n3A_3421 : i32
      %ne3A_3423 = arith.constant 0 : i32
      %ne3A_3424 = arith.cmpi ne, %rem3A_3422, %ne3A_3423 : i32
      %lt3A_3425 = arith.constant 0 : i32
      %lt3A_3426 = arith.cmpi slt, %rem3A_3422, %lt3A_3425 : i32
      %lt3A_3427 = arith.constant 0 : i32
      %lt3A_3428 = arith.cmpi slt, %select_n3A_3421, %lt3A_3427 : i32
      %ne3A_3429 = arith.xori %lt3A_3426, %lt3A_3428 : i1
      %and3A_3430 = arith.andi %ne3A_3429, %ne3A_3424 : i1
      %add3A_3431 = arith.addi %rem3A_3422, %select_n3A_3421 : i32
      %select_n3A_3432 = arith.select %and3A_3430, %add3A_3431, %rem3A_3422 : i32
      %broadcast_in_dim3A_3433 = vector.broadcast %select_n3A_3432 : i32 to vector<16xi32>
      %eq3A_3434 = arith.cmpi eq, %iota3A, %broadcast_in_dim3A_3433 : vector<16xi32>
      %broadcast_in_dim3A_3435 = arith.constant -1 : i32
      %broadcast_in_dim3A_3436 = vector.broadcast %broadcast_in_dim3A_3435 : i32 to vector<16xi32>
      %select_n3A_3437 = arith.select %eq3A_3434, %get3A_3416, %broadcast_in_dim3A_3436 : vector<16xi1>, vector<16xi32>
      %reduce_max3A_3438 = arith.constant true
      %reduce_max3A_3439 = vector.broadcast %reduce_max3A_3438 : i1 to vector<16xi1>
      %reduce_max3A_3440 = arith.constant -2147483648 : i32
      %reduce_max3A_3441 = vector.broadcast %reduce_max3A_3440 : i32 to vector<16xi32>
      %reduce_max3A_3442 = arith.xori %select_n3A_3437, %reduce_max3A_3441 : vector<16xi32>
      %reduce_max3A_3443 = tpu.scan <max>, %reduce_max3A_3442 masked %reduce_max3A_3439 : vector<16xi32>, vector<16xi1> -> vector<16xi32>
      %reduce_max3A_3444 = arith.xori %reduce_max3A_3443, %reduce_max3A_3441 : vector<16xi32>
      %reduce_max3A_3445 = vector.extract %reduce_max3A_3444[15] : i32 from vector<16xi32>
      %jit3A_3446 = arith.constant 128 : i32
      %div3A_3447 = arith.divsi %reduce_max3A_3445, %jit3A_3446 : i32
      %sign3A_3448 = arith.constant 0 : i32
      %sign3A_3449 = arith.cmpi sgt, %reduce_max3A_3445, %sign3A_3448 : i32
      %sign3A_3450 = arith.extui %sign3A_3449 : i1 to i32
      %sign3A_3451 = arith.constant 0 : i32
      %sign3A_3452 = arith.cmpi slt, %reduce_max3A_3445, %sign3A_3451 : i32
      %sign3A_3453 = arith.extui %sign3A_3452 : i1 to i32
      %sign3A_3454 = arith.subi %sign3A_3450, %sign3A_3453 : i32
      %sign3A_3455 = arith.constant 0 : i32
      %sign3A_3456 = arith.cmpi sgt, %jit3A_3446, %sign3A_3455 : i32
      %sign3A_3457 = arith.extui %sign3A_3456 : i1 to i32
      %sign3A_3458 = arith.constant 0 : i32
      %sign3A_3459 = arith.cmpi slt, %jit3A_3446, %sign3A_3458 : i32
      %sign3A_3460 = arith.extui %sign3A_3459 : i1 to i32
      %sign3A_3461 = arith.subi %sign3A_3457, %sign3A_3460 : i32
      %ne3A_3462 = arith.cmpi ne, %sign3A_3454, %sign3A_3461 : i32
      %rem3A_3463 = arith.remsi %reduce_max3A_3445, %jit3A_3446 : i32
      %ne3A_3464 = arith.constant 0 : i32
      %ne3A_3465 = arith.cmpi ne, %rem3A_3463, %ne3A_3464 : i32
      %and3A_3466 = arith.andi %ne3A_3462, %ne3A_3465 : i1
      %sub3A_3467 = arith.constant 1 : i32
      %sub3A_3468 = arith.subi %div3A_3447, %sub3A_3467 : i32
      %select_n3A_3469 = arith.select %and3A_3466, %sub3A_3468, %div3A_3447 : i32
      %mul3A_3470 = arith.constant 128 : i32
      %mul3A_3471 = arith.muli %select_n3A_3469, %mul3A_3470 : i32
      %dma_start3A_3472 = arith.constant 7 : i32
      %dma_start3A_3473 = arith.constant 0 : i32
      %dma_start3A_3474 = arith.constant 0 : i32
      %dma_start3A_3475 = tpu.memref_slice %arg6[%dma_start3A_3472, %dma_start3A_3473, %dma_start3A_3474] : memref<8x64x128xf32, #tpu.memory_space<vmem>> -> memref<1x64x128xf32, #tpu.memory_space<vmem>>
      %dma_start3A_3476 = tpu.memref_squeeze %dma_start3A_3475 : memref<1x64x128xf32, #tpu.memory_space<vmem>> -> memref<64x128xf32, #tpu.memory_space<vmem>>
      %dma_start3A_3477 = arith.constant 0 : i32
      %dma_start3A_3478 = tpu.memref_slice %arg3[%dma_start3A_3477, %mul3A_3471] : memref<64x1000000xf32, #tpu.memory_space<hbm>> -> memref<64x128xf32, #tpu.memory_space<hbm>>
      %dma_start3A_3479 = arith.constant 0 : i32
      %dma_start3A_3480 = arith.constant 0 : i32
      %dma_start3A_3481 = tpu.memref_slice %arg6[%dma_start3A_3472, %dma_start3A_3479, %dma_start3A_3480] : memref<8x64x128xf32, #tpu.memory_space<vmem>> -> memref<1x64x128xf32, #tpu.memory_space<vmem>>
      %dma_start3A_3482 = tpu.memref_squeeze %dma_start3A_3481 : memref<1x64x128xf32, #tpu.memory_space<vmem>> -> memref<64x128xf32, #tpu.memory_space<vmem>>
      %dma_start3A_3483 = arith.constant 0 : i32
      %dma_start3A_3484 = tpu.memref_slice %arg3[%dma_start3A_3483, %mul3A_3471] : memref<64x1000000xf32, #tpu.memory_space<hbm>> -> memref<64x128xf32, #tpu.memory_space<hbm>>
      tpu.enqueue_dma source(%dma_start3A_3484 : memref<64x128xf32, #tpu.memory_space<hbm>>) target(%dma_start3A_3482 : memref<64x128xf32, #tpu.memory_space<vmem>>) target_semaphore(%arg15 : memref<!tpu.dma_semaphore, #tpu.memory_space<semaphore_mem>>)
    }
    %scan3A_642 = arith.constant 63 : i32
    %dma_wait3A = arith.constant 0 : i32
    %dma_wait3A_643 = arith.constant 0 : i32
    %dma_wait3A_644 = arith.constant 0 : i32
    %dma_wait3A_645 = tpu.memref_slice %arg6[%dma_wait3A, %dma_wait3A_643, %dma_wait3A_644] : memref<8x64x128xf32, #tpu.memory_space<vmem>> -> memref<1x64x128xf32, #tpu.memory_space<vmem>>
    %dma_wait3A_646 = tpu.memref_squeeze %dma_wait3A_645 : memref<1x64x128xf32, #tpu.memory_space<vmem>> -> memref<64x128xf32, #tpu.memory_space<vmem>>
    %dma_wait3A_647 = arith.constant 0 : i32
    %dma_wait3A_648 = arith.constant 0 : i32
    %dma_wait3A_649 = tpu.memref_slice %arg3[%dma_wait3A_647, %dma_wait3A_648] : memref<64x1000000xf32, #tpu.memory_space<hbm>> -> memref<64x128xf32, #tpu.memory_space<hbm>>
    %dma_wait3A_650 = arith.constant 0 : i32
    %dma_wait3A_651 = arith.constant 0 : i32
    %dma_wait3A_652 = tpu.memref_slice %arg6[%dma_wait3A, %dma_wait3A_650, %dma_wait3A_651] : memref<8x64x128xf32, #tpu.memory_space<vmem>> -> memref<1x64x128xf32, #tpu.memory_space<vmem>>
    %dma_wait3A_653 = tpu.memref_squeeze %dma_wait3A_652 : memref<1x64x128xf32, #tpu.memory_space<vmem>> -> memref<64x128xf32, #tpu.memory_space<vmem>>
    %dma_wait3A_654 = arith.constant 0 : i32
    %dma_wait3A_655 = arith.constant 0 : i32
    %dma_wait3A_656 = tpu.memref_slice %arg3[%dma_wait3A_654, %dma_wait3A_655] : memref<64x1000000xf32, #tpu.memory_space<hbm>> -> memref<64x128xf32, #tpu.memory_space<hbm>>
    tpu.wait_dma2 semaphore(%arg8 : memref<!tpu.dma_semaphore, #tpu.memory_space<semaphore_mem>>) src(%dma_wait3A_656 : memref<64x128xf32, #tpu.memory_space<hbm>>) dst(%dma_wait3A_653 : memref<64x128xf32, #tpu.memory_space<vmem>>)
    %multiple_of3A_657 = arith.constant 496 : i32
    %multiple_of3A_658 = tpu.assume_multiple %multiple_of3A_657, 16 : i32
    %get3A_659 = arith.index_cast %multiple_of3A_658 : i32 to index
    %get3A_660 = tpu.vector_load %arg5[%get3A_659] {strides = array<i32>} : memref<512xi32, #tpu.memory_space<vmem>>, vector<16xi32>,
    %broadcast_in_dim3A_661 = arith.constant 8 : i32
    %broadcast_in_dim3A_662 = vector.broadcast %broadcast_in_dim3A_661 : i32 to vector<16xi32>
    %eq3A_663 = arith.cmpi eq, %iota3A, %broadcast_in_dim3A_662 : vector<16xi32>
    %broadcast_in_dim3A_664 = arith.constant -1 : i32
    %broadcast_in_dim3A_665 = vector.broadcast %broadcast_in_dim3A_664 : i32 to vector<16xi32>
    %select_n3A_666 = arith.select %eq3A_663, %get3A_660, %broadcast_in_dim3A_665 : vector<16xi1>, vector<16xi32>
    %reduce_max3A_667 = arith.constant true
    %reduce_max3A_668 = vector.broadcast %reduce_max3A_667 : i1 to vector<16xi1>
    %reduce_max3A_669 = arith.constant -2147483648 : i32
    %reduce_max3A_670 = vector.broadcast %reduce_max3A_669 : i32 to vector<16xi32>
    %reduce_max3A_671 = arith.xori %select_n3A_666, %reduce_max3A_670 : vector<16xi32>
    %reduce_max3A_672 = tpu.scan <max>, %reduce_max3A_671 masked %reduce_max3A_668 : vector<16xi32>, vector<16xi1> -> vector<16xi32>
    %reduce_max3A_673 = arith.xori %reduce_max3A_672, %reduce_max3A_670 : vector<16xi32>
    %reduce_max3A_674 = vector.extract %reduce_max3A_673[15] : i32 from vector<16xi32>
    %jit3A_675 = arith.constant 128 : i32
    %eq3A_676 = arith.constant 0 : i32
    %eq3A_677 = arith.cmpi eq, %jit3A_675, %eq3A_676 : i32
    %jit3A_678 = arith.constant 1 : i32
    %select_n3A_679 = arith.select %eq3A_677, %jit3A_678, %jit3A_675 : i32
    %rem3A_680 = arith.remsi %reduce_max3A_674, %select_n3A_679 : i32
    %ne3A_681 = arith.constant 0 : i32
    %ne3A_682 = arith.cmpi ne, %rem3A_680, %ne3A_681 : i32
    %lt3A = arith.constant 0 : i32
    %lt3A_683 = arith.cmpi slt, %rem3A_680, %lt3A : i32
    %lt3A_684 = arith.constant 0 : i32
    %lt3A_685 = arith.cmpi slt, %select_n3A_679, %lt3A_684 : i32
    %ne3A_686 = arith.xori %lt3A_683, %lt3A_685 : i1
    %and3A_687 = arith.andi %ne3A_686, %ne3A_682 : i1
    %add3A_688 = arith.addi %rem3A_680, %select_n3A_679 : i32
    %select_n3A_689 = arith.select %and3A_687, %add3A_688, %rem3A_680 : i32
    %broadcast_in_dim3A_690 = vector.broadcast %select_n3A_689 : i32 to vector<16xi32>
    %iota3A_691 = tpu.iota {dimensions = array<i32: 0>} : vector<16xi32>
    %add3A_692 = arith.constant 0 : i32
    %add3A_693 = vector.broadcast %add3A_692 : i32 to vector<16xi32>
    %add3A_694 = arith.addi %iota3A_691, %add3A_693 : vector<16xi32>
    %gather3A = arith.constant 0 : i32
    %gather3A_695 = arith.constant 0 : i32
    %gather3A_696 = arith.constant 0 : i32
    %gather3A_697 = tpu.memref_slice %arg6[%gather3A, %gather3A_695, %gather3A_696] : memref<8x64x128xf32, #tpu.memory_space<vmem>> -> memref<1x64x128xf32, #tpu.memory_space<vmem>>
    %gather3A_698 = tpu.memref_squeeze %gather3A_697 : memref<1x64x128xf32, #tpu.memory_space<vmem>> -> memref<64x128xf32, #tpu.memory_space<vmem>>
    %gather3A_699 = tpu.vector_load_idx %gather3A_698[%add3A_694, %broadcast_in_dim3A_690] : memref<64x128xf32, #tpu.memory_space<vmem>>[vector<16xi32>, vector<16xi32>], vector<16xf32>,
    %swap3A_700 = arith.constant 32256 : index
    %swap3A_701 = tpu.vector_load %arg7[%swap3A_700] {strides = array<i32>} : memref<32768xf32, #tpu.memory_space<vmem>>, vector<16xf32>,
    tpu.vector_store %arg7[%swap3A_700], %gather3A_699 {strides = array<i32>} : memref<32768xf32, #tpu.memory_space<vmem>>, vector<16xf32>,
    %iota3A_702 = tpu.iota {dimensions = array<i32: 0>} : vector<16xi32>
    %add3A_703 = arith.constant 16 : i32
    %add3A_704 = vector.broadcast %add3A_703 : i32 to vector<16xi32>
    %add3A_705 = arith.addi %iota3A_702, %add3A_704 : vector<16xi32>
    %gather3A_706 = arith.constant 0 : i32
    %gather3A_707 = arith.constant 0 : i32
    %gather3A_708 = arith.constant 0 : i32
    %gather3A_709 = tpu.memref_slice %arg6[%gather3A_706, %gather3A_707, %gather3A_708] : memref<8x64x128xf32, #tpu.memory_space<vmem>> -> memref<1x64x128xf32, #tpu.memory_space<vmem>>
    %gather3A_710 = tpu.memref_squeeze %gather3A_709 : memref<1x64x128xf32, #tpu.memory_space<vmem>> -> memref<64x128xf32, #tpu.memory_space<vmem>>
    %gather3A_711 = tpu.vector_load_idx %gather3A_710[%add3A_705, %broadcast_in_dim3A_690] : memref<64x128xf32, #tpu.memory_space<vmem>>[vector<16xi32>, vector<16xi32>], vector<16xf32>,
    %swap3A_712 = arith.constant 32272 : index
    %swap3A_713 = tpu.vector_load %arg7[%swap3A_712] {strides = array<i32>} : memref<32768xf32, #tpu.memory_space<vmem>>, vector<16xf32>,
    tpu.vector_store %arg7[%swap3A_712], %gather3A_711 {strides = array<i32>} : memref<32768xf32, #tpu.memory_space<vmem>>, vector<16xf32>,
    %iota3A_714 = tpu.iota {dimensions = array<i32: 0>} : vector<16xi32>
    %add3A_715 = arith.constant 32 : i32
    %add3A_716 = vector.broadcast %add3A_715 : i32 to vector<16xi32>
    %add3A_717 = arith.addi %iota3A_714, %add3A_716 : vector<16xi32>
    %gather3A_718 = arith.constant 0 : i32
    %gather3A_719 = arith.constant 0 : i32
    %gather3A_720 = arith.constant 0 : i32
    %gather3A_721 = tpu.memref_slice %arg6[%gather3A_718, %gather3A_719, %gather3A_720] : memref<8x64x128xf32, #tpu.memory_space<vmem>> -> memref<1x64x128xf32, #tpu.memory_space<vmem>>
    %gather3A_722 = tpu.memref_squeeze %gather3A_721 : memref<1x64x128xf32, #tpu.memory_space<vmem>> -> memref<64x128xf32, #tpu.memory_space<vmem>>
    %gather3A_723 = tpu.vector_load_idx %gather3A_722[%add3A_717, %broadcast_in_dim3A_690] : memref<64x128xf32, #tpu.memory_space<vmem>>[vector<16xi32>, vector<16xi32>], vector<16xf32>,
    %swap3A_724 = arith.constant 32288 : index
    %swap3A_725 = tpu.vector_load %arg7[%swap3A_724] {strides = array<i32>} : memref<32768xf32, #tpu.memory_space<vmem>>, vector<16xf32>,
    tpu.vector_store %arg7[%swap3A_724], %gather3A_723 {strides = array<i32>} : memref<32768xf32, #tpu.memory_space<vmem>>, vector<16xf32>,
    %iota3A_726 = tpu.iota {dimensions = array<i32: 0>} : vector<16xi32>
    %add3A_727 = arith.constant 48 : i32
    %add3A_728 = vector.broadcast %add3A_727 : i32 to vector<16xi32>
    %add3A_729 = arith.addi %iota3A_726, %add3A_728 : vector<16xi32>
    %gather3A_730 = arith.constant 0 : i32
    %gather3A_731 = arith.constant 0 : i32
    %gather3A_732 = arith.constant 0 : i32
    %gather3A_733 = tpu.memref_slice %arg6[%gather3A_730, %gather3A_731, %gather3A_732] : memref<8x64x128xf32, #tpu.memory_space<vmem>> -> memref<1x64x128xf32, #tpu.memory_space<vmem>>
    %gather3A_734 = tpu.memref_squeeze %gather3A_733 : memref<1x64x128xf32, #tpu.memory_space<vmem>> -> memref<64x128xf32, #tpu.memory_space<vmem>>
    %gather3A_735 = tpu.vector_load_idx %gather3A_734[%add3A_729, %broadcast_in_dim3A_690] : memref<64x128xf32, #tpu.memory_space<vmem>>[vector<16xi32>, vector<16xi32>], vector<16xf32>,
    %swap3A_736 = arith.constant 32304 : index
    %swap3A_737 = tpu.vector_load %arg7[%swap3A_736] {strides = array<i32>} : memref<32768xf32, #tpu.memory_space<vmem>>, vector<16xf32>,
    tpu.vector_store %arg7[%swap3A_736], %gather3A_735 {strides = array<i32>} : memref<32768xf32, #tpu.memory_space<vmem>>, vector<16xf32>,
    %dma_wait3A_738 = arith.constant 1 : i32
    %dma_wait3A_739 = arith.constant 0 : i32
    %dma_wait3A_740 = arith.constant 0 : i32
    %dma_wait3A_741 = tpu.memref_slice %arg6[%dma_wait3A_738, %dma_wait3A_739, %dma_wait3A_740] : memref<8x64x128xf32, #tpu.memory_space<vmem>> -> memref<1x64x128xf32, #tpu.memory_space<vmem>>
    %dma_wait3A_742 = tpu.memref_squeeze %dma_wait3A_741 : memref<1x64x128xf32, #tpu.memory_space<vmem>> -> memref<64x128xf32, #tpu.memory_space<vmem>>
    %dma_wait3A_743 = arith.constant 0 : i32
    %dma_wait3A_744 = arith.constant 0 : i32
    %dma_wait3A_745 = tpu.memref_slice %arg3[%dma_wait3A_743, %dma_wait3A_744] : memref<64x1000000xf32, #tpu.memory_space<hbm>> -> memref<64x128xf32, #tpu.memory_space<hbm>>
    %dma_wait3A_746 = arith.constant 0 : i32
    %dma_wait3A_747 = arith.constant 0 : i32
    %dma_wait3A_748 = tpu.memref_slice %arg6[%dma_wait3A_738, %dma_wait3A_746, %dma_wait3A_747] : memref<8x64x128xf32, #tpu.memory_space<vmem>> -> memref<1x64x128xf32, #tpu.memory_space<vmem>>
    %dma_wait3A_749 = tpu.memref_squeeze %dma_wait3A_748 : memref<1x64x128xf32, #tpu.memory_space<vmem>> -> memref<64x128xf32, #tpu.memory_space<vmem>>
    %dma_wait3A_750 = arith.constant 0 : i32
    %dma_wait3A_751 = arith.constant 0 : i32
    %dma_wait3A_752 = tpu.memref_slice %arg3[%dma_wait3A_750, %dma_wait3A_751] : memref<64x1000000xf32, #tpu.memory_space<hbm>> -> memref<64x128xf32, #tpu.memory_space<hbm>>
    tpu.wait_dma2 semaphore(%arg9 : memref<!tpu.dma_semaphore, #tpu.memory_space<semaphore_mem>>) src(%dma_wait3A_752 : memref<64x128xf32, #tpu.memory_space<hbm>>) dst(%dma_wait3A_749 : memref<64x128xf32, #tpu.memory_space<vmem>>)
    %multiple_of3A_753 = arith.constant 496 : i32
    %multiple_of3A_754 = tpu.assume_multiple %multiple_of3A_753, 16 : i32
    %get3A_755 = arith.index_cast %multiple_of3A_754 : i32 to index
    %get3A_756 = tpu.vector_load %arg5[%get3A_755] {strides = array<i32>} : memref<512xi32, #tpu.memory_space<vmem>>, vector<16xi32>,
    %broadcast_in_dim3A_757 = arith.constant 9 : i32
    %broadcast_in_dim3A_758 = vector.broadcast %broadcast_in_dim3A_757 : i32 to vector<16xi32>
    %eq3A_759 = arith.cmpi eq, %iota3A, %broadcast_in_dim3A_758 : vector<16xi32>
    %broadcast_in_dim3A_760 = arith.constant -1 : i32
    %broadcast_in_dim3A_761 = vector.broadcast %broadcast_in_dim3A_760 : i32 to vector<16xi32>
    %select_n3A_762 = arith.select %eq3A_759, %get3A_756, %broadcast_in_dim3A_761 : vector<16xi1>, vector<16xi32>
    %reduce_max3A_763 = arith.constant true
    %reduce_max3A_764 = vector.broadcast %reduce_max3A_763 : i1 to vector<16xi1>
    %reduce_max3A_765 = arith.constant -2147483648 : i32
    %reduce_max3A_766 = vector.broadcast %reduce_max3A_765 : i32 to vector<16xi32>
    %reduce_max3A_767 = arith.xori %select_n3A_762, %reduce_max3A_766 : vector<16xi32>
    %reduce_max3A_768 = tpu.scan <max>, %reduce_max3A_767 masked %reduce_max3A_764 : vector<16xi32>, vector<16xi1> -> vector<16xi32>
    %reduce_max3A_769 = arith.xori %reduce_max3A_768, %reduce_max3A_766 : vector<16xi32>
    %reduce_max3A_770 = vector.extract %reduce_max3A_769[15] : i32 from vector<16xi32>
    %jit3A_771 = arith.constant 128 : i32
    %eq3A_772 = arith.constant 0 : i32
    %eq3A_773 = arith.cmpi eq, %jit3A_771, %eq3A_772 : i32
    %jit3A_774 = arith.constant 1 : i32
    %select_n3A_775 = arith.select %eq3A_773, %jit3A_774, %jit3A_771 : i32
    %rem3A_776 = arith.remsi %reduce_max3A_770, %select_n3A_775 : i32
    %ne3A_777 = arith.constant 0 : i32
    %ne3A_778 = arith.cmpi ne, %rem3A_776, %ne3A_777 : i32
    %lt3A_779 = arith.constant 0 : i32
    %lt3A_780 = arith.cmpi slt, %rem3A_776, %lt3A_779 : i32
    %lt3A_781 = arith.constant 0 : i32
    %lt3A_782 = arith.cmpi slt, %select_n3A_775, %lt3A_781 : i32
    %ne3A_783 = arith.xori %lt3A_780, %lt3A_782 : i1
    %and3A_784 = arith.andi %ne3A_783, %ne3A_778 : i1
    %add3A_785 = arith.addi %rem3A_776, %select_n3A_775 : i32
    %select_n3A_786 = arith.select %and3A_784, %add3A_785, %rem3A_776 : i32
    %broadcast_in_dim3A_787 = vector.broadcast %select_n3A_786 : i32 to vector<16xi32>
    %iota3A_788 = tpu.iota {dimensions = array<i32: 0>} : vector<16xi32>
    %add3A_789 = arith.constant 0 : i32
    %add3A_790 = vector.broadcast %add3A_789 : i32 to vector<16xi32>
    %add3A_791 = arith.addi %iota3A_788, %add3A_790 : vector<16xi32>
    %gather3A_792 = arith.constant 1 : i32
    %gather3A_793 = arith.constant 0 : i32
    %gather3A_794 = arith.constant 0 : i32
    %gather3A_795 = tpu.memref_slice %arg6[%gather3A_792, %gather3A_793, %gather3A_794] : memref<8x64x128xf32, #tpu.memory_space<vmem>> -> memref<1x64x128xf32, #tpu.memory_space<vmem>>
    %gather3A_796 = tpu.memref_squeeze %gather3A_795 : memref<1x64x128xf32, #tpu.memory_space<vmem>> -> memref<64x128xf32, #tpu.memory_space<vmem>>
    %gather3A_797 = tpu.vector_load_idx %gather3A_796[%add3A_791, %broadcast_in_dim3A_787] : memref<64x128xf32, #tpu.memory_space<vmem>>[vector<16xi32>, vector<16xi32>], vector<16xf32>,
    %swap3A_798 = arith.constant 32320 : index
    %swap3A_799 = tpu.vector_load %arg7[%swap3A_798] {strides = array<i32>} : memref<32768xf32, #tpu.memory_space<vmem>>, vector<16xf32>,
    tpu.vector_store %arg7[%swap3A_798], %gather3A_797 {strides = array<i32>} : memref<32768xf32, #tpu.memory_space<vmem>>, vector<16xf32>,
    %iota3A_800 = tpu.iota {dimensions = array<i32: 0>} : vector<16xi32>
    %add3A_801 = arith.constant 16 : i32
    %add3A_802 = vector.broadcast %add3A_801 : i32 to vector<16xi32>
    %add3A_803 = arith.addi %iota3A_800, %add3A_802 : vector<16xi32>
    %gather3A_804 = arith.constant 1 : i32
    %gather3A_805 = arith.constant 0 : i32
    %gather3A_806 = arith.constant 0 : i32
    %gather3A_807 = tpu.memref_slice %arg6[%gather3A_804, %gather3A_805, %gather3A_806] : memref<8x64x128xf32, #tpu.memory_space<vmem>> -> memref<1x64x128xf32, #tpu.memory_space<vmem>>
    %gather3A_808 = tpu.memref_squeeze %gather3A_807 : memref<1x64x128xf32, #tpu.memory_space<vmem>> -> memref<64x128xf32, #tpu.memory_space<vmem>>
    %gather3A_809 = tpu.vector_load_idx %gather3A_808[%add3A_803, %broadcast_in_dim3A_787] : memref<64x128xf32, #tpu.memory_space<vmem>>[vector<16xi32>, vector<16xi32>], vector<16xf32>,
    %swap3A_810 = arith.constant 32336 : index
    %swap3A_811 = tpu.vector_load %arg7[%swap3A_810] {strides = array<i32>} : memref<32768xf32, #tpu.memory_space<vmem>>, vector<16xf32>,
    tpu.vector_store %arg7[%swap3A_810], %gather3A_809 {strides = array<i32>} : memref<32768xf32, #tpu.memory_space<vmem>>, vector<16xf32>,
    %iota3A_812 = tpu.iota {dimensions = array<i32: 0>} : vector<16xi32>
    %add3A_813 = arith.constant 32 : i32
    %add3A_814 = vector.broadcast %add3A_813 : i32 to vector<16xi32>
    %add3A_815 = arith.addi %iota3A_812, %add3A_814 : vector<16xi32>
    %gather3A_816 = arith.constant 1 : i32
    %gather3A_817 = arith.constant 0 : i32
    %gather3A_818 = arith.constant 0 : i32
    %gather3A_819 = tpu.memref_slice %arg6[%gather3A_816, %gather3A_817, %gather3A_818] : memref<8x64x128xf32, #tpu.memory_space<vmem>> -> memref<1x64x128xf32, #tpu.memory_space<vmem>>
    %gather3A_820 = tpu.memref_squeeze %gather3A_819 : memref<1x64x128xf32, #tpu.memory_space<vmem>> -> memref<64x128xf32, #tpu.memory_space<vmem>>
    %gather3A_821 = tpu.vector_load_idx %gather3A_820[%add3A_815, %broadcast_in_dim3A_787] : memref<64x128xf32, #tpu.memory_space<vmem>>[vector<16xi32>, vector<16xi32>], vector<16xf32>,
    %swap3A_822 = arith.constant 32352 : index
    %swap3A_823 = tpu.vector_load %arg7[%swap3A_822] {strides = array<i32>} : memref<32768xf32, #tpu.memory_space<vmem>>, vector<16xf32>,
    tpu.vector_store %arg7[%swap3A_822], %gather3A_821 {strides = array<i32>} : memref<32768xf32, #tpu.memory_space<vmem>>, vector<16xf32>,
    %iota3A_824 = tpu.iota {dimensions = array<i32: 0>} : vector<16xi32>
    %add3A_825 = arith.constant 48 : i32
    %add3A_826 = vector.broadcast %add3A_825 : i32 to vector<16xi32>
    %add3A_827 = arith.addi %iota3A_824, %add3A_826 : vector<16xi32>
    %gather3A_828 = arith.constant 1 : i32
    %gather3A_829 = arith.constant 0 : i32
    %gather3A_830 = arith.constant 0 : i32
    %gather3A_831 = tpu.memref_slice %arg6[%gather3A_828, %gather3A_829, %gather3A_830] : memref<8x64x128xf32, #tpu.memory_space<vmem>> -> memref<1x64x128xf32, #tpu.memory_space<vmem>>
    %gather3A_832 = tpu.memref_squeeze %gather3A_831 : memref<1x64x128xf32, #tpu.memory_space<vmem>> -> memref<64x128xf32, #tpu.memory_space<vmem>>
    %gather3A_833 = tpu.vector_load_idx %gather3A_832[%add3A_827, %broadcast_in_dim3A_787] : memref<64x128xf32, #tpu.memory_space<vmem>>[vector<16xi32>, vector<16xi32>], vector<16xf32>,
    %swap3A_834 = arith.constant 32368 : index
    %swap3A_835 = tpu.vector_load %arg7[%swap3A_834] {strides = array<i32>} : memref<32768xf32, #tpu.memory_space<vmem>>, vector<16xf32>,
    tpu.vector_store %arg7[%swap3A_834], %gather3A_833 {strides = array<i32>} : memref<32768xf32, #tpu.memory_space<vmem>>, vector<16xf32>,
    %dma_wait3A_836 = arith.constant 2 : i32
    %dma_wait3A_837 = arith.constant 0 : i32
    %dma_wait3A_838 = arith.constant 0 : i32
    %dma_wait3A_839 = tpu.memref_slice %arg6[%dma_wait3A_836, %dma_wait3A_837, %dma_wait3A_838] : memref<8x64x128xf32, #tpu.memory_space<vmem>> -> memref<1x64x128xf32, #tpu.memory_space<vmem>>
    %dma_wait3A_840 = tpu.memref_squeeze %dma_wait3A_839 : memref<1x64x128xf32, #tpu.memory_space<vmem>> -> memref<64x128xf32, #tpu.memory_space<vmem>>
    %dma_wait3A_841 = arith.constant 0 : i32
    %dma_wait3A_842 = arith.constant 0 : i32
    %dma_wait3A_843 = tpu.memref_slice %arg3[%dma_wait3A_841, %dma_wait3A_842] : memref<64x1000000xf32, #tpu.memory_space<hbm>> -> memref<64x128xf32, #tpu.memory_space<hbm>>
    %dma_wait3A_844 = arith.constant 0 : i32
    %dma_wait3A_845 = arith.constant 0 : i32
    %dma_wait3A_846 = tpu.memref_slice %arg6[%dma_wait3A_836, %dma_wait3A_844, %dma_wait3A_845] : memref<8x64x128xf32, #tpu.memory_space<vmem>> -> memref<1x64x128xf32, #tpu.memory_space<vmem>>
    %dma_wait3A_847 = tpu.memref_squeeze %dma_wait3A_846 : memref<1x64x128xf32, #tpu.memory_space<vmem>> -> memref<64x128xf32, #tpu.memory_space<vmem>>
    %dma_wait3A_848 = arith.constant 0 : i32
    %dma_wait3A_849 = arith.constant 0 : i32
    %dma_wait3A_850 = tpu.memref_slice %arg3[%dma_wait3A_848, %dma_wait3A_849] : memref<64x1000000xf32, #tpu.memory_space<hbm>> -> memref<64x128xf32, #tpu.memory_space<hbm>>
    tpu.wait_dma2 semaphore(%arg10 : memref<!tpu.dma_semaphore, #tpu.memory_space<semaphore_mem>>) src(%dma_wait3A_850 : memref<64x128xf32, #tpu.memory_space<hbm>>) dst(%dma_wait3A_847 : memref<64x128xf32, #tpu.memory_space<vmem>>)
    %multiple_of3A_851 = arith.constant 496 : i32
    %multiple_of3A_852 = tpu.assume_multiple %multiple_of3A_851, 16 : i32
    %get3A_853 = arith.index_cast %multiple_of3A_852 : i32 to index
    %get3A_854 = tpu.vector_load %arg5[%get3A_853] {strides = array<i32>} : memref<512xi32, #tpu.memory_space<vmem>>, vector<16xi32>,
    %broadcast_in_dim3A_855 = arith.constant 10 : i32
    %broadcast_in_dim3A_856 = vector.broadcast %broadcast_in_dim3A_855 : i32 to vector<16xi32>
    %eq3A_857 = arith.cmpi eq, %iota3A, %broadcast_in_dim3A_856 : vector<16xi32>
    %broadcast_in_dim3A_858 = arith.constant -1 : i32
    %broadcast_in_dim3A_859 = vector.broadcast %broadcast_in_dim3A_858 : i32 to vector<16xi32>
    %select_n3A_860 = arith.select %eq3A_857, %get3A_854, %broadcast_in_dim3A_859 : vector<16xi1>, vector<16xi32>
    %reduce_max3A_861 = arith.constant true
    %reduce_max3A_862 = vector.broadcast %reduce_max3A_861 : i1 to vector<16xi1>
    %reduce_max3A_863 = arith.constant -2147483648 : i32
    %reduce_max3A_864 = vector.broadcast %reduce_max3A_863 : i32 to vector<16xi32>
    %reduce_max3A_865 = arith.xori %select_n3A_860, %reduce_max3A_864 : vector<16xi32>
    %reduce_max3A_866 = tpu.scan <max>, %reduce_max3A_865 masked %reduce_max3A_862 : vector<16xi32>, vector<16xi1> -> vector<16xi32>
    %reduce_max3A_867 = arith.xori %reduce_max3A_866, %reduce_max3A_864 : vector<16xi32>
    %reduce_max3A_868 = vector.extract %reduce_max3A_867[15] : i32 from vector<16xi32>
    %jit3A_869 = arith.constant 128 : i32
    %eq3A_870 = arith.constant 0 : i32
    %eq3A_871 = arith.cmpi eq, %jit3A_869, %eq3A_870 : i32
    %jit3A_872 = arith.constant 1 : i32
    %select_n3A_873 = arith.select %eq3A_871, %jit3A_872, %jit3A_869 : i32
    %rem3A_874 = arith.remsi %reduce_max3A_868, %select_n3A_873 : i32
    %ne3A_875 = arith.constant 0 : i32
    %ne3A_876 = arith.cmpi ne, %rem3A_874, %ne3A_875 : i32
    %lt3A_877 = arith.constant 0 : i32
    %lt3A_878 = arith.cmpi slt, %rem3A_874, %lt3A_877 : i32
    %lt3A_879 = arith.constant 0 : i32
    %lt3A_880 = arith.cmpi slt, %select_n3A_873, %lt3A_879 : i32
    %ne3A_881 = arith.xori %lt3A_878, %lt3A_880 : i1
    %and3A_882 = arith.andi %ne3A_881, %ne3A_876 : i1
    %add3A_883 = arith.addi %rem3A_874, %select_n3A_873 : i32
    %select_n3A_884 = arith.select %and3A_882, %add3A_883, %rem3A_874 : i32
    %broadcast_in_dim3A_885 = vector.broadcast %select_n3A_884 : i32 to vector<16xi32>
    %iota3A_886 = tpu.iota {dimensions = array<i32: 0>} : vector<16xi32>
    %add3A_887 = arith.constant 0 : i32
    %add3A_888 = vector.broadcast %add3A_887 : i32 to vector<16xi32>
    %add3A_889 = arith.addi %iota3A_886, %add3A_888 : vector<16xi32>
    %gather3A_890 = arith.constant 2 : i32
    %gather3A_891 = arith.constant 0 : i32
    %gather3A_892 = arith.constant 0 : i32
    %gather3A_893 = tpu.memref_slice %arg6[%gather3A_890, %gather3A_891, %gather3A_892] : memref<8x64x128xf32, #tpu.memory_space<vmem>> -> memref<1x64x128xf32, #tpu.memory_space<vmem>>
    %gather3A_894 = tpu.memref_squeeze %gather3A_893 : memref<1x64x128xf32, #tpu.memory_space<vmem>> -> memref<64x128xf32, #tpu.memory_space<vmem>>
    %gather3A_895 = tpu.vector_load_idx %gather3A_894[%add3A_889, %broadcast_in_dim3A_885] : memref<64x128xf32, #tpu.memory_space<vmem>>[vector<16xi32>, vector<16xi32>], vector<16xf32>,
    %swap3A_896 = arith.constant 32384 : index
    %swap3A_897 = tpu.vector_load %arg7[%swap3A_896] {strides = array<i32>} : memref<32768xf32, #tpu.memory_space<vmem>>, vector<16xf32>,
    tpu.vector_store %arg7[%swap3A_896], %gather3A_895 {strides = array<i32>} : memref<32768xf32, #tpu.memory_space<vmem>>, vector<16xf32>,
    %iota3A_898 = tpu.iota {dimensions = array<i32: 0>} : vector<16xi32>
    %add3A_899 = arith.constant 16 : i32
    %add3A_900 = vector.broadcast %add3A_899 : i32 to vector<16xi32>
    %add3A_901 = arith.addi %iota3A_898, %add3A_900 : vector<16xi32>
    %gather3A_902 = arith.constant 2 : i32
    %gather3A_903 = arith.constant 0 : i32
    %gather3A_904 = arith.constant 0 : i32
    %gather3A_905 = tpu.memref_slice %arg6[%gather3A_902, %gather3A_903, %gather3A_904] : memref<8x64x128xf32, #tpu.memory_space<vmem>> -> memref<1x64x128xf32, #tpu.memory_space<vmem>>
    %gather3A_906 = tpu.memref_squeeze %gather3A_905 : memref<1x64x128xf32, #tpu.memory_space<vmem>> -> memref<64x128xf32, #tpu.memory_space<vmem>>
    %gather3A_907 = tpu.vector_load_idx %gather3A_906[%add3A_901, %broadcast_in_dim3A_885] : memref<64x128xf32, #tpu.memory_space<vmem>>[vector<16xi32>, vector<16xi32>], vector<16xf32>,
    %swap3A_908 = arith.constant 32400 : index
    %swap3A_909 = tpu.vector_load %arg7[%swap3A_908] {strides = array<i32>} : memref<32768xf32, #tpu.memory_space<vmem>>, vector<16xf32>,
    tpu.vector_store %arg7[%swap3A_908], %gather3A_907 {strides = array<i32>} : memref<32768xf32, #tpu.memory_space<vmem>>, vector<16xf32>,
    %iota3A_910 = tpu.iota {dimensions = array<i32: 0>} : vector<16xi32>
    %add3A_911 = arith.constant 32 : i32
    %add3A_912 = vector.broadcast %add3A_911 : i32 to vector<16xi32>
    %add3A_913 = arith.addi %iota3A_910, %add3A_912 : vector<16xi32>
    %gather3A_914 = arith.constant 2 : i32
    %gather3A_915 = arith.constant 0 : i32
    %gather3A_916 = arith.constant 0 : i32
    %gather3A_917 = tpu.memref_slice %arg6[%gather3A_914, %gather3A_915, %gather3A_916] : memref<8x64x128xf32, #tpu.memory_space<vmem>> -> memref<1x64x128xf32, #tpu.memory_space<vmem>>
    %gather3A_918 = tpu.memref_squeeze %gather3A_917 : memref<1x64x128xf32, #tpu.memory_space<vmem>> -> memref<64x128xf32, #tpu.memory_space<vmem>>
    %gather3A_919 = tpu.vector_load_idx %gather3A_918[%add3A_913, %broadcast_in_dim3A_885] : memref<64x128xf32, #tpu.memory_space<vmem>>[vector<16xi32>, vector<16xi32>], vector<16xf32>,
    %swap3A_920 = arith.constant 32416 : index
    %swap3A_921 = tpu.vector_load %arg7[%swap3A_920] {strides = array<i32>} : memref<32768xf32, #tpu.memory_space<vmem>>, vector<16xf32>,
    tpu.vector_store %arg7[%swap3A_920], %gather3A_919 {strides = array<i32>} : memref<32768xf32, #tpu.memory_space<vmem>>, vector<16xf32>,
    %iota3A_922 = tpu.iota {dimensions = array<i32: 0>} : vector<16xi32>
    %add3A_923 = arith.constant 48 : i32
    %add3A_924 = vector.broadcast %add3A_923 : i32 to vector<16xi32>
    %add3A_925 = arith.addi %iota3A_922, %add3A_924 : vector<16xi32>
    %gather3A_926 = arith.constant 2 : i32
    %gather3A_927 = arith.constant 0 : i32
    %gather3A_928 = arith.constant 0 : i32
    %gather3A_929 = tpu.memref_slice %arg6[%gather3A_926, %gather3A_927, %gather3A_928] : memref<8x64x128xf32, #tpu.memory_space<vmem>> -> memref<1x64x128xf32, #tpu.memory_space<vmem>>
    %gather3A_930 = tpu.memref_squeeze %gather3A_929 : memref<1x64x128xf32, #tpu.memory_space<vmem>> -> memref<64x128xf32, #tpu.memory_space<vmem>>
    %gather3A_931 = tpu.vector_load_idx %gather3A_930[%add3A_925, %broadcast_in_dim3A_885] : memref<64x128xf32, #tpu.memory_space<vmem>>[vector<16xi32>, vector<16xi32>], vector<16xf32>,
    %swap3A_932 = arith.constant 32432 : index
    %swap3A_933 = tpu.vector_load %arg7[%swap3A_932] {strides = array<i32>} : memref<32768xf32, #tpu.memory_space<vmem>>, vector<16xf32>,
    tpu.vector_store %arg7[%swap3A_932], %gather3A_931 {strides = array<i32>} : memref<32768xf32, #tpu.memory_space<vmem>>, vector<16xf32>,
    %dma_wait3A_934 = arith.constant 3 : i32
    %dma_wait3A_935 = arith.constant 0 : i32
    %dma_wait3A_936 = arith.constant 0 : i32
    %dma_wait3A_937 = tpu.memref_slice %arg6[%dma_wait3A_934, %dma_wait3A_935, %dma_wait3A_936] : memref<8x64x128xf32, #tpu.memory_space<vmem>> -> memref<1x64x128xf32, #tpu.memory_space<vmem>>
    %dma_wait3A_938 = tpu.memref_squeeze %dma_wait3A_937 : memref<1x64x128xf32, #tpu.memory_space<vmem>> -> memref<64x128xf32, #tpu.memory_space<vmem>>
    %dma_wait3A_939 = arith.constant 0 : i32
    %dma_wait3A_940 = arith.constant 0 : i32
    %dma_wait3A_941 = tpu.memref_slice %arg3[%dma_wait3A_939, %dma_wait3A_940] : memref<64x1000000xf32, #tpu.memory_space<hbm>> -> memref<64x128xf32, #tpu.memory_space<hbm>>
    %dma_wait3A_942 = arith.constant 0 : i32
    %dma_wait3A_943 = arith.constant 0 : i32
    %dma_wait3A_944 = tpu.memref_slice %arg6[%dma_wait3A_934, %dma_wait3A_942, %dma_wait3A_943] : memref<8x64x128xf32, #tpu.memory_space<vmem>> -> memref<1x64x128xf32, #tpu.memory_space<vmem>>
    %dma_wait3A_945 = tpu.memref_squeeze %dma_wait3A_944 : memref<1x64x128xf32, #tpu.memory_space<vmem>> -> memref<64x128xf32, #tpu.memory_space<vmem>>
    %dma_wait3A_946 = arith.constant 0 : i32
    %dma_wait3A_947 = arith.constant 0 : i32
    %dma_wait3A_948 = tpu.memref_slice %arg3[%dma_wait3A_946, %dma_wait3A_947] : memref<64x1000000xf32, #tpu.memory_space<hbm>> -> memref<64x128xf32, #tpu.memory_space<hbm>>
    tpu.wait_dma2 semaphore(%arg11 : memref<!tpu.dma_semaphore, #tpu.memory_space<semaphore_mem>>) src(%dma_wait3A_948 : memref<64x128xf32, #tpu.memory_space<hbm>>) dst(%dma_wait3A_945 : memref<64x128xf32, #tpu.memory_space<vmem>>)
    %multiple_of3A_949 = arith.constant 496 : i32
    %multiple_of3A_950 = tpu.assume_multiple %multiple_of3A_949, 16 : i32
    %get3A_951 = arith.index_cast %multiple_of3A_950 : i32 to index
    %get3A_952 = tpu.vector_load %arg5[%get3A_951] {strides = array<i32>} : memref<512xi32, #tpu.memory_space<vmem>>, vector<16xi32>,
    %broadcast_in_dim3A_953 = arith.constant 11 : i32
    %broadcast_in_dim3A_954 = vector.broadcast %broadcast_in_dim3A_953 : i32 to vector<16xi32>
    %eq3A_955 = arith.cmpi eq, %iota3A, %broadcast_in_dim3A_954 : vector<16xi32>
    %broadcast_in_dim3A_956 = arith.constant -1 : i32
    %broadcast_in_dim3A_957 = vector.broadcast %broadcast_in_dim3A_956 : i32 to vector<16xi32>
    %select_n3A_958 = arith.select %eq3A_955, %get3A_952, %broadcast_in_dim3A_957 : vector<16xi1>, vector<16xi32>
    %reduce_max3A_959 = arith.constant true
    %reduce_max3A_960 = vector.broadcast %reduce_max3A_959 : i1 to vector<16xi1>
    %reduce_max3A_961 = arith.constant -2147483648 : i32
    %reduce_max3A_962 = vector.broadcast %reduce_max3A_961 : i32 to vector<16xi32>
    %reduce_max3A_963 = arith.xori %select_n3A_958, %reduce_max3A_962 : vector<16xi32>
    %reduce_max3A_964 = tpu.scan <max>, %reduce_max3A_963 masked %reduce_max3A_960 : vector<16xi32>, vector<16xi1> -> vector<16xi32>
    %reduce_max3A_965 = arith.xori %reduce_max3A_964, %reduce_max3A_962 : vector<16xi32>
    %reduce_max3A_966 = vector.extract %reduce_max3A_965[15] : i32 from vector<16xi32>
    %jit3A_967 = arith.constant 128 : i32
    %eq3A_968 = arith.constant 0 : i32
    %eq3A_969 = arith.cmpi eq, %jit3A_967, %eq3A_968 : i32
    %jit3A_970 = arith.constant 1 : i32
    %select_n3A_971 = arith.select %eq3A_969, %jit3A_970, %jit3A_967 : i32
    %rem3A_972 = arith.remsi %reduce_max3A_966, %select_n3A_971 : i32
    %ne3A_973 = arith.constant 0 : i32
    %ne3A_974 = arith.cmpi ne, %rem3A_972, %ne3A_973 : i32
    %lt3A_975 = arith.constant 0 : i32
    %lt3A_976 = arith.cmpi slt, %rem3A_972, %lt3A_975 : i32
    %lt3A_977 = arith.constant 0 : i32
    %lt3A_978 = arith.cmpi slt, %select_n3A_971, %lt3A_977 : i32
    %ne3A_979 = arith.xori %lt3A_976, %lt3A_978 : i1
    %and3A_980 = arith.andi %ne3A_979, %ne3A_974 : i1
    %add3A_981 = arith.addi %rem3A_972, %select_n3A_971 : i32
    %select_n3A_982 = arith.select %and3A_980, %add3A_981, %rem3A_972 : i32
    %broadcast_in_dim3A_983 = vector.broadcast %select_n3A_982 : i32 to vector<16xi32>
    %iota3A_984 = tpu.iota {dimensions = array<i32: 0>} : vector<16xi32>
    %add3A_985 = arith.constant 0 : i32
    %add3A_986 = vector.broadcast %add3A_985 : i32 to vector<16xi32>
    %add3A_987 = arith.addi %iota3A_984, %add3A_986 : vector<16xi32>
    %gather3A_988 = arith.constant 3 : i32
    %gather3A_989 = arith.constant 0 : i32
    %gather3A_990 = arith.constant 0 : i32
    %gather3A_991 = tpu.memref_slice %arg6[%gather3A_988, %gather3A_989, %gather3A_990] : memref<8x64x128xf32, #tpu.memory_space<vmem>> -> memref<1x64x128xf32, #tpu.memory_space<vmem>>
    %gather3A_992 = tpu.memref_squeeze %gather3A_991 : memref<1x64x128xf32, #tpu.memory_space<vmem>> -> memref<64x128xf32, #tpu.memory_space<vmem>>
    %gather3A_993 = tpu.vector_load_idx %gather3A_992[%add3A_987, %broadcast_in_dim3A_983] : memref<64x128xf32, #tpu.memory_space<vmem>>[vector<16xi32>, vector<16xi32>], vector<16xf32>,
    %swap3A_994 = arith.constant 32448 : index
    %swap3A_995 = tpu.vector_load %arg7[%swap3A_994] {strides = array<i32>} : memref<32768xf32, #tpu.memory_space<vmem>>, vector<16xf32>,
    tpu.vector_store %arg7[%swap3A_994], %gather3A_993 {strides = array<i32>} : memref<32768xf32, #tpu.memory_space<vmem>>, vector<16xf32>,
    %iota3A_996 = tpu.iota {dimensions = array<i32: 0>} : vector<16xi32>
    %add3A_997 = arith.constant 16 : i32
    %add3A_998 = vector.broadcast %add3A_997 : i32 to vector<16xi32>
    %add3A_999 = arith.addi %iota3A_996, %add3A_998 : vector<16xi32>
    %gather3A_1000 = arith.constant 3 : i32
    %gather3A_1001 = arith.constant 0 : i32
    %gather3A_1002 = arith.constant 0 : i32
    %gather3A_1003 = tpu.memref_slice %arg6[%gather3A_1000, %gather3A_1001, %gather3A_1002] : memref<8x64x128xf32, #tpu.memory_space<vmem>> -> memref<1x64x128xf32, #tpu.memory_space<vmem>>
    %gather3A_1004 = tpu.memref_squeeze %gather3A_1003 : memref<1x64x128xf32, #tpu.memory_space<vmem>> -> memref<64x128xf32, #tpu.memory_space<vmem>>
    %gather3A_1005 = tpu.vector_load_idx %gather3A_1004[%add3A_999, %broadcast_in_dim3A_983] : memref<64x128xf32, #tpu.memory_space<vmem>>[vector<16xi32>, vector<16xi32>], vector<16xf32>,
    %swap3A_1006 = arith.constant 32464 : index
    %swap3A_1007 = tpu.vector_load %arg7[%swap3A_1006] {strides = array<i32>} : memref<32768xf32, #tpu.memory_space<vmem>>, vector<16xf32>,
    tpu.vector_store %arg7[%swap3A_1006], %gather3A_1005 {strides = array<i32>} : memref<32768xf32, #tpu.memory_space<vmem>>, vector<16xf32>,
    %iota3A_1008 = tpu.iota {dimensions = array<i32: 0>} : vector<16xi32>
    %add3A_1009 = arith.constant 32 : i32
    %add3A_1010 = vector.broadcast %add3A_1009 : i32 to vector<16xi32>
    %add3A_1011 = arith.addi %iota3A_1008, %add3A_1010 : vector<16xi32>
    %gather3A_1012 = arith.constant 3 : i32
    %gather3A_1013 = arith.constant 0 : i32
    %gather3A_1014 = arith.constant 0 : i32
    %gather3A_1015 = tpu.memref_slice %arg6[%gather3A_1012, %gather3A_1013, %gather3A_1014] : memref<8x64x128xf32, #tpu.memory_space<vmem>> -> memref<1x64x128xf32, #tpu.memory_space<vmem>>
    %gather3A_1016 = tpu.memref_squeeze %gather3A_1015 : memref<1x64x128xf32, #tpu.memory_space<vmem>> -> memref<64x128xf32, #tpu.memory_space<vmem>>
    %gather3A_1017 = tpu.vector_load_idx %gather3A_1016[%add3A_1011, %broadcast_in_dim3A_983] : memref<64x128xf32, #tpu.memory_space<vmem>>[vector<16xi32>, vector<16xi32>], vector<16xf32>,
    %swap3A_1018 = arith.constant 32480 : index
    %swap3A_1019 = tpu.vector_load %arg7[%swap3A_1018] {strides = array<i32>} : memref<32768xf32, #tpu.memory_space<vmem>>, vector<16xf32>,
    tpu.vector_store %arg7[%swap3A_1018], %gather3A_1017 {strides = array<i32>} : memref<32768xf32, #tpu.memory_space<vmem>>, vector<16xf32>,
    %iota3A_1020 = tpu.iota {dimensions = array<i32: 0>} : vector<16xi32>
    %add3A_1021 = arith.constant 48 : i32
    %add3A_1022 = vector.broadcast %add3A_1021 : i32 to vector<16xi32>
    %add3A_1023 = arith.addi %iota3A_1020, %add3A_1022 : vector<16xi32>
    %gather3A_1024 = arith.constant 3 : i32
    %gather3A_1025 = arith.constant 0 : i32
    %gather3A_1026 = arith.constant 0 : i32
    %gather3A_1027 = tpu.memref_slice %arg6[%gather3A_1024, %gather3A_1025, %gather3A_1026] : memref<8x64x128xf32, #tpu.memory_space<vmem>> -> memref<1x64x128xf32, #tpu.memory_space<vmem>>
    %gather3A_1028 = tpu.memref_squeeze %gather3A_1027 : memref<1x64x128xf32, #tpu.memory_space<vmem>> -> memref<64x128xf32, #tpu.memory_space<vmem>>
    %gather3A_1029 = tpu.vector_load_idx %gather3A_1028[%add3A_1023, %broadcast_in_dim3A_983] : memref<64x128xf32, #tpu.memory_space<vmem>>[vector<16xi32>, vector<16xi32>], vector<16xf32>,
    %swap3A_1030 = arith.constant 32496 : index
    %swap3A_1031 = tpu.vector_load %arg7[%swap3A_1030] {strides = array<i32>} : memref<32768xf32, #tpu.memory_space<vmem>>, vector<16xf32>,
    tpu.vector_store %arg7[%swap3A_1030], %gather3A_1029 {strides = array<i32>} : memref<32768xf32, #tpu.memory_space<vmem>>, vector<16xf32>,
    %dma_wait3A_1032 = arith.constant 4 : i32
    %dma_wait3A_1033 = arith.constant 0 : i32
    %dma_wait3A_1034 = arith.constant 0 : i32
    %dma_wait3A_1035 = tpu.memref_slice %arg6[%dma_wait3A_1032, %dma_wait3A_1033, %dma_wait3A_1034] : memref<8x64x128xf32, #tpu.memory_space<vmem>> -> memref<1x64x128xf32, #tpu.memory_space<vmem>>
    %dma_wait3A_1036 = tpu.memref_squeeze %dma_wait3A_1035 : memref<1x64x128xf32, #tpu.memory_space<vmem>> -> memref<64x128xf32, #tpu.memory_space<vmem>>
    %dma_wait3A_1037 = arith.constant 0 : i32
    %dma_wait3A_1038 = arith.constant 0 : i32
    %dma_wait3A_1039 = tpu.memref_slice %arg3[%dma_wait3A_1037, %dma_wait3A_1038] : memref<64x1000000xf32, #tpu.memory_space<hbm>> -> memref<64x128xf32, #tpu.memory_space<hbm>>
    %dma_wait3A_1040 = arith.constant 0 : i32
    %dma_wait3A_1041 = arith.constant 0 : i32
    %dma_wait3A_1042 = tpu.memref_slice %arg6[%dma_wait3A_1032, %dma_wait3A_1040, %dma_wait3A_1041] : memref<8x64x128xf32, #tpu.memory_space<vmem>> -> memref<1x64x128xf32, #tpu.memory_space<vmem>>
    %dma_wait3A_1043 = tpu.memref_squeeze %dma_wait3A_1042 : memref<1x64x128xf32, #tpu.memory_space<vmem>> -> memref<64x128xf32, #tpu.memory_space<vmem>>
    %dma_wait3A_1044 = arith.constant 0 : i32
    %dma_wait3A_1045 = arith.constant 0 : i32
    %dma_wait3A_1046 = tpu.memref_slice %arg3[%dma_wait3A_1044, %dma_wait3A_1045] : memref<64x1000000xf32, #tpu.memory_space<hbm>> -> memref<64x128xf32, #tpu.memory_space<hbm>>
    tpu.wait_dma2 semaphore(%arg12 : memref<!tpu.dma_semaphore, #tpu.memory_space<semaphore_mem>>) src(%dma_wait3A_1046 : memref<64x128xf32, #tpu.memory_space<hbm>>) dst(%dma_wait3A_1043 : memref<64x128xf32, #tpu.memory_space<vmem>>)
    %multiple_of3A_1047 = arith.constant 496 : i32
    %multiple_of3A_1048 = tpu.assume_multiple %multiple_of3A_1047, 16 : i32
    %get3A_1049 = arith.index_cast %multiple_of3A_1048 : i32 to index
    %get3A_1050 = tpu.vector_load %arg5[%get3A_1049] {strides = array<i32>} : memref<512xi32, #tpu.memory_space<vmem>>, vector<16xi32>,
    %broadcast_in_dim3A_1051 = arith.constant 12 : i32
    %broadcast_in_dim3A_1052 = vector.broadcast %broadcast_in_dim3A_1051 : i32 to vector<16xi32>
    %eq3A_1053 = arith.cmpi eq, %iota3A, %broadcast_in_dim3A_1052 : vector<16xi32>
    %broadcast_in_dim3A_1054 = arith.constant -1 : i32
    %broadcast_in_dim3A_1055 = vector.broadcast %broadcast_in_dim3A_1054 : i32 to vector<16xi32>
    %select_n3A_1056 = arith.select %eq3A_1053, %get3A_1050, %broadcast_in_dim3A_1055 : vector<16xi1>, vector<16xi32>
    %reduce_max3A_1057 = arith.constant true
    %reduce_max3A_1058 = vector.broadcast %reduce_max3A_1057 : i1 to vector<16xi1>
    %reduce_max3A_1059 = arith.constant -2147483648 : i32
    %reduce_max3A_1060 = vector.broadcast %reduce_max3A_1059 : i32 to vector<16xi32>
    %reduce_max3A_1061 = arith.xori %select_n3A_1056, %reduce_max3A_1060 : vector<16xi32>
    %reduce_max3A_1062 = tpu.scan <max>, %reduce_max3A_1061 masked %reduce_max3A_1058 : vector<16xi32>, vector<16xi1> -> vector<16xi32>
    %reduce_max3A_1063 = arith.xori %reduce_max3A_1062, %reduce_max3A_1060 : vector<16xi32>
    %reduce_max3A_1064 = vector.extract %reduce_max3A_1063[15] : i32 from vector<16xi32>
    %jit3A_1065 = arith.constant 128 : i32
    %eq3A_1066 = arith.constant 0 : i32
    %eq3A_1067 = arith.cmpi eq, %jit3A_1065, %eq3A_1066 : i32
    %jit3A_1068 = arith.constant 1 : i32
    %select_n3A_1069 = arith.select %eq3A_1067, %jit3A_1068, %jit3A_1065 : i32
    %rem3A_1070 = arith.remsi %reduce_max3A_1064, %select_n3A_1069 : i32
    %ne3A_1071 = arith.constant 0 : i32
    %ne3A_1072 = arith.cmpi ne, %rem3A_1070, %ne3A_1071 : i32
    %lt3A_1073 = arith.constant 0 : i32
    %lt3A_1074 = arith.cmpi slt, %rem3A_1070, %lt3A_1073 : i32
    %lt3A_1075 = arith.constant 0 : i32
    %lt3A_1076 = arith.cmpi slt, %select_n3A_1069, %lt3A_1075 : i32
    %ne3A_1077 = arith.xori %lt3A_1074, %lt3A_1076 : i1
    %and3A_1078 = arith.andi %ne3A_1077, %ne3A_1072 : i1
    %add3A_1079 = arith.addi %rem3A_1070, %select_n3A_1069 : i32
    %select_n3A_1080 = arith.select %and3A_1078, %add3A_1079, %rem3A_1070 : i32
    %broadcast_in_dim3A_1081 = vector.broadcast %select_n3A_1080 : i32 to vector<16xi32>
    %iota3A_1082 = tpu.iota {dimensions = array<i32: 0>} : vector<16xi32>
    %add3A_1083 = arith.constant 0 : i32
    %add3A_1084 = vector.broadcast %add3A_1083 : i32 to vector<16xi32>
    %add3A_1085 = arith.addi %iota3A_1082, %add3A_1084 : vector<16xi32>
    %gather3A_1086 = arith.constant 4 : i32
    %gather3A_1087 = arith.constant 0 : i32
    %gather3A_1088 = arith.constant 0 : i32
    %gather3A_1089 = tpu.memref_slice %arg6[%gather3A_1086, %gather3A_1087, %gather3A_1088] : memref<8x64x128xf32, #tpu.memory_space<vmem>> -> memref<1x64x128xf32, #tpu.memory_space<vmem>>
    %gather3A_1090 = tpu.memref_squeeze %gather3A_1089 : memref<1x64x128xf32, #tpu.memory_space<vmem>> -> memref<64x128xf32, #tpu.memory_space<vmem>>
    %gather3A_1091 = tpu.vector_load_idx %gather3A_1090[%add3A_1085, %broadcast_in_dim3A_1081] : memref<64x128xf32, #tpu.memory_space<vmem>>[vector<16xi32>, vector<16xi32>], vector<16xf32>,
    %swap3A_1092 = arith.constant 32512 : index
    %swap3A_1093 = tpu.vector_load %arg7[%swap3A_1092] {strides = array<i32>} : memref<32768xf32, #tpu.memory_space<vmem>>, vector<16xf32>,
    tpu.vector_store %arg7[%swap3A_1092], %gather3A_1091 {strides = array<i32>} : memref<32768xf32, #tpu.memory_space<vmem>>, vector<16xf32>,
    %iota3A_1094 = tpu.iota {dimensions = array<i32: 0>} : vector<16xi32>
    %add3A_1095 = arith.constant 16 : i32
    %add3A_1096 = vector.broadcast %add3A_1095 : i32 to vector<16xi32>
    %add3A_1097 = arith.addi %iota3A_1094, %add3A_1096 : vector<16xi32>
    %gather3A_1098 = arith.constant 4 : i32
    %gather3A_1099 = arith.constant 0 : i32
    %gather3A_1100 = arith.constant 0 : i32
    %gather3A_1101 = tpu.memref_slice %arg6[%gather3A_1098, %gather3A_1099, %gather3A_1100] : memref<8x64x128xf32, #tpu.memory_space<vmem>> -> memref<1x64x128xf32, #tpu.memory_space<vmem>>
    %gather3A_1102 = tpu.memref_squeeze %gather3A_1101 : memref<1x64x128xf32, #tpu.memory_space<vmem>> -> memref<64x128xf32, #tpu.memory_space<vmem>>
    %gather3A_1103 = tpu.vector_load_idx %gather3A_1102[%add3A_1097, %broadcast_in_dim3A_1081] : memref<64x128xf32, #tpu.memory_space<vmem>>[vector<16xi32>, vector<16xi32>], vector<16xf32>,
    %swap3A_1104 = arith.constant 32528 : index
    %swap3A_1105 = tpu.vector_load %arg7[%swap3A_1104] {strides = array<i32>} : memref<32768xf32, #tpu.memory_space<vmem>>, vector<16xf32>,
    tpu.vector_store %arg7[%swap3A_1104], %gather3A_1103 {strides = array<i32>} : memref<32768xf32, #tpu.memory_space<vmem>>, vector<16xf32>,
    %iota3A_1106 = tpu.iota {dimensions = array<i32: 0>} : vector<16xi32>
    %add3A_1107 = arith.constant 32 : i32
    %add3A_1108 = vector.broadcast %add3A_1107 : i32 to vector<16xi32>
    %add3A_1109 = arith.addi %iota3A_1106, %add3A_1108 : vector<16xi32>
    %gather3A_1110 = arith.constant 4 : i32
    %gather3A_1111 = arith.constant 0 : i32
    %gather3A_1112 = arith.constant 0 : i32
    %gather3A_1113 = tpu.memref_slice %arg6[%gather3A_1110, %gather3A_1111, %gather3A_1112] : memref<8x64x128xf32, #tpu.memory_space<vmem>> -> memref<1x64x128xf32, #tpu.memory_space<vmem>>
    %gather3A_1114 = tpu.memref_squeeze %gather3A_1113 : memref<1x64x128xf32, #tpu.memory_space<vmem>> -> memref<64x128xf32, #tpu.memory_space<vmem>>
    %gather3A_1115 = tpu.vector_load_idx %gather3A_1114[%add3A_1109, %broadcast_in_dim3A_1081] : memref<64x128xf32, #tpu.memory_space<vmem>>[vector<16xi32>, vector<16xi32>], vector<16xf32>,
    %swap3A_1116 = arith.constant 32544 : index
    %swap3A_1117 = tpu.vector_load %arg7[%swap3A_1116] {strides = array<i32>} : memref<32768xf32, #tpu.memory_space<vmem>>, vector<16xf32>,
    tpu.vector_store %arg7[%swap3A_1116], %gather3A_1115 {strides = array<i32>} : memref<32768xf32, #tpu.memory_space<vmem>>, vector<16xf32>,
    %iota3A_1118 = tpu.iota {dimensions = array<i32: 0>} : vector<16xi32>
    %add3A_1119 = arith.constant 48 : i32
    %add3A_1120 = vector.broadcast %add3A_1119 : i32 to vector<16xi32>
    %add3A_1121 = arith.addi %iota3A_1118, %add3A_1120 : vector<16xi32>
    %gather3A_1122 = arith.constant 4 : i32
    %gather3A_1123 = arith.constant 0 : i32
    %gather3A_1124 = arith.constant 0 : i32
    %gather3A_1125 = tpu.memref_slice %arg6[%gather3A_1122, %gather3A_1123, %gather3A_1124] : memref<8x64x128xf32, #tpu.memory_space<vmem>> -> memref<1x64x128xf32, #tpu.memory_space<vmem>>
    %gather3A_1126 = tpu.memref_squeeze %gather3A_1125 : memref<1x64x128xf32, #tpu.memory_space<vmem>> -> memref<64x128xf32, #tpu.memory_space<vmem>>
    %gather3A_1127 = tpu.vector_load_idx %gather3A_1126[%add3A_1121, %broadcast_in_dim3A_1081] : memref<64x128xf32, #tpu.memory_space<vmem>>[vector<16xi32>, vector<16xi32>], vector<16xf32>,
    %swap3A_1128 = arith.constant 32560 : index
    %swap3A_1129 = tpu.vector_load %arg7[%swap3A_1128] {strides = array<i32>} : memref<32768xf32, #tpu.memory_space<vmem>>, vector<16xf32>,
    tpu.vector_store %arg7[%swap3A_1128], %gather3A_1127 {strides = array<i32>} : memref<32768xf32, #tpu.memory_space<vmem>>, vector<16xf32>,
    %dma_wait3A_1130 = arith.constant 5 : i32
    %dma_wait3A_1131 = arith.constant 0 : i32
    %dma_wait3A_1132 = arith.constant 0 : i32
    %dma_wait3A_1133 = tpu.memref_slice %arg6[%dma_wait3A_1130, %dma_wait3A_1131, %dma_wait3A_1132] : memref<8x64x128xf32, #tpu.memory_space<vmem>> -> memref<1x64x128xf32, #tpu.memory_space<vmem>>
    %dma_wait3A_1134 = tpu.memref_squeeze %dma_wait3A_1133 : memref<1x64x128xf32, #tpu.memory_space<vmem>> -> memref<64x128xf32, #tpu.memory_space<vmem>>
    %dma_wait3A_1135 = arith.constant 0 : i32
    %dma_wait3A_1136 = arith.constant 0 : i32
    %dma_wait3A_1137 = tpu.memref_slice %arg3[%dma_wait3A_1135, %dma_wait3A_1136] : memref<64x1000000xf32, #tpu.memory_space<hbm>> -> memref<64x128xf32, #tpu.memory_space<hbm>>
    %dma_wait3A_1138 = arith.constant 0 : i32
    %dma_wait3A_1139 = arith.constant 0 : i32
    %dma_wait3A_1140 = tpu.memref_slice %arg6[%dma_wait3A_1130, %dma_wait3A_1138, %dma_wait3A_1139] : memref<8x64x128xf32, #tpu.memory_space<vmem>> -> memref<1x64x128xf32, #tpu.memory_space<vmem>>
    %dma_wait3A_1141 = tpu.memref_squeeze %dma_wait3A_1140 : memref<1x64x128xf32, #tpu.memory_space<vmem>> -> memref<64x128xf32, #tpu.memory_space<vmem>>
    %dma_wait3A_1142 = arith.constant 0 : i32
    %dma_wait3A_1143 = arith.constant 0 : i32
    %dma_wait3A_1144 = tpu.memref_slice %arg3[%dma_wait3A_1142, %dma_wait3A_1143] : memref<64x1000000xf32, #tpu.memory_space<hbm>> -> memref<64x128xf32, #tpu.memory_space<hbm>>
    tpu.wait_dma2 semaphore(%arg13 : memref<!tpu.dma_semaphore, #tpu.memory_space<semaphore_mem>>) src(%dma_wait3A_1144 : memref<64x128xf32, #tpu.memory_space<hbm>>) dst(%dma_wait3A_1141 : memref<64x128xf32, #tpu.memory_space<vmem>>)
    %multiple_of3A_1145 = arith.constant 496 : i32
    %multiple_of3A_1146 = tpu.assume_multiple %multiple_of3A_1145, 16 : i32
    %get3A_1147 = arith.index_cast %multiple_of3A_1146 : i32 to index
    %get3A_1148 = tpu.vector_load %arg5[%get3A_1147] {strides = array<i32>} : memref<512xi32, #tpu.memory_space<vmem>>, vector<16xi32>,
    %broadcast_in_dim3A_1149 = arith.constant 13 : i32
    %broadcast_in_dim3A_1150 = vector.broadcast %broadcast_in_dim3A_1149 : i32 to vector<16xi32>
    %eq3A_1151 = arith.cmpi eq, %iota3A, %broadcast_in_dim3A_1150 : vector<16xi32>
    %broadcast_in_dim3A_1152 = arith.constant -1 : i32
    %broadcast_in_dim3A_1153 = vector.broadcast %broadcast_in_dim3A_1152 : i32 to vector<16xi32>
    %select_n3A_1154 = arith.select %eq3A_1151, %get3A_1148, %broadcast_in_dim3A_1153 : vector<16xi1>, vector<16xi32>
    %reduce_max3A_1155 = arith.constant true
    %reduce_max3A_1156 = vector.broadcast %reduce_max3A_1155 : i1 to vector<16xi1>
    %reduce_max3A_1157 = arith.constant -2147483648 : i32
    %reduce_max3A_1158 = vector.broadcast %reduce_max3A_1157 : i32 to vector<16xi32>
    %reduce_max3A_1159 = arith.xori %select_n3A_1154, %reduce_max3A_1158 : vector<16xi32>
    %reduce_max3A_1160 = tpu.scan <max>, %reduce_max3A_1159 masked %reduce_max3A_1156 : vector<16xi32>, vector<16xi1> -> vector<16xi32>
    %reduce_max3A_1161 = arith.xori %reduce_max3A_1160, %reduce_max3A_1158 : vector<16xi32>
    %reduce_max3A_1162 = vector.extract %reduce_max3A_1161[15] : i32 from vector<16xi32>
    %jit3A_1163 = arith.constant 128 : i32
    %eq3A_1164 = arith.constant 0 : i32
    %eq3A_1165 = arith.cmpi eq, %jit3A_1163, %eq3A_1164 : i32
    %jit3A_1166 = arith.constant 1 : i32
    %select_n3A_1167 = arith.select %eq3A_1165, %jit3A_1166, %jit3A_1163 : i32
    %rem3A_1168 = arith.remsi %reduce_max3A_1162, %select_n3A_1167 : i32
    %ne3A_1169 = arith.constant 0 : i32
    %ne3A_1170 = arith.cmpi ne, %rem3A_1168, %ne3A_1169 : i32
    %lt3A_1171 = arith.constant 0 : i32
    %lt3A_1172 = arith.cmpi slt, %rem3A_1168, %lt3A_1171 : i32
    %lt3A_1173 = arith.constant 0 : i32
    %lt3A_1174 = arith.cmpi slt, %select_n3A_1167, %lt3A_1173 : i32
    %ne3A_1175 = arith.xori %lt3A_1172, %lt3A_1174 : i1
    %and3A_1176 = arith.andi %ne3A_1175, %ne3A_1170 : i1
    %add3A_1177 = arith.addi %rem3A_1168, %select_n3A_1167 : i32
    %select_n3A_1178 = arith.select %and3A_1176, %add3A_1177, %rem3A_1168 : i32
    %broadcast_in_dim3A_1179 = vector.broadcast %select_n3A_1178 : i32 to vector<16xi32>
    %iota3A_1180 = tpu.iota {dimensions = array<i32: 0>} : vector<16xi32>
    %add3A_1181 = arith.constant 0 : i32
    %add3A_1182 = vector.broadcast %add3A_1181 : i32 to vector<16xi32>
    %add3A_1183 = arith.addi %iota3A_1180, %add3A_1182 : vector<16xi32>
    %gather3A_1184 = arith.constant 5 : i32
    %gather3A_1185 = arith.constant 0 : i32
    %gather3A_1186 = arith.constant 0 : i32
    %gather3A_1187 = tpu.memref_slice %arg6[%gather3A_1184, %gather3A_1185, %gather3A_1186] : memref<8x64x128xf32, #tpu.memory_space<vmem>> -> memref<1x64x128xf32, #tpu.memory_space<vmem>>
    %gather3A_1188 = tpu.memref_squeeze %gather3A_1187 : memref<1x64x128xf32, #tpu.memory_space<vmem>> -> memref<64x128xf32, #tpu.memory_space<vmem>>
    %gather3A_1189 = tpu.vector_load_idx %gather3A_1188[%add3A_1183, %broadcast_in_dim3A_1179] : memref<64x128xf32, #tpu.memory_space<vmem>>[vector<16xi32>, vector<16xi32>], vector<16xf32>,
    %swap3A_1190 = arith.constant 32576 : index
    %swap3A_1191 = tpu.vector_load %arg7[%swap3A_1190] {strides = array<i32>} : memref<32768xf32, #tpu.memory_space<vmem>>, vector<16xf32>,
    tpu.vector_store %arg7[%swap3A_1190], %gather3A_1189 {strides = array<i32>} : memref<32768xf32, #tpu.memory_space<vmem>>, vector<16xf32>,
    %iota3A_1192 = tpu.iota {dimensions = array<i32: 0>} : vector<16xi32>
    %add3A_1193 = arith.constant 16 : i32
    %add3A_1194 = vector.broadcast %add3A_1193 : i32 to vector<16xi32>
    %add3A_1195 = arith.addi %iota3A_1192, %add3A_1194 : vector<16xi32>
    %gather3A_1196 = arith.constant 5 : i32
    %gather3A_1197 = arith.constant 0 : i32
    %gather3A_1198 = arith.constant 0 : i32
    %gather3A_1199 = tpu.memref_slice %arg6[%gather3A_1196, %gather3A_1197, %gather3A_1198] : memref<8x64x128xf32, #tpu.memory_space<vmem>> -> memref<1x64x128xf32, #tpu.memory_space<vmem>>
    %gather3A_1200 = tpu.memref_squeeze %gather3A_1199 : memref<1x64x128xf32, #tpu.memory_space<vmem>> -> memref<64x128xf32, #tpu.memory_space<vmem>>
    %gather3A_1201 = tpu.vector_load_idx %gather3A_1200[%add3A_1195, %broadcast_in_dim3A_1179] : memref<64x128xf32, #tpu.memory_space<vmem>>[vector<16xi32>, vector<16xi32>], vector<16xf32>,
    %swap3A_1202 = arith.constant 32592 : index
    %swap3A_1203 = tpu.vector_load %arg7[%swap3A_1202] {strides = array<i32>} : memref<32768xf32, #tpu.memory_space<vmem>>, vector<16xf32>,
    tpu.vector_store %arg7[%swap3A_1202], %gather3A_1201 {strides = array<i32>} : memref<32768xf32, #tpu.memory_space<vmem>>, vector<16xf32>,
    %iota3A_1204 = tpu.iota {dimensions = array<i32: 0>} : vector<16xi32>
    %add3A_1205 = arith.constant 32 : i32
    %add3A_1206 = vector.broadcast %add3A_1205 : i32 to vector<16xi32>
    %add3A_1207 = arith.addi %iota3A_1204, %add3A_1206 : vector<16xi32>
    %gather3A_1208 = arith.constant 5 : i32
    %gather3A_1209 = arith.constant 0 : i32
    %gather3A_1210 = arith.constant 0 : i32
    %gather3A_1211 = tpu.memref_slice %arg6[%gather3A_1208, %gather3A_1209, %gather3A_1210] : memref<8x64x128xf32, #tpu.memory_space<vmem>> -> memref<1x64x128xf32, #tpu.memory_space<vmem>>
    %gather3A_1212 = tpu.memref_squeeze %gather3A_1211 : memref<1x64x128xf32, #tpu.memory_space<vmem>> -> memref<64x128xf32, #tpu.memory_space<vmem>>
    %gather3A_1213 = tpu.vector_load_idx %gather3A_1212[%add3A_1207, %broadcast_in_dim3A_1179] : memref<64x128xf32, #tpu.memory_space<vmem>>[vector<16xi32>, vector<16xi32>], vector<16xf32>,
    %swap3A_1214 = arith.constant 32608 : index
    %swap3A_1215 = tpu.vector_load %arg7[%swap3A_1214] {strides = array<i32>} : memref<32768xf32, #tpu.memory_space<vmem>>, vector<16xf32>,
    tpu.vector_store %arg7[%swap3A_1214], %gather3A_1213 {strides = array<i32>} : memref<32768xf32, #tpu.memory_space<vmem>>, vector<16xf32>,
    %iota3A_1216 = tpu.iota {dimensions = array<i32: 0>} : vector<16xi32>
    %add3A_1217 = arith.constant 48 : i32
    %add3A_1218 = vector.broadcast %add3A_1217 : i32 to vector<16xi32>
    %add3A_1219 = arith.addi %iota3A_1216, %add3A_1218 : vector<16xi32>
    %gather3A_1220 = arith.constant 5 : i32
    %gather3A_1221 = arith.constant 0 : i32
    %gather3A_1222 = arith.constant 0 : i32
    %gather3A_1223 = tpu.memref_slice %arg6[%gather3A_1220, %gather3A_1221, %gather3A_1222] : memref<8x64x128xf32, #tpu.memory_space<vmem>> -> memref<1x64x128xf32, #tpu.memory_space<vmem>>
    %gather3A_1224 = tpu.memref_squeeze %gather3A_1223 : memref<1x64x128xf32, #tpu.memory_space<vmem>> -> memref<64x128xf32, #tpu.memory_space<vmem>>
    %gather3A_1225 = tpu.vector_load_idx %gather3A_1224[%add3A_1219, %broadcast_in_dim3A_1179] : memref<64x128xf32, #tpu.memory_space<vmem>>[vector<16xi32>, vector<16xi32>], vector<16xf32>,
    %swap3A_1226 = arith.constant 32624 : index
    %swap3A_1227 = tpu.vector_load %arg7[%swap3A_1226] {strides = array<i32>} : memref<32768xf32, #tpu.memory_space<vmem>>, vector<16xf32>,
    tpu.vector_store %arg7[%swap3A_1226], %gather3A_1225 {strides = array<i32>} : memref<32768xf32, #tpu.memory_space<vmem>>, vector<16xf32>,
    %dma_wait3A_1228 = arith.constant 6 : i32
    %dma_wait3A_1229 = arith.constant 0 : i32
    %dma_wait3A_1230 = arith.constant 0 : i32
    %dma_wait3A_1231 = tpu.memref_slice %arg6[%dma_wait3A_1228, %dma_wait3A_1229, %dma_wait3A_1230] : memref<8x64x128xf32, #tpu.memory_space<vmem>> -> memref<1x64x128xf32, #tpu.memory_space<vmem>>
    %dma_wait3A_1232 = tpu.memref_squeeze %dma_wait3A_1231 : memref<1x64x128xf32, #tpu.memory_space<vmem>> -> memref<64x128xf32, #tpu.memory_space<vmem>>
    %dma_wait3A_1233 = arith.constant 0 : i32
    %dma_wait3A_1234 = arith.constant 0 : i32
    %dma_wait3A_1235 = tpu.memref_slice %arg3[%dma_wait3A_1233, %dma_wait3A_1234] : memref<64x1000000xf32, #tpu.memory_space<hbm>> -> memref<64x128xf32, #tpu.memory_space<hbm>>
    %dma_wait3A_1236 = arith.constant 0 : i32
    %dma_wait3A_1237 = arith.constant 0 : i32
    %dma_wait3A_1238 = tpu.memref_slice %arg6[%dma_wait3A_1228, %dma_wait3A_1236, %dma_wait3A_1237] : memref<8x64x128xf32, #tpu.memory_space<vmem>> -> memref<1x64x128xf32, #tpu.memory_space<vmem>>
    %dma_wait3A_1239 = tpu.memref_squeeze %dma_wait3A_1238 : memref<1x64x128xf32, #tpu.memory_space<vmem>> -> memref<64x128xf32, #tpu.memory_space<vmem>>
    %dma_wait3A_1240 = arith.constant 0 : i32
    %dma_wait3A_1241 = arith.constant 0 : i32
    %dma_wait3A_1242 = tpu.memref_slice %arg3[%dma_wait3A_1240, %dma_wait3A_1241] : memref<64x1000000xf32, #tpu.memory_space<hbm>> -> memref<64x128xf32, #tpu.memory_space<hbm>>
    tpu.wait_dma2 semaphore(%arg14 : memref<!tpu.dma_semaphore, #tpu.memory_space<semaphore_mem>>) src(%dma_wait3A_1242 : memref<64x128xf32, #tpu.memory_space<hbm>>) dst(%dma_wait3A_1239 : memref<64x128xf32, #tpu.memory_space<vmem>>)
    %multiple_of3A_1243 = arith.constant 496 : i32
    %multiple_of3A_1244 = tpu.assume_multiple %multiple_of3A_1243, 16 : i32
    %get3A_1245 = arith.index_cast %multiple_of3A_1244 : i32 to index
    %get3A_1246 = tpu.vector_load %arg5[%get3A_1245] {strides = array<i32>} : memref<512xi32, #tpu.memory_space<vmem>>, vector<16xi32>,
    %broadcast_in_dim3A_1247 = arith.constant 14 : i32
    %broadcast_in_dim3A_1248 = vector.broadcast %broadcast_in_dim3A_1247 : i32 to vector<16xi32>
    %eq3A_1249 = arith.cmpi eq, %iota3A, %broadcast_in_dim3A_1248 : vector<16xi32>
    %broadcast_in_dim3A_1250 = arith.constant -1 : i32
    %broadcast_in_dim3A_1251 = vector.broadcast %broadcast_in_dim3A_1250 : i32 to vector<16xi32>
    %select_n3A_1252 = arith.select %eq3A_1249, %get3A_1246, %broadcast_in_dim3A_1251 : vector<16xi1>, vector<16xi32>
    %reduce_max3A_1253 = arith.constant true
    %reduce_max3A_1254 = vector.broadcast %reduce_max3A_1253 : i1 to vector<16xi1>
    %reduce_max3A_1255 = arith.constant -2147483648 : i32
    %reduce_max3A_1256 = vector.broadcast %reduce_max3A_1255 : i32 to vector<16xi32>
    %reduce_max3A_1257 = arith.xori %select_n3A_1252, %reduce_max3A_1256 : vector<16xi32>
    %reduce_max3A_1258 = tpu.scan <max>, %reduce_max3A_1257 masked %reduce_max3A_1254 : vector<16xi32>, vector<16xi1> -> vector<16xi32>
    %reduce_max3A_1259 = arith.xori %reduce_max3A_1258, %reduce_max3A_1256 : vector<16xi32>
    %reduce_max3A_1260 = vector.extract %reduce_max3A_1259[15] : i32 from vector<16xi32>
    %jit3A_1261 = arith.constant 128 : i32
    %eq3A_1262 = arith.constant 0 : i32
    %eq3A_1263 = arith.cmpi eq, %jit3A_1261, %eq3A_1262 : i32
    %jit3A_1264 = arith.constant 1 : i32
    %select_n3A_1265 = arith.select %eq3A_1263, %jit3A_1264, %jit3A_1261 : i32
    %rem3A_1266 = arith.remsi %reduce_max3A_1260, %select_n3A_1265 : i32
    %ne3A_1267 = arith.constant 0 : i32
    %ne3A_1268 = arith.cmpi ne, %rem3A_1266, %ne3A_1267 : i32
    %lt3A_1269 = arith.constant 0 : i32
    %lt3A_1270 = arith.cmpi slt, %rem3A_1266, %lt3A_1269 : i32
    %lt3A_1271 = arith.constant 0 : i32
    %lt3A_1272 = arith.cmpi slt, %select_n3A_1265, %lt3A_1271 : i32
    %ne3A_1273 = arith.xori %lt3A_1270, %lt3A_1272 : i1
    %and3A_1274 = arith.andi %ne3A_1273, %ne3A_1268 : i1
    %add3A_1275 = arith.addi %rem3A_1266, %select_n3A_1265 : i32
    %select_n3A_1276 = arith.select %and3A_1274, %add3A_1275, %rem3A_1266 : i32
    %broadcast_in_dim3A_1277 = vector.broadcast %select_n3A_1276 : i32 to vector<16xi32>
    %iota3A_1278 = tpu.iota {dimensions = array<i32: 0>} : vector<16xi32>
    %add3A_1279 = arith.constant 0 : i32
    %add3A_1280 = vector.broadcast %add3A_1279 : i32 to vector<16xi32>
    %add3A_1281 = arith.addi %iota3A_1278, %add3A_1280 : vector<16xi32>
    %gather3A_1282 = arith.constant 6 : i32
    %gather3A_1283 = arith.constant 0 : i32
    %gather3A_1284 = arith.constant 0 : i32
    %gather3A_1285 = tpu.memref_slice %arg6[%gather3A_1282, %gather3A_1283, %gather3A_1284] : memref<8x64x128xf32, #tpu.memory_space<vmem>> -> memref<1x64x128xf32, #tpu.memory_space<vmem>>
    %gather3A_1286 = tpu.memref_squeeze %gather3A_1285 : memref<1x64x128xf32, #tpu.memory_space<vmem>> -> memref<64x128xf32, #tpu.memory_space<vmem>>
    %gather3A_1287 = tpu.vector_load_idx %gather3A_1286[%add3A_1281, %broadcast_in_dim3A_1277] : memref<64x128xf32, #tpu.memory_space<vmem>>[vector<16xi32>, vector<16xi32>], vector<16xf32>,
    %swap3A_1288 = arith.constant 32640 : index
    %swap3A_1289 = tpu.vector_load %arg7[%swap3A_1288] {strides = array<i32>} : memref<32768xf32, #tpu.memory_space<vmem>>, vector<16xf32>,
    tpu.vector_store %arg7[%swap3A_1288], %gather3A_1287 {strides = array<i32>} : memref<32768xf32, #tpu.memory_space<vmem>>, vector<16xf32>,
    %iota3A_1290 = tpu.iota {dimensions = array<i32: 0>} : vector<16xi32>
    %add3A_1291 = arith.constant 16 : i32
    %add3A_1292 = vector.broadcast %add3A_1291 : i32 to vector<16xi32>
    %add3A_1293 = arith.addi %iota3A_1290, %add3A_1292 : vector<16xi32>
    %gather3A_1294 = arith.constant 6 : i32
    %gather3A_1295 = arith.constant 0 : i32
    %gather3A_1296 = arith.constant 0 : i32
    %gather3A_1297 = tpu.memref_slice %arg6[%gather3A_1294, %gather3A_1295, %gather3A_1296] : memref<8x64x128xf32, #tpu.memory_space<vmem>> -> memref<1x64x128xf32, #tpu.memory_space<vmem>>
    %gather3A_1298 = tpu.memref_squeeze %gather3A_1297 : memref<1x64x128xf32, #tpu.memory_space<vmem>> -> memref<64x128xf32, #tpu.memory_space<vmem>>
    %gather3A_1299 = tpu.vector_load_idx %gather3A_1298[%add3A_1293, %broadcast_in_dim3A_1277] : memref<64x128xf32, #tpu.memory_space<vmem>>[vector<16xi32>, vector<16xi32>], vector<16xf32>,
    %swap3A_1300 = arith.constant 32656 : index
    %swap3A_1301 = tpu.vector_load %arg7[%swap3A_1300] {strides = array<i32>} : memref<32768xf32, #tpu.memory_space<vmem>>, vector<16xf32>,
    tpu.vector_store %arg7[%swap3A_1300], %gather3A_1299 {strides = array<i32>} : memref<32768xf32, #tpu.memory_space<vmem>>, vector<16xf32>,
    %iota3A_1302 = tpu.iota {dimensions = array<i32: 0>} : vector<16xi32>
    %add3A_1303 = arith.constant 32 : i32
    %add3A_1304 = vector.broadcast %add3A_1303 : i32 to vector<16xi32>
    %add3A_1305 = arith.addi %iota3A_1302, %add3A_1304 : vector<16xi32>
    %gather3A_1306 = arith.constant 6 : i32
    %gather3A_1307 = arith.constant 0 : i32
    %gather3A_1308 = arith.constant 0 : i32
    %gather3A_1309 = tpu.memref_slice %arg6[%gather3A_1306, %gather3A_1307, %gather3A_1308] : memref<8x64x128xf32, #tpu.memory_space<vmem>> -> memref<1x64x128xf32, #tpu.memory_space<vmem>>
    %gather3A_1310 = tpu.memref_squeeze %gather3A_1309 : memref<1x64x128xf32, #tpu.memory_space<vmem>> -> memref<64x128xf32, #tpu.memory_space<vmem>>
    %gather3A_1311 = tpu.vector_load_idx %gather3A_1310[%add3A_1305, %broadcast_in_dim3A_1277] : memref<64x128xf32, #tpu.memory_space<vmem>>[vector<16xi32>, vector<16xi32>], vector<16xf32>,
    %swap3A_1312 = arith.constant 32672 : index
    %swap3A_1313 = tpu.vector_load %arg7[%swap3A_1312] {strides = array<i32>} : memref<32768xf32, #tpu.memory_space<vmem>>, vector<16xf32>,
    tpu.vector_store %arg7[%swap3A_1312], %gather3A_1311 {strides = array<i32>} : memref<32768xf32, #tpu.memory_space<vmem>>, vector<16xf32>,
    %iota3A_1314 = tpu.iota {dimensions = array<i32: 0>} : vector<16xi32>
    %add3A_1315 = arith.constant 48 : i32
    %add3A_1316 = vector.broadcast %add3A_1315 : i32 to vector<16xi32>
    %add3A_1317 = arith.addi %iota3A_1314, %add3A_1316 : vector<16xi32>
    %gather3A_1318 = arith.constant 6 : i32
    %gather3A_1319 = arith.constant 0 : i32
    %gather3A_1320 = arith.constant 0 : i32
    %gather3A_1321 = tpu.memref_slice %arg6[%gather3A_1318, %gather3A_1319, %gather3A_1320] : memref<8x64x128xf32, #tpu.memory_space<vmem>> -> memref<1x64x128xf32, #tpu.memory_space<vmem>>
    %gather3A_1322 = tpu.memref_squeeze %gather3A_1321 : memref<1x64x128xf32, #tpu.memory_space<vmem>> -> memref<64x128xf32, #tpu.memory_space<vmem>>
    %gather3A_1323 = tpu.vector_load_idx %gather3A_1322[%add3A_1317, %broadcast_in_dim3A_1277] : memref<64x128xf32, #tpu.memory_space<vmem>>[vector<16xi32>, vector<16xi32>], vector<16xf32>,
    %swap3A_1324 = arith.constant 32688 : index
    %swap3A_1325 = tpu.vector_load %arg7[%swap3A_1324] {strides = array<i32>} : memref<32768xf32, #tpu.memory_space<vmem>>, vector<16xf32>,
    tpu.vector_store %arg7[%swap3A_1324], %gather3A_1323 {strides = array<i32>} : memref<32768xf32, #tpu.memory_space<vmem>>, vector<16xf32>,
    %dma_wait3A_1326 = arith.constant 7 : i32
    %dma_wait3A_1327 = arith.constant 0 : i32
    %dma_wait3A_1328 = arith.constant 0 : i32
    %dma_wait3A_1329 = tpu.memref_slice %arg6[%dma_wait3A_1326, %dma_wait3A_1327, %dma_wait3A_1328] : memref<8x64x128xf32, #tpu.memory_space<vmem>> -> memref<1x64x128xf32, #tpu.memory_space<vmem>>
    %dma_wait3A_1330 = tpu.memref_squeeze %dma_wait3A_1329 : memref<1x64x128xf32, #tpu.memory_space<vmem>> -> memref<64x128xf32, #tpu.memory_space<vmem>>
    %dma_wait3A_1331 = arith.constant 0 : i32
    %dma_wait3A_1332 = arith.constant 0 : i32
    %dma_wait3A_1333 = tpu.memref_slice %arg3[%dma_wait3A_1331, %dma_wait3A_1332] : memref<64x1000000xf32, #tpu.memory_space<hbm>> -> memref<64x128xf32, #tpu.memory_space<hbm>>
    %dma_wait3A_1334 = arith.constant 0 : i32
    %dma_wait3A_1335 = arith.constant 0 : i32
    %dma_wait3A_1336 = tpu.memref_slice %arg6[%dma_wait3A_1326, %dma_wait3A_1334, %dma_wait3A_1335] : memref<8x64x128xf32, #tpu.memory_space<vmem>> -> memref<1x64x128xf32, #tpu.memory_space<vmem>>
    %dma_wait3A_1337 = tpu.memref_squeeze %dma_wait3A_1336 : memref<1x64x128xf32, #tpu.memory_space<vmem>> -> memref<64x128xf32, #tpu.memory_space<vmem>>
    %dma_wait3A_1338 = arith.constant 0 : i32
    %dma_wait3A_1339 = arith.constant 0 : i32
    %dma_wait3A_1340 = tpu.memref_slice %arg3[%dma_wait3A_1338, %dma_wait3A_1339] : memref<64x1000000xf32, #tpu.memory_space<hbm>> -> memref<64x128xf32, #tpu.memory_space<hbm>>
    tpu.wait_dma2 semaphore(%arg15 : memref<!tpu.dma_semaphore, #tpu.memory_space<semaphore_mem>>) src(%dma_wait3A_1340 : memref<64x128xf32, #tpu.memory_space<hbm>>) dst(%dma_wait3A_1337 : memref<64x128xf32, #tpu.memory_space<vmem>>)
    %multiple_of3A_1341 = arith.constant 496 : i32
    %multiple_of3A_1342 = tpu.assume_multiple %multiple_of3A_1341, 16 : i32
    %get3A_1343 = arith.index_cast %multiple_of3A_1342 : i32 to index
    %get3A_1344 = tpu.vector_load %arg5[%get3A_1343] {strides = array<i32>} : memref<512xi32, #tpu.memory_space<vmem>>, vector<16xi32>,
    %broadcast_in_dim3A_1345 = arith.constant 15 : i32
    %broadcast_in_dim3A_1346 = vector.broadcast %broadcast_in_dim3A_1345 : i32 to vector<16xi32>
    %eq3A_1347 = arith.cmpi eq, %iota3A, %broadcast_in_dim3A_1346 : vector<16xi32>
    %broadcast_in_dim3A_1348 = arith.constant -1 : i32
    %broadcast_in_dim3A_1349 = vector.broadcast %broadcast_in_dim3A_1348 : i32 to vector<16xi32>
    %select_n3A_1350 = arith.select %eq3A_1347, %get3A_1344, %broadcast_in_dim3A_1349 : vector<16xi1>, vector<16xi32>
    %reduce_max3A_1351 = arith.constant true
    %reduce_max3A_1352 = vector.broadcast %reduce_max3A_1351 : i1 to vector<16xi1>
    %reduce_max3A_1353 = arith.constant -2147483648 : i32
    %reduce_max3A_1354 = vector.broadcast %reduce_max3A_1353 : i32 to vector<16xi32>
    %reduce_max3A_1355 = arith.xori %select_n3A_1350, %reduce_max3A_1354 : vector<16xi32>
    %reduce_max3A_1356 = tpu.scan <max>, %reduce_max3A_1355 masked %reduce_max3A_1352 : vector<16xi32>, vector<16xi1> -> vector<16xi32>
    %reduce_max3A_1357 = arith.xori %reduce_max3A_1356, %reduce_max3A_1354 : vector<16xi32>
    %reduce_max3A_1358 = vector.extract %reduce_max3A_1357[15] : i32 from vector<16xi32>
    %jit3A_1359 = arith.constant 128 : i32
    %eq3A_1360 = arith.constant 0 : i32
    %eq3A_1361 = arith.cmpi eq, %jit3A_1359, %eq3A_1360 : i32
    %jit3A_1362 = arith.constant 1 : i32
    %select_n3A_1363 = arith.select %eq3A_1361, %jit3A_1362, %jit3A_1359 : i32
    %rem3A_1364 = arith.remsi %reduce_max3A_1358, %select_n3A_1363 : i32
    %ne3A_1365 = arith.constant 0 : i32
    %ne3A_1366 = arith.cmpi ne, %rem3A_1364, %ne3A_1365 : i32
    %lt3A_1367 = arith.constant 0 : i32
    %lt3A_1368 = arith.cmpi slt, %rem3A_1364, %lt3A_1367 : i32
    %lt3A_1369 = arith.constant 0 : i32
    %lt3A_1370 = arith.cmpi slt, %select_n3A_1363, %lt3A_1369 : i32
    %ne3A_1371 = arith.xori %lt3A_1368, %lt3A_1370 : i1
    %and3A_1372 = arith.andi %ne3A_1371, %ne3A_1366 : i1
    %add3A_1373 = arith.addi %rem3A_1364, %select_n3A_1363 : i32
    %select_n3A_1374 = arith.select %and3A_1372, %add3A_1373, %rem3A_1364 : i32
    %broadcast_in_dim3A_1375 = vector.broadcast %select_n3A_1374 : i32 to vector<16xi32>
    %iota3A_1376 = tpu.iota {dimensions = array<i32: 0>} : vector<16xi32>
    %add3A_1377 = arith.constant 0 : i32
    %add3A_1378 = vector.broadcast %add3A_1377 : i32 to vector<16xi32>
    %add3A_1379 = arith.addi %iota3A_1376, %add3A_1378 : vector<16xi32>
    %gather3A_1380 = arith.constant 7 : i32
    %gather3A_1381 = arith.constant 0 : i32
    %gather3A_1382 = arith.constant 0 : i32
    %gather3A_1383 = tpu.memref_slice %arg6[%gather3A_1380, %gather3A_1381, %gather3A_1382] : memref<8x64x128xf32, #tpu.memory_space<vmem>> -> memref<1x64x128xf32, #tpu.memory_space<vmem>>
    %gather3A_1384 = tpu.memref_squeeze %gather3A_1383 : memref<1x64x128xf32, #tpu.memory_space<vmem>> -> memref<64x128xf32, #tpu.memory_space<vmem>>
    %gather3A_1385 = tpu.vector_load_idx %gather3A_1384[%add3A_1379, %broadcast_in_dim3A_1375] : memref<64x128xf32, #tpu.memory_space<vmem>>[vector<16xi32>, vector<16xi32>], vector<16xf32>,
    %swap3A_1386 = arith.constant 32704 : index
    %swap3A_1387 = tpu.vector_load %arg7[%swap3A_1386] {strides = array<i32>} : memref<32768xf32, #tpu.memory_space<vmem>>, vector<16xf32>,
    tpu.vector_store %arg7[%swap3A_1386], %gather3A_1385 {strides = array<i32>} : memref<32768xf32, #tpu.memory_space<vmem>>, vector<16xf32>,
    %iota3A_1388 = tpu.iota {dimensions = array<i32: 0>} : vector<16xi32>
    %add3A_1389 = arith.constant 16 : i32
    %add3A_1390 = vector.broadcast %add3A_1389 : i32 to vector<16xi32>
    %add3A_1391 = arith.addi %iota3A_1388, %add3A_1390 : vector<16xi32>
    %gather3A_1392 = arith.constant 7 : i32
    %gather3A_1393 = arith.constant 0 : i32
    %gather3A_1394 = arith.constant 0 : i32
    %gather3A_1395 = tpu.memref_slice %arg6[%gather3A_1392, %gather3A_1393, %gather3A_1394] : memref<8x64x128xf32, #tpu.memory_space<vmem>> -> memref<1x64x128xf32, #tpu.memory_space<vmem>>
    %gather3A_1396 = tpu.memref_squeeze %gather3A_1395 : memref<1x64x128xf32, #tpu.memory_space<vmem>> -> memref<64x128xf32, #tpu.memory_space<vmem>>
    %gather3A_1397 = tpu.vector_load_idx %gather3A_1396[%add3A_1391, %broadcast_in_dim3A_1375] : memref<64x128xf32, #tpu.memory_space<vmem>>[vector<16xi32>, vector<16xi32>], vector<16xf32>,
    %swap3A_1398 = arith.constant 32720 : index
    %swap3A_1399 = tpu.vector_load %arg7[%swap3A_1398] {strides = array<i32>} : memref<32768xf32, #tpu.memory_space<vmem>>, vector<16xf32>,
    tpu.vector_store %arg7[%swap3A_1398], %gather3A_1397 {strides = array<i32>} : memref<32768xf32, #tpu.memory_space<vmem>>, vector<16xf32>,
    %iota3A_1400 = tpu.iota {dimensions = array<i32: 0>} : vector<16xi32>
    %add3A_1401 = arith.constant 32 : i32
    %add3A_1402 = vector.broadcast %add3A_1401 : i32 to vector<16xi32>
    %add3A_1403 = arith.addi %iota3A_1400, %add3A_1402 : vector<16xi32>
    %gather3A_1404 = arith.constant 7 : i32
    %gather3A_1405 = arith.constant 0 : i32
    %gather3A_1406 = arith.constant 0 : i32
    %gather3A_1407 = tpu.memref_slice %arg6[%gather3A_1404, %gather3A_1405, %gather3A_1406] : memref<8x64x128xf32, #tpu.memory_space<vmem>> -> memref<1x64x128xf32, #tpu.memory_space<vmem>>
    %gather3A_1408 = tpu.memref_squeeze %gather3A_1407 : memref<1x64x128xf32, #tpu.memory_space<vmem>> -> memref<64x128xf32, #tpu.memory_space<vmem>>
    %gather3A_1409 = tpu.vector_load_idx %gather3A_1408[%add3A_1403, %broadcast_in_dim3A_1375] : memref<64x128xf32, #tpu.memory_space<vmem>>[vector<16xi32>, vector<16xi32>], vector<16xf32>,
    %swap3A_1410 = arith.constant 32736 : index
    %swap3A_1411 = tpu.vector_load %arg7[%swap3A_1410] {strides = array<i32>} : memref<32768xf32, #tpu.memory_space<vmem>>, vector<16xf32>,
    tpu.vector_store %arg7[%swap3A_1410], %gather3A_1409 {strides = array<i32>} : memref<32768xf32, #tpu.memory_space<vmem>>, vector<16xf32>,
    %iota3A_1412 = tpu.iota {dimensions = array<i32: 0>} : vector<16xi32>
    %add3A_1413 = arith.constant 48 : i32
    %add3A_1414 = vector.broadcast %add3A_1413 : i32 to vector<16xi32>
    %add3A_1415 = arith.addi %iota3A_1412, %add3A_1414 : vector<16xi32>
    %gather3A_1416 = arith.constant 7 : i32
    %gather3A_1417 = arith.constant 0 : i32
    %gather3A_1418 = arith.constant 0 : i32
    %gather3A_1419 = tpu.memref_slice %arg6[%gather3A_1416, %gather3A_1417, %gather3A_1418] : memref<8x64x128xf32, #tpu.memory_space<vmem>> -> memref<1x64x128xf32, #tpu.memory_space<vmem>>
    %gather3A_1420 = tpu.memref_squeeze %gather3A_1419 : memref<1x64x128xf32, #tpu.memory_space<vmem>> -> memref<64x128xf32, #tpu.memory_space<vmem>>
    %gather3A_1421 = tpu.vector_load_idx %gather3A_1420[%add3A_1415, %broadcast_in_dim3A_1375] : memref<64x128xf32, #tpu.memory_space<vmem>>[vector<16xi32>, vector<16xi32>], vector<16xf32>,
    %swap3A_1422 = arith.constant 32752 : index
    %swap3A_1423 = tpu.vector_load %arg7[%swap3A_1422] {strides = array<i32>} : memref<32768xf32, #tpu.memory_space<vmem>>, vector<16xf32>,
    tpu.vector_store %arg7[%swap3A_1422], %gather3A_1421 {strides = array<i32>} : memref<32768xf32, #tpu.memory_space<vmem>>, vector<16xf32>,
    %mul3A_1424 = arith.constant 64 : i32
    %mul3A_1425 = arith.muli %mul3A_2, %mul3A_1424 : i32
    "tpu.region"() ({
      %run_scoped3A = tpu.sem_alloc : memref<!tpu.dma_semaphore, #tpu.memory_space<semaphore_mem>>
      %dma_start3A_1426 = tpu.memref_slice %arg4[%mul3A_1425] : memref<1048576xf32, #tpu.memory_space<hbm>> -> memref<32768xf32, #tpu.memory_space<hbm>>
      %dma_start3A_1427 = tpu.memref_slice %arg4[%mul3A_1425] : memref<1048576xf32, #tpu.memory_space<hbm>> -> memref<32768xf32, #tpu.memory_space<hbm>>
      tpu.enqueue_dma source(%arg7 : memref<32768xf32, #tpu.memory_space<vmem>>) target(%dma_start3A_1427 : memref<32768xf32, #tpu.memory_space<hbm>>) target_semaphore(%run_scoped3A : memref<!tpu.dma_semaphore, #tpu.memory_space<semaphore_mem>>)
      %dma_wait3A_1428 = tpu.memref_slice %arg4[%mul3A_1425] : memref<1048576xf32, #tpu.memory_space<hbm>> -> memref<32768xf32, #tpu.memory_space<hbm>>
      %dma_wait3A_1429 = tpu.memref_slice %arg4[%mul3A_1425] : memref<1048576xf32, #tpu.memory_space<hbm>> -> memref<32768xf32, #tpu.memory_space<hbm>>
      tpu.wait_dma2 semaphore(%run_scoped3A : memref<!tpu.dma_semaphore, #tpu.memory_space<semaphore_mem>>) src(%arg7 : memref<32768xf32, #tpu.memory_space<vmem>>) dst(%dma_wait3A_1429 : memref<32768xf32, #tpu.memory_space<hbm>>)
      tpu.yield
    }) : () -> ()
    return
  }
}

</mosaic_0001>

<sc_bundles>
// kernel: kernel.3.cloned.1.call-start
scs
__scs_entry_jumppad:
0x0: {  	(pc) =	sbr.rel $0x88, $3  }
0x1: {  	(tag) =	ssettag $0x0;
	lr =	simm.s32 $0x1  }
0x2: {  	[smem:$0x3F9F] =	sst lr;
	_ =	strace $0xD0000000  }
0x3: {  	_ = 	snop  }
0x4: {  	_ = 	snop  }
0x5: {  	_ = 	snop  }
0x6: {  	_ = 	snop  }
0x7: {  	_ = 	snop  }
__scs_overlays_trampoline_lowered:
0x8: {  	[smem:$0x3FAE] =	sst s0  }
0x9: {  	[smem:$0x3FAF] =	sst s1  }
0xa: {  	[smem:$0x3FB0] =	sst s2  }
0xb: {  	[smem:$0x3FB1] =	sst s3  }
0xc: {  	[smem:$0x3FB2] =	sst s4  }
0xd: {  	[smem:$0x3FB3] =	sst s5  }
0xe: {  	[smem:$0x3FB4] =	sst s6  }
0xf: {  	[smem:$0x3FB5] =	sst s7  }
0x10: {  	[smem:$0x3FB6] =	sst s8  }
0x11: {  	[smem:$0x3FB7] =	sst s9;
	s0 =	simm.s32 @!p0 $0x0  }
0x12: {  	s1 =	sld [smem:$0x3F9D];
	s0 =	simm.s32 @p0 $0x1  }
0x13: {  	[smem:$0x3FB8] =	sst s0;
	s0 =	simm.s32 @!p1 $0x0  }
0x14: {  	s2 =	sld [smem:$0x3F9C];
	s0 =	simm.s32 @p1 $0x1  }
0x15: {  	[smem:$0x3FB9] =	sst s0;
	s0 =	simm.s32 @!p2 $0x0  }
0x16: {  	s3 =	sld [smem:$0x3FDB];
	s0 =	simm.s32 @p2 $0x1  }
0x17: {  	s4 =	simm.s32 $0x1BF5;
	[smem:$0x3FBB] =	sst s0  }
0x18: {  	s0 =	sld [smem:$0x3F9E];
	_ =	swait.ge [sflag:s4], $0x0  }
0x19: {  	s7 =	sld [smem:$0x3F9F]  }
0x1a: {  	s8 =	sadd.s32 $0xFFFFE003, lr  }
0x1b: {  	s9 =	sadd.s32 $0xFFFFFEF7, lr;
	s5 =	simm.s32 $0xFFFFFFFF;
	p2 =	slt.u32 s8, $0xFFFFF086  }
0x1c: {  	p1 =	slt.u32 s9, $0xF7A;
	s5 =	simm.s32 @!p2 $0x0  }
0x1d: {  	s5 =	simm.s32 @p1 $0x1;
	p0 =	seq.s32 s7, s2  }
0x1e: {  	s7 =	smul.u32 @!p0 $0xF7A, s2;
	p2 =	seq.s32 @!p0 s5, $0x0  }
0x1f: {  	s9 =	smul.u32 $0xF7A, s1;
	s8 =	simm.s32 @!p0 $0x1BF5;
	p2 =	por !p2, p0  }
0x20: {  	[sflag:s8] =	ssyncset.s32 @!p0 $0xFFFFF086;
	s6 =	sadd.s32 @!p0 s3, s7;
	s7 =	simm.s32 @!p0 $0x108  }
0x21: {  	s3 =	sadd.s32 s3, s9;
	s6 =	sadd.s32 @!p0 $0x88, s6;
	s7 =	simm.s32 @p2 $0x1082  }
0x22: {  	[simem:s7], [sflag:s8] =	dma.local @!p0 [hbm:s6], $0xF7A  }
0x23: {  	s9 =	sor.u32 $0xD0000000, s2;
	s6 =	simm.s32 $0x108;
	_ =	swait.ge @!p0 [sflag:s8], $0x0  }
0x24: {  	s3 =	sadd.s32 $0x88, s3;
	s6 =	simm.s32 @!p1 $0x1082;
	[sflag:s4] =	ssyncset.s32 $0xFFFFF086  }
0x25: {  	[simem:s6], [sflag:s4] =	dma.local [hbm:s3], $0xF7A  }
0x26: {  	[smem:$0x3F9F] =	sst s1;
	(tag) =	ssettag s2;
	_ =	strace s9  }
0x27: {  	s1 =	sld [smem:$0x3FAF]  }
0x28: {  	s2 =	sld [smem:$0x3FB0]  }
0x29: {  	s4 =	sld [smem:$0x3FB2]  }
0x2a: {  	p0 =	seq.s32 s5, $0x0;
	s5 =	sld [smem:$0x3FB3]  }
0x2b: {  	s6 =	sld [smem:$0x3FB4]  }
0x2c: {  	s7 =	sld [smem:$0x3FB5]  }
0x2d: {  	s3 =	simm.s32 $0x108;
	s8 =	sld [smem:$0x3FB6]  }
0x2e: {  	s3 =	simm.s32 @!p0 $0x1082;
	s9 =	sld [smem:$0x3FB7]  }
0x2f: {  	lr =	sadd.s32 s0, s3;
	s0 =	sld [smem:$0x3FAE]  }
0x30: {  	s3 =	sld [smem:$0x3FB1]  }
0x31: {  	[smem:$0x3FBA] =	sst s10  }
0x32: {  	s10 =	sld [smem:$0x3FB8];
	_ =	sdelay $0x3  }
0x33: {  	p0 =	seq.s32 s10, $0x1;
	s10 =	sld [smem:$0x3FBA];
	_ =	sdelay $0x3  }
0x34: {  	[smem:$0x3FBA] =	sst s10  }
0x35: {  	s10 =	sld [smem:$0x3FB9];
	_ =	sdelay $0x3  }
0x36: {  	p1 =	seq.s32 s10, $0x1;
	s10 =	sld [smem:$0x3FBA];
	_ =	sdelay $0x3  }
0x37: {  	[smem:$0x3FBA] =	sst s10  }
0x38: {  	s10 =	sld [smem:$0x3FBB]  }
0x39: {  	_ = 	snop;
	(pc) =	sbr.ind lr, $3  }
0x3a: {  	_ = 	snop  }
0x3b: {  	_ = 	snop  }
0x3c: {  	p2 =	seq.s32 s10, $0x1;
	s10 =	sld [smem:$0x3FBA]  }
0x3d: {  	_ =	shalt  }
0x3e: {  	_ =	shalt  }
0x3f: {  	_ =	shalt  }
0x40: {  	_ =	shalt  }
0x41: {  	_ =	shalt  }
0x42: {  	_ =	shalt  }
0x43: {  	_ =	shalt  }
0x44: {  	_ =	shalt  }
0x45: {  	_ =	shalt  }
0x46: {  	_ =	shalt  }
0x47: {  	_ =	shalt  }
0x48: {  	_ =	shalt  }
0x49: {  	_ =	shalt  }
0x4a: {  	_ =	shalt  }
0x4b: {  	_ =	shalt  }
0x4c: {  	_ =	shalt  }
0x4d: {  	_ =	shalt  }
0x4e: {  	_ =	shalt  }
0x4f: {  	_ =	shalt  }
0x50: {  	_ =	shalt  }
0x51: {  	_ =	shalt  }
0x52: {  	_ =	shalt  }
0x53: {  	_ =	shalt  }
0x54: {  	_ =	shalt  }
0x55: {  	_ =	shalt  }
0x56: {  	_ =	shalt  }
0x57: {  	_ =	shalt  }
0x58: {  	_ =	shalt  }
0x59: {  	_ =	shalt  }
0x5a: {  	_ =	shalt  }
0x5b: {  	_ =	shalt  }
0x5c: {  	_ =	shalt  }
0x5d: {  	_ =	shalt  }
0x5e: {  	_ =	shalt  }
0x5f: {  	_ =	shalt  }
0x60: {  	_ =	shalt  }
0x61: {  	_ =	shalt  }
0x62: {  	_ =	shalt  }
0x63: {  	_ =	shalt  }
0x64: {  	_ =	shalt  }
0x65: {  	_ =	shalt  }
0x66: {  	_ =	shalt  }
0x67: {  	_ =	shalt  }
0x68: {  	_ =	shalt  }
0x69: {  	_ =	shalt  }
0x6a: {  	_ =	shalt  }
0x6b: {  	_ =	shalt  }
0x6c: {  	_ =	shalt  }
0x6d: {  	_ =	shalt  }
0x6e: {  	_ =	shalt  }
0x6f: {  	_ =	shalt  }
0x70: {  	_ =	shalt  }
0x71: {  	_ =	shalt  }
0x72: {  	_ =	shalt  }
0x73: {  	_ =	shalt  }
0x74: {  	_ =	shalt  }
0x75: {  	_ =	shalt  }
0x76: {  	_ =	shalt  }
0x77: {  	_ =	shalt  }
0x78: {  	_ =	shalt  }
0x79: {  	_ =	shalt  }
0x7a: {  	_ =	shalt  }
0x7b: {  	_ =	shalt  }
0x7c: {  	_ =	shalt  }
0x7d: {  	_ =	shalt  }
0x7e: {  	_ =	shalt  }
0x7f: {  	_ =	shalt  }
0x80: {  	_ =	shalt  }
0x81: {  	_ =	shalt  }
0x82: {  	_ =	shalt  }
0x83: {  	_ =	shalt  }
0x84: {  	_ =	shalt  }
0x85: {  	_ =	shalt  }
0x86: {  	_ =	shalt  }
0x87: {  	_ =	shalt  }
.Lfunc_end0:
.L_simem_size_0:
called_computation_lowered:
.L_overlay_start_0:
0x88: {  	s2 =	sld [smem:$0x3FD9]  }
0x89: {  	s3 =	sld [smem:$0x3FFE];
	_ =	sdelay $0x1  }
0x8a: {  	s1 =	srdreg.scid  }
0x8b: {  	s0 =	sand.u32 $0x1, s1  }
0x8c: {  	s18 =	sshll.u32 s0, $0xA;
	s2 =	sadd.s32 s3, s2  }
0x8d: {  	s2 =	sadd.s32 s2, s18  }
0x8e: {  	[smem:$0x3FC6] =	sst s2  }
0x8f: {  	_ = 	snop  }
0x90: {  	s2 =	sld [smem:$0x3FC9]  }
0x91: {  	s19 =	sld [smem:$0x3FC8]  }
0x92: {  	s4 =	sld [smem:$0x3FD0];
	(tm) =	ssettm $0x1  }
0x93: {  	s5 =	sld [smem:$0x3FFB];
	_ =	sdelay $0x3  }
0x94: {  	_ =	strace s5  }
0x95: {  	s5 =	sld [smem:$0x3FFC];
	_ =	sdelay $0x3  }
0x96: {  	_ =	strace s5  }
0x97: {  	s5 =	sld [smem:$0x3FFD];
	_ =	sdelay $0x3  }
0x98: {  	_ =	strace s5  }
0x99: {  	_ =	strace $0x8FFFFFFF  }
0x9a: {  	s20 =	sld [smem:$0x3FDB];
	_ =	sdelay $0x1  }
0x9b: {  	s6 =	simm.s32 $_scs_section_size  }
0x9c: {  	s7 =	simm.s32 $_size__tile_overlayer_lowered;
	s8 =	simm.s32 $_tile_overlayer_lowered  }
0x9d: {  	s23 =	simm.s32 $0x1BFF;
	s22 =	sshll.u32 s8, $0x1;
	s5 =	sadd.s32 s6, s20  }
0x9e: {  	s9 =	simm.s32 $0x0;
	s21 =	sshll.u32 s7, $0x1;
	s7 =	sadd.s32 s22, s5  }
0x9f: {  	[timem:s9], [sflag:s23] =	dma.local [hbm:s7], s21  }
0xa0: {  	_ =	swait.ge [sflag:s23], s21  }
0xa1: {  	s6 =	ssub.s32 $0x0, s21;
	[sflag:s23] =	ssyncset.done $0x0  }
0xa2: {  	[sflag:s23] =	ssyncadd.s32 s6;
	_ =	sdelay $0x1  }
0xa3: {  	s24 =	simm.s32 $0x1B8B  }
0xa4: {  	_ =	swait.ge [sflag:s24], $0x1  }
0xa5: {  	[sflag:s24] =	ssyncset.done $0x0  }
0xa6: {  	s25 =	simm.s32 $0x1B8E;
	[sflag:s24] =	ssyncadd.s32 $0xFFFFFFFF  }
0xa7: {  	s26 =	simm.s32 $execute0_lowered;
	[smem:$0x3FD2] =	sst s25  }
0xa8: {  	s6 =	sshll.u32 s26, $0x1;
	_ =	strace $0x80000046;
	[dreg:$0x1] =	wrdreg $0xFFFFFFFF  }
0xa9: {  	s28 =	simm.s32 $_size_execute0_lowered;
	s5 =	sadd.s32 s5, s6;
	[dreg:$0x0] =	wrdreg $0x0  }
0xaa: {  	s6 =	sshll.u32 s28, $0x1;
	[dreg:$0x2] =	wrdreg s5  }
0xab: {  	[dreg:$0x3] =	wrdreg s6  }
0xac: {  	[dreg:$0x4] =	wrdreg $0xC0  }
0xad: {  	_ =	task [dreg:s9], $0x5FFFF  }
0xae: {  	[dreg:$0x1] =	wrdreg $0xFFFFFFFF  }
0xaf: {  	[dreg:$0x0] =	wrdreg $0x60  }
0xb0: {  	[dreg:$0x2] =	wrdreg s2  }
0xb1: {  	[dreg:$0x3] =	wrdreg s19  }
0xb2: {  	[dreg:$0x4] =	wrdreg s4  }
0xb3: {  	[dreg:$0x5] =	wrdreg $0x9  }
0xb4: {  	_ =	task.clear_ibuf [dreg:s9], $0x6FFFF;
	_ =	strace $0x90000046  }
0xb5: {  	s29 =	simm.s32 $0x9;
	_ =	strace $0x80000048  }
0xb6: {  	_ =	swait.ge [sflag:s29], $0x1  }
0xb7: {  	[sflag:s29] =	ssyncadd.s32 $0xFFFFFFFF  }
0xb8: {  	_ =	strace $0x90000048  }
0xb9: {  	_ =	sfence  }
0xba: {  	s30 =	sld [smem:$0x0];
	_ =	sdelay $0x2  }
0xbb: {  	s31 =	sshll.u32 s1, $0xD;
	s1 =	sshrl.u32 s1, $0x2  }
0xbc: {  	s3 =	sand.u32 $0x4000, s31;
	s1 =	sadd.s32 s1, s30  }
0xbd: {  	s0 =	sor.u32 s3, s0;
	s1 =	sshll.u32 s1, $0x11  }
0xbe: {  	s0 =	sor.u32 s1, s0  }
0xbf: {  	s0 =	sadd.s32 $0x8F2B, s0  }
0xc0: {  	[sflag:s0] =	ssyncadd.remote.s32 $0x1  }
0xc1: {  	_ =	sfence.sel $0xFFFF  }
0xc2: {  	[dreg:$0x0] =	wrdreg $0xFFFFFFFF;
	(pc) =	sbr.abs _section_cstart, $3  }
0xc3: {  	[dreg:$0x1] =	wrdreg $0xFFFFFFFF  }
0xc4: {  	_ =	task.clear_ibuf [dreg:s9], $0x2FFFF;
	_ =	strace $0x9FFFFFFF  }
0xc5: {  	(tm) =	ssettm $0x7FFFFFFF  }
tec
execute0_lowered:
.L_overlay_start_1:
0x0: {  	(tag) =	ssettag $0x1  }
0x1: {  	s0 =	rddreg [dreg:$0x0]  }
0x2: {  	s1 =	rddreg [dreg:$0x1]  }
0x3: {  	s2 =	rddreg [dreg:$0x2];
	s4 =	srdreg.scid;
	s26 =	simm.s32 $0x0  }
0x4: {  	s3 =	stileid.u32;
	s8 =	simm.s32 $0x1;
	s9 =	simm.s32 $0x7A1400  }
0x5: {  	s10 =	simm.s32 $0x400;
	s11 =	simm.s32 $0x200;
	s12 =	simm.s32 $0x2200  }
0x6: {  	s13 =	simm.s32 $0x4200;
	s14 =	simm.s32 $0x6200;
	s15 =	simm.s32 $0x8200  }
0x7: {  	s16 =	simm.s32 $0xA200;
	s17 =	simm.s32 $0xC200;
	s18 =	simm.s32 $0xE200  }
0x8: {  	s19 =	simm.s32 $0x2;
	s20 =	simm.s32 $0x3;
	s21 =	simm.s32 $0x4  }
0x9: {  	vm0 =	vmmov $0x1;
	s22 =	simm.s32 $0x5;
	s23 =	simm.s32 $0x6;
	s24 =	simm.s32 $0x7  }
0xa: {  	v0 =	vlaneseq.u32;
	vm3 =	vcmask $0xB10;
	vm4 =	vcmask $0xF14;
	s28 =	simm.s32 $0x0;
	s4 =	sand.u32 $0x1, s4;
	s6 =	sshll.u32 s3, $0x1  }
0xb: {  	vm5 =	vcmask $0x1318;
	vm6 =	vcmask $0x171C;
	vm7 =	vcmask $0x1B20;
	[smem:$0x7FF] =	sst s26;
	s5 =	ssub.s32 $0x2, s4;
	s4 =	sor.u32 s4, s6  }
0xc: {  	vm8 =	vcmask $0x1F24;
	vm9 =	vcmask $0x2328;
	vm10 =	vcmask $0x272C;
	_ =	strace $0x80000047;
	s7 =	sshrl.u32 s5, $0x1;
	s29 =	sshll.u32 s4, $0x6  }
0xd: {  	vm11 =	vcmask $0x2B30;
	vm12 =	vcmask $0x2F34;
	v1 =	vmul.u32 $0x80, v0;
	s30 =	sshll.u32 s4, $0xC;
	s25 =	ssub.s32 s5, s7;
	s0 =	sadd.s32 s0, s29  }
0xe: {  	vm13 =	vcmask $0x3338;
	vm14 =	vcmask $0x373C;
	vm15 =	vmmov $0x7fff;
	s31 =	sadd.s32 s2, s30;
	s7 =	simm.s32 $0x9;
	[dreg:$0x4] =	wrdreg s0  }
0xf: {  	v2 =	vor.u32 $0x800, v1;
	v3 =	vor.u32 $0x1000, v1;
	v4 =	vor.u32 $0x1800, v1;
	[dreg:$0x5] =	wrdreg s31;
	s6 =	smax.u32 s25, $0x1;
	s25 =	simm.s32 $0x8  }
.LBB2_1:
0x10: {  	s0 =	rddreg [dreg:$0x4]  }
0x11: {  	[tilespmem:s26], [sflag:$0x9] =	stream.linear.gather [hbm4b:s0+s26], $0x200, $0x38;
	[tilespmem:$0x18200] =	vst v63  }
0x12: {  	_ =	swait.ge [sflag:s7], $0x200  }
0x13: {  	[sflag:s7] =	ssyncset.done $0x0  }
0x14: {  	[sflag:s7] =	ssyncadd.s32 $0xFFFFFE00  }
0x15: {  	v5 =	vld [tilespmem:$0x0];
	_ =	sdelay $0x2  }
0x16: {  	v6 =	vld [tilespmem:$0x10]  }
0x17: {  	v7 =	vld [tilespmem:$0x20]  }
0x18: {  	v9 =	vld [tilespmem:$0x40];
	vm1 =	vgt.s32 v5, $0x0  }
0x19: {  	v8 =	vld [tilespmem:$0x30];
	v5 =	vnsel vm1, $0x0, v5  }
0x1a: {  	v10 =	vld [tilespmem:$0x50];
	v5 =	vmin.u32 v5, $0xF423F  }
0x1b: {  	v13 =	vld [tilespmem:$0x70];
	v12 =	vnsel vm0, $0xFFFFFFFF, v5  }
0x1c: {  	v11 =	vld [tilespmem:$0x60];
	vm1 =	vgt.s32 v6, $0x0;
	v12 =	vxor.u32 $0x80000000, v12  }
0x1d: {  	vm2 =	vgt.s32 v9, $0x0;
	v6 =	vnsel vm1, $0x0, v6;
	vm1 =	vgt.s32 v7, $0x0;
	(xrf0) =	vmax.scan.msk.u32 $0xffff, v12  }
0x1e: {  	v6 =	vmin.u32 v6, $0xF423F;
	[tilespmem:$0x0] =	vst v5;
	v5 =	vnsel vm1, $0x0, v7;
	vm1 =	vgt.s32 v8, $0x0;
	v7 =	vld [tilespmem:$0x80]  }
0x1f: {  	v43 =	vld [tilespmem:$0x90];
	v42 =	vnsel vm2, $0x0, v9;
	[tilespmem:$0x10] =	vst v6;
	v5 =	vmin.u32 v5, $0xF423F;
	v6 =	vnsel vm1, $0x0, v8  }
0x20: {  	v44 =	vld [tilespmem:$0xA0];
	vm2 =	vgt.s32 v13, $0x0;
	vm1 =	vgt.s32 v10, $0x0;
	[tilespmem:$0x20] =	vst v5;
	v5 =	vmin.u32 v6, $0xF423F  }
0x21: {  	v45 =	vld [tilespmem:$0xB0];
	v6 =	vmin.u32 v42, $0xF423F;
	[tilespmem:$0x30] =	vst v5;
	v5 =	vnsel vm1, $0x0, v10;
	vm1 =	vgt.s32 v11, $0x0  }
0x22: {  	v46 =	vld [tilespmem:$0xC0];
	[tilespmem:$0x40] =	vst v6;
	v6 =	vnsel vm2, $0x0, v13;
	v11 =	vnsel vm1, $0x0, v11;
	v5 =	vmin.u32 v5, $0xF423F  }
0x23: {  	v47 =	vld [tilespmem:$0xD0];
	v6 =	vmin.u32 v6, $0xF423F;
	[tilespmem:$0x50] =	vst v5;
	v5 =	vmin.u32 v11, $0xF423F;
	vm1 =	vgt.s32 v7, $0x0;
	v48, _, _ =	vpop (xrf0)  }
0x24: {  	[tilespmem:$0x60] =	vst v5;
	v5 =	vnsel vm1, $0x0, v7;
	vm1 =	vgt.s32 v43, $0x0;
	v7 =	vld [tilespmem:$0xE0];
	(v2sf) =	vpush v48, $0xF  }
0x25: {  	v49 =	vld [tilespmem:$0xF0];
	[tilespmem:$0x70] =	vst v6;
	v5 =	vmin.u32 v5, $0xF423F;
	v6 =	vnsel vm1, $0x0, v43;
	vm1 =	vgt.s32 v44, $0x0  }
0x26: {  	v50 =	vld [tilespmem:$0x100];
	[tilespmem:$0x80] =	vst v5;
	v5 =	vmin.u32 v6, $0xF423F;
	v6 =	vnsel vm1, $0x0, v44;
	vm1 =	vgt.s32 v45, $0x0  }
0x27: {  	v51 =	vld [tilespmem:$0x110];
	[tilespmem:$0x90] =	vst v5;
	v5 =	vmin.u32 v6, $0xF423F;
	v6 =	vnsel vm1, $0x0, v45;
	vm1 =	vgt.s32 v46, $0x0  }
0x28: {  	v52 =	vld [tilespmem:$0x120];
	[tilespmem:$0xA0] =	vst v5;
	v5 =	vmin.u32 v6, $0xF423F;
	v6 =	vnsel vm1, $0x0, v46;
	vm1 =	vgt.s32 v47, $0x0  }
0x29: {  	v53 =	vld [tilespmem:$0x130];
	[tilespmem:$0xB0] =	vst v5;
	v5 =	vmin.u32 v6, $0xF423F;
	v6 =	vnsel vm1, $0x0, v47;
	vm1 =	vgt.s32 v7, $0x0  }
0x2a: {  	[tilespmem:$0xC0] =	vst v5;
	v5 =	vmin.u32 v6, $0xF423F;
	v6 =	vnsel vm1, $0x0, v7;
	vm1 =	vgt.s32 v49, $0x0;
	v7 =	vld [tilespmem:$0x140]  }
0x2b: {  	v54 =	vld [tilespmem:$0x150];
	[tilespmem:$0xD0] =	vst v5;
	v5 =	vmin.u32 v6, $0xF423F;
	v6 =	vnsel vm1, $0x0, v49;
	vm1 =	vgt.s32 v50, $0x0  }
0x2c: {  	v55 =	vld [tilespmem:$0x160];
	[tilespmem:$0xE0] =	vst v5;
	v5 =	vmin.u32 v6, $0xF423F;
	v6 =	vnsel vm1, $0x0, v50;
	vm1 =	vgt.s32 v51, $0x0  }
0x2d: {  	v56 =	vld [tilespmem:$0x170];
	[tilespmem:$0xF0] =	vst v5;
	v5 =	vmin.u32 v6, $0xF423F;
	v6 =	vnsel vm1, $0x0, v51;
	vm1 =	vgt.s32 v52, $0x0  }
0x2e: {  	v57 =	vld [tilespmem:$0x180];
	[tilespmem:$0x100] =	vst v5;
	v5 =	vmin.u32 v6, $0xF423F;
	v6 =	vnsel vm1, $0x0, v52;
	vm1 =	vgt.s32 v53, $0x0  }
0x2f: {  	v58 =	vld [tilespmem:$0x190];
	[tilespmem:$0x110] =	vst v5;
	v5 =	vmin.u32 v6, $0xF423F;
	v6 =	vnsel vm1, $0x0, v53;
	vm1 =	vgt.s32 v7, $0x0  }
0x30: {  	[tilespmem:$0x120] =	vst v5;
	v5 =	vmin.u32 v6, $0xF423F;
	v6 =	vnsel vm1, $0x0, v7;
	vm1 =	vgt.s32 v54, $0x0;
	v7 =	vld [tilespmem:$0x1A0]  }
0x31: {  	v59 =	vld [tilespmem:$0x1B0];
	[tilespmem:$0x130] =	vst v5;
	v5 =	vmin.u32 v6, $0xF423F;
	v6 =	vnsel vm1, $0x0, v54;
	vm1 =	vgt.s32 v55, $0x0  }
0x32: {  	v60 =	vld [tilespmem:$0x1C0];
	[tilespmem:$0x140] =	vst v5;
	v5 =	vmin.u32 v6, $0xF423F;
	v6 =	vnsel vm1, $0x0, v55;
	vm1 =	vgt.s32 v56, $0x0  }
0x33: {  	v61 =	vld [tilespmem:$0x1D0];
	[tilespmem:$0x150] =	vst v5;
	v5 =	vmin.u32 v6, $0xF423F;
	v6 =	vnsel vm1, $0x0, v56;
	vm1 =	vgt.s32 v57, $0x0;
	s4 =	spop (v2sf)  }
0x34: {  	v62 =	vld [tilespmem:$0x1E0];
	[tilespmem:$0x160] =	vst v5;
	v5 =	vmin.u32 v6, $0xF423F;
	v6 =	vnsel vm1, $0x0, v57;
	vm1 =	vgt.s32 v58, $0x0;
	s2 =	sxor.u32 $0x80000000, s4  }
0x35: {  	v63 =	vld [tilespmem:$0x1F0];
	[tilespmem:$0x170] =	vst v5;
	v5 =	vmin.u32 v6, $0xF423F;
	v6 =	vnsel vm1, $0x0, v58;
	vm1 =	vgt.s32 v7, $0x0;
	p0 =	sgt.s32 s4, $0xFFFFFFFF;
	s5 =	sand.u32 $0x7F, s4;
	p1 =	slt.s32 s2, $0x1  }
0x36: {  	[tilespmem:$0x180] =	vst v5;
	v5 =	vmin.u32 v6, $0xF423F;
	v6 =	vnsel vm1, $0x0, v7;
	vm1 =	vgt.s32 v59, $0x0;
	s2 =	sshra.s32 s2, $0x1F;
	p3 =	sne.s32 s5, $0x0;
	p0 =	por p0, p1  }
0x37: {  	[tilespmem:$0x190] =	vst v5;
	v5 =	vmin.u32 v6, $0xF423F;
	v6 =	vnsel vm1, $0x0, v59;
	vm1 =	vgt.s32 v60, $0x0;
	s2 =	sshrl.u32 s2, $0x19;
	p0 =	por !p3, !p0  }
0x38: {  	[tilespmem:$0x1A0] =	vst v5;
	v5 =	vmin.u32 v6, $0xF423F;
	v6 =	vnsel vm1, $0x0, v60;
	vm1 =	vgt.s32 v61, $0x0;
	s0 =	sadd.s32 s2, s4;
	s2 =	simm.s32 $0x1;
	p0 =	por !p0, !p0  }
0x39: {  	[tilespmem:$0x1B0] =	vst v5;
	v5 =	vmin.u32 v6, $0xF423F;
	v6 =	vnsel vm1, $0x0, v61;
	vm1 =	vgt.s32 v62, $0x0;
	s0 =	sshrl.u32 s0, $0x7;
	s2 =	simm.s32 @!p0 $0x0  }
0x3a: {  	[tilespmem:$0x1C0] =	vst v5;
	v5 =	vmin.u32 v6, $0xF423F;
	v6 =	vnsel vm1, $0x0, v62;
	vm1 =	vgt.s32 v63, $0x0;
	s0 =	ssub.s32 s0, s2  }
0x3b: {  	[tilespmem:$0x1D0] =	vst v5;
	v5 =	vmin.u32 v6, $0xF423F;
	v6 =	vnsel vm1, $0x0, v63;
	s0 =	sshll.u32 s0, $0x7  }
0x3c: {  	[tilespmem:$0x1E0] =	vst v5;
	v5 =	vmin.u32 v6, $0xF423F;
	s0 =	sand.u32 $0x1FFFFF80, s0  }
0x3d: {  	[tilespmem:$0x1F0] =	vst v5;
	s0 =	sadd.s32 s1, s0  }
0x3e: {  	[tilespmem:s11], [sflag:$0x1] =	stream.strided.gather [hbm4b:s0+s10], $0x2000, s9, s10, $0x38;
	[tilespmem:$0x18200] =	vst v63  }
0x3f: {  	v5 =	vld [tilespmem:$0x0];
	_ =	sdelay $0x3  }
0x40: {  	vm1 =	vcmask $0x308  }
0x41: {  	v5 =	vsel vm1, $0xFFFFFFFF, v5  }
0x42: {  	v5 =	vxor.u32 $0x80000000, v5  }
0x43: {  	(xrf0) =	vmax.scan.msk.u32 $0xffff, v5;
	_ =	sdelay $0x5  }
0x44: {  	v5, _, _ =	vpop (xrf0)  }
0x45: {  	(v2sf) =	vpush v5, $0xF;
	_ =	sdelay $0xe  }
0x46: {  	s3 =	spop (v2sf)  }
0x47: {  	s4 =	sxor.u32 $0x80000000, s3  }
0x48: {  	p4 =	sgt.s32 s3, $0xFFFFFFFF;
	s5 =	sand.u32 $0x7F, s3;
	p5 =	slt.s32 s4, $0x1  }
0x49: {  	s2 =	sshra.s32 s4, $0x1F;
	p6 =	sne.s32 s5, $0x0;
	p0 =	por p4, p5  }
0x4a: {  	s2 =	sshrl.u32 s2, $0x19;
	p0 =	por !p6, !p0  }
0x4b: {  	s0 =	sadd.s32 s2, s3;
	s2 =	simm.s32 $0x1;
	p0 =	por !p0, !p0  }
0x4c: {  	s0 =	sshrl.u32 s0, $0x7;
	s2 =	simm.s32 @!p0 $0x0  }
0x4d: {  	s0 =	ssub.s32 s0, s2  }
0x4e: {  	s0 =	sshll.u32 s0, $0x7  }
0x4f: {  	s0 =	sand.u32 $0x1FFFFF80, s0  }
0x50: {  	s0 =	sadd.s32 s1, s0  }
0x51: {  	[tilespmem:s12], [sflag:$0x2] =	stream.strided.gather [hbm4b:s0+s10], $0x2000, s9, s10, $0x38;
	[tilespmem:$0x18200] =	vst v63  }
0x52: {  	v5 =	vld [tilespmem:$0x0];
	_ =	sdelay $0x3  }
0x53: {  	vm1 =	vcmask $0x70C  }
0x54: {  	v5 =	vsel vm1, $0xFFFFFFFF, v5  }
0x55: {  	v5 =	vxor.u32 $0x80000000, v5  }
0x56: {  	(xrf0) =	vmax.scan.msk.u32 $0xffff, v5;
	_ =	sdelay $0x5  }
0x57: {  	v5, _, _ =	vpop (xrf0)  }
0x58: {  	(v2sf) =	vpush v5, $0xF;
	_ =	sdelay $0xe  }
0x59: {  	s3 =	spop (v2sf)  }
0x5a: {  	s4 =	sxor.u32 $0x80000000, s3  }
0x5b: {  	p1 =	sgt.s32 s3, $0xFFFFFFFF;
	s5 =	sand.u32 $0x7F, s3;
	p2 =	slt.s32 s4, $0x1  }
0x5c: {  	s2 =	sshra.s32 s4, $0x1F;
	p3 =	sne.s32 s5, $0x0;
	p0 =	por p1, p2  }
0x5d: {  	s2 =	sshrl.u32 s2, $0x19;
	p0 =	por !p3, !p0  }
0x5e: {  	s0 =	sadd.s32 s2, s3;
	s2 =	simm.s32 $0x1;
	p0 =	por !p0, !p0  }
0x5f: {  	s0 =	sshrl.u32 s0, $0x7;
	s2 =	simm.s32 @!p0 $0x0  }
0x60: {  	s0 =	ssub.s32 s0, s2  }
0x61: {  	s0 =	sshll.u32 s0, $0x7  }
0x62: {  	s0 =	sand.u32 $0x1FFFFF80, s0  }
0x63: {  	s0 =	sadd.s32 s1, s0  }
0x64: {  	[tilespmem:s13], [sflag:$0x3] =	stream.strided.gather [hbm4b:s0+s10], $0x2000, s9, s10, $0x38;
	[tilespmem:$0x18200] =	vst v63  }
0x65: {  	v5 =	vld [tilespmem:$0x0];
	_ =	sdelay $0x4  }
0x66: {  	v5 =	vsel vm3, $0xFFFFFFFF, v5  }
0x67: {  	v5 =	vxor.u32 $0x80000000, v5  }
0x68: {  	(xrf0) =	vmax.scan.msk.u32 $0xffff, v5;
	_ =	sdelay $0x5  }
0x69: {  	v5, _, _ =	vpop (xrf0)  }
0x6a: {  	(v2sf) =	vpush v5, $0xF;
	_ =	sdelay $0xe  }
0x6b: {  	s3 =	spop (v2sf)  }
0x6c: {  	s4 =	sxor.u32 $0x80000000, s3  }
0x6d: {  	p4 =	sgt.s32 s3, $0xFFFFFFFF;
	s5 =	sand.u32 $0x7F, s3;
	p5 =	slt.s32 s4, $0x1  }
0x6e: {  	s2 =	sshra.s32 s4, $0x1F;
	p6 =	sne.s32 s5, $0x0;
	p0 =	por p4, p5  }
0x6f: {  	s2 =	sshrl.u32 s2, $0x19;
	p0 =	por !p6, !p0  }
0x70: {  	s0 =	sadd.s32 s2, s3;
	s2 =	simm.s32 $0x1;
	p0 =	por !p0, !p0  }
0x71: {  	s0 =	sshrl.u32 s0, $0x7;
	s2 =	simm.s32 @!p0 $0x0  }
0x72: {  	s0 =	ssub.s32 s0, s2  }
0x73: {  	s0 =	sshll.u32 s0, $0x7  }
0x74: {  	s0 =	sand.u32 $0x1FFFFF80, s0  }
0x75: {  	s0 =	sadd.s32 s1, s0  }
0x76: {  	[tilespmem:s14], [sflag:$0x4] =	stream.strided.gather [hbm4b:s0+s10], $0x2000, s9, s10, $0x38;
	[tilespmem:$0x18200] =	vst v63  }
0x77: {  	v5 =	vld [tilespmem:$0x0];
	_ =	sdelay $0x4  }
0x78: {  	v5 =	vsel vm4, $0xFFFFFFFF, v5  }
0x79: {  	v5 =	vxor.u32 $0x80000000, v5  }
0x7a: {  	(xrf0) =	vmax.scan.msk.u32 $0xffff, v5;
	_ =	sdelay $0x5  }
0x7b: {  	v5, _, _ =	vpop (xrf0)  }
0x7c: {  	(v2sf) =	vpush v5, $0xF;
	_ =	sdelay $0xe  }
0x7d: {  	s3 =	spop (v2sf)  }
0x7e: {  	s4 =	sxor.u32 $0x80000000, s3  }
0x7f: {  	p1 =	sgt.s32 s3, $0xFFFFFFFF;
	s5 =	sand.u32 $0x7F, s3;
	p2 =	slt.s32 s4, $0x1  }
0x80: {  	s2 =	sshra.s32 s4, $0x1F;
	p3 =	sne.s32 s5, $0x0;
	p0 =	por p1, p2  }
0x81: {  	s2 =	sshrl.u32 s2, $0x19;
	p0 =	por !p3, !p0  }
0x82: {  	s0 =	sadd.s32 s2, s3;
	s2 =	simm.s32 $0x1;
	p0 =	por !p0, !p0  }
0x83: {  	s0 =	sshrl.u32 s0, $0x7;
	s2 =	simm.s32 @!p0 $0x0  }
0x84: {  	s0 =	ssub.s32 s0, s2  }
0x85: {  	s0 =	sshll.u32 s0, $0x7  }
0x86: {  	s0 =	sand.u32 $0x1FFFFF80, s0  }
0x87: {  	s0 =	sadd.s32 s1, s0  }
0x88: {  	[tilespmem:s15], [sflag:$0x5] =	stream.strided.gather [hbm4b:s0+s10], $0x2000, s9, s10, $0x38;
	[tilespmem:$0x18200] =	vst v63  }
0x89: {  	v5 =	vld [tilespmem:$0x0];
	_ =	sdelay $0x4  }
0x8a: {  	v5 =	vsel vm5, $0xFFFFFFFF, v5  }
0x8b: {  	v5 =	vxor.u32 $0x80000000, v5  }
0x8c: {  	(xrf0) =	vmax.scan.msk.u32 $0xffff, v5;
	_ =	sdelay $0x5  }
0x8d: {  	v5, _, _ =	vpop (xrf0)  }
0x8e: {  	(v2sf) =	vpush v5, $0xF;
	_ =	sdelay $0xe  }
0x8f: {  	s3 =	spop (v2sf)  }
0x90: {  	s4 =	sxor.u32 $0x80000000, s3  }
0x91: {  	p4 =	sgt.s32 s3, $0xFFFFFFFF;
	s5 =	sand.u32 $0x7F, s3;
	p5 =	slt.s32 s4, $0x1  }
0x92: {  	s2 =	sshra.s32 s4, $0x1F;
	p6 =	sne.s32 s5, $0x0;
	p0 =	por p4, p5  }
0x93: {  	s2 =	sshrl.u32 s2, $0x19;
	p0 =	por !p6, !p0  }
0x94: {  	s0 =	sadd.s32 s2, s3;
	s2 =	simm.s32 $0x1;
	p0 =	por !p0, !p0  }
0x95: {  	s0 =	sshrl.u32 s0, $0x7;
	s2 =	simm.s32 @!p0 $0x0  }
0x96: {  	s0 =	ssub.s32 s0, s2  }
0x97: {  	s0 =	sshll.u32 s0, $0x7  }
0x98: {  	s0 =	sand.u32 $0x1FFFFF80, s0  }
0x99: {  	s0 =	sadd.s32 s1, s0  }
0x9a: {  	[tilespmem:s16], [sflag:$0x6] =	stream.strided.gather [hbm4b:s0+s10], $0x2000, s9, s10, $0x38;
	[tilespmem:$0x18200] =	vst v63  }
0x9b: {  	v5 =	vld [tilespmem:$0x0];
	_ =	sdelay $0x4  }
0x9c: {  	v5 =	vsel vm6, $0xFFFFFFFF, v5  }
0x9d: {  	v5 =	vxor.u32 $0x80000000, v5  }
0x9e: {  	(xrf0) =	vmax.scan.msk.u32 $0xffff, v5;
	_ =	sdelay $0x5  }
0x9f: {  	v5, _, _ =	vpop (xrf0)  }
0xa0: {  	(v2sf) =	vpush v5, $0xF;
	_ =	sdelay $0xe  }
0xa1: {  	s3 =	spop (v2sf)  }
0xa2: {  	s4 =	sxor.u32 $0x80000000, s3  }
0xa3: {  	p1 =	sgt.s32 s3, $0xFFFFFFFF;
	s5 =	sand.u32 $0x7F, s3;
	p2 =	slt.s32 s4, $0x1  }
0xa4: {  	s2 =	sshra.s32 s4, $0x1F;
	p3 =	sne.s32 s5, $0x0;
	p0 =	por p1, p2  }
0xa5: {  	s2 =	sshrl.u32 s2, $0x19;
	p0 =	por !p3, !p0  }
0xa6: {  	s0 =	sadd.s32 s2, s3;
	s2 =	simm.s32 $0x1;
	p0 =	por !p0, !p0  }
0xa7: {  	s0 =	sshrl.u32 s0, $0x7;
	s2 =	simm.s32 @!p0 $0x0  }
0xa8: {  	s0 =	ssub.s32 s0, s2  }
0xa9: {  	s0 =	sshll.u32 s0, $0x7  }
0xaa: {  	s0 =	sand.u32 $0x1FFFFF80, s0  }
0xab: {  	s0 =	sadd.s32 s1, s0  }
0xac: {  	[tilespmem:s17], [sflag:$0x7] =	stream.strided.gather [hbm4b:s0+s10], $0x2000, s9, s10, $0x38;
	[tilespmem:$0x18200] =	vst v63  }
0xad: {  	v5 =	vld [tilespmem:$0x0];
	_ =	sdelay $0x4  }
0xae: {  	v5 =	vsel vm7, $0xFFFFFFFF, v5  }
0xaf: {  	v5 =	vxor.u32 $0x80000000, v5  }
0xb0: {  	(xrf0) =	vmax.scan.msk.u32 $0xffff, v5;
	_ =	sdelay $0x5  }
0xb1: {  	v5, _, _ =	vpop (xrf0)  }
0xb2: {  	(v2sf) =	vpush v5, $0xF;
	_ =	sdelay $0xe  }
0xb3: {  	s3 =	spop (v2sf)  }
0xb4: {  	s4 =	sxor.u32 $0x80000000, s3  }
0xb5: {  	p4 =	sgt.s32 s3, $0xFFFFFFFF;
	s5 =	sand.u32 $0x7F, s3;
	p5 =	slt.s32 s4, $0x1  }
0xb6: {  	s2 =	sshra.s32 s4, $0x1F;
	p6 =	sne.s32 s5, $0x0;
	p0 =	por p4, p5  }
0xb7: {  	s2 =	sshrl.u32 s2, $0x19;
	p0 =	por !p6, !p0  }
0xb8: {  	s0 =	sadd.s32 s2, s3;
	s2 =	simm.s32 $0x1;
	p0 =	por !p0, !p0  }
0xb9: {  	s0 =	sshrl.u32 s0, $0x7;
	s2 =	simm.s32 @!p0 $0x0  }
0xba: {  	s0 =	ssub.s32 s0, s2  }
0xbb: {  	s0 =	sshll.u32 s0, $0x7  }
0xbc: {  	s0 =	sand.u32 $0x1FFFFF80, s0  }
0xbd: {  	s29 =	simm.s32 $0x1C0;
	s0 =	sadd.s32 s1, s0  }
0xbe: {  	[tilespmem:s18], [sflag:$0x8] =	stream.strided.gather [hbm4b:s0+s10], $0x2000, s9, s10, $0x38;
	[tilespmem:$0x18200] =	vst v63  }
0xbf: {  	s30 =	simm.s32 $0x3C;
	s31 =	simm.s32 $0x10300;
	s0 =	simm.s32 $0x0  }
.LBB2_2:
0xc0: {  	_ =	swait.ge [sflag:s8], $0x2000;
	s2 =	sadd.s32 $0xFFFFFFC4, s30  }
0xc1: {  	[sflag:s8] =	ssyncset.done $0x0;
	s2 =	sand.u32 $0x7C0, s2  }
0xc2: {  	[sflag:s8] =	ssyncadd.s32 $0xFFFFE000;
	s26 =	sshrl.u32 s2, $0x2  }
0xc3: {  	v5 =	vld [tilespmem:s26+$0x0];
	_ =	sdelay $0x2  }
0xc4: {  	s5 =	sand.u32 $0x8, s0  }
0xc5: {  	v6 =	vmov s5  }
0xc6: {  	vm1 =	veq.s32 v6, v0;
	v5 =	vxor.u32 $0x80000000, v5  }
0xc7: {  	v5 =	vnsel vm1, $0x7FFFFFFF, v5  }
0xc8: {  	(xrf0) =	vmax.scan.msk.u32 $0xffff, v5;
	_ =	sdelay $0x5  }
0xc9: {  	v5, _, _ =	vpop (xrf0)  }
0xca: {  	(v2sf) =	vpush v5, $0xF;
	_ =	sdelay $0xe  }
0xcb: {  	s3 =	spop (v2sf)  }
0xcc: {  	s2 =	sand.u32 $0x7F, s3  }
0xcd: {  	v5 =	vor.u32 s2, v1;
	_ =	sdelay $0x4  }
0xce: {  	v5 =	vld.idx.msk [tilespmem:v5+s11+$0x0], $0xffff  }
0xcf: {  	v6 =	vor.u32 s2, v2;
	_ =	sdelay $0x3  }
0xd0: {  	[tilespmem:s31+$0xFFFFFF00] =	vst v5  }
0xd1: {  	v5 =	vld.idx.msk [tilespmem:v6+s11+$0x0], $0xffff  }
0xd2: {  	v6 =	vor.u32 s2, v3;
	_ =	sdelay $0x3  }
0xd3: {  	[tilespmem:s31+$0xFFFFFF10] =	vst v5  }
0xd4: {  	v5 =	vld.idx.msk [tilespmem:v6+s11+$0x0], $0xffff  }
0xd5: {  	v6 =	vor.u32 s2, v4;
	_ =	sdelay $0x3  }
0xd6: {  	[tilespmem:s31+$0xFFFFFF20] =	vst v5  }
0xd7: {  	v5 =	vld.idx.msk [tilespmem:v6+s11+$0x0], $0xffff;
	_ =	sdelay $0x2  }
0xd8: {  	s4 =	sadd.s32 $0xFFFFFFE4, s30  }
0xd9: {  	s2 =	sand.u32 $0xFC0, s4  }
0xda: {  	s2 =	sshrl.u32 s2, $0x2;
	[tilespmem:s31+$0xFFFFFF30] =	vst v5  }
0xdb: {  	v5 =	vld [tilespmem:s2+$0x0];
	_ =	sdelay $0x1  }
0xdc: {  	s2 =	sadd.s32 $0x8, s0  }
0xdd: {  	s3 =	sand.u32 $0x8, s2  }
0xde: {  	v6 =	vmov s3  }
0xdf: {  	vm1 =	veq.s32 v6, v0;
	v5 =	vxor.u32 $0x80000000, v5  }
0xe0: {  	v5 =	vnsel vm1, $0x7FFFFFFF, v5  }
0xe1: {  	(xrf0) =	vmax.scan.msk.u32 $0xffff, v5;
	_ =	sdelay $0x5  }
0xe2: {  	v5, _, _ =	vpop (xrf0)  }
0xe3: {  	(v2sf) =	vpush v5, $0xF;
	_ =	sdelay $0xe  }
0xe4: {  	s3 =	spop (v2sf)  }
0xe5: {  	s4 =	sxor.u32 $0x80000000, s3  }
0xe6: {  	p0 =	sgt.s32 s3, $0xFFFFFFFF;
	s5 =	sand.u32 $0x7F, s3;
	p1 =	slt.s32 s4, $0x1  }
0xe7: {  	s4 =	sshra.s32 s4, $0x1F;
	p3 =	sne.s32 s5, $0x0;
	p0 =	por p0, p1  }
0xe8: {  	s4 =	sshrl.u32 s4, $0x19;
	p0 =	por !p3, !p0  }
0xe9: {  	s3 =	sadd.s32 s4, s3;
	s4 =	simm.s32 $0x1;
	p0 =	por !p0, !p0  }
0xea: {  	s3 =	sshrl.u32 s3, $0x7;
	s4 =	simm.s32 @!p0 $0x0  }
0xeb: {  	s3 =	ssub.s32 s3, s4  }
0xec: {  	s3 =	sshll.u32 s3, $0x7  }
0xed: {  	s3 =	sand.u32 $0x1FFFFF80, s3  }
0xee: {  	s3 =	sadd.s32 s1, s3  }
0xef: {  	[tilespmem:s11], [sflag:$0x1] =	stream.strided.gather [hbm4b:s3+s10], $0x2000, s9, s10, $0x38;
	[tilespmem:$0x18200] =	vst v63  }
0xf0: {  	_ =	swait.ge [sflag:s19], $0x2000  }
0xf1: {  	[sflag:s19] =	ssyncset.done $0x0  }
0xf2: {  	[sflag:s19] =	ssyncadd.s32 $0xFFFFE000  }
0xf3: {  	v5 =	vld [tilespmem:s26+$0x0];
	_ =	sdelay $0x1  }
0xf4: {  	s5 =	sadd.s32 $0x1, s0  }
0xf5: {  	s3 =	sand.u32 $0x9, s5  }
0xf6: {  	v6 =	vmov s3  }
0xf7: {  	vm1 =	veq.s32 v6, v0;
	v5 =	vxor.u32 $0x80000000, v5  }
0xf8: {  	v5 =	vnsel vm1, $0x7FFFFFFF, v5  }
0xf9: {  	(xrf0) =	vmax.scan.msk.u32 $0xffff, v5;
	_ =	sdelay $0x5  }
0xfa: {  	v5, _, _ =	vpop (xrf0)  }
0xfb: {  	(v2sf) =	vpush v5, $0xF;
	_ =	sdelay $0xe  }
0xfc: {  	s4 =	spop (v2sf)  }
0xfd: {  	s3 =	sand.u32 $0x7F, s4  }
0xfe: {  	v5 =	vor.u32 s3, v1;
	_ =	sdelay $0x4  }
0xff: {  	v5 =	vld.idx.msk [tilespmem:v5+s12+$0x0], $0xffff  }
0x100: {  	v6 =	vor.u32 s3, v2;
	_ =	sdelay $0x3  }
0x101: {  	[tilespmem:s31+$0xFFFFFF40] =	vst v5  }
0x102: {  	v5 =	vld.idx.msk [tilespmem:v6+s12+$0x0], $0xffff  }
0x103: {  	v6 =	vor.u32 s3, v3;
	_ =	sdelay $0x1  }
0x104: {  	s4 =	sadd.s32 $0xFFFFFE80, s29  }
0x105: {  	s5 =	sor.u32 $0x50, s4  }
0x106: {  	[tilespmem:s5+$0x10200] =	vst v5  }
0x107: {  	v5 =	vld.idx.msk [tilespmem:v6+s12+$0x0], $0xffff  }
0x108: {  	v6 =	vor.u32 s3, v4;
	_ =	sdelay $0x2  }
0x109: {  	s5 =	sor.u32 $0x60, s4  }
0x10a: {  	[tilespmem:s5+$0x10200] =	vst v5  }
0x10b: {  	v5 =	vld.idx.msk [tilespmem:v6+s12+$0x0], $0xffff;
	_ =	sdelay $0x2  }
0x10c: {  	s5 =	sadd.s32 $0xFFFFFFE8, s30  }
0x10d: {  	s4 =	sor.u32 $0x70, s4;
	s3 =	sand.u32 $0xFC0, s5  }
0x10e: {  	s3 =	sshrl.u32 s3, $0x2;
	[tilespmem:s4+$0x10200] =	vst v5  }
0x10f: {  	v5 =	vld [tilespmem:s3+$0x0];
	_ =	sdelay $0x1  }
0x110: {  	s4 =	sadd.s32 $0x9, s0  }
0x111: {  	s3 =	sand.u32 $0x9, s4  }
0x112: {  	v6 =	vmov s3  }
0x113: {  	vm1 =	veq.s32 v6, v0;
	v5 =	vxor.u32 $0x80000000, v5  }
0x114: {  	v5 =	vnsel vm1, $0x7FFFFFFF, v5  }
0x115: {  	(xrf0) =	vmax.scan.msk.u32 $0xffff, v5;
	_ =	sdelay $0x5  }
0x116: {  	v5, _, _ =	vpop (xrf0)  }
0x117: {  	(v2sf) =	vpush v5, $0xF;
	_ =	sdelay $0xe  }
0x118: {  	s3 =	spop (v2sf)  }
0x119: {  	s4 =	sxor.u32 $0x80000000, s3  }
0x11a: {  	p4 =	sgt.s32 s3, $0xFFFFFFFF;
	s5 =	sand.u32 $0x7F, s3;
	p5 =	slt.s32 s4, $0x1  }
0x11b: {  	s4 =	sshra.s32 s4, $0x1F;
	p6 =	sne.s32 s5, $0x0;
	p0 =	por p4, p5  }
0x11c: {  	s4 =	sshrl.u32 s4, $0x19;
	p0 =	por !p6, !p0  }
0x11d: {  	s3 =	sadd.s32 s4, s3;
	s4 =	simm.s32 $0x1;
	p0 =	por !p0, !p0  }
0x11e: {  	s3 =	sshrl.u32 s3, $0x7;
	s4 =	simm.s32 @!p0 $0x0  }
0x11f: {  	s3 =	ssub.s32 s3, s4  }
0x120: {  	s3 =	sshll.u32 s3, $0x7  }
0x121: {  	s3 =	sand.u32 $0x1FFFFF80, s3  }
0x122: {  	s3 =	sadd.s32 s1, s3  }
0x123: {  	[tilespmem:s12], [sflag:$0x2] =	stream.strided.gather [hbm4b:s3+s10], $0x2000, s9, s10, $0x38;
	[tilespmem:$0x18200] =	vst v63  }
0x124: {  	_ =	swait.ge [sflag:s20], $0x2000  }
0x125: {  	[sflag:s20] =	ssyncset.done $0x0  }
0x126: {  	[sflag:s20] =	ssyncadd.s32 $0xFFFFE000  }
0x127: {  	v5 =	vld [tilespmem:s26+$0x0];
	_ =	sdelay $0x1  }
0x128: {  	s5 =	sadd.s32 $0x2, s0  }
0x129: {  	s3 =	sand.u32 $0xA, s5  }
0x12a: {  	v6 =	vmov s3  }
0x12b: {  	vm1 =	veq.s32 v6, v0;
	v5 =	vxor.u32 $0x80000000, v5  }
0x12c: {  	v5 =	vnsel vm1, $0x7FFFFFFF, v5  }
0x12d: {  	(xrf0) =	vmax.scan.msk.u32 $0xffff, v5;
	_ =	sdelay $0x5  }
0x12e: {  	v5, _, _ =	vpop (xrf0)  }
0x12f: {  	(v2sf) =	vpush v5, $0xF;
	_ =	sdelay $0xe  }
0x130: {  	s4 =	spop (v2sf)  }
0x131: {  	s3 =	sand.u32 $0x7F, s4  }
0x132: {  	v5 =	vor.u32 s3, v1;
	_ =	sdelay $0x4  }
0x133: {  	v5 =	vld.idx.msk [tilespmem:v5+s13+$0x0], $0xffff  }
0x134: {  	v6 =	vor.u32 s3, v2;
	_ =	sdelay $0x3  }
0x135: {  	[tilespmem:s31+$0xFFFFFF80] =	vst v5  }
0x136: {  	v5 =	vld.idx.msk [tilespmem:v6+s13+$0x0], $0xffff  }
0x137: {  	v6 =	vor.u32 s3, v3;
	_ =	sdelay $0x3  }
0x138: {  	[tilespmem:s31+$0xFFFFFF90] =	vst v5  }
0x139: {  	v5 =	vld.idx.msk [tilespmem:v6+s13+$0x0], $0xffff  }
0x13a: {  	v6 =	vor.u32 s3, v4;
	_ =	sdelay $0x3  }
0x13b: {  	[tilespmem:s31+$0xFFFFFFA0] =	vst v5  }
0x13c: {  	v5 =	vld.idx.msk [tilespmem:v6+s13+$0x0], $0xffff;
	_ =	sdelay $0x2  }
0x13d: {  	s5 =	sadd.s32 $0xFFFFFFEC, s30  }
0x13e: {  	s3 =	sand.u32 $0xFC0, s5  }
0x13f: {  	s3 =	sshrl.u32 s3, $0x2;
	[tilespmem:s31+$0xFFFFFFB0] =	vst v5  }
0x140: {  	v5 =	vld [tilespmem:s3+$0x0];
	_ =	sdelay $0x1  }
0x141: {  	s4 =	sadd.s32 $0xA, s0  }
0x142: {  	s3 =	sand.u32 $0xA, s4  }
0x143: {  	v6 =	vmov s3  }
0x144: {  	vm1 =	veq.s32 v6, v0;
	v5 =	vxor.u32 $0x80000000, v5  }
0x145: {  	v5 =	vnsel vm1, $0x7FFFFFFF, v5  }
0x146: {  	(xrf0) =	vmax.scan.msk.u32 $0xffff, v5;
	_ =	sdelay $0x5  }
0x147: {  	v5, _, _ =	vpop (xrf0)  }
0x148: {  	(v2sf) =	vpush v5, $0xF;
	_ =	sdelay $0xe  }
0x149: {  	s3 =	spop (v2sf)  }
0x14a: {  	s4 =	sxor.u32 $0x80000000, s3  }
0x14b: {  	p1 =	sgt.s32 s3, $0xFFFFFFFF;
	s5 =	sand.u32 $0x7F, s3;
	p2 =	slt.s32 s4, $0x1  }
0x14c: {  	s4 =	sshra.s32 s4, $0x1F;
	p3 =	sne.s32 s5, $0x0;
	p0 =	por p1, p2  }
0x14d: {  	s4 =	sshrl.u32 s4, $0x19;
	p0 =	por !p3, !p0  }
0x14e: {  	s3 =	sadd.s32 s4, s3;
	s4 =	simm.s32 $0x1;
	p0 =	por !p0, !p0  }
0x14f: {  	s3 =	sshrl.u32 s3, $0x7;
	s4 =	simm.s32 @!p0 $0x0  }
0x150: {  	s3 =	ssub.s32 s3, s4  }
0x151: {  	s3 =	sshll.u32 s3, $0x7  }
0x152: {  	s3 =	sand.u32 $0x1FFFFF80, s3  }
0x153: {  	s3 =	sadd.s32 s1, s3  }
0x154: {  	[tilespmem:s13], [sflag:$0x3] =	stream.strided.gather [hbm4b:s3+s10], $0x2000, s9, s10, $0x38;
	[tilespmem:$0x18200] =	vst v63  }
0x155: {  	_ =	swait.ge [sflag:s21], $0x2000  }
0x156: {  	[sflag:s21] =	ssyncset.done $0x0  }
0x157: {  	[sflag:s21] =	ssyncadd.s32 $0xFFFFE000  }
0x158: {  	v5 =	vld [tilespmem:s26+$0x0];
	_ =	sdelay $0x1  }
0x159: {  	s5 =	sadd.s32 $0x3, s0  }
0x15a: {  	s3 =	sand.u32 $0xB, s5  }
0x15b: {  	v6 =	vmov s3  }
0x15c: {  	vm1 =	veq.s32 v6, v0;
	v5 =	vxor.u32 $0x80000000, v5  }
0x15d: {  	v5 =	vnsel vm1, $0x7FFFFFFF, v5  }
0x15e: {  	(xrf0) =	vmax.scan.msk.u32 $0xffff, v5;
	_ =	sdelay $0x5  }
0x15f: {  	v5, _, _ =	vpop (xrf0)  }
0x160: {  	(v2sf) =	vpush v5, $0xF;
	_ =	sdelay $0xe  }
0x161: {  	s4 =	spop (v2sf)  }
0x162: {  	s3 =	sand.u32 $0x7F, s4  }
0x163: {  	v5 =	vor.u32 s3, v1;
	_ =	sdelay $0x4  }
0x164: {  	v5 =	vld.idx.msk [tilespmem:v5+s14+$0x0], $0xffff  }
0x165: {  	v6 =	vor.u32 s3, v2;
	_ =	sdelay $0x3  }
0x166: {  	[tilespmem:s31+$0xFFFFFFC0] =	vst v5  }
0x167: {  	v5 =	vld.idx.msk [tilespmem:v6+s14+$0x0], $0xffff  }
0x168: {  	v6 =	vor.u32 s3, v3;
	_ =	sdelay $0x1  }
0x169: {  	s4 =	sadd.s32 $0xFFFFFF00, s29  }
0x16a: {  	s5 =	sor.u32 $0x50, s4  }
0x16b: {  	[tilespmem:s5+$0x10200] =	vst v5  }
0x16c: {  	v5 =	vld.idx.msk [tilespmem:v6+s14+$0x0], $0xffff  }
0x16d: {  	v6 =	vor.u32 s3, v4;
	_ =	sdelay $0x2  }
0x16e: {  	s5 =	sor.u32 $0x60, s4  }
0x16f: {  	[tilespmem:s5+$0x10200] =	vst v5  }
0x170: {  	v5 =	vld.idx.msk [tilespmem:v6+s14+$0x0], $0xffff;
	_ =	sdelay $0x2  }
0x171: {  	s5 =	sadd.s32 $0xFFFFFFF0, s30  }
0x172: {  	s4 =	sor.u32 $0x70, s4;
	s3 =	sand.u32 $0xFC0, s5  }
0x173: {  	s3 =	sshrl.u32 s3, $0x2;
	[tilespmem:s4+$0x10200] =	vst v5  }
0x174: {  	v5 =	vld [tilespmem:s3+$0x0];
	_ =	sdelay $0x1  }
0x175: {  	s4 =	sadd.s32 $0xB, s0  }
0x176: {  	s3 =	sand.u32 $0xB, s4  }
0x177: {  	v6 =	vmov s3  }
0x178: {  	vm1 =	veq.s32 v6, v0;
	v5 =	vxor.u32 $0x80000000, v5  }
0x179: {  	v5 =	vnsel vm1, $0x7FFFFFFF, v5  }
0x17a: {  	(xrf0) =	vmax.scan.msk.u32 $0xffff, v5;
	_ =	sdelay $0x5  }
0x17b: {  	v5, _, _ =	vpop (xrf0)  }
0x17c: {  	(v2sf) =	vpush v5, $0xF;
	_ =	sdelay $0xe  }
0x17d: {  	s3 =	spop (v2sf)  }
0x17e: {  	s4 =	sxor.u32 $0x80000000, s3  }
0x17f: {  	p4 =	sgt.s32 s3, $0xFFFFFFFF;
	s5 =	sand.u32 $0x7F, s3;
	p5 =	slt.s32 s4, $0x1  }
0x180: {  	s4 =	sshra.s32 s4, $0x1F;
	p6 =	sne.s32 s5, $0x0;
	p0 =	por p4, p5  }
0x181: {  	s4 =	sshrl.u32 s4, $0x19;
	p0 =	por !p6, !p0  }
0x182: {  	s3 =	sadd.s32 s4, s3;
	s4 =	simm.s32 $0x1;
	p0 =	por !p0, !p0  }
0x183: {  	s3 =	sshrl.u32 s3, $0x7;
	s4 =	simm.s32 @!p0 $0x0  }
0x184: {  	s3 =	ssub.s32 s3, s4  }
0x185: {  	s3 =	sshll.u32 s3, $0x7  }
0x186: {  	s3 =	sand.u32 $0x1FFFFF80, s3  }
0x187: {  	s3 =	sadd.s32 s1, s3  }
0x188: {  	[tilespmem:s14], [sflag:$0x4] =	stream.strided.gather [hbm4b:s3+s10], $0x2000, s9, s10, $0x38;
	[tilespmem:$0x18200] =	vst v63  }
0x189: {  	_ =	swait.ge [sflag:s22], $0x2000  }
0x18a: {  	[sflag:s22] =	ssyncset.done $0x0  }
0x18b: {  	[sflag:s22] =	ssyncadd.s32 $0xFFFFE000  }
0x18c: {  	v5 =	vld [tilespmem:s26+$0x0];
	_ =	sdelay $0x1  }
0x18d: {  	s5 =	sadd.s32 $0x4, s0  }
0x18e: {  	s3 =	sand.u32 $0xC, s5  }
0x18f: {  	v6 =	vmov s3  }
0x190: {  	vm1 =	veq.s32 v6, v0;
	v5 =	vxor.u32 $0x80000000, v5  }
0x191: {  	v5 =	vnsel vm1, $0x7FFFFFFF, v5  }
0x192: {  	(xrf0) =	vmax.scan.msk.u32 $0xffff, v5;
	_ =	sdelay $0x5  }
0x193: {  	v5, _, _ =	vpop (xrf0)  }
0x194: {  	(v2sf) =	vpush v5, $0xF;
	_ =	sdelay $0xe  }
0x195: {  	s4 =	spop (v2sf)  }
0x196: {  	s3 =	sand.u32 $0x7F, s4  }
0x197: {  	v5 =	vor.u32 s3, v1;
	_ =	sdelay $0x4  }
0x198: {  	v5 =	vld.idx.msk [tilespmem:v5+s15+$0x0], $0xffff  }
0x199: {  	v6 =	vor.u32 s3, v2;
	_ =	sdelay $0x3  }
0x19a: {  	[tilespmem:s31+$0x0] =	vst v5  }
0x19b: {  	v5 =	vld.idx.msk [tilespmem:v6+s15+$0x0], $0xffff  }
0x19c: {  	v6 =	vor.u32 s3, v3;
	_ =	sdelay $0x3  }
0x19d: {  	[tilespmem:s31+$0x10] =	vst v5  }
0x19e: {  	v5 =	vld.idx.msk [tilespmem:v6+s15+$0x0], $0xffff  }
0x19f: {  	v6 =	vor.u32 s3, v4;
	_ =	sdelay $0x3  }
0x1a0: {  	[tilespmem:s31+$0x20] =	vst v5  }
0x1a1: {  	v5 =	vld.idx.msk [tilespmem:v6+s15+$0x0], $0xffff;
	_ =	sdelay $0x2  }
0x1a2: {  	s5 =	sadd.s32 $0xFFFFFFF4, s30  }
0x1a3: {  	s3 =	sand.u32 $0xFC0, s5  }
0x1a4: {  	s3 =	sshrl.u32 s3, $0x2;
	[tilespmem:s31+$0x30] =	vst v5  }
0x1a5: {  	v5 =	vld [tilespmem:s3+$0x0];
	_ =	sdelay $0x1  }
0x1a6: {  	s4 =	sadd.s32 $0xC, s0  }
0x1a7: {  	s3 =	sand.u32 $0xC, s4  }
0x1a8: {  	v6 =	vmov s3  }
0x1a9: {  	vm1 =	veq.s32 v6, v0;
	v5 =	vxor.u32 $0x80000000, v5  }
0x1aa: {  	v5 =	vnsel vm1, $0x7FFFFFFF, v5  }
0x1ab: {  	(xrf0) =	vmax.scan.msk.u32 $0xffff, v5;
	_ =	sdelay $0x5  }
0x1ac: {  	v5, _, _ =	vpop (xrf0)  }
0x1ad: {  	(v2sf) =	vpush v5, $0xF;
	_ =	sdelay $0xe  }
0x1ae: {  	s3 =	spop (v2sf)  }
0x1af: {  	s4 =	sxor.u32 $0x80000000, s3  }
0x1b0: {  	p1 =	sgt.s32 s3, $0xFFFFFFFF;
	s5 =	sand.u32 $0x7F, s3;
	p2 =	slt.s32 s4, $0x1  }
0x1b1: {  	s4 =	sshra.s32 s4, $0x1F;
	p3 =	sne.s32 s5, $0x0;
	p0 =	por p1, p2  }
0x1b2: {  	s4 =	sshrl.u32 s4, $0x19;
	p0 =	por !p3, !p0  }
0x1b3: {  	s3 =	sadd.s32 s4, s3;
	s4 =	simm.s32 $0x1;
	p0 =	por !p0, !p0  }
0x1b4: {  	s3 =	sshrl.u32 s3, $0x7;
	s4 =	simm.s32 @!p0 $0x0  }
0x1b5: {  	s3 =	ssub.s32 s3, s4  }
0x1b6: {  	s3 =	sshll.u32 s3, $0x7  }
0x1b7: {  	s3 =	sand.u32 $0x1FFFFF80, s3  }
0x1b8: {  	s3 =	sadd.s32 s1, s3  }
0x1b9: {  	[tilespmem:s15], [sflag:$0x5] =	stream.strided.gather [hbm4b:s3+s10], $0x2000, s9, s10, $0x38;
	[tilespmem:$0x18200] =	vst v63  }
0x1ba: {  	_ =	swait.ge [sflag:s23], $0x2000  }
0x1bb: {  	[sflag:s23] =	ssyncset.done $0x0  }
0x1bc: {  	[sflag:s23] =	ssyncadd.s32 $0xFFFFE000  }
0x1bd: {  	v5 =	vld [tilespmem:s26+$0x0];
	_ =	sdelay $0x1  }
0x1be: {  	s5 =	sadd.s32 $0x5, s0  }
0x1bf: {  	s3 =	sand.u32 $0xD, s5  }
0x1c0: {  	v6 =	vmov s3  }
0x1c1: {  	vm1 =	veq.s32 v6, v0;
	v5 =	vxor.u32 $0x80000000, v5  }
0x1c2: {  	v5 =	vnsel vm1, $0x7FFFFFFF, v5  }
0x1c3: {  	(xrf0) =	vmax.scan.msk.u32 $0xffff, v5;
	_ =	sdelay $0x5  }
0x1c4: {  	v5, _, _ =	vpop (xrf0)  }
0x1c5: {  	(v2sf) =	vpush v5, $0xF;
	_ =	sdelay $0xe  }
0x1c6: {  	s4 =	spop (v2sf)  }
0x1c7: {  	s3 =	sand.u32 $0x7F, s4  }
0x1c8: {  	v5 =	vor.u32 s3, v1;
	_ =	sdelay $0x4  }
0x1c9: {  	v5 =	vld.idx.msk [tilespmem:v5+s16+$0x0], $0xffff  }
0x1ca: {  	v6 =	vor.u32 s3, v2;
	_ =	sdelay $0x3  }
0x1cb: {  	[tilespmem:s31+$0x40] =	vst v5  }
0x1cc: {  	v5 =	vld.idx.msk [tilespmem:v6+s16+$0x0], $0xffff  }
0x1cd: {  	v6 =	vor.u32 s3, v3;
	_ =	sdelay $0x1  }
0x1ce: {  	s4 =	sadd.s32 $0xFFFFFF80, s29  }
0x1cf: {  	s5 =	sor.u32 $0x50, s4  }
0x1d0: {  	[tilespmem:s5+$0x10200] =	vst v5  }
0x1d1: {  	v5 =	vld.idx.msk [tilespmem:v6+s16+$0x0], $0xffff  }
0x1d2: {  	v6 =	vor.u32 s3, v4;
	_ =	sdelay $0x2  }
0x1d3: {  	s5 =	sor.u32 $0x60, s4  }
0x1d4: {  	[tilespmem:s5+$0x10200] =	vst v5  }
0x1d5: {  	v5 =	vld.idx.msk [tilespmem:v6+s16+$0x0], $0xffff;
	_ =	sdelay $0x2  }
0x1d6: {  	s5 =	sadd.s32 $0xFFFFFFF8, s30  }
0x1d7: {  	s4 =	sor.u32 $0x70, s4;
	s3 =	sand.u32 $0xFC0, s5  }
0x1d8: {  	s3 =	sshrl.u32 s3, $0x2;
	[tilespmem:s4+$0x10200] =	vst v5  }
0x1d9: {  	v5 =	vld [tilespmem:s3+$0x0];
	_ =	sdelay $0x1  }
0x1da: {  	s5 =	sadd.s32 $0xD, s0  }
0x1db: {  	s3 =	sand.u32 $0xD, s5  }
0x1dc: {  	v6 =	vmov s3  }
0x1dd: {  	vm1 =	veq.s32 v6, v0;
	v5 =	vxor.u32 $0x80000000, v5  }
0x1de: {  	v5 =	vnsel vm1, $0x7FFFFFFF, v5  }
0x1df: {  	(xrf0) =	vmax.scan.msk.u32 $0xffff, v5;
	_ =	sdelay $0x5  }
0x1e0: {  	v5, _, _ =	vpop (xrf0)  }
0x1e1: {  	(v2sf) =	vpush v5, $0xF;
	_ =	sdelay $0xe  }
0x1e2: {  	s3 =	spop (v2sf)  }
0x1e3: {  	s4 =	sxor.u32 $0x80000000, s3  }
0x1e4: {  	p4 =	sgt.s32 s3, $0xFFFFFFFF;
	s5 =	sand.u32 $0x7F, s3;
	p5 =	slt.s32 s4, $0x1  }
0x1e5: {  	s4 =	sshra.s32 s4, $0x1F;
	p6 =	sne.s32 s5, $0x0;
	p0 =	por p4, p5  }
0x1e6: {  	s4 =	sshrl.u32 s4, $0x19;
	p0 =	por !p6, !p0  }
0x1e7: {  	s3 =	sadd.s32 s4, s3;
	s4 =	simm.s32 $0x1;
	p0 =	por !p0, !p0  }
0x1e8: {  	s3 =	sshrl.u32 s3, $0x7;
	s4 =	simm.s32 @!p0 $0x0  }
0x1e9: {  	s3 =	ssub.s32 s3, s4  }
0x1ea: {  	s3 =	sshll.u32 s3, $0x7  }
0x1eb: {  	s3 =	sand.u32 $0x1FFFFF80, s3  }
0x1ec: {  	s3 =	sadd.s32 s1, s3  }
0x1ed: {  	[tilespmem:s16], [sflag:$0x6] =	stream.strided.gather [hbm4b:s3+s10], $0x2000, s9, s10, $0x38;
	[tilespmem:$0x18200] =	vst v63  }
0x1ee: {  	_ =	swait.ge [sflag:s24], $0x2000  }
0x1ef: {  	[sflag:s24] =	ssyncset.done $0x0  }
0x1f0: {  	[sflag:s24] =	ssyncadd.s32 $0xFFFFE000  }
0x1f1: {  	v5 =	vld [tilespmem:s26+$0x0];
	_ =	sdelay $0x1  }
0x1f2: {  	s4 =	sadd.s32 $0x6, s0  }
0x1f3: {  	s3 =	sand.u32 $0xE, s4  }
0x1f4: {  	v6 =	vmov s3  }
0x1f5: {  	vm1 =	veq.s32 v6, v0;
	v5 =	vxor.u32 $0x80000000, v5  }
0x1f6: {  	v5 =	vnsel vm1, $0x7FFFFFFF, v5  }
0x1f7: {  	(xrf0) =	vmax.scan.msk.u32 $0xffff, v5;
	_ =	sdelay $0x5  }
0x1f8: {  	v5, _, _ =	vpop (xrf0)  }
0x1f9: {  	(v2sf) =	vpush v5, $0xF;
	_ =	sdelay $0xe  }
0x1fa: {  	s5 =	spop (v2sf)  }
0x1fb: {  	s3 =	sand.u32 $0x7F, s5  }
0x1fc: {  	v5 =	vor.u32 s3, v1;
	_ =	sdelay $0x4  }
0x1fd: {  	v5 =	vld.idx.msk [tilespmem:v5+s17+$0x0], $0xffff  }
0x1fe: {  	v6 =	vor.u32 s3, v2;
	_ =	sdelay $0x3  }
0x1ff: {  	[tilespmem:s31+$0x80] =	vst v5  }
0x200: {  	v5 =	vld.idx.msk [tilespmem:v6+s17+$0x0], $0xffff  }
0x201: {  	v6 =	vor.u32 s3, v3;
	_ =	sdelay $0x3  }
0x202: {  	[tilespmem:s31+$0x90] =	vst v5  }
0x203: {  	v5 =	vld.idx.msk [tilespmem:v6+s17+$0x0], $0xffff  }
0x204: {  	v6 =	vor.u32 s3, v4;
	_ =	sdelay $0x3  }
0x205: {  	[tilespmem:s31+$0xA0] =	vst v5  }
0x206: {  	v5 =	vld.idx.msk [tilespmem:v6+s17+$0x0], $0xffff;
	_ =	sdelay $0x2  }
0x207: {  	s4 =	sadd.s32 $0xFFFFFFFC, s30  }
0x208: {  	s3 =	sand.u32 $0xFC0, s4  }
0x209: {  	s3 =	sshrl.u32 s3, $0x2;
	[tilespmem:s31+$0xB0] =	vst v5  }
0x20a: {  	v5 =	vld [tilespmem:s3+$0x0];
	_ =	sdelay $0x1  }
0x20b: {  	s5 =	sadd.s32 $0xE, s0  }
0x20c: {  	s3 =	sand.u32 $0xE, s5  }
0x20d: {  	v6 =	vmov s3  }
0x20e: {  	vm1 =	veq.s32 v6, v0;
	v5 =	vxor.u32 $0x80000000, v5  }
0x20f: {  	v5 =	vnsel vm1, $0x7FFFFFFF, v5  }
0x210: {  	(xrf0) =	vmax.scan.msk.u32 $0xffff, v5;
	_ =	sdelay $0x5  }
0x211: {  	v5, _, _ =	vpop (xrf0)  }
0x212: {  	(v2sf) =	vpush v5, $0xF;
	_ =	sdelay $0xe  }
0x213: {  	s3 =	spop (v2sf)  }
0x214: {  	s4 =	sxor.u32 $0x80000000, s3  }
0x215: {  	p1 =	sgt.s32 s3, $0xFFFFFFFF;
	s5 =	sand.u32 $0x7F, s3;
	p3 =	slt.s32 s4, $0x1  }
0x216: {  	p2 =	sne.s32 s5, $0x0;
	s4 =	sshra.s32 s4, $0x1F;
	p0 =	por p1, p3  }
0x217: {  	s4 =	sshrl.u32 s4, $0x19;
	p0 =	por !p2, !p0  }
0x218: {  	s3 =	sadd.s32 s4, s3;
	s4 =	simm.s32 $0x1;
	p0 =	por !p0, !p0  }
0x219: {  	s3 =	sshrl.u32 s3, $0x7;
	s4 =	simm.s32 @!p0 $0x0  }
0x21a: {  	s3 =	ssub.s32 s3, s4  }
0x21b: {  	s3 =	sshll.u32 s3, $0x7  }
0x21c: {  	s3 =	sand.u32 $0x1FFFFF80, s3  }
0x21d: {  	s3 =	sadd.s32 s1, s3  }
0x21e: {  	[tilespmem:s17], [sflag:$0x7] =	stream.strided.gather [hbm4b:s3+s10], $0x2000, s9, s10, $0x38;
	[tilespmem:$0x18200] =	vst v63  }
0x21f: {  	_ =	swait.ge [sflag:s25], $0x2000  }
0x220: {  	[sflag:s25] =	ssyncset.done $0x0  }
0x221: {  	[sflag:s25] =	ssyncadd.s32 $0xFFFFE000  }
0x222: {  	v5 =	vld [tilespmem:s26+$0x0];
	_ =	sdelay $0x1  }
0x223: {  	s4 =	sadd.s32 $0x7, s0  }
0x224: {  	s3 =	sand.u32 $0xF, s4  }
0x225: {  	v6 =	vmov s3  }
0x226: {  	vm1 =	veq.s32 v6, v0;
	v5 =	vxor.u32 $0x80000000, v5  }
0x227: {  	v5 =	vnsel vm1, $0x7FFFFFFF, v5  }
0x228: {  	(xrf0) =	vmax.scan.msk.u32 $0xffff, v5;
	_ =	sdelay $0x5  }
0x229: {  	v5, _, _ =	vpop (xrf0)  }
0x22a: {  	(v2sf) =	vpush v5, $0xF;
	_ =	sdelay $0xe  }
0x22b: {  	s5 =	spop (v2sf)  }
0x22c: {  	s3 =	sand.u32 $0x7F, s5  }
0x22d: {  	v5 =	vor.u32 s3, v1;
	_ =	sdelay $0x4  }
0x22e: {  	v5 =	vld.idx.msk [tilespmem:v5+s18+$0x0], $0xffff  }
0x22f: {  	v6 =	vor.u32 s3, v2;
	_ =	sdelay $0x3  }
0x230: {  	[tilespmem:s31+$0xC0] =	vst v5  }
0x231: {  	v5 =	vld.idx.msk [tilespmem:v6+s18+$0x0], $0xffff  }
0x232: {  	v6 =	vor.u32 s3, v3;
	_ =	sdelay $0x2  }
0x233: {  	s26 =	sor.u32 $0x50, s29  }
0x234: {  	[tilespmem:s26+$0x10200] =	vst v5  }
0x235: {  	v5 =	vld.idx.msk [tilespmem:v6+s18+$0x0], $0xffff  }
0x236: {  	v6 =	vor.u32 s3, v4;
	_ =	sdelay $0x2  }
0x237: {  	s4 =	sor.u32 $0x60, s29  }
0x238: {  	[tilespmem:s4+$0x10200] =	vst v5  }
0x239: {  	v5 =	vld.idx.msk [tilespmem:v6+s18+$0x0], $0xffff;
	_ =	sdelay $0x3  }
0x23a: {  	s5 =	sor.u32 $0x70, s29;
	s26 =	sand.u32 $0xFC0, s30  }
0x23b: {  	s4 =	sshrl.u32 s26, $0x2;
	[tilespmem:s5+$0x10200] =	vst v5  }
0x23c: {  	v5 =	vld [tilespmem:s4+$0x0];
	_ =	sdelay $0x1  }
0x23d: {  	s5 =	sadd.s32 $0xFFFFFFFF, s0  }
0x23e: {  	s3 =	sand.u32 $0xF, s5  }
0x23f: {  	v6 =	vmov s3  }
0x240: {  	vm1 =	veq.s32 v6, v0;
	v5 =	vxor.u32 $0x80000000, v5  }
0x241: {  	v5 =	vnsel vm1, $0x7FFFFFFF, v5  }
0x242: {  	(xrf0) =	vmax.scan.msk.u32 $0xffff, v5;
	_ =	sdelay $0x5  }
0x243: {  	v5, _, _ =	vpop (xrf0)  }
0x244: {  	(v2sf) =	vpush v5, $0xF;
	_ =	sdelay $0xe  }
0x245: {  	s3 =	spop (v2sf)  }
0x246: {  	s4 =	sxor.u32 $0x80000000, s3  }
0x247: {  	p4 =	sgt.s32 s3, $0xFFFFFFFF;
	s26 =	sand.u32 $0x7F, s3;
	p5 =	slt.s32 s4, $0x1  }
0x248: {  	p6 =	sne.s32 s26, $0x0;
	s4 =	sshra.s32 s4, $0x1F;
	p0 =	por p4, p5  }
0x249: {  	s4 =	sshrl.u32 s4, $0x19;
	p0 =	por !p6, !p0  }
0x24a: {  	s3 =	sadd.s32 s4, s3;
	s4 =	simm.s32 $0x1;
	p0 =	por !p0, !p0  }
0x24b: {  	s3 =	sshrl.u32 s3, $0x7;
	s4 =	simm.s32 @!p0 $0x0;
	p0 =	sne.s32 s0, $0x1F0  }
.Ltmp0:
0x24c: {  	s3 =	ssub.s32 s3, s4;
	(pc) =	sbr.rel @p0 .LBB2_2-.Ltmp0, $4  }
0x24d: {  	s3 =	sshll.u32 s3, $0x7  }
0x24e: {  	s29 =	sadd.s32 $0x200, s29;
	s31 =	sadd.s32 $0x200, s31;
	s3 =	sand.u32 $0x1FFFFF80, s3  }
0x24f: {  	s30 =	sadd.s32 $0x20, s30;
	s0 =	smov.u32 s2;
	s3 =	sadd.s32 s1, s3  }
0x250: {  	[tilespmem:s18], [sflag:$0x8] =	stream.strided.gather [hbm4b:s3+s10], $0x2000, s9, s10, $0x38;
	[tilespmem:$0x18200] =	vst v63  }
0x251: {  	_ =	swait.ge [sflag:s8], $0x2000  }
0x252: {  	[sflag:s8] =	ssyncset.done $0x0  }
0x253: {  	[sflag:s8] =	ssyncadd.s32 $0xFFFFE000  }
0x254: {  	v5 =	vld [tilespmem:$0x1F0];
	_ =	sdelay $0x4  }
0x255: {  	v5 =	vsel vm8, $0xFFFFFFFF, v5  }
0x256: {  	v5 =	vxor.u32 $0x80000000, v5  }
0x257: {  	(xrf0) =	vmax.scan.msk.u32 $0xffff, v5;
	_ =	sdelay $0x5  }
0x258: {  	v5, _, _ =	vpop (xrf0)  }
0x259: {  	(v2sf) =	vpush v5, $0xF;
	_ =	sdelay $0xe  }
0x25a: {  	s0 =	spop (v2sf)  }
0x25b: {  	s0 =	sand.u32 $0x7F, s0  }
0x25c: {  	v5 =	vor.u32 s0, v1;
	_ =	sdelay $0x4  }
0x25d: {  	v5 =	vld.idx.msk [tilespmem:v5+s11+$0x0], $0xffff  }
0x25e: {  	v6 =	vor.u32 s0, v2;
	_ =	sdelay $0x3  }
0x25f: {  	[tilespmem:$0x18000] =	vst v5  }
0x260: {  	v5 =	vld.idx.msk [tilespmem:v6+s11+$0x0], $0xffff  }
0x261: {  	v6 =	vor.u32 s0, v3;
	_ =	sdelay $0x3  }
0x262: {  	[tilespmem:$0x18010] =	vst v5  }
0x263: {  	v5 =	vld.idx.msk [tilespmem:v6+s11+$0x0], $0xffff  }
0x264: {  	v6 =	vor.u32 s0, v4;
	_ =	sdelay $0x3  }
0x265: {  	[tilespmem:$0x18020] =	vst v5  }
0x266: {  	v5 =	vld.idx.msk [tilespmem:v6+s11+$0x0], $0xffff;
	_ =	sdelay $0x4  }
0x267: {  	[tilespmem:$0x18030] =	vst v5  }
0x268: {  	_ =	swait.ge [sflag:s19], $0x2000  }
0x269: {  	[sflag:s19] =	ssyncset.done $0x0  }
0x26a: {  	[sflag:s19] =	ssyncadd.s32 $0xFFFFE000  }
0x26b: {  	v5 =	vld [tilespmem:$0x1F0];
	_ =	sdelay $0x4  }
0x26c: {  	v5 =	vsel vm9, $0xFFFFFFFF, v5  }
0x26d: {  	v5 =	vxor.u32 $0x80000000, v5  }
0x26e: {  	(xrf0) =	vmax.scan.msk.u32 $0xffff, v5;
	_ =	sdelay $0x5  }
0x26f: {  	v5, _, _ =	vpop (xrf0)  }
0x270: {  	(v2sf) =	vpush v5, $0xF;
	_ =	sdelay $0xe  }
0x271: {  	s2 =	spop (v2sf)  }
0x272: {  	s0 =	sand.u32 $0x7F, s2  }
0x273: {  	v5 =	vor.u32 s0, v1;
	_ =	sdelay $0x4  }
0x274: {  	v5 =	vld.idx.msk [tilespmem:v5+s12+$0x0], $0xffff  }
0x275: {  	v6 =	vor.u32 s0, v2;
	_ =	sdelay $0x3  }
0x276: {  	[tilespmem:$0x18040] =	vst v5  }
0x277: {  	v5 =	vld.idx.msk [tilespmem:v6+s12+$0x0], $0xffff  }
0x278: {  	v6 =	vor.u32 s0, v3;
	_ =	sdelay $0x3  }
0x279: {  	[tilespmem:$0x18050] =	vst v5  }
0x27a: {  	v5 =	vld.idx.msk [tilespmem:v6+s12+$0x0], $0xffff  }
0x27b: {  	v6 =	vor.u32 s0, v4;
	_ =	sdelay $0x3  }
0x27c: {  	[tilespmem:$0x18060] =	vst v5  }
0x27d: {  	v5 =	vld.idx.msk [tilespmem:v6+s12+$0x0], $0xffff;
	_ =	sdelay $0x4  }
0x27e: {  	[tilespmem:$0x18070] =	vst v5  }
0x27f: {  	_ =	swait.ge [sflag:s20], $0x2000  }
0x280: {  	[sflag:s20] =	ssyncset.done $0x0  }
0x281: {  	[sflag:s20] =	ssyncadd.s32 $0xFFFFE000  }
0x282: {  	v5 =	vld [tilespmem:$0x1F0];
	_ =	sdelay $0x4  }
0x283: {  	v5 =	vsel vm10, $0xFFFFFFFF, v5  }
0x284: {  	v5 =	vxor.u32 $0x80000000, v5  }
0x285: {  	(xrf0) =	vmax.scan.msk.u32 $0xffff, v5;
	_ =	sdelay $0x5  }
0x286: {  	v5, _, _ =	vpop (xrf0)  }
0x287: {  	(v2sf) =	vpush v5, $0xF;
	_ =	sdelay $0xe  }
0x288: {  	s3 =	spop (v2sf)  }
0x289: {  	s0 =	sand.u32 $0x7F, s3  }
0x28a: {  	v5 =	vor.u32 s0, v1;
	_ =	sdelay $0x4  }
0x28b: {  	v5 =	vld.idx.msk [tilespmem:v5+s13+$0x0], $0xffff  }
0x28c: {  	v6 =	vor.u32 s0, v2;
	_ =	sdelay $0x3  }
0x28d: {  	[tilespmem:$0x18080] =	vst v5  }
0x28e: {  	v5 =	vld.idx.msk [tilespmem:v6+s13+$0x0], $0xffff  }
0x28f: {  	v6 =	vor.u32 s0, v3;
	_ =	sdelay $0x3  }
0x290: {  	[tilespmem:$0x18090] =	vst v5  }
0x291: {  	v5 =	vld.idx.msk [tilespmem:v6+s13+$0x0], $0xffff  }
0x292: {  	v6 =	vor.u32 s0, v4;
	_ =	sdelay $0x3  }
0x293: {  	[tilespmem:$0x180A0] =	vst v5  }
0x294: {  	v5 =	vld.idx.msk [tilespmem:v6+s13+$0x0], $0xffff;
	_ =	sdelay $0x4  }
0x295: {  	[tilespmem:$0x180B0] =	vst v5  }
0x296: {  	_ =	swait.ge [sflag:s21], $0x2000  }
0x297: {  	[sflag:s21] =	ssyncset.done $0x0  }
0x298: {  	[sflag:s21] =	ssyncadd.s32 $0xFFFFE000  }
0x299: {  	v5 =	vld [tilespmem:$0x1F0];
	_ =	sdelay $0x4  }
0x29a: {  	v5 =	vsel vm11, $0xFFFFFFFF, v5  }
0x29b: {  	v5 =	vxor.u32 $0x80000000, v5  }
0x29c: {  	(xrf0) =	vmax.scan.msk.u32 $0xffff, v5;
	_ =	sdelay $0x5  }
0x29d: {  	v5, _, _ =	vpop (xrf0)  }
0x29e: {  	(v2sf) =	vpush v5, $0xF;
	_ =	sdelay $0xe  }
0x29f: {  	s4 =	spop (v2sf)  }
0x2a0: {  	s0 =	sand.u32 $0x7F, s4  }
0x2a1: {  	v5 =	vor.u32 s0, v1;
	_ =	sdelay $0x4  }
0x2a2: {  	v5 =	vld.idx.msk [tilespmem:v5+s14+$0x0], $0xffff  }
0x2a3: {  	v6 =	vor.u32 s0, v2;
	_ =	sdelay $0x3  }
0x2a4: {  	[tilespmem:$0x180C0] =	vst v5  }
0x2a5: {  	v5 =	vld.idx.msk [tilespmem:v6+s14+$0x0], $0xffff  }
0x2a6: {  	v6 =	vor.u32 s0, v3;
	_ =	sdelay $0x3  }
0x2a7: {  	[tilespmem:$0x180D0] =	vst v5  }
0x2a8: {  	v5 =	vld.idx.msk [tilespmem:v6+s14+$0x0], $0xffff  }
0x2a9: {  	v6 =	vor.u32 s0, v4;
	_ =	sdelay $0x3  }
0x2aa: {  	[tilespmem:$0x180E0] =	vst v5  }
0x2ab: {  	v5 =	vld.idx.msk [tilespmem:v6+s14+$0x0], $0xffff;
	_ =	sdelay $0x4  }
0x2ac: {  	[tilespmem:$0x180F0] =	vst v5  }
0x2ad: {  	_ =	swait.ge [sflag:s22], $0x2000  }
0x2ae: {  	[sflag:s22] =	ssyncset.done $0x0  }
0x2af: {  	[sflag:s22] =	ssyncadd.s32 $0xFFFFE000  }
0x2b0: {  	v5 =	vld [tilespmem:$0x1F0];
	_ =	sdelay $0x4  }
0x2b1: {  	v5 =	vsel vm12, $0xFFFFFFFF, v5  }
0x2b2: {  	v5 =	vxor.u32 $0x80000000, v5  }
0x2b3: {  	(xrf0) =	vmax.scan.msk.u32 $0xffff, v5;
	_ =	sdelay $0x5  }
0x2b4: {  	v5, _, _ =	vpop (xrf0)  }
0x2b5: {  	(v2sf) =	vpush v5, $0xF;
	_ =	sdelay $0xe  }
0x2b6: {  	s5 =	spop (v2sf)  }
0x2b7: {  	s0 =	sand.u32 $0x7F, s5  }
0x2b8: {  	v5 =	vor.u32 s0, v1;
	_ =	sdelay $0x4  }
0x2b9: {  	v5 =	vld.idx.msk [tilespmem:v5+s15+$0x0], $0xffff  }
0x2ba: {  	v6 =	vor.u32 s0, v2;
	_ =	sdelay $0x3  }
0x2bb: {  	[tilespmem:$0x18100] =	vst v5  }
0x2bc: {  	v5 =	vld.idx.msk [tilespmem:v6+s15+$0x0], $0xffff  }
0x2bd: {  	v6 =	vor.u32 s0, v3;
	_ =	sdelay $0x3  }
0x2be: {  	[tilespmem:$0x18110] =	vst v5  }
0x2bf: {  	v5 =	vld.idx.msk [tilespmem:v6+s15+$0x0], $0xffff  }
0x2c0: {  	v6 =	vor.u32 s0, v4;
	_ =	sdelay $0x3  }
0x2c1: {  	[tilespmem:$0x18120] =	vst v5  }
0x2c2: {  	v5 =	vld.idx.msk [tilespmem:v6+s15+$0x0], $0xffff;
	_ =	sdelay $0x4  }
0x2c3: {  	[tilespmem:$0x18130] =	vst v5  }
0x2c4: {  	_ =	swait.ge [sflag:s23], $0x2000  }
0x2c5: {  	[sflag:s23] =	ssyncset.done $0x0  }
0x2c6: {  	[sflag:s23] =	ssyncadd.s32 $0xFFFFE000  }
0x2c7: {  	v5 =	vld [tilespmem:$0x1F0];
	_ =	sdelay $0x4  }
0x2c8: {  	v5 =	vsel vm13, $0xFFFFFFFF, v5  }
0x2c9: {  	v5 =	vxor.u32 $0x80000000, v5  }
0x2ca: {  	(xrf0) =	vmax.scan.msk.u32 $0xffff, v5;
	_ =	sdelay $0x5  }
0x2cb: {  	v5, _, _ =	vpop (xrf0)  }
0x2cc: {  	(v2sf) =	vpush v5, $0xF;
	_ =	sdelay $0xe  }
0x2cd: {  	s26 =	spop (v2sf)  }
0x2ce: {  	s0 =	sand.u32 $0x7F, s26  }
0x2cf: {  	v5 =	vor.u32 s0, v1;
	_ =	sdelay $0x4  }
0x2d0: {  	v5 =	vld.idx.msk [tilespmem:v5+s16+$0x0], $0xffff  }
0x2d1: {  	v6 =	vor.u32 s0, v2;
	_ =	sdelay $0x3  }
0x2d2: {  	[tilespmem:$0x18140] =	vst v5  }
0x2d3: {  	v5 =	vld.idx.msk [tilespmem:v6+s16+$0x0], $0xffff  }
0x2d4: {  	v6 =	vor.u32 s0, v3;
	_ =	sdelay $0x3  }
0x2d5: {  	[tilespmem:$0x18150] =	vst v5  }
0x2d6: {  	v5 =	vld.idx.msk [tilespmem:v6+s16+$0x0], $0xffff  }
0x2d7: {  	v6 =	vor.u32 s0, v4;
	_ =	sdelay $0x3  }
0x2d8: {  	[tilespmem:$0x18160] =	vst v5  }
0x2d9: {  	v5 =	vld.idx.msk [tilespmem:v6+s16+$0x0], $0xffff;
	_ =	sdelay $0x4  }
0x2da: {  	[tilespmem:$0x18170] =	vst v5  }
0x2db: {  	_ =	swait.ge [sflag:s24], $0x2000  }
0x2dc: {  	[sflag:s24] =	ssyncset.done $0x0  }
0x2dd: {  	[sflag:s24] =	ssyncadd.s32 $0xFFFFE000  }
0x2de: {  	v5 =	vld [tilespmem:$0x1F0];
	_ =	sdelay $0x4  }
0x2df: {  	v5 =	vsel vm14, $0xFFFFFFFF, v5  }
0x2e0: {  	v5 =	vxor.u32 $0x80000000, v5  }
0x2e1: {  	(xrf0) =	vmax.scan.msk.u32 $0xffff, v5;
	_ =	sdelay $0x5  }
0x2e2: {  	v5, _, _ =	vpop (xrf0)  }
0x2e3: {  	(v2sf) =	vpush v5, $0xF;
	_ =	sdelay $0xe  }
0x2e4: {  	s29 =	spop (v2sf)  }
0x2e5: {  	s0 =	sand.u32 $0x7F, s29  }
0x2e6: {  	v5 =	vor.u32 s0, v1;
	_ =	sdelay $0x4  }
0x2e7: {  	v5 =	vld.idx.msk [tilespmem:v5+s17+$0x0], $0xffff  }
0x2e8: {  	v6 =	vor.u32 s0, v2;
	_ =	sdelay $0x3  }
0x2e9: {  	[tilespmem:$0x18180] =	vst v5  }
0x2ea: {  	v5 =	vld.idx.msk [tilespmem:v6+s17+$0x0], $0xffff  }
0x2eb: {  	v6 =	vor.u32 s0, v3;
	_ =	sdelay $0x3  }
0x2ec: {  	[tilespmem:$0x18190] =	vst v5  }
0x2ed: {  	v5 =	vld.idx.msk [tilespmem:v6+s17+$0x0], $0xffff  }
0x2ee: {  	v6 =	vor.u32 s0, v4;
	_ =	sdelay $0x3  }
0x2ef: {  	[tilespmem:$0x181A0] =	vst v5  }
0x2f0: {  	v5 =	vld.idx.msk [tilespmem:v6+s17+$0x0], $0xffff;
	_ =	sdelay $0x4  }
0x2f1: {  	[tilespmem:$0x181B0] =	vst v5  }
0x2f2: {  	_ =	swait.ge [sflag:s25], $0x2000  }
0x2f3: {  	[sflag:s25] =	ssyncset.done $0x0  }
0x2f4: {  	[sflag:s25] =	ssyncadd.s32 $0xFFFFE000  }
0x2f5: {  	v5 =	vld [tilespmem:$0x1F0];
	_ =	sdelay $0x4  }
0x2f6: {  	v5 =	vsel vm15, $0xFFFFFFFF, v5  }
0x2f7: {  	v5 =	vxor.u32 $0x80000000, v5  }
0x2f8: {  	(xrf0) =	vmax.scan.msk.u32 $0xffff, v5;
	_ =	sdelay $0x5  }
0x2f9: {  	v5, _, _ =	vpop (xrf0)  }
0x2fa: {  	(v2sf) =	vpush v5, $0xF;
	_ =	sdelay $0xe  }
0x2fb: {  	s30 =	spop (v2sf)  }
0x2fc: {  	s0 =	sand.u32 $0x7F, s30  }
0x2fd: {  	v5 =	vor.u32 s0, v1;
	_ =	sdelay $0x4  }
0x2fe: {  	v5 =	vld.idx.msk [tilespmem:v5+s18+$0x0], $0xffff  }
0x2ff: {  	v6 =	vor.u32 s0, v2;
	_ =	sdelay $0x3  }
0x300: {  	[tilespmem:$0x181C0] =	vst v5  }
0x301: {  	v5 =	vld.idx.msk [tilespmem:v6+s18+$0x0], $0xffff  }
0x302: {  	v6 =	vor.u32 s0, v3;
	_ =	sdelay $0x3  }
0x303: {  	[tilespmem:$0x181D0] =	vst v5  }
0x304: {  	v5 =	vld.idx.msk [tilespmem:v6+s18+$0x0], $0xffff  }
0x305: {  	v6 =	vor.u32 s0, v4;
	_ =	sdelay $0x3  }
0x306: {  	[tilespmem:$0x181E0] =	vst v5  }
0x307: {  	v5 =	vld.idx.msk [tilespmem:v6+s18+$0x0], $0xffff;
	_ =	sdelay $0x2  }
0x308: {  	s28 =	sadd.s32 $0x1, s28  }
0x309: {  	p0 =	sne.s32 s28, s6;
	s2 =	simm.s32 $0x10200  }
.Ltmp1:
0x30a: {  	s26 =	simm.s32 $0x0;
	s31 =	rddreg [dreg:$0x5];
	[tilespmem:$0x181F0] =	vst v5;
	(pc) =	sbr.rel @p0 .LBB2_1-.Ltmp1, $4  }
0x30b: {  	[hbm4b:s31+s26] =	stream.linear.scatter [tilespmem:s2], [sflag:$0x9], $0x8000, $0x38;
	[tilespmem:$0x18200] =	vst v63  }
0x30c: {  	_ =	swait.ge [sflag:s7], $0x8000  }
0x30d: {  	[sflag:s7] =	ssyncset.done $0x0  }
0x30e: {  	[sflag:s7] =	ssyncadd.s32 $0xFFFF8000  }
0x30f: {  	_ =	sfence.sel $0x180000  }
0x310: {  	[bflag:$0x0] =	sbarrier.arrive $0xFFFF  }
0x311: {  	_ =	strace $0x90000047  }
0x312: {  	s0 =	stileid.u32;
	[bflag:$0x2] =	sbarrier.arrive $0xFFFF  }
0x313: {  	p0 =	sne.s32 s0, $0x0;
	s0 =	rddreg [dreg:$0x3]  }
0x314: {  	s0 =	sadd.s32 @!p0 $0x100000, s0  }
0x315: {  	[sflag:s0] =	ssyncadd.tile.s32 @!p0 $0x1;
	_ =	shalt  }
.Lfunc_end2:
_tile_overlayer_lowered:
.L_overlay_start_2:
0x316: {  	(tag) =	ssettag $0x2  }
0x317: {  	s0 =	rddreg [dreg:$0x0];
	s2 =	stileid.u32  }
0x318: {  	s1 =	rddreg [dreg:$0x1];
	p0 =	sne.s32 s2, $0x0  }
0x319: {  	s3 =	rddreg [dreg:$0x2];
	[bflag:$0x3] =	sbarrier.arrive $0xFFFF;
	s2 =	simm.s32 @!p0 $0x1C09  }
0x31a: {  	[timem:s3], [sflag:s2] =	dma.local @!p0 [hbm:s0], s1  }
0x31b: {  	s0 =	simm.s32 @!p0 $0x9  }
0x31c: {  	_ =	swait.ge @!p0 [sflag:s0], s1  }
0x31d: {  	s1 =	ssub.s32 @!p0 $0x0, s1;
	[sflag:s0] =	ssyncset.done @!p0 $0x0  }
0x31e: {  	[sflag:s0] =	ssyncadd.s32 @!p0 s1  }
0x31f: {  	[bflag:$0x3] =	sbarrier.arrive $0xFFFF  }
0x320: {  	_ =	shalt  }

</sc_bundles>
